<compile_context>
chip_gen: v7x
topology: tpu7x:2x2x1
jax: 0.10.2.dev20260603
libtpu: 0.0.44.dev20260713+nightly
codegen_flags: <defaults>
</compile_context>

<pallas_src>
import functools

import jax
import jax.numpy as jnp
from jax import lax
from jax.experimental import pallas as pl
from jax.experimental.pallas import tpu as pltpu
from jax.experimental.pallas import tpu_sc as plsc

N = 10000
E = 160000
D = 256
H = D // 2
NS = 16
RPT = 632
NPAD = NS * RPT
CH = 128
EPT = 10240
EPAD = EPT * NS
NCH = EPT // CH
RD = 8
LA = RD // 2
BLK = 2000

assert (NCH - 2 * LA) % RD == 0


def _sc_body(feat_lo, feat_hi, idx_hbm, zacc, zdeg, ones_hbm,
             out_sum, out_deg, acc, dacc, idx_v, sidx, didx, *rest):
    brows = rest[:RD]
    gsem = rest[RD:2 * RD]
    ssem = rest[2 * RD:3 * RD]
    c = lax.axis_index("c")
    s = lax.axis_index("s")
    r0 = s * RPT

    pltpu.sync_copy(zacc.at[pl.ds(r0, RPT)], acc.at[pl.ds(r0, RPT)])
    pltpu.sync_copy(zdeg.at[pl.ds(r0, RPT)], dacc.at[pl.ds(r0, RPT)])
    pltpu.sync_copy(idx_hbm.at[s], idx_v)
    pltpu.sync_copy(ones_hbm, ones_v := rest[3 * RD])
    plsc.subcore_barrier()

    feat_c = [feat_lo, feat_hi]
    lo_mask = jnp.full((16,), 0xFFFF, jnp.int32)

    def gather(k, p):
        for g in range(CH // 16):
            w = idx_v[k, pl.ds(g * 16, 16)]
            sidx[p, pl.ds(g * 16, 16)] = lax.bitwise_and(w, lo_mask)

        @pl.when(c == 0)
        def _():
            pltpu.async_copy(feat_c[0].at[sidx.at[p]], brows[p], gsem[p])

        @pl.when(c == 1)
        def _():
            pltpu.async_copy(feat_c[1].at[sidx.at[p]], brows[p], gsem[p])

    def gwait(p):
        pltpu.make_async_copy(feat_c[0].at[sidx.at[p]], brows[p],
                              gsem[p]).wait()

    def scatter(k, p):
        for g in range(CH // 16):
            w = idx_v[k, pl.ds(g * 16, 16)]
            didx[p, pl.ds(g * 16, 16)] = lax.shift_right_logical(w, 16)
        pltpu.async_copy(brows[p], acc.at[didx.at[p]], ssem[p], add=True)
        pltpu.async_copy(ones_v, dacc.at[didx.at[p]], ssem[p], add=True)

    def swait(p):
        pltpu.make_async_copy(brows[p], acc.at[didx.at[p]], ssem[p]).wait()
        pltpu.make_async_copy(ones_v, dacc.at[didx.at[p]], ssem[p]).wait()

    for p in range(LA):
        gather(p, p)
    for k in range(LA):
        gwait(k)
        scatter(k, k)
        gather(k + LA, k + LA)

    def body(i, carry):
        base = LA + RD * i
        for j in range(RD):
            k = base + j
            p = (LA + j) % RD
            q = (p + LA) % RD
            gwait(p)
            scatter(k, p)
            swait(q)
            gather(k + LA, q)
        return carry

    lax.fori_loop(0, (NCH - 2 * LA) // RD, body, 0)

    for j in range(LA):
        p = RD - LA + j
        gwait(p)
        scatter(NCH - LA + j, p)
    for p in range(RD):
        swait(p)
    plsc.subcore_barrier()

    pltpu.sync_copy(acc.at[pl.ds(r0, RPT)], out_sum.at[c, pl.ds(r0, RPT)])
    pltpu.sync_copy(dacc.at[pl.ds(r0, RPT)], out_deg.at[c, pl.ds(r0, RPT)])


_sc_fn = pl.kernel(
    _sc_body,
    out_type=[
        jax.ShapeDtypeStruct((2, NPAD, H), jnp.bfloat16),
        jax.ShapeDtypeStruct((2, NPAD, 16), jnp.float32),
    ],
    mesh=plsc.VectorSubcoreMesh(core_axis_name="c", subcore_axis_name="s"),
    scratch_types=[
        pltpu.VMEM_SHARED((NPAD, H), jnp.bfloat16),
        pltpu.VMEM_SHARED((NPAD, 16), jnp.float32),
        pltpu.VMEM((NCH, CH), jnp.int32),
        pltpu.VMEM((RD, CH), jnp.int32),
        pltpu.VMEM((RD, CH), jnp.int32),
    ] + [pltpu.VMEM((CH, H), jnp.bfloat16) for _ in range(RD)]
      + [pltpu.SemaphoreType.DMA for _ in range(2 * RD)]
      + [pltpu.VMEM((CH, 16), jnp.float32)],
    compiler_params=pltpu.CompilerParams(use_tc_tiling_on_sc=False,
                                         needs_layout_passes=False),
)


def _tc_body(feat_ref, slo_ref, shi_ref, d0_ref, d1_ref,
             wst_ref, wnl_ref, wnh_ref, out_ref):
    deg = d0_ref[:, 0:1] + d1_ref[:, 0:1]
    r = 1.0 / jnp.maximum(deg, 1.0)
    acc = jnp.dot(feat_ref[...], wst_ref[...],
                  preferred_element_type=jnp.float32)
    acc = acc + jnp.dot(slo_ref[...].astype(jnp.float32) * r, wnl_ref[...],
                        preferred_element_type=jnp.float32)
    acc = acc + jnp.dot(shi_ref[...].astype(jnp.float32) * r, wnh_ref[...],
                        preferred_element_type=jnp.float32)
    out_ref[...] = acc


_tc_fn = pl.pallas_call(
    _tc_body,
    grid=(N // BLK,),
    in_specs=[
        pl.BlockSpec((BLK, D), lambda i: (i, 0)),
        pl.BlockSpec((BLK, H), lambda i: (i, 0)),
        pl.BlockSpec((BLK, H), lambda i: (i, 0)),
        pl.BlockSpec((BLK, 16), lambda i: (i, 0)),
        pl.BlockSpec((BLK, 16), lambda i: (i, 0)),
        pl.BlockSpec((D, D), lambda i: (0, 0)),
        pl.BlockSpec((H, D), lambda i: (0, 0)),
        pl.BlockSpec((H, D), lambda i: (0, 0)),
    ],
    out_specs=pl.BlockSpec((BLK, D), lambda i: (i, 0)),
    out_shape=jax.ShapeDtypeStruct((N, D), jnp.float32),
)


def kernel(feat, edge_index, W_self, W_neigh):
    src = edge_index[0].astype(jnp.int32)
    dst = edge_index[1].astype(jnp.int32)
    pad = EPAD - E
    src_p = jnp.concatenate([src, jnp.zeros((pad,), jnp.int32)])
    dst_p = jnp.concatenate([dst, jnp.full((pad,), N + 8, jnp.int32)])
    idx_p = (src_p | (dst_p << 16)).reshape(NS, NCH, CH)
    feat_b = feat.astype(jnp.bfloat16)
    feat_lo = feat_b[:, :H]
    feat_hi = feat_b[:, H:]
    zacc = jnp.zeros((NPAD, H), jnp.bfloat16)
    zdeg = jnp.zeros((NPAD, 16), jnp.float32)
    ones = jnp.full((CH, 16), 0.5, jnp.float32)

    sums, degs = _sc_fn(feat_lo, feat_hi, idx_p, zacc, zdeg, ones)

    return _tc_fn(feat, sums[0], sums[1], degs[0], degs[1],
                  W_self.T, W_neigh.T[:H], W_neigh.T[H:])

# --- scband reference (transcript-rebuilt; emitter-appended) ---
"""Pipeline reference for scband-sageconv-41850161332330 (READ-ONLY COPY).

The authoritative reference and input builder live on the scoring server;
editing this copy changes nothing except your own understanding.
"""

import jax, jax.numpy as jnp
import numpy as np

N_NODES = 10000
N_EDGES = 160000
D_IN = 256
D_OUT = 256

def setup_inputs(seed: int = 0) -> dict:
    key = jax.random.key(seed)
    k1, k2, k3, k4 = jax.random.split(key, 4)
    feat = jax.random.normal(k1, (N_NODES, D_IN), dtype=jnp.float32)
    edge_index = jax.random.randint(k2, (2, N_EDGES), 0, N_NODES, dtype=jnp.int64)
    # xavier_uniform with gain for relu (sqrt(2)) on [out, in] weight matrices
    gain = float(np.sqrt(2.0))
    bound = gain * float(np.sqrt(6.0 / (D_IN + D_OUT)))
    W_self = jax.random.uniform(k3, (D_OUT, D_IN), dtype=jnp.float32, minval=-bound, maxval=bound)
    W_neigh = jax.random.uniform(k4, (D_OUT, D_IN), dtype=jnp.float32, minval=-bound, maxval=bound)
    return {"feat": feat, "edge_index": edge_index, "W_self": W_self, "W_neigh": W_neigh}

def reference(feat, edge_index, W_self, W_neigh):
    src = edge_index[0]
    dst = edge_index[1]
    # message = copy_src('h'); reduce = mean over incoming edges at dst
    msgs = jnp.take(feat, src, axis=0)                      # gather [E, D_in]
    summed = jax.ops.segment_sum(msgs, dst, num_segments=N_NODES)
    deg = jax.ops.segment_sum(jnp.ones((N_EDGES,), dtype=feat.dtype), dst, num_segments=N_NODES)
    h_neigh = summed / jnp.clip(deg, 1.0, None)[:, None]    # zero-in-degree nodes -> 0 (sum is 0)
    h_self = feat
    rst = h_self @ W_self.T + h_neigh @ W_neigh.T
    return rst

if __name__ == "__main__":
    import jax
    _d = setup_inputs()
    print(jax.jit(kernel)(*tuple(_d.values())))

</pallas_src>

<mosaic_0001>
#map = affine_map<(d0, d1) -> (0, 0)>
#map1 = affine_map<(d0, d1) -> (0, 0, 0)>
module attributes {stable_mosaic.version = 14 : i64} {
  func.func @_sc_body(%arg0: i32, %arg1: i32, %arg2: memref<10000x128xbf16, #tpu.memory_space<hbm>>, %arg3: memref<10000x128xbf16, #tpu.memory_space<hbm>>, %arg4: memref<16x80x128xi32, #tpu.memory_space<hbm>>, %arg5: memref<10112x128xbf16, #tpu.memory_space<hbm>>, %arg6: memref<10112x16xf32, #tpu.memory_space<hbm>>, %arg7: memref<128x16xf32, #tpu.memory_space<hbm>>, %arg8: memref<2x10112x128xbf16, #tpu.memory_space<hbm>>, %arg9: memref<2x10112x16xf32, #tpu.memory_space<hbm>>, %arg10: memref<10112x128xbf16, #tpu.memory_space<vmem_shared>>, %arg11: memref<10112x16xf32, #tpu.memory_space<vmem_shared>>, %arg12: memref<80x128xi32, #tpu.memory_space<vmem>>, %arg13: memref<8x128xi32, #tpu.memory_space<vmem>>, %arg14: memref<8x128xi32, #tpu.memory_space<vmem>>, %arg15: memref<128x128xbf16, #tpu.memory_space<vmem>>, %arg16: memref<128x128xbf16, #tpu.memory_space<vmem>>, %arg17: memref<128x128xbf16, #tpu.memory_space<vmem>>, %arg18: memref<128x128xbf16, #tpu.memory_space<vmem>>, %arg19: memref<128x128xbf16, #tpu.memory_space<vmem>>, %arg20: memref<128x128xbf16, #tpu.memory_space<vmem>>, %arg21: memref<128x128xbf16, #tpu.memory_space<vmem>>, %arg22: memref<128x128xbf16, #tpu.memory_space<vmem>>, %arg23: memref<!tpu.dma_semaphore, #tpu.memory_space<semaphore_mem>>, %arg24: memref<!tpu.dma_semaphore, #tpu.memory_space<semaphore_mem>>, %arg25: memref<!tpu.dma_semaphore, #tpu.memory_space<semaphore_mem>>, %arg26: memref<!tpu.dma_semaphore, #tpu.memory_space<semaphore_mem>>, %arg27: memref<!tpu.dma_semaphore, #tpu.memory_space<semaphore_mem>>, %arg28: memref<!tpu.dma_semaphore, #tpu.memory_space<semaphore_mem>>, %arg29: memref<!tpu.dma_semaphore, #tpu.memory_space<semaphore_mem>>, %arg30: memref<!tpu.dma_semaphore, #tpu.memory_space<semaphore_mem>>, %arg31: memref<!tpu.dma_semaphore, #tpu.memory_space<semaphore_mem>>, %arg32: memref<!tpu.dma_semaphore, #tpu.memory_space<semaphore_mem>>, %arg33: memref<!tpu.dma_semaphore, #tpu.memory_space<semaphore_mem>>, %arg34: memref<!tpu.dma_semaphore, #tpu.memory_space<semaphore_mem>>, %arg35: memref<!tpu.dma_semaphore, #tpu.memory_space<semaphore_mem>>, %arg36: memref<!tpu.dma_semaphore, #tpu.memory_space<semaphore_mem>>, %arg37: memref<!tpu.dma_semaphore, #tpu.memory_space<semaphore_mem>>, %arg38: memref<!tpu.dma_semaphore, #tpu.memory_space<semaphore_mem>>, %arg39: memref<128x16xf32, #tpu.memory_space<vmem>>) attributes {dimension_semantics = [#tpu.dimension_semantics<core_parallel>, #tpu.dimension_semantics<subcore_parallel>], iteration_bounds = array<i64: 2, 16>, scalar_prefetch = 0 : i64, scratch_operands = 30 : i64, tpu.core_type = #tpu.core_type<sc_vector_subcore>, window_params = [{transform_indices = #map}, {transform_indices = #map}, {transform_indices = #map1}, {transform_indices = #map}, {transform_indices = #map}, {transform_indices = #map}, {transform_indices = #map1}, {transform_indices = #map1}]} {
    %mul3A = arith.constant 632 : i32
    %mul3A_0 = arith.muli %arg1, %mul3A : i32
    "tpu.region"() ({
      %run_scoped3A = tpu.sem_alloc : memref<!tpu.dma_semaphore, #tpu.memory_space<semaphore_mem>>
      %dma_start3A_1639 = arith.constant 0 : i32
      %dma_start3A_1640 = tpu.memref_slice %arg10[%mul3A_0, %dma_start3A_1639] : memref<10112x128xbf16, #tpu.memory_space<vmem_shared>> -> memref<632x128xbf16, #tpu.memory_space<vmem_shared>>
      %dma_start3A_1641 = arith.constant 0 : i32
      %dma_start3A_1642 = tpu.memref_slice %arg5[%mul3A_0, %dma_start3A_1641] : memref<10112x128xbf16, #tpu.memory_space<hbm>> -> memref<632x128xbf16, #tpu.memory_space<hbm>>
      tpu.enqueue_dma source(%dma_start3A_1642 : memref<632x128xbf16, #tpu.memory_space<hbm>>) target(%dma_start3A_1640 : memref<632x128xbf16, #tpu.memory_space<vmem_shared>>) target_semaphore(%run_scoped3A : memref<!tpu.dma_semaphore, #tpu.memory_space<semaphore_mem>>)
      %dma_wait3A_1643 = arith.constant 0 : i32
      %dma_wait3A_1644 = tpu.memref_slice %arg10[%mul3A_0, %dma_wait3A_1643] : memref<10112x128xbf16, #tpu.memory_space<vmem_shared>> -> memref<632x128xbf16, #tpu.memory_space<vmem_shared>>
      %dma_wait3A_1645 = arith.constant 0 : i32
      %dma_wait3A_1646 = tpu.memref_slice %arg5[%mul3A_0, %dma_wait3A_1645] : memref<10112x128xbf16, #tpu.memory_space<hbm>> -> memref<632x128xbf16, #tpu.memory_space<hbm>>
      tpu.wait_dma2 semaphore(%run_scoped3A : memref<!tpu.dma_semaphore, #tpu.memory_space<semaphore_mem>>) src(%dma_wait3A_1646 : memref<632x128xbf16, #tpu.memory_space<hbm>>) dst(%dma_wait3A_1644 : memref<632x128xbf16, #tpu.memory_space<vmem_shared>>)
      tpu.yield
    }) : () -> ()
    "tpu.region"() ({
      %run_scoped3A = tpu.sem_alloc : memref<!tpu.dma_semaphore, #tpu.memory_space<semaphore_mem>>
      %dma_start3A_1639 = arith.constant 0 : i32
      %dma_start3A_1640 = tpu.memref_slice %arg11[%mul3A_0, %dma_start3A_1639] : memref<10112x16xf32, #tpu.memory_space<vmem_shared>> -> memref<632x16xf32, #tpu.memory_space<vmem_shared>>
      %dma_start3A_1641 = arith.constant 0 : i32
      %dma_start3A_1642 = tpu.memref_slice %arg6[%mul3A_0, %dma_start3A_1641] : memref<10112x16xf32, #tpu.memory_space<hbm>> -> memref<632x16xf32, #tpu.memory_space<hbm>>
      tpu.enqueue_dma source(%dma_start3A_1642 : memref<632x16xf32, #tpu.memory_space<hbm>>) target(%dma_start3A_1640 : memref<632x16xf32, #tpu.memory_space<vmem_shared>>) target_semaphore(%run_scoped3A : memref<!tpu.dma_semaphore, #tpu.memory_space<semaphore_mem>>)
      %dma_wait3A_1643 = arith.constant 0 : i32
      %dma_wait3A_1644 = tpu.memref_slice %arg11[%mul3A_0, %dma_wait3A_1643] : memref<10112x16xf32, #tpu.memory_space<vmem_shared>> -> memref<632x16xf32, #tpu.memory_space<vmem_shared>>
      %dma_wait3A_1645 = arith.constant 0 : i32
      %dma_wait3A_1646 = tpu.memref_slice %arg6[%mul3A_0, %dma_wait3A_1645] : memref<10112x16xf32, #tpu.memory_space<hbm>> -> memref<632x16xf32, #tpu.memory_space<hbm>>
      tpu.wait_dma2 semaphore(%run_scoped3A : memref<!tpu.dma_semaphore, #tpu.memory_space<semaphore_mem>>) src(%dma_wait3A_1646 : memref<632x16xf32, #tpu.memory_space<hbm>>) dst(%dma_wait3A_1644 : memref<632x16xf32, #tpu.memory_space<vmem_shared>>)
      tpu.yield
    }) : () -> ()
    "tpu.region"() ({
      %run_scoped3A = tpu.sem_alloc : memref<!tpu.dma_semaphore, #tpu.memory_space<semaphore_mem>>
      %dma_start3A_1639 = arith.constant 0 : i32
      %dma_start3A_1640 = arith.constant 0 : i32
      %dma_start3A_1641 = tpu.memref_slice %arg4[%arg1, %dma_start3A_1639, %dma_start3A_1640] : memref<16x80x128xi32, #tpu.memory_space<hbm>> -> memref<1x80x128xi32, #tpu.memory_space<hbm>>
      %dma_start3A_1642 = tpu.memref_squeeze %dma_start3A_1641 : memref<1x80x128xi32, #tpu.memory_space<hbm>> -> memref<80x128xi32, #tpu.memory_space<hbm>>
      %dma_start3A_1643 = arith.constant 0 : i32
      %dma_start3A_1644 = arith.constant 0 : i32
      %dma_start3A_1645 = tpu.memref_slice %arg4[%arg1, %dma_start3A_1643, %dma_start3A_1644] : memref<16x80x128xi32, #tpu.memory_space<hbm>> -> memref<1x80x128xi32, #tpu.memory_space<hbm>>
      %dma_start3A_1646 = tpu.memref_squeeze %dma_start3A_1645 : memref<1x80x128xi32, #tpu.memory_space<hbm>> -> memref<80x128xi32, #tpu.memory_space<hbm>>
      tpu.enqueue_dma source(%dma_start3A_1646 : memref<80x128xi32, #tpu.memory_space<hbm>>) target(%arg12 : memref<80x128xi32, #tpu.memory_space<vmem>>) target_semaphore(%run_scoped3A : memref<!tpu.dma_semaphore, #tpu.memory_space<semaphore_mem>>)
      %dma_wait3A_1647 = arith.constant 0 : i32
      %dma_wait3A_1648 = arith.constant 0 : i32
      %dma_wait3A_1649 = tpu.memref_slice %arg4[%arg1, %dma_wait3A_1647, %dma_wait3A_1648] : memref<16x80x128xi32, #tpu.memory_space<hbm>> -> memref<1x80x128xi32, #tpu.memory_space<hbm>>
      %dma_wait3A_1650 = tpu.memref_squeeze %dma_wait3A_1649 : memref<1x80x128xi32, #tpu.memory_space<hbm>> -> memref<80x128xi32, #tpu.memory_space<hbm>>
      %dma_wait3A_1651 = arith.constant 0 : i32
      %dma_wait3A_1652 = arith.constant 0 : i32
      %dma_wait3A_1653 = tpu.memref_slice %arg4[%arg1, %dma_wait3A_1651, %dma_wait3A_1652] : memref<16x80x128xi32, #tpu.memory_space<hbm>> -> memref<1x80x128xi32, #tpu.memory_space<hbm>>
      %dma_wait3A_1654 = tpu.memref_squeeze %dma_wait3A_1653 : memref<1x80x128xi32, #tpu.memory_space<hbm>> -> memref<80x128xi32, #tpu.memory_space<hbm>>
      tpu.wait_dma2 semaphore(%run_scoped3A : memref<!tpu.dma_semaphore, #tpu.memory_space<semaphore_mem>>) src(%dma_wait3A_1654 : memref<80x128xi32, #tpu.memory_space<hbm>>) dst(%arg12 : memref<80x128xi32, #tpu.memory_space<vmem>>)
      tpu.yield
    }) : () -> ()
    "tpu.region"() ({
      %run_scoped3A = tpu.sem_alloc : memref<!tpu.dma_semaphore, #tpu.memory_space<semaphore_mem>>
      tpu.enqueue_dma source(%arg7 : memref<128x16xf32, #tpu.memory_space<hbm>>) target(%arg39 : memref<128x16xf32, #tpu.memory_space<vmem>>) target_semaphore(%run_scoped3A : memref<!tpu.dma_semaphore, #tpu.memory_space<semaphore_mem>>)
      tpu.wait_dma2 semaphore(%run_scoped3A : memref<!tpu.dma_semaphore, #tpu.memory_space<semaphore_mem>>) src(%arg7 : memref<128x16xf32, #tpu.memory_space<hbm>>) dst(%arg39 : memref<128x16xf32, #tpu.memory_space<vmem>>)
      tpu.yield
    }) : () -> ()
    %barrier3A = arith.constant 0 : index
    tpu.barrier barrier_id(%barrier3A)
    %broadcast_in_dim3A = arith.constant 65535 : i32
    %broadcast_in_dim3A_1 = vector.broadcast %broadcast_in_dim3A : i32 to vector<16xi32>
    %get3A = arith.constant 0 : i32
    %get3A_2 = arith.index_cast %get3A : i32 to index
    %get3A_3 = arith.constant 0 : index
    %get3A_4 = tpu.vector_load %arg12[%get3A_2, %get3A_3] {strides = array<i32>} : memref<80x128xi32, #tpu.memory_space<vmem>>, vector<16xi32>,
    %and3A = arith.andi %get3A_4, %broadcast_in_dim3A_1 : vector<16xi32>
    %swap3A = arith.constant 0 : i32
    %swap3A_5 = arith.index_cast %swap3A : i32 to index
    %swap3A_6 = arith.constant 0 : index
    %swap3A_7 = tpu.vector_load %arg13[%swap3A_5, %swap3A_6] {strides = array<i32>} : memref<8x128xi32, #tpu.memory_space<vmem>>, vector<16xi32>,
    tpu.vector_store %arg13[%swap3A_5, %swap3A_6], %and3A {strides = array<i32>} : memref<8x128xi32, #tpu.memory_space<vmem>>, vector<16xi32>,
    %get3A_8 = arith.constant 0 : i32
    %get3A_9 = arith.index_cast %get3A_8 : i32 to index
    %get3A_10 = arith.constant 16 : index
    %get3A_11 = tpu.vector_load %arg12[%get3A_9, %get3A_10] {strides = array<i32>} : memref<80x128xi32, #tpu.memory_space<vmem>>, vector<16xi32>,
    %and3A_12 = arith.andi %get3A_11, %broadcast_in_dim3A_1 : vector<16xi32>
    %swap3A_13 = arith.constant 0 : i32
    %swap3A_14 = arith.index_cast %swap3A_13 : i32 to index
    %swap3A_15 = arith.constant 16 : index
    %swap3A_16 = tpu.vector_load %arg13[%swap3A_14, %swap3A_15] {strides = array<i32>} : memref<8x128xi32, #tpu.memory_space<vmem>>, vector<16xi32>,
    tpu.vector_store %arg13[%swap3A_14, %swap3A_15], %and3A_12 {strides = array<i32>} : memref<8x128xi32, #tpu.memory_space<vmem>>, vector<16xi32>,
    %get3A_17 = arith.constant 0 : i32
    %get3A_18 = arith.index_cast %get3A_17 : i32 to index
    %get3A_19 = arith.constant 32 : index
    %get3A_20 = tpu.vector_load %arg12[%get3A_18, %get3A_19] {strides = array<i32>} : memref<80x128xi32, #tpu.memory_space<vmem>>, vector<16xi32>,
    %and3A_21 = arith.andi %get3A_20, %broadcast_in_dim3A_1 : vector<16xi32>
    %swap3A_22 = arith.constant 0 : i32
    %swap3A_23 = arith.index_cast %swap3A_22 : i32 to index
    %swap3A_24 = arith.constant 32 : index
    %swap3A_25 = tpu.vector_load %arg13[%swap3A_23, %swap3A_24] {strides = array<i32>} : memref<8x128xi32, #tpu.memory_space<vmem>>, vector<16xi32>,
    tpu.vector_store %arg13[%swap3A_23, %swap3A_24], %and3A_21 {strides = array<i32>} : memref<8x128xi32, #tpu.memory_space<vmem>>, vector<16xi32>,
    %get3A_26 = arith.constant 0 : i32
    %get3A_27 = arith.index_cast %get3A_26 : i32 to index
    %get3A_28 = arith.constant 48 : index
    %get3A_29 = tpu.vector_load %arg12[%get3A_27, %get3A_28] {strides = array<i32>} : memref<80x128xi32, #tpu.memory_space<vmem>>, vector<16xi32>,
    %and3A_30 = arith.andi %get3A_29, %broadcast_in_dim3A_1 : vector<16xi32>
    %swap3A_31 = arith.constant 0 : i32
    %swap3A_32 = arith.index_cast %swap3A_31 : i32 to index
    %swap3A_33 = arith.constant 48 : index
    %swap3A_34 = tpu.vector_load %arg13[%swap3A_32, %swap3A_33] {strides = array<i32>} : memref<8x128xi32, #tpu.memory_space<vmem>>, vector<16xi32>,
    tpu.vector_store %arg13[%swap3A_32, %swap3A_33], %and3A_30 {strides = array<i32>} : memref<8x128xi32, #tpu.memory_space<vmem>>, vector<16xi32>,
    %get3A_35 = arith.constant 0 : i32
    %get3A_36 = arith.index_cast %get3A_35 : i32 to index
    %get3A_37 = arith.constant 64 : index
    %get3A_38 = tpu.vector_load %arg12[%get3A_36, %get3A_37] {strides = array<i32>} : memref<80x128xi32, #tpu.memory_space<vmem>>, vector<16xi32>,
    %and3A_39 = arith.andi %get3A_38, %broadcast_in_dim3A_1 : vector<16xi32>
    %swap3A_40 = arith.constant 0 : i32
    %swap3A_41 = arith.index_cast %swap3A_40 : i32 to index
    %swap3A_42 = arith.constant 64 : index
    %swap3A_43 = tpu.vector_load %arg13[%swap3A_41, %swap3A_42] {strides = array<i32>} : memref<8x128xi32, #tpu.memory_space<vmem>>, vector<16xi32>,
    tpu.vector_store %arg13[%swap3A_41, %swap3A_42], %and3A_39 {strides = array<i32>} : memref<8x128xi32, #tpu.memory_space<vmem>>, vector<16xi32>,
    %get3A_44 = arith.constant 0 : i32
    %get3A_45 = arith.index_cast %get3A_44 : i32 to index
    %get3A_46 = arith.constant 80 : index
    %get3A_47 = tpu.vector_load %arg12[%get3A_45, %get3A_46] {strides = array<i32>} : memref<80x128xi32, #tpu.memory_space<vmem>>, vector<16xi32>,
    %and3A_48 = arith.andi %get3A_47, %broadcast_in_dim3A_1 : vector<16xi32>
    %swap3A_49 = arith.constant 0 : i32
    %swap3A_50 = arith.index_cast %swap3A_49 : i32 to index
    %swap3A_51 = arith.constant 80 : index
    %swap3A_52 = tpu.vector_load %arg13[%swap3A_50, %swap3A_51] {strides = array<i32>} : memref<8x128xi32, #tpu.memory_space<vmem>>, vector<16xi32>,
    tpu.vector_store %arg13[%swap3A_50, %swap3A_51], %and3A_48 {strides = array<i32>} : memref<8x128xi32, #tpu.memory_space<vmem>>, vector<16xi32>,
    %get3A_53 = arith.constant 0 : i32
    %get3A_54 = arith.index_cast %get3A_53 : i32 to index
    %get3A_55 = arith.constant 96 : index
    %get3A_56 = tpu.vector_load %arg12[%get3A_54, %get3A_55] {strides = array<i32>} : memref<80x128xi32, #tpu.memory_space<vmem>>, vector<16xi32>,
    %and3A_57 = arith.andi %get3A_56, %broadcast_in_dim3A_1 : vector<16xi32>
    %swap3A_58 = arith.constant 0 : i32
    %swap3A_59 = arith.index_cast %swap3A_58 : i32 to index
    %swap3A_60 = arith.constant 96 : index
    %swap3A_61 = tpu.vector_load %arg13[%swap3A_59, %swap3A_60] {strides = array<i32>} : memref<8x128xi32, #tpu.memory_space<vmem>>, vector<16xi32>,
    tpu.vector_store %arg13[%swap3A_59, %swap3A_60], %and3A_57 {strides = array<i32>} : memref<8x128xi32, #tpu.memory_space<vmem>>, vector<16xi32>,
    %get3A_62 = arith.constant 0 : i32
    %get3A_63 = arith.index_cast %get3A_62 : i32 to index
    %get3A_64 = arith.constant 112 : index
    %get3A_65 = tpu.vector_load %arg12[%get3A_63, %get3A_64] {strides = array<i32>} : memref<80x128xi32, #tpu.memory_space<vmem>>, vector<16xi32>,
    %and3A_66 = arith.andi %get3A_65, %broadcast_in_dim3A_1 : vector<16xi32>
    %swap3A_67 = arith.constant 0 : i32
    %swap3A_68 = arith.index_cast %swap3A_67 : i32 to index
    %swap3A_69 = arith.constant 112 : index
    %swap3A_70 = tpu.vector_load %arg13[%swap3A_68, %swap3A_69] {strides = array<i32>} : memref<8x128xi32, #tpu.memory_space<vmem>>, vector<16xi32>,
    tpu.vector_store %arg13[%swap3A_68, %swap3A_69], %and3A_66 {strides = array<i32>} : memref<8x128xi32, #tpu.memory_space<vmem>>, vector<16xi32>,
    %eq3A = arith.constant 0 : i32
    %eq3A_71 = arith.cmpi eq, %arg0, %eq3A : i32
    %convert_element_type3A = arith.extui %eq3A_71 : i1 to i32
    %cond3A = arith.constant 0 : i32
    %cond3A_72 = arith.cmpi ne, %convert_element_type3A, %cond3A : i32
    scf.if %cond3A_72 {
      %dma_start3A_1639 = arith.constant 0 : i32
      %dma_start3A_1640 = arith.constant 0 : i32
      %dma_start3A_1641 = tpu.memref_slice %arg13[%dma_start3A_1639, %dma_start3A_1640] : memref<8x128xi32, #tpu.memory_space<vmem>> -> memref<1x128xi32, #tpu.memory_space<vmem>>
      %dma_start3A_1642 = tpu.memref_squeeze %dma_start3A_1641 : memref<1x128xi32, #tpu.memory_space<vmem>> -> memref<128xi32, #tpu.memory_space<vmem>>
      %dma_start3A_1643 = arith.constant 0 : i32
      %dma_start3A_1644 = arith.constant 0 : i32
      %dma_start3A_1645 = tpu.memref_slice %arg2[%dma_start3A_1643, %dma_start3A_1644] : memref<10000x128xbf16, #tpu.memory_space<hbm>> -> memref<10000x128xbf16, #tpu.memory_space<hbm>>
      tpu.enqueue_indirect_dma source(%dma_start3A_1645 : memref<10000x128xbf16, #tpu.memory_space<hbm>>) target(%arg15 : memref<128x128xbf16, #tpu.memory_space<vmem>>) offsets(%dma_start3A_1642 : memref<128xi32, #tpu.memory_space<vmem>>) semaphore(%arg23 : memref<!tpu.dma_semaphore, #tpu.memory_space<semaphore_mem>>)
    } else {
    }
    %eq3A_73 = arith.constant 1 : i32
    %eq3A_74 = arith.cmpi eq, %arg0, %eq3A_73 : i32
    %convert_element_type3A_75 = arith.extui %eq3A_74 : i1 to i32
    %cond3A_76 = arith.constant 0 : i32
    %cond3A_77 = arith.cmpi ne, %convert_element_type3A_75, %cond3A_76 : i32
    scf.if %cond3A_77 {
      %dma_start3A_1639 = arith.constant 0 : i32
      %dma_start3A_1640 = arith.constant 0 : i32
      %dma_start3A_1641 = tpu.memref_slice %arg13[%dma_start3A_1639, %dma_start3A_1640] : memref<8x128xi32, #tpu.memory_space<vmem>> -> memref<1x128xi32, #tpu.memory_space<vmem>>
      %dma_start3A_1642 = tpu.memref_squeeze %dma_start3A_1641 : memref<1x128xi32, #tpu.memory_space<vmem>> -> memref<128xi32, #tpu.memory_space<vmem>>
      %dma_start3A_1643 = arith.constant 0 : i32
      %dma_start3A_1644 = arith.constant 0 : i32
      %dma_start3A_1645 = tpu.memref_slice %arg3[%dma_start3A_1643, %dma_start3A_1644] : memref<10000x128xbf16, #tpu.memory_space<hbm>> -> memref<10000x128xbf16, #tpu.memory_space<hbm>>
      tpu.enqueue_indirect_dma source(%dma_start3A_1645 : memref<10000x128xbf16, #tpu.memory_space<hbm>>) target(%arg15 : memref<128x128xbf16, #tpu.memory_space<vmem>>) offsets(%dma_start3A_1642 : memref<128xi32, #tpu.memory_space<vmem>>) semaphore(%arg23 : memref<!tpu.dma_semaphore, #tpu.memory_space<semaphore_mem>>)
    } else {
    }
    %get3A_78 = arith.constant 1 : i32
    %get3A_79 = arith.index_cast %get3A_78 : i32 to index
    %get3A_80 = arith.constant 0 : index
    %get3A_81 = tpu.vector_load %arg12[%get3A_79, %get3A_80] {strides = array<i32>} : memref<80x128xi32, #tpu.memory_space<vmem>>, vector<16xi32>,
    %and3A_82 = arith.andi %get3A_81, %broadcast_in_dim3A_1 : vector<16xi32>
    %swap3A_83 = arith.constant 1 : i32
    %swap3A_84 = arith.index_cast %swap3A_83 : i32 to index
    %swap3A_85 = arith.constant 0 : index
    %swap3A_86 = tpu.vector_load %arg13[%swap3A_84, %swap3A_85] {strides = array<i32>} : memref<8x128xi32, #tpu.memory_space<vmem>>, vector<16xi32>,
    tpu.vector_store %arg13[%swap3A_84, %swap3A_85], %and3A_82 {strides = array<i32>} : memref<8x128xi32, #tpu.memory_space<vmem>>, vector<16xi32>,
    %get3A_87 = arith.constant 1 : i32
    %get3A_88 = arith.index_cast %get3A_87 : i32 to index
    %get3A_89 = arith.constant 16 : index
    %get3A_90 = tpu.vector_load %arg12[%get3A_88, %get3A_89] {strides = array<i32>} : memref<80x128xi32, #tpu.memory_space<vmem>>, vector<16xi32>,
    %and3A_91 = arith.andi %get3A_90, %broadcast_in_dim3A_1 : vector<16xi32>
    %swap3A_92 = arith.constant 1 : i32
    %swap3A_93 = arith.index_cast %swap3A_92 : i32 to index
    %swap3A_94 = arith.constant 16 : index
    %swap3A_95 = tpu.vector_load %arg13[%swap3A_93, %swap3A_94] {strides = array<i32>} : memref<8x128xi32, #tpu.memory_space<vmem>>, vector<16xi32>,
    tpu.vector_store %arg13[%swap3A_93, %swap3A_94], %and3A_91 {strides = array<i32>} : memref<8x128xi32, #tpu.memory_space<vmem>>, vector<16xi32>,
    %get3A_96 = arith.constant 1 : i32
    %get3A_97 = arith.index_cast %get3A_96 : i32 to index
    %get3A_98 = arith.constant 32 : index
    %get3A_99 = tpu.vector_load %arg12[%get3A_97, %get3A_98] {strides = array<i32>} : memref<80x128xi32, #tpu.memory_space<vmem>>, vector<16xi32>,
    %and3A_100 = arith.andi %get3A_99, %broadcast_in_dim3A_1 : vector<16xi32>
    %swap3A_101 = arith.constant 1 : i32
    %swap3A_102 = arith.index_cast %swap3A_101 : i32 to index
    %swap3A_103 = arith.constant 32 : index
    %swap3A_104 = tpu.vector_load %arg13[%swap3A_102, %swap3A_103] {strides = array<i32>} : memref<8x128xi32, #tpu.memory_space<vmem>>, vector<16xi32>,
    tpu.vector_store %arg13[%swap3A_102, %swap3A_103], %and3A_100 {strides = array<i32>} : memref<8x128xi32, #tpu.memory_space<vmem>>, vector<16xi32>,
    %get3A_105 = arith.constant 1 : i32
    %get3A_106 = arith.index_cast %get3A_105 : i32 to index
    %get3A_107 = arith.constant 48 : index
    %get3A_108 = tpu.vector_load %arg12[%get3A_106, %get3A_107] {strides = array<i32>} : memref<80x128xi32, #tpu.memory_space<vmem>>, vector<16xi32>,
    %and3A_109 = arith.andi %get3A_108, %broadcast_in_dim3A_1 : vector<16xi32>
    %swap3A_110 = arith.constant 1 : i32
    %swap3A_111 = arith.index_cast %swap3A_110 : i32 to index
    %swap3A_112 = arith.constant 48 : index
    %swap3A_113 = tpu.vector_load %arg13[%swap3A_111, %swap3A_112] {strides = array<i32>} : memref<8x128xi32, #tpu.memory_space<vmem>>, vector<16xi32>,
    tpu.vector_store %arg13[%swap3A_111, %swap3A_112], %and3A_109 {strides = array<i32>} : memref<8x128xi32, #tpu.memory_space<vmem>>, vector<16xi32>,
    %get3A_114 = arith.constant 1 : i32
    %get3A_115 = arith.index_cast %get3A_114 : i32 to index
    %get3A_116 = arith.constant 64 : index
    %get3A_117 = tpu.vector_load %arg12[%get3A_115, %get3A_116] {strides = array<i32>} : memref<80x128xi32, #tpu.memory_space<vmem>>, vector<16xi32>,
    %and3A_118 = arith.andi %get3A_117, %broadcast_in_dim3A_1 : vector<16xi32>
    %swap3A_119 = arith.constant 1 : i32
    %swap3A_120 = arith.index_cast %swap3A_119 : i32 to index
    %swap3A_121 = arith.constant 64 : index
    %swap3A_122 = tpu.vector_load %arg13[%swap3A_120, %swap3A_121] {strides = array<i32>} : memref<8x128xi32, #tpu.memory_space<vmem>>, vector<16xi32>,
    tpu.vector_store %arg13[%swap3A_120, %swap3A_121], %and3A_118 {strides = array<i32>} : memref<8x128xi32, #tpu.memory_space<vmem>>, vector<16xi32>,
    %get3A_123 = arith.constant 1 : i32
    %get3A_124 = arith.index_cast %get3A_123 : i32 to index
    %get3A_125 = arith.constant 80 : index
    %get3A_126 = tpu.vector_load %arg12[%get3A_124, %get3A_125] {strides = array<i32>} : memref<80x128xi32, #tpu.memory_space<vmem>>, vector<16xi32>,
    %and3A_127 = arith.andi %get3A_126, %broadcast_in_dim3A_1 : vector<16xi32>
    %swap3A_128 = arith.constant 1 : i32
    %swap3A_129 = arith.index_cast %swap3A_128 : i32 to index
    %swap3A_130 = arith.constant 80 : index
    %swap3A_131 = tpu.vector_load %arg13[%swap3A_129, %swap3A_130] {strides = array<i32>} : memref<8x128xi32, #tpu.memory_space<vmem>>, vector<16xi32>,
    tpu.vector_store %arg13[%swap3A_129, %swap3A_130], %and3A_127 {strides = array<i32>} : memref<8x128xi32, #tpu.memory_space<vmem>>, vector<16xi32>,
    %get3A_132 = arith.constant 1 : i32
    %get3A_133 = arith.index_cast %get3A_132 : i32 to index
    %get3A_134 = arith.constant 96 : index
    %get3A_135 = tpu.vector_load %arg12[%get3A_133, %get3A_134] {strides = array<i32>} : memref<80x128xi32, #tpu.memory_space<vmem>>, vector<16xi32>,
    %and3A_136 = arith.andi %get3A_135, %broadcast_in_dim3A_1 : vector<16xi32>
    %swap3A_137 = arith.constant 1 : i32
    %swap3A_138 = arith.index_cast %swap3A_137 : i32 to index
    %swap3A_139 = arith.constant 96 : index
    %swap3A_140 = tpu.vector_load %arg13[%swap3A_138, %swap3A_139] {strides = array<i32>} : memref<8x128xi32, #tpu.memory_space<vmem>>, vector<16xi32>,
    tpu.vector_store %arg13[%swap3A_138, %swap3A_139], %and3A_136 {strides = array<i32>} : memref<8x128xi32, #tpu.memory_space<vmem>>, vector<16xi32>,
    %get3A_141 = arith.constant 1 : i32
    %get3A_142 = arith.index_cast %get3A_141 : i32 to index
    %get3A_143 = arith.constant 112 : index
    %get3A_144 = tpu.vector_load %arg12[%get3A_142, %get3A_143] {strides = array<i32>} : memref<80x128xi32, #tpu.memory_space<vmem>>, vector<16xi32>,
    %and3A_145 = arith.andi %get3A_144, %broadcast_in_dim3A_1 : vector<16xi32>
    %swap3A_146 = arith.constant 1 : i32
    %swap3A_147 = arith.index_cast %swap3A_146 : i32 to index
    %swap3A_148 = arith.constant 112 : index
    %swap3A_149 = tpu.vector_load %arg13[%swap3A_147, %swap3A_148] {strides = array<i32>} : memref<8x128xi32, #tpu.memory_space<vmem>>, vector<16xi32>,
    tpu.vector_store %arg13[%swap3A_147, %swap3A_148], %and3A_145 {strides = array<i32>} : memref<8x128xi32, #tpu.memory_space<vmem>>, vector<16xi32>,
    %eq3A_150 = arith.constant 0 : i32
    %eq3A_151 = arith.cmpi eq, %arg0, %eq3A_150 : i32
    %convert_element_type3A_152 = arith.extui %eq3A_151 : i1 to i32
    %cond3A_153 = arith.constant 0 : i32
    %cond3A_154 = arith.cmpi ne, %convert_element_type3A_152, %cond3A_153 : i32
    scf.if %cond3A_154 {
      %dma_start3A_1639 = arith.constant 1 : i32
      %dma_start3A_1640 = arith.constant 0 : i32
      %dma_start3A_1641 = tpu.memref_slice %arg13[%dma_start3A_1639, %dma_start3A_1640] : memref<8x128xi32, #tpu.memory_space<vmem>> -> memref<1x128xi32, #tpu.memory_space<vmem>>
      %dma_start3A_1642 = tpu.memref_squeeze %dma_start3A_1641 : memref<1x128xi32, #tpu.memory_space<vmem>> -> memref<128xi32, #tpu.memory_space<vmem>>
      %dma_start3A_1643 = arith.constant 0 : i32
      %dma_start3A_1644 = arith.constant 0 : i32
      %dma_start3A_1645 = tpu.memref_slice %arg2[%dma_start3A_1643, %dma_start3A_1644] : memref<10000x128xbf16, #tpu.memory_space<hbm>> -> memref<10000x128xbf16, #tpu.memory_space<hbm>>
      tpu.enqueue_indirect_dma source(%dma_start3A_1645 : memref<10000x128xbf16, #tpu.memory_space<hbm>>) target(%arg16 : memref<128x128xbf16, #tpu.memory_space<vmem>>) offsets(%dma_start3A_1642 : memref<128xi32, #tpu.memory_space<vmem>>) semaphore(%arg24 : memref<!tpu.dma_semaphore, #tpu.memory_space<semaphore_mem>>)
    } else {
    }
    %eq3A_155 = arith.constant 1 : i32
    %eq3A_156 = arith.cmpi eq, %arg0, %eq3A_155 : i32
    %convert_element_type3A_157 = arith.extui %eq3A_156 : i1 to i32
    %cond3A_158 = arith.constant 0 : i32
    %cond3A_159 = arith.cmpi ne, %convert_element_type3A_157, %cond3A_158 : i32
    scf.if %cond3A_159 {
      %dma_start3A_1639 = arith.constant 1 : i32
      %dma_start3A_1640 = arith.constant 0 : i32
      %dma_start3A_1641 = tpu.memref_slice %arg13[%dma_start3A_1639, %dma_start3A_1640] : memref<8x128xi32, #tpu.memory_space<vmem>> -> memref<1x128xi32, #tpu.memory_space<vmem>>
      %dma_start3A_1642 = tpu.memref_squeeze %dma_start3A_1641 : memref<1x128xi32, #tpu.memory_space<vmem>> -> memref<128xi32, #tpu.memory_space<vmem>>
      %dma_start3A_1643 = arith.constant 0 : i32
      %dma_start3A_1644 = arith.constant 0 : i32
      %dma_start3A_1645 = tpu.memref_slice %arg3[%dma_start3A_1643, %dma_start3A_1644] : memref<10000x128xbf16, #tpu.memory_space<hbm>> -> memref<10000x128xbf16, #tpu.memory_space<hbm>>
      tpu.enqueue_indirect_dma source(%dma_start3A_1645 : memref<10000x128xbf16, #tpu.memory_space<hbm>>) target(%arg16 : memref<128x128xbf16, #tpu.memory_space<vmem>>) offsets(%dma_start3A_1642 : memref<128xi32, #tpu.memory_space<vmem>>) semaphore(%arg24 : memref<!tpu.dma_semaphore, #tpu.memory_space<semaphore_mem>>)
    } else {
    }
    %get3A_160 = arith.constant 2 : i32
    %get3A_161 = arith.index_cast %get3A_160 : i32 to index
    %get3A_162 = arith.constant 0 : index
    %get3A_163 = tpu.vector_load %arg12[%get3A_161, %get3A_162] {strides = array<i32>} : memref<80x128xi32, #tpu.memory_space<vmem>>, vector<16xi32>,
    %and3A_164 = arith.andi %get3A_163, %broadcast_in_dim3A_1 : vector<16xi32>
    %swap3A_165 = arith.constant 2 : i32
    %swap3A_166 = arith.index_cast %swap3A_165 : i32 to index
    %swap3A_167 = arith.constant 0 : index
    %swap3A_168 = tpu.vector_load %arg13[%swap3A_166, %swap3A_167] {strides = array<i32>} : memref<8x128xi32, #tpu.memory_space<vmem>>, vector<16xi32>,
    tpu.vector_store %arg13[%swap3A_166, %swap3A_167], %and3A_164 {strides = array<i32>} : memref<8x128xi32, #tpu.memory_space<vmem>>, vector<16xi32>,
    %get3A_169 = arith.constant 2 : i32
    %get3A_170 = arith.index_cast %get3A_169 : i32 to index
    %get3A_171 = arith.constant 16 : index
    %get3A_172 = tpu.vector_load %arg12[%get3A_170, %get3A_171] {strides = array<i32>} : memref<80x128xi32, #tpu.memory_space<vmem>>, vector<16xi32>,
    %and3A_173 = arith.andi %get3A_172, %broadcast_in_dim3A_1 : vector<16xi32>
    %swap3A_174 = arith.constant 2 : i32
    %swap3A_175 = arith.index_cast %swap3A_174 : i32 to index
    %swap3A_176 = arith.constant 16 : index
    %swap3A_177 = tpu.vector_load %arg13[%swap3A_175, %swap3A_176] {strides = array<i32>} : memref<8x128xi32, #tpu.memory_space<vmem>>, vector<16xi32>,
    tpu.vector_store %arg13[%swap3A_175, %swap3A_176], %and3A_173 {strides = array<i32>} : memref<8x128xi32, #tpu.memory_space<vmem>>, vector<16xi32>,
    %get3A_178 = arith.constant 2 : i32
    %get3A_179 = arith.index_cast %get3A_178 : i32 to index
    %get3A_180 = arith.constant 32 : index
    %get3A_181 = tpu.vector_load %arg12[%get3A_179, %get3A_180] {strides = array<i32>} : memref<80x128xi32, #tpu.memory_space<vmem>>, vector<16xi32>,
    %and3A_182 = arith.andi %get3A_181, %broadcast_in_dim3A_1 : vector<16xi32>
    %swap3A_183 = arith.constant 2 : i32
    %swap3A_184 = arith.index_cast %swap3A_183 : i32 to index
    %swap3A_185 = arith.constant 32 : index
    %swap3A_186 = tpu.vector_load %arg13[%swap3A_184, %swap3A_185] {strides = array<i32>} : memref<8x128xi32, #tpu.memory_space<vmem>>, vector<16xi32>,
    tpu.vector_store %arg13[%swap3A_184, %swap3A_185], %and3A_182 {strides = array<i32>} : memref<8x128xi32, #tpu.memory_space<vmem>>, vector<16xi32>,
    %get3A_187 = arith.constant 2 : i32
    %get3A_188 = arith.index_cast %get3A_187 : i32 to index
    %get3A_189 = arith.constant 48 : index
    %get3A_190 = tpu.vector_load %arg12[%get3A_188, %get3A_189] {strides = array<i32>} : memref<80x128xi32, #tpu.memory_space<vmem>>, vector<16xi32>,
    %and3A_191 = arith.andi %get3A_190, %broadcast_in_dim3A_1 : vector<16xi32>
    %swap3A_192 = arith.constant 2 : i32
    %swap3A_193 = arith.index_cast %swap3A_192 : i32 to index
    %swap3A_194 = arith.constant 48 : index
    %swap3A_195 = tpu.vector_load %arg13[%swap3A_193, %swap3A_194] {strides = array<i32>} : memref<8x128xi32, #tpu.memory_space<vmem>>, vector<16xi32>,
    tpu.vector_store %arg13[%swap3A_193, %swap3A_194], %and3A_191 {strides = array<i32>} : memref<8x128xi32, #tpu.memory_space<vmem>>, vector<16xi32>,
    %get3A_196 = arith.constant 2 : i32
    %get3A_197 = arith.index_cast %get3A_196 : i32 to index
    %get3A_198 = arith.constant 64 : index
    %get3A_199 = tpu.vector_load %arg12[%get3A_197, %get3A_198] {strides = array<i32>} : memref<80x128xi32, #tpu.memory_space<vmem>>, vector<16xi32>,
    %and3A_200 = arith.andi %get3A_199, %broadcast_in_dim3A_1 : vector<16xi32>
    %swap3A_201 = arith.constant 2 : i32
    %swap3A_202 = arith.index_cast %swap3A_201 : i32 to index
    %swap3A_203 = arith.constant 64 : index
    %swap3A_204 = tpu.vector_load %arg13[%swap3A_202, %swap3A_203] {strides = array<i32>} : memref<8x128xi32, #tpu.memory_space<vmem>>, vector<16xi32>,
    tpu.vector_store %arg13[%swap3A_202, %swap3A_203], %and3A_200 {strides = array<i32>} : memref<8x128xi32, #tpu.memory_space<vmem>>, vector<16xi32>,
    %get3A_205 = arith.constant 2 : i32
    %get3A_206 = arith.index_cast %get3A_205 : i32 to index
    %get3A_207 = arith.constant 80 : index
    %get3A_208 = tpu.vector_load %arg12[%get3A_206, %get3A_207] {strides = array<i32>} : memref<80x128xi32, #tpu.memory_space<vmem>>, vector<16xi32>,
    %and3A_209 = arith.andi %get3A_208, %broadcast_in_dim3A_1 : vector<16xi32>
    %swap3A_210 = arith.constant 2 : i32
    %swap3A_211 = arith.index_cast %swap3A_210 : i32 to index
    %swap3A_212 = arith.constant 80 : index
    %swap3A_213 = tpu.vector_load %arg13[%swap3A_211, %swap3A_212] {strides = array<i32>} : memref<8x128xi32, #tpu.memory_space<vmem>>, vector<16xi32>,
    tpu.vector_store %arg13[%swap3A_211, %swap3A_212], %and3A_209 {strides = array<i32>} : memref<8x128xi32, #tpu.memory_space<vmem>>, vector<16xi32>,
    %get3A_214 = arith.constant 2 : i32
    %get3A_215 = arith.index_cast %get3A_214 : i32 to index
    %get3A_216 = arith.constant 96 : index
    %get3A_217 = tpu.vector_load %arg12[%get3A_215, %get3A_216] {strides = array<i32>} : memref<80x128xi32, #tpu.memory_space<vmem>>, vector<16xi32>,
    %and3A_218 = arith.andi %get3A_217, %broadcast_in_dim3A_1 : vector<16xi32>
    %swap3A_219 = arith.constant 2 : i32
    %swap3A_220 = arith.index_cast %swap3A_219 : i32 to index
    %swap3A_221 = arith.constant 96 : index
    %swap3A_222 = tpu.vector_load %arg13[%swap3A_220, %swap3A_221] {strides = array<i32>} : memref<8x128xi32, #tpu.memory_space<vmem>>, vector<16xi32>,
    tpu.vector_store %arg13[%swap3A_220, %swap3A_221], %and3A_218 {strides = array<i32>} : memref<8x128xi32, #tpu.memory_space<vmem>>, vector<16xi32>,
    %get3A_223 = arith.constant 2 : i32
    %get3A_224 = arith.index_cast %get3A_223 : i32 to index
    %get3A_225 = arith.constant 112 : index
    %get3A_226 = tpu.vector_load %arg12[%get3A_224, %get3A_225] {strides = array<i32>} : memref<80x128xi32, #tpu.memory_space<vmem>>, vector<16xi32>,
    %and3A_227 = arith.andi %get3A_226, %broadcast_in_dim3A_1 : vector<16xi32>
    %swap3A_228 = arith.constant 2 : i32
    %swap3A_229 = arith.index_cast %swap3A_228 : i32 to index
    %swap3A_230 = arith.constant 112 : index
    %swap3A_231 = tpu.vector_load %arg13[%swap3A_229, %swap3A_230] {strides = array<i32>} : memref<8x128xi32, #tpu.memory_space<vmem>>, vector<16xi32>,
    tpu.vector_store %arg13[%swap3A_229, %swap3A_230], %and3A_227 {strides = array<i32>} : memref<8x128xi32, #tpu.memory_space<vmem>>, vector<16xi32>,
    %eq3A_232 = arith.constant 0 : i32
    %eq3A_233 = arith.cmpi eq, %arg0, %eq3A_232 : i32
    %convert_element_type3A_234 = arith.extui %eq3A_233 : i1 to i32
    %cond3A_235 = arith.constant 0 : i32
    %cond3A_236 = arith.cmpi ne, %convert_element_type3A_234, %cond3A_235 : i32
    scf.if %cond3A_236 {
      %dma_start3A_1639 = arith.constant 2 : i32
      %dma_start3A_1640 = arith.constant 0 : i32
      %dma_start3A_1641 = tpu.memref_slice %arg13[%dma_start3A_1639, %dma_start3A_1640] : memref<8x128xi32, #tpu.memory_space<vmem>> -> memref<1x128xi32, #tpu.memory_space<vmem>>
      %dma_start3A_1642 = tpu.memref_squeeze %dma_start3A_1641 : memref<1x128xi32, #tpu.memory_space<vmem>> -> memref<128xi32, #tpu.memory_space<vmem>>
      %dma_start3A_1643 = arith.constant 0 : i32
      %dma_start3A_1644 = arith.constant 0 : i32
      %dma_start3A_1645 = tpu.memref_slice %arg2[%dma_start3A_1643, %dma_start3A_1644] : memref<10000x128xbf16, #tpu.memory_space<hbm>> -> memref<10000x128xbf16, #tpu.memory_space<hbm>>
      tpu.enqueue_indirect_dma source(%dma_start3A_1645 : memref<10000x128xbf16, #tpu.memory_space<hbm>>) target(%arg17 : memref<128x128xbf16, #tpu.memory_space<vmem>>) offsets(%dma_start3A_1642 : memref<128xi32, #tpu.memory_space<vmem>>) semaphore(%arg25 : memref<!tpu.dma_semaphore, #tpu.memory_space<semaphore_mem>>)
    } else {
    }
    %eq3A_237 = arith.constant 1 : i32
    %eq3A_238 = arith.cmpi eq, %arg0, %eq3A_237 : i32
    %convert_element_type3A_239 = arith.extui %eq3A_238 : i1 to i32
    %cond3A_240 = arith.constant 0 : i32
    %cond3A_241 = arith.cmpi ne, %convert_element_type3A_239, %cond3A_240 : i32
    scf.if %cond3A_241 {
      %dma_start3A_1639 = arith.constant 2 : i32
      %dma_start3A_1640 = arith.constant 0 : i32
      %dma_start3A_1641 = tpu.memref_slice %arg13[%dma_start3A_1639, %dma_start3A_1640] : memref<8x128xi32, #tpu.memory_space<vmem>> -> memref<1x128xi32, #tpu.memory_space<vmem>>
      %dma_start3A_1642 = tpu.memref_squeeze %dma_start3A_1641 : memref<1x128xi32, #tpu.memory_space<vmem>> -> memref<128xi32, #tpu.memory_space<vmem>>
      %dma_start3A_1643 = arith.constant 0 : i32
      %dma_start3A_1644 = arith.constant 0 : i32
      %dma_start3A_1645 = tpu.memref_slice %arg3[%dma_start3A_1643, %dma_start3A_1644] : memref<10000x128xbf16, #tpu.memory_space<hbm>> -> memref<10000x128xbf16, #tpu.memory_space<hbm>>
      tpu.enqueue_indirect_dma source(%dma_start3A_1645 : memref<10000x128xbf16, #tpu.memory_space<hbm>>) target(%arg17 : memref<128x128xbf16, #tpu.memory_space<vmem>>) offsets(%dma_start3A_1642 : memref<128xi32, #tpu.memory_space<vmem>>) semaphore(%arg25 : memref<!tpu.dma_semaphore, #tpu.memory_space<semaphore_mem>>)
    } else {
    }
    %get3A_242 = arith.constant 3 : i32
    %get3A_243 = arith.index_cast %get3A_242 : i32 to index
    %get3A_244 = arith.constant 0 : index
    %get3A_245 = tpu.vector_load %arg12[%get3A_243, %get3A_244] {strides = array<i32>} : memref<80x128xi32, #tpu.memory_space<vmem>>, vector<16xi32>,
    %and3A_246 = arith.andi %get3A_245, %broadcast_in_dim3A_1 : vector<16xi32>
    %swap3A_247 = arith.constant 3 : i32
    %swap3A_248 = arith.index_cast %swap3A_247 : i32 to index
    %swap3A_249 = arith.constant 0 : index
    %swap3A_250 = tpu.vector_load %arg13[%swap3A_248, %swap3A_249] {strides = array<i32>} : memref<8x128xi32, #tpu.memory_space<vmem>>, vector<16xi32>,
    tpu.vector_store %arg13[%swap3A_248, %swap3A_249], %and3A_246 {strides = array<i32>} : memref<8x128xi32, #tpu.memory_space<vmem>>, vector<16xi32>,
    %get3A_251 = arith.constant 3 : i32
    %get3A_252 = arith.index_cast %get3A_251 : i32 to index
    %get3A_253 = arith.constant 16 : index
    %get3A_254 = tpu.vector_load %arg12[%get3A_252, %get3A_253] {strides = array<i32>} : memref<80x128xi32, #tpu.memory_space<vmem>>, vector<16xi32>,
    %and3A_255 = arith.andi %get3A_254, %broadcast_in_dim3A_1 : vector<16xi32>
    %swap3A_256 = arith.constant 3 : i32
    %swap3A_257 = arith.index_cast %swap3A_256 : i32 to index
    %swap3A_258 = arith.constant 16 : index
    %swap3A_259 = tpu.vector_load %arg13[%swap3A_257, %swap3A_258] {strides = array<i32>} : memref<8x128xi32, #tpu.memory_space<vmem>>, vector<16xi32>,
    tpu.vector_store %arg13[%swap3A_257, %swap3A_258], %and3A_255 {strides = array<i32>} : memref<8x128xi32, #tpu.memory_space<vmem>>, vector<16xi32>,
    %get3A_260 = arith.constant 3 : i32
    %get3A_261 = arith.index_cast %get3A_260 : i32 to index
    %get3A_262 = arith.constant 32 : index
    %get3A_263 = tpu.vector_load %arg12[%get3A_261, %get3A_262] {strides = array<i32>} : memref<80x128xi32, #tpu.memory_space<vmem>>, vector<16xi32>,
    %and3A_264 = arith.andi %get3A_263, %broadcast_in_dim3A_1 : vector<16xi32>
    %swap3A_265 = arith.constant 3 : i32
    %swap3A_266 = arith.index_cast %swap3A_265 : i32 to index
    %swap3A_267 = arith.constant 32 : index
    %swap3A_268 = tpu.vector_load %arg13[%swap3A_266, %swap3A_267] {strides = array<i32>} : memref<8x128xi32, #tpu.memory_space<vmem>>, vector<16xi32>,
    tpu.vector_store %arg13[%swap3A_266, %swap3A_267], %and3A_264 {strides = array<i32>} : memref<8x128xi32, #tpu.memory_space<vmem>>, vector<16xi32>,
    %get3A_269 = arith.constant 3 : i32
    %get3A_270 = arith.index_cast %get3A_269 : i32 to index
    %get3A_271 = arith.constant 48 : index
    %get3A_272 = tpu.vector_load %arg12[%get3A_270, %get3A_271] {strides = array<i32>} : memref<80x128xi32, #tpu.memory_space<vmem>>, vector<16xi32>,
    %and3A_273 = arith.andi %get3A_272, %broadcast_in_dim3A_1 : vector<16xi32>
    %swap3A_274 = arith.constant 3 : i32
    %swap3A_275 = arith.index_cast %swap3A_274 : i32 to index
    %swap3A_276 = arith.constant 48 : index
    %swap3A_277 = tpu.vector_load %arg13[%swap3A_275, %swap3A_276] {strides = array<i32>} : memref<8x128xi32, #tpu.memory_space<vmem>>, vector<16xi32>,
    tpu.vector_store %arg13[%swap3A_275, %swap3A_276], %and3A_273 {strides = array<i32>} : memref<8x128xi32, #tpu.memory_space<vmem>>, vector<16xi32>,
    %get3A_278 = arith.constant 3 : i32
    %get3A_279 = arith.index_cast %get3A_278 : i32 to index
    %get3A_280 = arith.constant 64 : index
    %get3A_281 = tpu.vector_load %arg12[%get3A_279, %get3A_280] {strides = array<i32>} : memref<80x128xi32, #tpu.memory_space<vmem>>, vector<16xi32>,
    %and3A_282 = arith.andi %get3A_281, %broadcast_in_dim3A_1 : vector<16xi32>
    %swap3A_283 = arith.constant 3 : i32
    %swap3A_284 = arith.index_cast %swap3A_283 : i32 to index
    %swap3A_285 = arith.constant 64 : index
    %swap3A_286 = tpu.vector_load %arg13[%swap3A_284, %swap3A_285] {strides = array<i32>} : memref<8x128xi32, #tpu.memory_space<vmem>>, vector<16xi32>,
    tpu.vector_store %arg13[%swap3A_284, %swap3A_285], %and3A_282 {strides = array<i32>} : memref<8x128xi32, #tpu.memory_space<vmem>>, vector<16xi32>,
    %get3A_287 = arith.constant 3 : i32
    %get3A_288 = arith.index_cast %get3A_287 : i32 to index
    %get3A_289 = arith.constant 80 : index
    %get3A_290 = tpu.vector_load %arg12[%get3A_288, %get3A_289] {strides = array<i32>} : memref<80x128xi32, #tpu.memory_space<vmem>>, vector<16xi32>,
    %and3A_291 = arith.andi %get3A_290, %broadcast_in_dim3A_1 : vector<16xi32>
    %swap3A_292 = arith.constant 3 : i32
    %swap3A_293 = arith.index_cast %swap3A_292 : i32 to index
    %swap3A_294 = arith.constant 80 : index
    %swap3A_295 = tpu.vector_load %arg13[%swap3A_293, %swap3A_294] {strides = array<i32>} : memref<8x128xi32, #tpu.memory_space<vmem>>, vector<16xi32>,
    tpu.vector_store %arg13[%swap3A_293, %swap3A_294], %and3A_291 {strides = array<i32>} : memref<8x128xi32, #tpu.memory_space<vmem>>, vector<16xi32>,
    %get3A_296 = arith.constant 3 : i32
    %get3A_297 = arith.index_cast %get3A_296 : i32 to index
    %get3A_298 = arith.constant 96 : index
    %get3A_299 = tpu.vector_load %arg12[%get3A_297, %get3A_298] {strides = array<i32>} : memref<80x128xi32, #tpu.memory_space<vmem>>, vector<16xi32>,
    %and3A_300 = arith.andi %get3A_299, %broadcast_in_dim3A_1 : vector<16xi32>
    %swap3A_301 = arith.constant 3 : i32
    %swap3A_302 = arith.index_cast %swap3A_301 : i32 to index
    %swap3A_303 = arith.constant 96 : index
    %swap3A_304 = tpu.vector_load %arg13[%swap3A_302, %swap3A_303] {strides = array<i32>} : memref<8x128xi32, #tpu.memory_space<vmem>>, vector<16xi32>,
    tpu.vector_store %arg13[%swap3A_302, %swap3A_303], %and3A_300 {strides = array<i32>} : memref<8x128xi32, #tpu.memory_space<vmem>>, vector<16xi32>,
    %get3A_305 = arith.constant 3 : i32
    %get3A_306 = arith.index_cast %get3A_305 : i32 to index
    %get3A_307 = arith.constant 112 : index
    %get3A_308 = tpu.vector_load %arg12[%get3A_306, %get3A_307] {strides = array<i32>} : memref<80x128xi32, #tpu.memory_space<vmem>>, vector<16xi32>,
    %and3A_309 = arith.andi %get3A_308, %broadcast_in_dim3A_1 : vector<16xi32>
    %swap3A_310 = arith.constant 3 : i32
    %swap3A_311 = arith.index_cast %swap3A_310 : i32 to index
    %swap3A_312 = arith.constant 112 : index
    %swap3A_313 = tpu.vector_load %arg13[%swap3A_311, %swap3A_312] {strides = array<i32>} : memref<8x128xi32, #tpu.memory_space<vmem>>, vector<16xi32>,
    tpu.vector_store %arg13[%swap3A_311, %swap3A_312], %and3A_309 {strides = array<i32>} : memref<8x128xi32, #tpu.memory_space<vmem>>, vector<16xi32>,
    %eq3A_314 = arith.constant 0 : i32
    %eq3A_315 = arith.cmpi eq, %arg0, %eq3A_314 : i32
    %convert_element_type3A_316 = arith.extui %eq3A_315 : i1 to i32
    %cond3A_317 = arith.constant 0 : i32
    %cond3A_318 = arith.cmpi ne, %convert_element_type3A_316, %cond3A_317 : i32
    scf.if %cond3A_318 {
      %dma_start3A_1639 = arith.constant 3 : i32
      %dma_start3A_1640 = arith.constant 0 : i32
      %dma_start3A_1641 = tpu.memref_slice %arg13[%dma_start3A_1639, %dma_start3A_1640] : memref<8x128xi32, #tpu.memory_space<vmem>> -> memref<1x128xi32, #tpu.memory_space<vmem>>
      %dma_start3A_1642 = tpu.memref_squeeze %dma_start3A_1641 : memref<1x128xi32, #tpu.memory_space<vmem>> -> memref<128xi32, #tpu.memory_space<vmem>>
      %dma_start3A_1643 = arith.constant 0 : i32
      %dma_start3A_1644 = arith.constant 0 : i32
      %dma_start3A_1645 = tpu.memref_slice %arg2[%dma_start3A_1643, %dma_start3A_1644] : memref<10000x128xbf16, #tpu.memory_space<hbm>> -> memref<10000x128xbf16, #tpu.memory_space<hbm>>
      tpu.enqueue_indirect_dma source(%dma_start3A_1645 : memref<10000x128xbf16, #tpu.memory_space<hbm>>) target(%arg18 : memref<128x128xbf16, #tpu.memory_space<vmem>>) offsets(%dma_start3A_1642 : memref<128xi32, #tpu.memory_space<vmem>>) semaphore(%arg26 : memref<!tpu.dma_semaphore, #tpu.memory_space<semaphore_mem>>)
    } else {
    }
    %eq3A_319 = arith.constant 1 : i32
    %eq3A_320 = arith.cmpi eq, %arg0, %eq3A_319 : i32
    %convert_element_type3A_321 = arith.extui %eq3A_320 : i1 to i32
    %cond3A_322 = arith.constant 0 : i32
    %cond3A_323 = arith.cmpi ne, %convert_element_type3A_321, %cond3A_322 : i32
    scf.if %cond3A_323 {
      %dma_start3A_1639 = arith.constant 3 : i32
      %dma_start3A_1640 = arith.constant 0 : i32
      %dma_start3A_1641 = tpu.memref_slice %arg13[%dma_start3A_1639, %dma_start3A_1640] : memref<8x128xi32, #tpu.memory_space<vmem>> -> memref<1x128xi32, #tpu.memory_space<vmem>>
      %dma_start3A_1642 = tpu.memref_squeeze %dma_start3A_1641 : memref<1x128xi32, #tpu.memory_space<vmem>> -> memref<128xi32, #tpu.memory_space<vmem>>
      %dma_start3A_1643 = arith.constant 0 : i32
      %dma_start3A_1644 = arith.constant 0 : i32
      %dma_start3A_1645 = tpu.memref_slice %arg3[%dma_start3A_1643, %dma_start3A_1644] : memref<10000x128xbf16, #tpu.memory_space<hbm>> -> memref<10000x128xbf16, #tpu.memory_space<hbm>>
      tpu.enqueue_indirect_dma source(%dma_start3A_1645 : memref<10000x128xbf16, #tpu.memory_space<hbm>>) target(%arg18 : memref<128x128xbf16, #tpu.memory_space<vmem>>) offsets(%dma_start3A_1642 : memref<128xi32, #tpu.memory_space<vmem>>) semaphore(%arg26 : memref<!tpu.dma_semaphore, #tpu.memory_space<semaphore_mem>>)
    } else {
    }
    %dma_wait3A = arith.constant 0 : i32
    %dma_wait3A_324 = arith.constant 0 : i32
    %dma_wait3A_325 = tpu.memref_slice %arg13[%dma_wait3A, %dma_wait3A_324] : memref<8x128xi32, #tpu.memory_space<vmem>> -> memref<1x128xi32, #tpu.memory_space<vmem>>
    %dma_wait3A_326 = tpu.memref_squeeze %dma_wait3A_325 : memref<1x128xi32, #tpu.memory_space<vmem>> -> memref<128xi32, #tpu.memory_space<vmem>>
    %dma_wait3A_327 = arith.constant 0 : i32
    %dma_wait3A_328 = arith.constant 0 : i32
    %dma_wait3A_329 = tpu.memref_slice %arg2[%dma_wait3A_327, %dma_wait3A_328] : memref<10000x128xbf16, #tpu.memory_space<hbm>> -> memref<10000x128xbf16, #tpu.memory_space<hbm>>
    tpu.wait_indirect_dma semaphore(%arg23 : memref<!tpu.dma_semaphore, #tpu.memory_space<semaphore_mem>>) src(%dma_wait3A_329 : memref<10000x128xbf16, #tpu.memory_space<hbm>>) dst(%arg15 : memref<128x128xbf16, #tpu.memory_space<vmem>>)
    %get3A_330 = arith.constant 0 : i32
    %get3A_331 = arith.index_cast %get3A_330 : i32 to index
    %get3A_332 = arith.constant 0 : index
    %get3A_333 = tpu.vector_load %arg12[%get3A_331, %get3A_332] {strides = array<i32>} : memref<80x128xi32, #tpu.memory_space<vmem>>, vector<16xi32>,
    %shift_right_logical3A = arith.constant 16 : i32
    %shift_right_logical3A_334 = vector.broadcast %shift_right_logical3A : i32 to vector<16xi32>
    %shift_right_logical3A_335 = arith.shrui %get3A_333, %shift_right_logical3A_334 : vector<16xi32>
    %swap3A_336 = arith.constant 0 : i32
    %swap3A_337 = arith.index_cast %swap3A_336 : i32 to index
    %swap3A_338 = arith.constant 0 : index
    %swap3A_339 = tpu.vector_load %arg14[%swap3A_337, %swap3A_338] {strides = array<i32>} : memref<8x128xi32, #tpu.memory_space<vmem>>, vector<16xi32>,
    tpu.vector_store %arg14[%swap3A_337, %swap3A_338], %shift_right_logical3A_335 {strides = array<i32>} : memref<8x128xi32, #tpu.memory_space<vmem>>, vector<16xi32>,
    %get3A_340 = arith.constant 0 : i32
    %get3A_341 = arith.index_cast %get3A_340 : i32 to index
    %get3A_342 = arith.constant 16 : index
    %get3A_343 = tpu.vector_load %arg12[%get3A_341, %get3A_342] {strides = array<i32>} : memref<80x128xi32, #tpu.memory_space<vmem>>, vector<16xi32>,
    %shift_right_logical3A_344 = arith.constant 16 : i32
    %shift_right_logical3A_345 = vector.broadcast %shift_right_logical3A_344 : i32 to vector<16xi32>
    %shift_right_logical3A_346 = arith.shrui %get3A_343, %shift_right_logical3A_345 : vector<16xi32>
    %swap3A_347 = arith.constant 0 : i32
    %swap3A_348 = arith.index_cast %swap3A_347 : i32 to index
    %swap3A_349 = arith.constant 16 : index
    %swap3A_350 = tpu.vector_load %arg14[%swap3A_348, %swap3A_349] {strides = array<i32>} : memref<8x128xi32, #tpu.memory_space<vmem>>, vector<16xi32>,
    tpu.vector_store %arg14[%swap3A_348, %swap3A_349], %shift_right_logical3A_346 {strides = array<i32>} : memref<8x128xi32, #tpu.memory_space<vmem>>, vector<16xi32>,
    %get3A_351 = arith.constant 0 : i32
    %get3A_352 = arith.index_cast %get3A_351 : i32 to index
    %get3A_353 = arith.constant 32 : index
    %get3A_354 = tpu.vector_load %arg12[%get3A_352, %get3A_353] {strides = array<i32>} : memref<80x128xi32, #tpu.memory_space<vmem>>, vector<16xi32>,
    %shift_right_logical3A_355 = arith.constant 16 : i32
    %shift_right_logical3A_356 = vector.broadcast %shift_right_logical3A_355 : i32 to vector<16xi32>
    %shift_right_logical3A_357 = arith.shrui %get3A_354, %shift_right_logical3A_356 : vector<16xi32>
    %swap3A_358 = arith.constant 0 : i32
    %swap3A_359 = arith.index_cast %swap3A_358 : i32 to index
    %swap3A_360 = arith.constant 32 : index
    %swap3A_361 = tpu.vector_load %arg14[%swap3A_359, %swap3A_360] {strides = array<i32>} : memref<8x128xi32, #tpu.memory_space<vmem>>, vector<16xi32>,
    tpu.vector_store %arg14[%swap3A_359, %swap3A_360], %shift_right_logical3A_357 {strides = array<i32>} : memref<8x128xi32, #tpu.memory_space<vmem>>, vector<16xi32>,
    %get3A_362 = arith.constant 0 : i32
    %get3A_363 = arith.index_cast %get3A_362 : i32 to index
    %get3A_364 = arith.constant 48 : index
    %get3A_365 = tpu.vector_load %arg12[%get3A_363, %get3A_364] {strides = array<i32>} : memref<80x128xi32, #tpu.memory_space<vmem>>, vector<16xi32>,
    %shift_right_logical3A_366 = arith.constant 16 : i32
    %shift_right_logical3A_367 = vector.broadcast %shift_right_logical3A_366 : i32 to vector<16xi32>
    %shift_right_logical3A_368 = arith.shrui %get3A_365, %shift_right_logical3A_367 : vector<16xi32>
    %swap3A_369 = arith.constant 0 : i32
    %swap3A_370 = arith.index_cast %swap3A_369 : i32 to index
    %swap3A_371 = arith.constant 48 : index
    %swap3A_372 = tpu.vector_load %arg14[%swap3A_370, %swap3A_371] {strides = array<i32>} : memref<8x128xi32, #tpu.memory_space<vmem>>, vector<16xi32>,
    tpu.vector_store %arg14[%swap3A_370, %swap3A_371], %shift_right_logical3A_368 {strides = array<i32>} : memref<8x128xi32, #tpu.memory_space<vmem>>, vector<16xi32>,
    %get3A_373 = arith.constant 0 : i32
    %get3A_374 = arith.index_cast %get3A_373 : i32 to index
    %get3A_375 = arith.constant 64 : index
    %get3A_376 = tpu.vector_load %arg12[%get3A_374, %get3A_375] {strides = array<i32>} : memref<80x128xi32, #tpu.memory_space<vmem>>, vector<16xi32>,
    %shift_right_logical3A_377 = arith.constant 16 : i32
    %shift_right_logical3A_378 = vector.broadcast %shift_right_logical3A_377 : i32 to vector<16xi32>
    %shift_right_logical3A_379 = arith.shrui %get3A_376, %shift_right_logical3A_378 : vector<16xi32>
    %swap3A_380 = arith.constant 0 : i32
    %swap3A_381 = arith.index_cast %swap3A_380 : i32 to index
    %swap3A_382 = arith.constant 64 : index
    %swap3A_383 = tpu.vector_load %arg14[%swap3A_381, %swap3A_382] {strides = array<i32>} : memref<8x128xi32, #tpu.memory_space<vmem>>, vector<16xi32>,
    tpu.vector_store %arg14[%swap3A_381, %swap3A_382], %shift_right_logical3A_379 {strides = array<i32>} : memref<8x128xi32, #tpu.memory_space<vmem>>, vector<16xi32>,
    %get3A_384 = arith.constant 0 : i32
    %get3A_385 = arith.index_cast %get3A_384 : i32 to index
    %get3A_386 = arith.constant 80 : index
    %get3A_387 = tpu.vector_load %arg12[%get3A_385, %get3A_386] {strides = array<i32>} : memref<80x128xi32, #tpu.memory_space<vmem>>, vector<16xi32>,
    %shift_right_logical3A_388 = arith.constant 16 : i32
    %shift_right_logical3A_389 = vector.broadcast %shift_right_logical3A_388 : i32 to vector<16xi32>
    %shift_right_logical3A_390 = arith.shrui %get3A_387, %shift_right_logical3A_389 : vector<16xi32>
    %swap3A_391 = arith.constant 0 : i32
    %swap3A_392 = arith.index_cast %swap3A_391 : i32 to index
    %swap3A_393 = arith.constant 80 : index
    %swap3A_394 = tpu.vector_load %arg14[%swap3A_392, %swap3A_393] {strides = array<i32>} : memref<8x128xi32, #tpu.memory_space<vmem>>, vector<16xi32>,
    tpu.vector_store %arg14[%swap3A_392, %swap3A_393], %shift_right_logical3A_390 {strides = array<i32>} : memref<8x128xi32, #tpu.memory_space<vmem>>, vector<16xi32>,
    %get3A_395 = arith.constant 0 : i32
    %get3A_396 = arith.index_cast %get3A_395 : i32 to index
    %get3A_397 = arith.constant 96 : index
    %get3A_398 = tpu.vector_load %arg12[%get3A_396, %get3A_397] {strides = array<i32>} : memref<80x128xi32, #tpu.memory_space<vmem>>, vector<16xi32>,
    %shift_right_logical3A_399 = arith.constant 16 : i32
    %shift_right_logical3A_400 = vector.broadcast %shift_right_logical3A_399 : i32 to vector<16xi32>
    %shift_right_logical3A_401 = arith.shrui %get3A_398, %shift_right_logical3A_400 : vector<16xi32>
    %swap3A_402 = arith.constant 0 : i32
    %swap3A_403 = arith.index_cast %swap3A_402 : i32 to index
    %swap3A_404 = arith.constant 96 : index
    %swap3A_405 = tpu.vector_load %arg14[%swap3A_403, %swap3A_404] {strides = array<i32>} : memref<8x128xi32, #tpu.memory_space<vmem>>, vector<16xi32>,
    tpu.vector_store %arg14[%swap3A_403, %swap3A_404], %shift_right_logical3A_401 {strides = array<i32>} : memref<8x128xi32, #tpu.memory_space<vmem>>, vector<16xi32>,
    %get3A_406 = arith.constant 0 : i32
    %get3A_407 = arith.index_cast %get3A_406 : i32 to index
    %get3A_408 = arith.constant 112 : index
    %get3A_409 = tpu.vector_load %arg12[%get3A_407, %get3A_408] {strides = array<i32>} : memref<80x128xi32, #tpu.memory_space<vmem>>, vector<16xi32>,
    %shift_right_logical3A_410 = arith.constant 16 : i32
    %shift_right_logical3A_411 = vector.broadcast %shift_right_logical3A_410 : i32 to vector<16xi32>
    %shift_right_logical3A_412 = arith.shrui %get3A_409, %shift_right_logical3A_411 : vector<16xi32>
    %swap3A_413 = arith.constant 0 : i32
    %swap3A_414 = arith.index_cast %swap3A_413 : i32 to index
    %swap3A_415 = arith.constant 112 : index
    %swap3A_416 = tpu.vector_load %arg14[%swap3A_414, %swap3A_415] {strides = array<i32>} : memref<8x128xi32, #tpu.memory_space<vmem>>, vector<16xi32>,
    tpu.vector_store %arg14[%swap3A_414, %swap3A_415], %shift_right_logical3A_412 {strides = array<i32>} : memref<8x128xi32, #tpu.memory_space<vmem>>, vector<16xi32>,
    %dma_start3A = arith.constant 0 : i32
    %dma_start3A_417 = arith.constant 0 : i32
    %dma_start3A_418 = tpu.memref_slice %arg14[%dma_start3A, %dma_start3A_417] : memref<8x128xi32, #tpu.memory_space<vmem>> -> memref<1x128xi32, #tpu.memory_space<vmem>>
    %dma_start3A_419 = tpu.memref_squeeze %dma_start3A_418 : memref<1x128xi32, #tpu.memory_space<vmem>> -> memref<128xi32, #tpu.memory_space<vmem>>
    %dma_start3A_420 = arith.constant 0 : i32
    %dma_start3A_421 = arith.constant 0 : i32
    %dma_start3A_422 = tpu.memref_slice %arg10[%dma_start3A_420, %dma_start3A_421] : memref<10112x128xbf16, #tpu.memory_space<vmem_shared>> -> memref<10112x128xbf16, #tpu.memory_space<vmem_shared>>
    tpu.enqueue_indirect_dma source(%arg15 : memref<128x128xbf16, #tpu.memory_space<vmem>>) target(%dma_start3A_422 : memref<10112x128xbf16, #tpu.memory_space<vmem_shared>>) offsets(%dma_start3A_419 : memref<128xi32, #tpu.memory_space<vmem>>) semaphore(%arg31 : memref<!tpu.dma_semaphore, #tpu.memory_space<semaphore_mem>>) {add = true}
    %dma_start3A_423 = arith.constant 0 : i32
    %dma_start3A_424 = arith.constant 0 : i32
    %dma_start3A_425 = tpu.memref_slice %arg14[%dma_start3A_423, %dma_start3A_424] : memref<8x128xi32, #tpu.memory_space<vmem>> -> memref<1x128xi32, #tpu.memory_space<vmem>>
    %dma_start3A_426 = tpu.memref_squeeze %dma_start3A_425 : memref<1x128xi32, #tpu.memory_space<vmem>> -> memref<128xi32, #tpu.memory_space<vmem>>
    %dma_start3A_427 = arith.constant 0 : i32
    %dma_start3A_428 = arith.constant 0 : i32
    %dma_start3A_429 = tpu.memref_slice %arg11[%dma_start3A_427, %dma_start3A_428] : memref<10112x16xf32, #tpu.memory_space<vmem_shared>> -> memref<10112x16xf32, #tpu.memory_space<vmem_shared>>
    tpu.enqueue_indirect_dma source(%arg39 : memref<128x16xf32, #tpu.memory_space<vmem>>) target(%dma_start3A_429 : memref<10112x16xf32, #tpu.memory_space<vmem_shared>>) offsets(%dma_start3A_426 : memref<128xi32, #tpu.memory_space<vmem>>) semaphore(%arg31 : memref<!tpu.dma_semaphore, #tpu.memory_space<semaphore_mem>>) {add = true}
    %get3A_430 = arith.constant 4 : i32
    %get3A_431 = arith.index_cast %get3A_430 : i32 to index
    %get3A_432 = arith.constant 0 : index
    %get3A_433 = tpu.vector_load %arg12[%get3A_431, %get3A_432] {strides = array<i32>} : memref<80x128xi32, #tpu.memory_space<vmem>>, vector<16xi32>,
    %and3A_434 = arith.andi %get3A_433, %broadcast_in_dim3A_1 : vector<16xi32>
    %swap3A_435 = arith.constant 4 : i32
    %swap3A_436 = arith.index_cast %swap3A_435 : i32 to index
    %swap3A_437 = arith.constant 0 : index
    %swap3A_438 = tpu.vector_load %arg13[%swap3A_436, %swap3A_437] {strides = array<i32>} : memref<8x128xi32, #tpu.memory_space<vmem>>, vector<16xi32>,
    tpu.vector_store %arg13[%swap3A_436, %swap3A_437], %and3A_434 {strides = array<i32>} : memref<8x128xi32, #tpu.memory_space<vmem>>, vector<16xi32>,
    %get3A_439 = arith.constant 4 : i32
    %get3A_440 = arith.index_cast %get3A_439 : i32 to index
    %get3A_441 = arith.constant 16 : index
    %get3A_442 = tpu.vector_load %arg12[%get3A_440, %get3A_441] {strides = array<i32>} : memref<80x128xi32, #tpu.memory_space<vmem>>, vector<16xi32>,
    %and3A_443 = arith.andi %get3A_442, %broadcast_in_dim3A_1 : vector<16xi32>
    %swap3A_444 = arith.constant 4 : i32
    %swap3A_445 = arith.index_cast %swap3A_444 : i32 to index
    %swap3A_446 = arith.constant 16 : index
    %swap3A_447 = tpu.vector_load %arg13[%swap3A_445, %swap3A_446] {strides = array<i32>} : memref<8x128xi32, #tpu.memory_space<vmem>>, vector<16xi32>,
    tpu.vector_store %arg13[%swap3A_445, %swap3A_446], %and3A_443 {strides = array<i32>} : memref<8x128xi32, #tpu.memory_space<vmem>>, vector<16xi32>,
    %get3A_448 = arith.constant 4 : i32
    %get3A_449 = arith.index_cast %get3A_448 : i32 to index
    %get3A_450 = arith.constant 32 : index
    %get3A_451 = tpu.vector_load %arg12[%get3A_449, %get3A_450] {strides = array<i32>} : memref<80x128xi32, #tpu.memory_space<vmem>>, vector<16xi32>,
    %and3A_452 = arith.andi %get3A_451, %broadcast_in_dim3A_1 : vector<16xi32>
    %swap3A_453 = arith.constant 4 : i32
    %swap3A_454 = arith.index_cast %swap3A_453 : i32 to index
    %swap3A_455 = arith.constant 32 : index
    %swap3A_456 = tpu.vector_load %arg13[%swap3A_454, %swap3A_455] {strides = array<i32>} : memref<8x128xi32, #tpu.memory_space<vmem>>, vector<16xi32>,
    tpu.vector_store %arg13[%swap3A_454, %swap3A_455], %and3A_452 {strides = array<i32>} : memref<8x128xi32, #tpu.memory_space<vmem>>, vector<16xi32>,
    %get3A_457 = arith.constant 4 : i32
    %get3A_458 = arith.index_cast %get3A_457 : i32 to index
    %get3A_459 = arith.constant 48 : index
    %get3A_460 = tpu.vector_load %arg12[%get3A_458, %get3A_459] {strides = array<i32>} : memref<80x128xi32, #tpu.memory_space<vmem>>, vector<16xi32>,
    %and3A_461 = arith.andi %get3A_460, %broadcast_in_dim3A_1 : vector<16xi32>
    %swap3A_462 = arith.constant 4 : i32
    %swap3A_463 = arith.index_cast %swap3A_462 : i32 to index
    %swap3A_464 = arith.constant 48 : index
    %swap3A_465 = tpu.vector_load %arg13[%swap3A_463, %swap3A_464] {strides = array<i32>} : memref<8x128xi32, #tpu.memory_space<vmem>>, vector<16xi32>,
    tpu.vector_store %arg13[%swap3A_463, %swap3A_464], %and3A_461 {strides = array<i32>} : memref<8x128xi32, #tpu.memory_space<vmem>>, vector<16xi32>,
    %get3A_466 = arith.constant 4 : i32
    %get3A_467 = arith.index_cast %get3A_466 : i32 to index
    %get3A_468 = arith.constant 64 : index
    %get3A_469 = tpu.vector_load %arg12[%get3A_467, %get3A_468] {strides = array<i32>} : memref<80x128xi32, #tpu.memory_space<vmem>>, vector<16xi32>,
    %and3A_470 = arith.andi %get3A_469, %broadcast_in_dim3A_1 : vector<16xi32>
    %swap3A_471 = arith.constant 4 : i32
    %swap3A_472 = arith.index_cast %swap3A_471 : i32 to index
    %swap3A_473 = arith.constant 64 : index
    %swap3A_474 = tpu.vector_load %arg13[%swap3A_472, %swap3A_473] {strides = array<i32>} : memref<8x128xi32, #tpu.memory_space<vmem>>, vector<16xi32>,
    tpu.vector_store %arg13[%swap3A_472, %swap3A_473], %and3A_470 {strides = array<i32>} : memref<8x128xi32, #tpu.memory_space<vmem>>, vector<16xi32>,
    %get3A_475 = arith.constant 4 : i32
    %get3A_476 = arith.index_cast %get3A_475 : i32 to index
    %get3A_477 = arith.constant 80 : index
    %get3A_478 = tpu.vector_load %arg12[%get3A_476, %get3A_477] {strides = array<i32>} : memref<80x128xi32, #tpu.memory_space<vmem>>, vector<16xi32>,
    %and3A_479 = arith.andi %get3A_478, %broadcast_in_dim3A_1 : vector<16xi32>
    %swap3A_480 = arith.constant 4 : i32
    %swap3A_481 = arith.index_cast %swap3A_480 : i32 to index
    %swap3A_482 = arith.constant 80 : index
    %swap3A_483 = tpu.vector_load %arg13[%swap3A_481, %swap3A_482] {strides = array<i32>} : memref<8x128xi32, #tpu.memory_space<vmem>>, vector<16xi32>,
    tpu.vector_store %arg13[%swap3A_481, %swap3A_482], %and3A_479 {strides = array<i32>} : memref<8x128xi32, #tpu.memory_space<vmem>>, vector<16xi32>,
    %get3A_484 = arith.constant 4 : i32
    %get3A_485 = arith.index_cast %get3A_484 : i32 to index
    %get3A_486 = arith.constant 96 : index
    %get3A_487 = tpu.vector_load %arg12[%get3A_485, %get3A_486] {strides = array<i32>} : memref<80x128xi32, #tpu.memory_space<vmem>>, vector<16xi32>,
    %and3A_488 = arith.andi %get3A_487, %broadcast_in_dim3A_1 : vector<16xi32>
    %swap3A_489 = arith.constant 4 : i32
    %swap3A_490 = arith.index_cast %swap3A_489 : i32 to index
    %swap3A_491 = arith.constant 96 : index
    %swap3A_492 = tpu.vector_load %arg13[%swap3A_490, %swap3A_491] {strides = array<i32>} : memref<8x128xi32, #tpu.memory_space<vmem>>, vector<16xi32>,
    tpu.vector_store %arg13[%swap3A_490, %swap3A_491], %and3A_488 {strides = array<i32>} : memref<8x128xi32, #tpu.memory_space<vmem>>, vector<16xi32>,
    %get3A_493 = arith.constant 4 : i32
    %get3A_494 = arith.index_cast %get3A_493 : i32 to index
    %get3A_495 = arith.constant 112 : index
    %get3A_496 = tpu.vector_load %arg12[%get3A_494, %get3A_495] {strides = array<i32>} : memref<80x128xi32, #tpu.memory_space<vmem>>, vector<16xi32>,
    %and3A_497 = arith.andi %get3A_496, %broadcast_in_dim3A_1 : vector<16xi32>
    %swap3A_498 = arith.constant 4 : i32
    %swap3A_499 = arith.index_cast %swap3A_498 : i32 to index
    %swap3A_500 = arith.constant 112 : index
    %swap3A_501 = tpu.vector_load %arg13[%swap3A_499, %swap3A_500] {strides = array<i32>} : memref<8x128xi32, #tpu.memory_space<vmem>>, vector<16xi32>,
    tpu.vector_store %arg13[%swap3A_499, %swap3A_500], %and3A_497 {strides = array<i32>} : memref<8x128xi32, #tpu.memory_space<vmem>>, vector<16xi32>,
    %eq3A_502 = arith.constant 0 : i32
    %eq3A_503 = arith.cmpi eq, %arg0, %eq3A_502 : i32
    %convert_element_type3A_504 = arith.extui %eq3A_503 : i1 to i32
    %cond3A_505 = arith.constant 0 : i32
    %cond3A_506 = arith.cmpi ne, %convert_element_type3A_504, %cond3A_505 : i32
    scf.if %cond3A_506 {
      %dma_start3A_1639 = arith.constant 4 : i32
      %dma_start3A_1640 = arith.constant 0 : i32
      %dma_start3A_1641 = tpu.memref_slice %arg13[%dma_start3A_1639, %dma_start3A_1640] : memref<8x128xi32, #tpu.memory_space<vmem>> -> memref<1x128xi32, #tpu.memory_space<vmem>>
      %dma_start3A_1642 = tpu.memref_squeeze %dma_start3A_1641 : memref<1x128xi32, #tpu.memory_space<vmem>> -> memref<128xi32, #tpu.memory_space<vmem>>
      %dma_start3A_1643 = arith.constant 0 : i32
      %dma_start3A_1644 = arith.constant 0 : i32
      %dma_start3A_1645 = tpu.memref_slice %arg2[%dma_start3A_1643, %dma_start3A_1644] : memref<10000x128xbf16, #tpu.memory_space<hbm>> -> memref<10000x128xbf16, #tpu.memory_space<hbm>>
      tpu.enqueue_indirect_dma source(%dma_start3A_1645 : memref<10000x128xbf16, #tpu.memory_space<hbm>>) target(%arg19 : memref<128x128xbf16, #tpu.memory_space<vmem>>) offsets(%dma_start3A_1642 : memref<128xi32, #tpu.memory_space<vmem>>) semaphore(%arg27 : memref<!tpu.dma_semaphore, #tpu.memory_space<semaphore_mem>>)
    } else {
    }
    %eq3A_507 = arith.constant 1 : i32
    %eq3A_508 = arith.cmpi eq, %arg0, %eq3A_507 : i32
    %convert_element_type3A_509 = arith.extui %eq3A_508 : i1 to i32
    %cond3A_510 = arith.constant 0 : i32
    %cond3A_511 = arith.cmpi ne, %convert_element_type3A_509, %cond3A_510 : i32
    scf.if %cond3A_511 {
      %dma_start3A_1639 = arith.constant 4 : i32
      %dma_start3A_1640 = arith.constant 0 : i32
      %dma_start3A_1641 = tpu.memref_slice %arg13[%dma_start3A_1639, %dma_start3A_1640] : memref<8x128xi32, #tpu.memory_space<vmem>> -> memref<1x128xi32, #tpu.memory_space<vmem>>
      %dma_start3A_1642 = tpu.memref_squeeze %dma_start3A_1641 : memref<1x128xi32, #tpu.memory_space<vmem>> -> memref<128xi32, #tpu.memory_space<vmem>>
      %dma_start3A_1643 = arith.constant 0 : i32
      %dma_start3A_1644 = arith.constant 0 : i32
      %dma_start3A_1645 = tpu.memref_slice %arg3[%dma_start3A_1643, %dma_start3A_1644] : memref<10000x128xbf16, #tpu.memory_space<hbm>> -> memref<10000x128xbf16, #tpu.memory_space<hbm>>
      tpu.enqueue_indirect_dma source(%dma_start3A_1645 : memref<10000x128xbf16, #tpu.memory_space<hbm>>) target(%arg19 : memref<128x128xbf16, #tpu.memory_space<vmem>>) offsets(%dma_start3A_1642 : memref<128xi32, #tpu.memory_space<vmem>>) semaphore(%arg27 : memref<!tpu.dma_semaphore, #tpu.memory_space<semaphore_mem>>)
    } else {
    }
    %dma_wait3A_512 = arith.constant 1 : i32
    %dma_wait3A_513 = arith.constant 0 : i32
    %dma_wait3A_514 = tpu.memref_slice %arg13[%dma_wait3A_512, %dma_wait3A_513] : memref<8x128xi32, #tpu.memory_space<vmem>> -> memref<1x128xi32, #tpu.memory_space<vmem>>
    %dma_wait3A_515 = tpu.memref_squeeze %dma_wait3A_514 : memref<1x128xi32, #tpu.memory_space<vmem>> -> memref<128xi32, #tpu.memory_space<vmem>>
    %dma_wait3A_516 = arith.constant 0 : i32
    %dma_wait3A_517 = arith.constant 0 : i32
    %dma_wait3A_518 = tpu.memref_slice %arg2[%dma_wait3A_516, %dma_wait3A_517] : memref<10000x128xbf16, #tpu.memory_space<hbm>> -> memref<10000x128xbf16, #tpu.memory_space<hbm>>
    tpu.wait_indirect_dma semaphore(%arg24 : memref<!tpu.dma_semaphore, #tpu.memory_space<semaphore_mem>>) src(%dma_wait3A_518 : memref<10000x128xbf16, #tpu.memory_space<hbm>>) dst(%arg16 : memref<128x128xbf16, #tpu.memory_space<vmem>>)
    %get3A_519 = arith.constant 1 : i32
    %get3A_520 = arith.index_cast %get3A_519 : i32 to index
    %get3A_521 = arith.constant 0 : index
    %get3A_522 = tpu.vector_load %arg12[%get3A_520, %get3A_521] {strides = array<i32>} : memref<80x128xi32, #tpu.memory_space<vmem>>, vector<16xi32>,
    %shift_right_logical3A_523 = arith.constant 16 : i32
    %shift_right_logical3A_524 = vector.broadcast %shift_right_logical3A_523 : i32 to vector<16xi32>
    %shift_right_logical3A_525 = arith.shrui %get3A_522, %shift_right_logical3A_524 : vector<16xi32>
    %swap3A_526 = arith.constant 1 : i32
    %swap3A_527 = arith.index_cast %swap3A_526 : i32 to index
    %swap3A_528 = arith.constant 0 : index
    %swap3A_529 = tpu.vector_load %arg14[%swap3A_527, %swap3A_528] {strides = array<i32>} : memref<8x128xi32, #tpu.memory_space<vmem>>, vector<16xi32>,
    tpu.vector_store %arg14[%swap3A_527, %swap3A_528], %shift_right_logical3A_525 {strides = array<i32>} : memref<8x128xi32, #tpu.memory_space<vmem>>, vector<16xi32>,
    %get3A_530 = arith.constant 1 : i32
    %get3A_531 = arith.index_cast %get3A_530 : i32 to index
    %get3A_532 = arith.constant 16 : index
    %get3A_533 = tpu.vector_load %arg12[%get3A_531, %get3A_532] {strides = array<i32>} : memref<80x128xi32, #tpu.memory_space<vmem>>, vector<16xi32>,
    %shift_right_logical3A_534 = arith.constant 16 : i32
    %shift_right_logical3A_535 = vector.broadcast %shift_right_logical3A_534 : i32 to vector<16xi32>
    %shift_right_logical3A_536 = arith.shrui %get3A_533, %shift_right_logical3A_535 : vector<16xi32>
    %swap3A_537 = arith.constant 1 : i32
    %swap3A_538 = arith.index_cast %swap3A_537 : i32 to index
    %swap3A_539 = arith.constant 16 : index
    %swap3A_540 = tpu.vector_load %arg14[%swap3A_538, %swap3A_539] {strides = array<i32>} : memref<8x128xi32, #tpu.memory_space<vmem>>, vector<16xi32>,
    tpu.vector_store %arg14[%swap3A_538, %swap3A_539], %shift_right_logical3A_536 {strides = array<i32>} : memref<8x128xi32, #tpu.memory_space<vmem>>, vector<16xi32>,
    %get3A_541 = arith.constant 1 : i32
    %get3A_542 = arith.index_cast %get3A_541 : i32 to index
    %get3A_543 = arith.constant 32 : index
    %get3A_544 = tpu.vector_load %arg12[%get3A_542, %get3A_543] {strides = array<i32>} : memref<80x128xi32, #tpu.memory_space<vmem>>, vector<16xi32>,
    %shift_right_logical3A_545 = arith.constant 16 : i32
    %shift_right_logical3A_546 = vector.broadcast %shift_right_logical3A_545 : i32 to vector<16xi32>
    %shift_right_logical3A_547 = arith.shrui %get3A_544, %shift_right_logical3A_546 : vector<16xi32>
    %swap3A_548 = arith.constant 1 : i32
    %swap3A_549 = arith.index_cast %swap3A_548 : i32 to index
    %swap3A_550 = arith.constant 32 : index
    %swap3A_551 = tpu.vector_load %arg14[%swap3A_549, %swap3A_550] {strides = array<i32>} : memref<8x128xi32, #tpu.memory_space<vmem>>, vector<16xi32>,
    tpu.vector_store %arg14[%swap3A_549, %swap3A_550], %shift_right_logical3A_547 {strides = array<i32>} : memref<8x128xi32, #tpu.memory_space<vmem>>, vector<16xi32>,
    %get3A_552 = arith.constant 1 : i32
    %get3A_553 = arith.index_cast %get3A_552 : i32 to index
    %get3A_554 = arith.constant 48 : index
    %get3A_555 = tpu.vector_load %arg12[%get3A_553, %get3A_554] {strides = array<i32>} : memref<80x128xi32, #tpu.memory_space<vmem>>, vector<16xi32>,
    %shift_right_logical3A_556 = arith.constant 16 : i32
    %shift_right_logical3A_557 = vector.broadcast %shift_right_logical3A_556 : i32 to vector<16xi32>
    %shift_right_logical3A_558 = arith.shrui %get3A_555, %shift_right_logical3A_557 : vector<16xi32>
    %swap3A_559 = arith.constant 1 : i32
    %swap3A_560 = arith.index_cast %swap3A_559 : i32 to index
    %swap3A_561 = arith.constant 48 : index
    %swap3A_562 = tpu.vector_load %arg14[%swap3A_560, %swap3A_561] {strides = array<i32>} : memref<8x128xi32, #tpu.memory_space<vmem>>, vector<16xi32>,
    tpu.vector_store %arg14[%swap3A_560, %swap3A_561], %shift_right_logical3A_558 {strides = array<i32>} : memref<8x128xi32, #tpu.memory_space<vmem>>, vector<16xi32>,
    %get3A_563 = arith.constant 1 : i32
    %get3A_564 = arith.index_cast %get3A_563 : i32 to index
    %get3A_565 = arith.constant 64 : index
    %get3A_566 = tpu.vector_load %arg12[%get3A_564, %get3A_565] {strides = array<i32>} : memref<80x128xi32, #tpu.memory_space<vmem>>, vector<16xi32>,
    %shift_right_logical3A_567 = arith.constant 16 : i32
    %shift_right_logical3A_568 = vector.broadcast %shift_right_logical3A_567 : i32 to vector<16xi32>
    %shift_right_logical3A_569 = arith.shrui %get3A_566, %shift_right_logical3A_568 : vector<16xi32>
    %swap3A_570 = arith.constant 1 : i32
    %swap3A_571 = arith.index_cast %swap3A_570 : i32 to index
    %swap3A_572 = arith.constant 64 : index
    %swap3A_573 = tpu.vector_load %arg14[%swap3A_571, %swap3A_572] {strides = array<i32>} : memref<8x128xi32, #tpu.memory_space<vmem>>, vector<16xi32>,
    tpu.vector_store %arg14[%swap3A_571, %swap3A_572], %shift_right_logical3A_569 {strides = array<i32>} : memref<8x128xi32, #tpu.memory_space<vmem>>, vector<16xi32>,
    %get3A_574 = arith.constant 1 : i32
    %get3A_575 = arith.index_cast %get3A_574 : i32 to index
    %get3A_576 = arith.constant 80 : index
    %get3A_577 = tpu.vector_load %arg12[%get3A_575, %get3A_576] {strides = array<i32>} : memref<80x128xi32, #tpu.memory_space<vmem>>, vector<16xi32>,
    %shift_right_logical3A_578 = arith.constant 16 : i32
    %shift_right_logical3A_579 = vector.broadcast %shift_right_logical3A_578 : i32 to vector<16xi32>
    %shift_right_logical3A_580 = arith.shrui %get3A_577, %shift_right_logical3A_579 : vector<16xi32>
    %swap3A_581 = arith.constant 1 : i32
    %swap3A_582 = arith.index_cast %swap3A_581 : i32 to index
    %swap3A_583 = arith.constant 80 : index
    %swap3A_584 = tpu.vector_load %arg14[%swap3A_582, %swap3A_583] {strides = array<i32>} : memref<8x128xi32, #tpu.memory_space<vmem>>, vector<16xi32>,
    tpu.vector_store %arg14[%swap3A_582, %swap3A_583], %shift_right_logical3A_580 {strides = array<i32>} : memref<8x128xi32, #tpu.memory_space<vmem>>, vector<16xi32>,
    %get3A_585 = arith.constant 1 : i32
    %get3A_586 = arith.index_cast %get3A_585 : i32 to index
    %get3A_587 = arith.constant 96 : index
    %get3A_588 = tpu.vector_load %arg12[%get3A_586, %get3A_587] {strides = array<i32>} : memref<80x128xi32, #tpu.memory_space<vmem>>, vector<16xi32>,
    %shift_right_logical3A_589 = arith.constant 16 : i32
    %shift_right_logical3A_590 = vector.broadcast %shift_right_logical3A_589 : i32 to vector<16xi32>
    %shift_right_logical3A_591 = arith.shrui %get3A_588, %shift_right_logical3A_590 : vector<16xi32>
    %swap3A_592 = arith.constant 1 : i32
    %swap3A_593 = arith.index_cast %swap3A_592 : i32 to index
    %swap3A_594 = arith.constant 96 : index
    %swap3A_595 = tpu.vector_load %arg14[%swap3A_593, %swap3A_594] {strides = array<i32>} : memref<8x128xi32, #tpu.memory_space<vmem>>, vector<16xi32>,
    tpu.vector_store %arg14[%swap3A_593, %swap3A_594], %shift_right_logical3A_591 {strides = array<i32>} : memref<8x128xi32, #tpu.memory_space<vmem>>, vector<16xi32>,
    %get3A_596 = arith.constant 1 : i32
    %get3A_597 = arith.index_cast %get3A_596 : i32 to index
    %get3A_598 = arith.constant 112 : index
    %get3A_599 = tpu.vector_load %arg12[%get3A_597, %get3A_598] {strides = array<i32>} : memref<80x128xi32, #tpu.memory_space<vmem>>, vector<16xi32>,
    %shift_right_logical3A_600 = arith.constant 16 : i32
    %shift_right_logical3A_601 = vector.broadcast %shift_right_logical3A_600 : i32 to vector<16xi32>
    %shift_right_logical3A_602 = arith.shrui %get3A_599, %shift_right_logical3A_601 : vector<16xi32>
    %swap3A_603 = arith.constant 1 : i32
    %swap3A_604 = arith.index_cast %swap3A_603 : i32 to index
    %swap3A_605 = arith.constant 112 : index
    %swap3A_606 = tpu.vector_load %arg14[%swap3A_604, %swap3A_605] {strides = array<i32>} : memref<8x128xi32, #tpu.memory_space<vmem>>, vector<16xi32>,
    tpu.vector_store %arg14[%swap3A_604, %swap3A_605], %shift_right_logical3A_602 {strides = array<i32>} : memref<8x128xi32, #tpu.memory_space<vmem>>, vector<16xi32>,
    %dma_start3A_607 = arith.constant 1 : i32
    %dma_start3A_608 = arith.constant 0 : i32
    %dma_start3A_609 = tpu.memref_slice %arg14[%dma_start3A_607, %dma_start3A_608] : memref<8x128xi32, #tpu.memory_space<vmem>> -> memref<1x128xi32, #tpu.memory_space<vmem>>
    %dma_start3A_610 = tpu.memref_squeeze %dma_start3A_609 : memref<1x128xi32, #tpu.memory_space<vmem>> -> memref<128xi32, #tpu.memory_space<vmem>>
    %dma_start3A_611 = arith.constant 0 : i32
    %dma_start3A_612 = arith.constant 0 : i32
    %dma_start3A_613 = tpu.memref_slice %arg10[%dma_start3A_611, %dma_start3A_612] : memref<10112x128xbf16, #tpu.memory_space<vmem_shared>> -> memref<10112x128xbf16, #tpu.memory_space<vmem_shared>>
    tpu.enqueue_indirect_dma source(%arg16 : memref<128x128xbf16, #tpu.memory_space<vmem>>) target(%dma_start3A_613 : memref<10112x128xbf16, #tpu.memory_space<vmem_shared>>) offsets(%dma_start3A_610 : memref<128xi32, #tpu.memory_space<vmem>>) semaphore(%arg32 : memref<!tpu.dma_semaphore, #tpu.memory_space<semaphore_mem>>) {add = true}
    %dma_start3A_614 = arith.constant 1 : i32
    %dma_start3A_615 = arith.constant 0 : i32
    %dma_start3A_616 = tpu.memref_slice %arg14[%dma_start3A_614, %dma_start3A_615] : memref<8x128xi32, #tpu.memory_space<vmem>> -> memref<1x128xi32, #tpu.memory_space<vmem>>
    %dma_start3A_617 = tpu.memref_squeeze %dma_start3A_616 : memref<1x128xi32, #tpu.memory_space<vmem>> -> memref<128xi32, #tpu.memory_space<vmem>>
    %dma_start3A_618 = arith.constant 0 : i32
    %dma_start3A_619 = arith.constant 0 : i32
    %dma_start3A_620 = tpu.memref_slice %arg11[%dma_start3A_618, %dma_start3A_619] : memref<10112x16xf32, #tpu.memory_space<vmem_shared>> -> memref<10112x16xf32, #tpu.memory_space<vmem_shared>>
    tpu.enqueue_indirect_dma source(%arg39 : memref<128x16xf32, #tpu.memory_space<vmem>>) target(%dma_start3A_620 : memref<10112x16xf32, #tpu.memory_space<vmem_shared>>) offsets(%dma_start3A_617 : memref<128xi32, #tpu.memory_space<vmem>>) semaphore(%arg32 : memref<!tpu.dma_semaphore, #tpu.memory_space<semaphore_mem>>) {add = true}
    %get3A_621 = arith.constant 5 : i32
    %get3A_622 = arith.index_cast %get3A_621 : i32 to index
    %get3A_623 = arith.constant 0 : index
    %get3A_624 = tpu.vector_load %arg12[%get3A_622, %get3A_623] {strides = array<i32>} : memref<80x128xi32, #tpu.memory_space<vmem>>, vector<16xi32>,
    %and3A_625 = arith.andi %get3A_624, %broadcast_in_dim3A_1 : vector<16xi32>
    %swap3A_626 = arith.constant 5 : i32
    %swap3A_627 = arith.index_cast %swap3A_626 : i32 to index
    %swap3A_628 = arith.constant 0 : index
    %swap3A_629 = tpu.vector_load %arg13[%swap3A_627, %swap3A_628] {strides = array<i32>} : memref<8x128xi32, #tpu.memory_space<vmem>>, vector<16xi32>,
    tpu.vector_store %arg13[%swap3A_627, %swap3A_628], %and3A_625 {strides = array<i32>} : memref<8x128xi32, #tpu.memory_space<vmem>>, vector<16xi32>,
    %get3A_630 = arith.constant 5 : i32
    %get3A_631 = arith.index_cast %get3A_630 : i32 to index
    %get3A_632 = arith.constant 16 : index
    %get3A_633 = tpu.vector_load %arg12[%get3A_631, %get3A_632] {strides = array<i32>} : memref<80x128xi32, #tpu.memory_space<vmem>>, vector<16xi32>,
    %and3A_634 = arith.andi %get3A_633, %broadcast_in_dim3A_1 : vector<16xi32>
    %swap3A_635 = arith.constant 5 : i32
    %swap3A_636 = arith.index_cast %swap3A_635 : i32 to index
    %swap3A_637 = arith.constant 16 : index
    %swap3A_638 = tpu.vector_load %arg13[%swap3A_636, %swap3A_637] {strides = array<i32>} : memref<8x128xi32, #tpu.memory_space<vmem>>, vector<16xi32>,
    tpu.vector_store %arg13[%swap3A_636, %swap3A_637], %and3A_634 {strides = array<i32>} : memref<8x128xi32, #tpu.memory_space<vmem>>, vector<16xi32>,
    %get3A_639 = arith.constant 5 : i32
    %get3A_640 = arith.index_cast %get3A_639 : i32 to index
    %get3A_641 = arith.constant 32 : index
    %get3A_642 = tpu.vector_load %arg12[%get3A_640, %get3A_641] {strides = array<i32>} : memref<80x128xi32, #tpu.memory_space<vmem>>, vector<16xi32>,
    %and3A_643 = arith.andi %get3A_642, %broadcast_in_dim3A_1 : vector<16xi32>
    %swap3A_644 = arith.constant 5 : i32
    %swap3A_645 = arith.index_cast %swap3A_644 : i32 to index
    %swap3A_646 = arith.constant 32 : index
    %swap3A_647 = tpu.vector_load %arg13[%swap3A_645, %swap3A_646] {strides = array<i32>} : memref<8x128xi32, #tpu.memory_space<vmem>>, vector<16xi32>,
    tpu.vector_store %arg13[%swap3A_645, %swap3A_646], %and3A_643 {strides = array<i32>} : memref<8x128xi32, #tpu.memory_space<vmem>>, vector<16xi32>,
    %get3A_648 = arith.constant 5 : i32
    %get3A_649 = arith.index_cast %get3A_648 : i32 to index
    %get3A_650 = arith.constant 48 : index
    %get3A_651 = tpu.vector_load %arg12[%get3A_649, %get3A_650] {strides = array<i32>} : memref<80x128xi32, #tpu.memory_space<vmem>>, vector<16xi32>,
    %and3A_652 = arith.andi %get3A_651, %broadcast_in_dim3A_1 : vector<16xi32>
    %swap3A_653 = arith.constant 5 : i32
    %swap3A_654 = arith.index_cast %swap3A_653 : i32 to index
    %swap3A_655 = arith.constant 48 : index
    %swap3A_656 = tpu.vector_load %arg13[%swap3A_654, %swap3A_655] {strides = array<i32>} : memref<8x128xi32, #tpu.memory_space<vmem>>, vector<16xi32>,
    tpu.vector_store %arg13[%swap3A_654, %swap3A_655], %and3A_652 {strides = array<i32>} : memref<8x128xi32, #tpu.memory_space<vmem>>, vector<16xi32>,
    %get3A_657 = arith.constant 5 : i32
    %get3A_658 = arith.index_cast %get3A_657 : i32 to index
    %get3A_659 = arith.constant 64 : index
    %get3A_660 = tpu.vector_load %arg12[%get3A_658, %get3A_659] {strides = array<i32>} : memref<80x128xi32, #tpu.memory_space<vmem>>, vector<16xi32>,
    %and3A_661 = arith.andi %get3A_660, %broadcast_in_dim3A_1 : vector<16xi32>
    %swap3A_662 = arith.constant 5 : i32
    %swap3A_663 = arith.index_cast %swap3A_662 : i32 to index
    %swap3A_664 = arith.constant 64 : index
    %swap3A_665 = tpu.vector_load %arg13[%swap3A_663, %swap3A_664] {strides = array<i32>} : memref<8x128xi32, #tpu.memory_space<vmem>>, vector<16xi32>,
    tpu.vector_store %arg13[%swap3A_663, %swap3A_664], %and3A_661 {strides = array<i32>} : memref<8x128xi32, #tpu.memory_space<vmem>>, vector<16xi32>,
    %get3A_666 = arith.constant 5 : i32
    %get3A_667 = arith.index_cast %get3A_666 : i32 to index
    %get3A_668 = arith.constant 80 : index
    %get3A_669 = tpu.vector_load %arg12[%get3A_667, %get3A_668] {strides = array<i32>} : memref<80x128xi32, #tpu.memory_space<vmem>>, vector<16xi32>,
    %and3A_670 = arith.andi %get3A_669, %broadcast_in_dim3A_1 : vector<16xi32>
    %swap3A_671 = arith.constant 5 : i32
    %swap3A_672 = arith.index_cast %swap3A_671 : i32 to index
    %swap3A_673 = arith.constant 80 : index
    %swap3A_674 = tpu.vector_load %arg13[%swap3A_672, %swap3A_673] {strides = array<i32>} : memref<8x128xi32, #tpu.memory_space<vmem>>, vector<16xi32>,
    tpu.vector_store %arg13[%swap3A_672, %swap3A_673], %and3A_670 {strides = array<i32>} : memref<8x128xi32, #tpu.memory_space<vmem>>, vector<16xi32>,
    %get3A_675 = arith.constant 5 : i32
    %get3A_676 = arith.index_cast %get3A_675 : i32 to index
    %get3A_677 = arith.constant 96 : index
    %get3A_678 = tpu.vector_load %arg12[%get3A_676, %get3A_677] {strides = array<i32>} : memref<80x128xi32, #tpu.memory_space<vmem>>, vector<16xi32>,
    %and3A_679 = arith.andi %get3A_678, %broadcast_in_dim3A_1 : vector<16xi32>
    %swap3A_680 = arith.constant 5 : i32
    %swap3A_681 = arith.index_cast %swap3A_680 : i32 to index
    %swap3A_682 = arith.constant 96 : index
    %swap3A_683 = tpu.vector_load %arg13[%swap3A_681, %swap3A_682] {strides = array<i32>} : memref<8x128xi32, #tpu.memory_space<vmem>>, vector<16xi32>,
    tpu.vector_store %arg13[%swap3A_681, %swap3A_682], %and3A_679 {strides = array<i32>} : memref<8x128xi32, #tpu.memory_space<vmem>>, vector<16xi32>,
    %get3A_684 = arith.constant 5 : i32
    %get3A_685 = arith.index_cast %get3A_684 : i32 to index
    %get3A_686 = arith.constant 112 : index
    %get3A_687 = tpu.vector_load %arg12[%get3A_685, %get3A_686] {strides = array<i32>} : memref<80x128xi32, #tpu.memory_space<vmem>>, vector<16xi32>,
    %and3A_688 = arith.andi %get3A_687, %broadcast_in_dim3A_1 : vector<16xi32>
    %swap3A_689 = arith.constant 5 : i32
    %swap3A_690 = arith.index_cast %swap3A_689 : i32 to index
    %swap3A_691 = arith.constant 112 : index
    %swap3A_692 = tpu.vector_load %arg13[%swap3A_690, %swap3A_691] {strides = array<i32>} : memref<8x128xi32, #tpu.memory_space<vmem>>, vector<16xi32>,
    tpu.vector_store %arg13[%swap3A_690, %swap3A_691], %and3A_688 {strides = array<i32>} : memref<8x128xi32, #tpu.memory_space<vmem>>, vector<16xi32>,
    %eq3A_693 = arith.constant 0 : i32
    %eq3A_694 = arith.cmpi eq, %arg0, %eq3A_693 : i32
    %convert_element_type3A_695 = arith.extui %eq3A_694 : i1 to i32
    %cond3A_696 = arith.constant 0 : i32
    %cond3A_697 = arith.cmpi ne, %convert_element_type3A_695, %cond3A_696 : i32
    scf.if %cond3A_697 {
      %dma_start3A_1639 = arith.constant 5 : i32
      %dma_start3A_1640 = arith.constant 0 : i32
      %dma_start3A_1641 = tpu.memref_slice %arg13[%dma_start3A_1639, %dma_start3A_1640] : memref<8x128xi32, #tpu.memory_space<vmem>> -> memref<1x128xi32, #tpu.memory_space<vmem>>
      %dma_start3A_1642 = tpu.memref_squeeze %dma_start3A_1641 : memref<1x128xi32, #tpu.memory_space<vmem>> -> memref<128xi32, #tpu.memory_space<vmem>>
      %dma_start3A_1643 = arith.constant 0 : i32
      %dma_start3A_1644 = arith.constant 0 : i32
      %dma_start3A_1645 = tpu.memref_slice %arg2[%dma_start3A_1643, %dma_start3A_1644] : memref<10000x128xbf16, #tpu.memory_space<hbm>> -> memref<10000x128xbf16, #tpu.memory_space<hbm>>
      tpu.enqueue_indirect_dma source(%dma_start3A_1645 : memref<10000x128xbf16, #tpu.memory_space<hbm>>) target(%arg20 : memref<128x128xbf16, #tpu.memory_space<vmem>>) offsets(%dma_start3A_1642 : memref<128xi32, #tpu.memory_space<vmem>>) semaphore(%arg28 : memref<!tpu.dma_semaphore, #tpu.memory_space<semaphore_mem>>)
    } else {
    }
    %eq3A_698 = arith.constant 1 : i32
    %eq3A_699 = arith.cmpi eq, %arg0, %eq3A_698 : i32
    %convert_element_type3A_700 = arith.extui %eq3A_699 : i1 to i32
    %cond3A_701 = arith.constant 0 : i32
    %cond3A_702 = arith.cmpi ne, %convert_element_type3A_700, %cond3A_701 : i32
    scf.if %cond3A_702 {
      %dma_start3A_1639 = arith.constant 5 : i32
      %dma_start3A_1640 = arith.constant 0 : i32
      %dma_start3A_1641 = tpu.memref_slice %arg13[%dma_start3A_1639, %dma_start3A_1640] : memref<8x128xi32, #tpu.memory_space<vmem>> -> memref<1x128xi32, #tpu.memory_space<vmem>>
      %dma_start3A_1642 = tpu.memref_squeeze %dma_start3A_1641 : memref<1x128xi32, #tpu.memory_space<vmem>> -> memref<128xi32, #tpu.memory_space<vmem>>
      %dma_start3A_1643 = arith.constant 0 : i32
      %dma_start3A_1644 = arith.constant 0 : i32
      %dma_start3A_1645 = tpu.memref_slice %arg3[%dma_start3A_1643, %dma_start3A_1644] : memref<10000x128xbf16, #tpu.memory_space<hbm>> -> memref<10000x128xbf16, #tpu.memory_space<hbm>>
      tpu.enqueue_indirect_dma source(%dma_start3A_1645 : memref<10000x128xbf16, #tpu.memory_space<hbm>>) target(%arg20 : memref<128x128xbf16, #tpu.memory_space<vmem>>) offsets(%dma_start3A_1642 : memref<128xi32, #tpu.memory_space<vmem>>) semaphore(%arg28 : memref<!tpu.dma_semaphore, #tpu.memory_space<semaphore_mem>>)
    } else {
    }
    %dma_wait3A_703 = arith.constant 2 : i32
    %dma_wait3A_704 = arith.constant 0 : i32
    %dma_wait3A_705 = tpu.memref_slice %arg13[%dma_wait3A_703, %dma_wait3A_704] : memref<8x128xi32, #tpu.memory_space<vmem>> -> memref<1x128xi32, #tpu.memory_space<vmem>>
    %dma_wait3A_706 = tpu.memref_squeeze %dma_wait3A_705 : memref<1x128xi32, #tpu.memory_space<vmem>> -> memref<128xi32, #tpu.memory_space<vmem>>
    %dma_wait3A_707 = arith.constant 0 : i32
    %dma_wait3A_708 = arith.constant 0 : i32
    %dma_wait3A_709 = tpu.memref_slice %arg2[%dma_wait3A_707, %dma_wait3A_708] : memref<10000x128xbf16, #tpu.memory_space<hbm>> -> memref<10000x128xbf16, #tpu.memory_space<hbm>>
    tpu.wait_indirect_dma semaphore(%arg25 : memref<!tpu.dma_semaphore, #tpu.memory_space<semaphore_mem>>) src(%dma_wait3A_709 : memref<10000x128xbf16, #tpu.memory_space<hbm>>) dst(%arg17 : memref<128x128xbf16, #tpu.memory_space<vmem>>)
    %get3A_710 = arith.constant 2 : i32
    %get3A_711 = arith.index_cast %get3A_710 : i32 to index
    %get3A_712 = arith.constant 0 : index
    %get3A_713 = tpu.vector_load %arg12[%get3A_711, %get3A_712] {strides = array<i32>} : memref<80x128xi32, #tpu.memory_space<vmem>>, vector<16xi32>,
    %shift_right_logical3A_714 = arith.constant 16 : i32
    %shift_right_logical3A_715 = vector.broadcast %shift_right_logical3A_714 : i32 to vector<16xi32>
    %shift_right_logical3A_716 = arith.shrui %get3A_713, %shift_right_logical3A_715 : vector<16xi32>
    %swap3A_717 = arith.constant 2 : i32
    %swap3A_718 = arith.index_cast %swap3A_717 : i32 to index
    %swap3A_719 = arith.constant 0 : index
    %swap3A_720 = tpu.vector_load %arg14[%swap3A_718, %swap3A_719] {strides = array<i32>} : memref<8x128xi32, #tpu.memory_space<vmem>>, vector<16xi32>,
    tpu.vector_store %arg14[%swap3A_718, %swap3A_719], %shift_right_logical3A_716 {strides = array<i32>} : memref<8x128xi32, #tpu.memory_space<vmem>>, vector<16xi32>,
    %get3A_721 = arith.constant 2 : i32
    %get3A_722 = arith.index_cast %get3A_721 : i32 to index
    %get3A_723 = arith.constant 16 : index
    %get3A_724 = tpu.vector_load %arg12[%get3A_722, %get3A_723] {strides = array<i32>} : memref<80x128xi32, #tpu.memory_space<vmem>>, vector<16xi32>,
    %shift_right_logical3A_725 = arith.constant 16 : i32
    %shift_right_logical3A_726 = vector.broadcast %shift_right_logical3A_725 : i32 to vector<16xi32>
    %shift_right_logical3A_727 = arith.shrui %get3A_724, %shift_right_logical3A_726 : vector<16xi32>
    %swap3A_728 = arith.constant 2 : i32
    %swap3A_729 = arith.index_cast %swap3A_728 : i32 to index
    %swap3A_730 = arith.constant 16 : index
    %swap3A_731 = tpu.vector_load %arg14[%swap3A_729, %swap3A_730] {strides = array<i32>} : memref<8x128xi32, #tpu.memory_space<vmem>>, vector<16xi32>,
    tpu.vector_store %arg14[%swap3A_729, %swap3A_730], %shift_right_logical3A_727 {strides = array<i32>} : memref<8x128xi32, #tpu.memory_space<vmem>>, vector<16xi32>,
    %get3A_732 = arith.constant 2 : i32
    %get3A_733 = arith.index_cast %get3A_732 : i32 to index
    %get3A_734 = arith.constant 32 : index
    %get3A_735 = tpu.vector_load %arg12[%get3A_733, %get3A_734] {strides = array<i32>} : memref<80x128xi32, #tpu.memory_space<vmem>>, vector<16xi32>,
    %shift_right_logical3A_736 = arith.constant 16 : i32
    %shift_right_logical3A_737 = vector.broadcast %shift_right_logical3A_736 : i32 to vector<16xi32>
    %shift_right_logical3A_738 = arith.shrui %get3A_735, %shift_right_logical3A_737 : vector<16xi32>
    %swap3A_739 = arith.constant 2 : i32
    %swap3A_740 = arith.index_cast %swap3A_739 : i32 to index
    %swap3A_741 = arith.constant 32 : index
    %swap3A_742 = tpu.vector_load %arg14[%swap3A_740, %swap3A_741] {strides = array<i32>} : memref<8x128xi32, #tpu.memory_space<vmem>>, vector<16xi32>,
    tpu.vector_store %arg14[%swap3A_740, %swap3A_741], %shift_right_logical3A_738 {strides = array<i32>} : memref<8x128xi32, #tpu.memory_space<vmem>>, vector<16xi32>,
    %get3A_743 = arith.constant 2 : i32
    %get3A_744 = arith.index_cast %get3A_743 : i32 to index
    %get3A_745 = arith.constant 48 : index
    %get3A_746 = tpu.vector_load %arg12[%get3A_744, %get3A_745] {strides = array<i32>} : memref<80x128xi32, #tpu.memory_space<vmem>>, vector<16xi32>,
    %shift_right_logical3A_747 = arith.constant 16 : i32
    %shift_right_logical3A_748 = vector.broadcast %shift_right_logical3A_747 : i32 to vector<16xi32>
    %shift_right_logical3A_749 = arith.shrui %get3A_746, %shift_right_logical3A_748 : vector<16xi32>
    %swap3A_750 = arith.constant 2 : i32
    %swap3A_751 = arith.index_cast %swap3A_750 : i32 to index
    %swap3A_752 = arith.constant 48 : index
    %swap3A_753 = tpu.vector_load %arg14[%swap3A_751, %swap3A_752] {strides = array<i32>} : memref<8x128xi32, #tpu.memory_space<vmem>>, vector<16xi32>,
    tpu.vector_store %arg14[%swap3A_751, %swap3A_752], %shift_right_logical3A_749 {strides = array<i32>} : memref<8x128xi32, #tpu.memory_space<vmem>>, vector<16xi32>,
    %get3A_754 = arith.constant 2 : i32
    %get3A_755 = arith.index_cast %get3A_754 : i32 to index
    %get3A_756 = arith.constant 64 : index
    %get3A_757 = tpu.vector_load %arg12[%get3A_755, %get3A_756] {strides = array<i32>} : memref<80x128xi32, #tpu.memory_space<vmem>>, vector<16xi32>,
    %shift_right_logical3A_758 = arith.constant 16 : i32
    %shift_right_logical3A_759 = vector.broadcast %shift_right_logical3A_758 : i32 to vector<16xi32>
    %shift_right_logical3A_760 = arith.shrui %get3A_757, %shift_right_logical3A_759 : vector<16xi32>
    %swap3A_761 = arith.constant 2 : i32
    %swap3A_762 = arith.index_cast %swap3A_761 : i32 to index
    %swap3A_763 = arith.constant 64 : index
    %swap3A_764 = tpu.vector_load %arg14[%swap3A_762, %swap3A_763] {strides = array<i32>} : memref<8x128xi32, #tpu.memory_space<vmem>>, vector<16xi32>,
    tpu.vector_store %arg14[%swap3A_762, %swap3A_763], %shift_right_logical3A_760 {strides = array<i32>} : memref<8x128xi32, #tpu.memory_space<vmem>>, vector<16xi32>,
    %get3A_765 = arith.constant 2 : i32
    %get3A_766 = arith.index_cast %get3A_765 : i32 to index
    %get3A_767 = arith.constant 80 : index
    %get3A_768 = tpu.vector_load %arg12[%get3A_766, %get3A_767] {strides = array<i32>} : memref<80x128xi32, #tpu.memory_space<vmem>>, vector<16xi32>,
    %shift_right_logical3A_769 = arith.constant 16 : i32
    %shift_right_logical3A_770 = vector.broadcast %shift_right_logical3A_769 : i32 to vector<16xi32>
    %shift_right_logical3A_771 = arith.shrui %get3A_768, %shift_right_logical3A_770 : vector<16xi32>
    %swap3A_772 = arith.constant 2 : i32
    %swap3A_773 = arith.index_cast %swap3A_772 : i32 to index
    %swap3A_774 = arith.constant 80 : index
    %swap3A_775 = tpu.vector_load %arg14[%swap3A_773, %swap3A_774] {strides = array<i32>} : memref<8x128xi32, #tpu.memory_space<vmem>>, vector<16xi32>,
    tpu.vector_store %arg14[%swap3A_773, %swap3A_774], %shift_right_logical3A_771 {strides = array<i32>} : memref<8x128xi32, #tpu.memory_space<vmem>>, vector<16xi32>,
    %get3A_776 = arith.constant 2 : i32
    %get3A_777 = arith.index_cast %get3A_776 : i32 to index
    %get3A_778 = arith.constant 96 : index
    %get3A_779 = tpu.vector_load %arg12[%get3A_777, %get3A_778] {strides = array<i32>} : memref<80x128xi32, #tpu.memory_space<vmem>>, vector<16xi32>,
    %shift_right_logical3A_780 = arith.constant 16 : i32
    %shift_right_logical3A_781 = vector.broadcast %shift_right_logical3A_780 : i32 to vector<16xi32>
    %shift_right_logical3A_782 = arith.shrui %get3A_779, %shift_right_logical3A_781 : vector<16xi32>
    %swap3A_783 = arith.constant 2 : i32
    %swap3A_784 = arith.index_cast %swap3A_783 : i32 to index
    %swap3A_785 = arith.constant 96 : index
    %swap3A_786 = tpu.vector_load %arg14[%swap3A_784, %swap3A_785] {strides = array<i32>} : memref<8x128xi32, #tpu.memory_space<vmem>>, vector<16xi32>,
    tpu.vector_store %arg14[%swap3A_784, %swap3A_785], %shift_right_logical3A_782 {strides = array<i32>} : memref<8x128xi32, #tpu.memory_space<vmem>>, vector<16xi32>,
    %get3A_787 = arith.constant 2 : i32
    %get3A_788 = arith.index_cast %get3A_787 : i32 to index
    %get3A_789 = arith.constant 112 : index
    %get3A_790 = tpu.vector_load %arg12[%get3A_788, %get3A_789] {strides = array<i32>} : memref<80x128xi32, #tpu.memory_space<vmem>>, vector<16xi32>,
    %shift_right_logical3A_791 = arith.constant 16 : i32
    %shift_right_logical3A_792 = vector.broadcast %shift_right_logical3A_791 : i32 to vector<16xi32>
    %shift_right_logical3A_793 = arith.shrui %get3A_790, %shift_right_logical3A_792 : vector<16xi32>
    %swap3A_794 = arith.constant 2 : i32
    %swap3A_795 = arith.index_cast %swap3A_794 : i32 to index
    %swap3A_796 = arith.constant 112 : index
    %swap3A_797 = tpu.vector_load %arg14[%swap3A_795, %swap3A_796] {strides = array<i32>} : memref<8x128xi32, #tpu.memory_space<vmem>>, vector<16xi32>,
    tpu.vector_store %arg14[%swap3A_795, %swap3A_796], %shift_right_logical3A_793 {strides = array<i32>} : memref<8x128xi32, #tpu.memory_space<vmem>>, vector<16xi32>,
    %dma_start3A_798 = arith.constant 2 : i32
    %dma_start3A_799 = arith.constant 0 : i32
    %dma_start3A_800 = tpu.memref_slice %arg14[%dma_start3A_798, %dma_start3A_799] : memref<8x128xi32, #tpu.memory_space<vmem>> -> memref<1x128xi32, #tpu.memory_space<vmem>>
    %dma_start3A_801 = tpu.memref_squeeze %dma_start3A_800 : memref<1x128xi32, #tpu.memory_space<vmem>> -> memref<128xi32, #tpu.memory_space<vmem>>
    %dma_start3A_802 = arith.constant 0 : i32
    %dma_start3A_803 = arith.constant 0 : i32
    %dma_start3A_804 = tpu.memref_slice %arg10[%dma_start3A_802, %dma_start3A_803] : memref<10112x128xbf16, #tpu.memory_space<vmem_shared>> -> memref<10112x128xbf16, #tpu.memory_space<vmem_shared>>
    tpu.enqueue_indirect_dma source(%arg17 : memref<128x128xbf16, #tpu.memory_space<vmem>>) target(%dma_start3A_804 : memref<10112x128xbf16, #tpu.memory_space<vmem_shared>>) offsets(%dma_start3A_801 : memref<128xi32, #tpu.memory_space<vmem>>) semaphore(%arg33 : memref<!tpu.dma_semaphore, #tpu.memory_space<semaphore_mem>>) {add = true}
    %dma_start3A_805 = arith.constant 2 : i32
    %dma_start3A_806 = arith.constant 0 : i32
    %dma_start3A_807 = tpu.memref_slice %arg14[%dma_start3A_805, %dma_start3A_806] : memref<8x128xi32, #tpu.memory_space<vmem>> -> memref<1x128xi32, #tpu.memory_space<vmem>>
    %dma_start3A_808 = tpu.memref_squeeze %dma_start3A_807 : memref<1x128xi32, #tpu.memory_space<vmem>> -> memref<128xi32, #tpu.memory_space<vmem>>
    %dma_start3A_809 = arith.constant 0 : i32
    %dma_start3A_810 = arith.constant 0 : i32
    %dma_start3A_811 = tpu.memref_slice %arg11[%dma_start3A_809, %dma_start3A_810] : memref<10112x16xf32, #tpu.memory_space<vmem_shared>> -> memref<10112x16xf32, #tpu.memory_space<vmem_shared>>
    tpu.enqueue_indirect_dma source(%arg39 : memref<128x16xf32, #tpu.memory_space<vmem>>) target(%dma_start3A_811 : memref<10112x16xf32, #tpu.memory_space<vmem_shared>>) offsets(%dma_start3A_808 : memref<128xi32, #tpu.memory_space<vmem>>) semaphore(%arg33 : memref<!tpu.dma_semaphore, #tpu.memory_space<semaphore_mem>>) {add = true}
    %get3A_812 = arith.constant 6 : i32
    %get3A_813 = arith.index_cast %get3A_812 : i32 to index
    %get3A_814 = arith.constant 0 : index
    %get3A_815 = tpu.vector_load %arg12[%get3A_813, %get3A_814] {strides = array<i32>} : memref<80x128xi32, #tpu.memory_space<vmem>>, vector<16xi32>,
    %and3A_816 = arith.andi %get3A_815, %broadcast_in_dim3A_1 : vector<16xi32>
    %swap3A_817 = arith.constant 6 : i32
    %swap3A_818 = arith.index_cast %swap3A_817 : i32 to index
    %swap3A_819 = arith.constant 0 : index
    %swap3A_820 = tpu.vector_load %arg13[%swap3A_818, %swap3A_819] {strides = array<i32>} : memref<8x128xi32, #tpu.memory_space<vmem>>, vector<16xi32>,
    tpu.vector_store %arg13[%swap3A_818, %swap3A_819], %and3A_816 {strides = array<i32>} : memref<8x128xi32, #tpu.memory_space<vmem>>, vector<16xi32>,
    %get3A_821 = arith.constant 6 : i32
    %get3A_822 = arith.index_cast %get3A_821 : i32 to index
    %get3A_823 = arith.constant 16 : index
    %get3A_824 = tpu.vector_load %arg12[%get3A_822, %get3A_823] {strides = array<i32>} : memref<80x128xi32, #tpu.memory_space<vmem>>, vector<16xi32>,
    %and3A_825 = arith.andi %get3A_824, %broadcast_in_dim3A_1 : vector<16xi32>
    %swap3A_826 = arith.constant 6 : i32
    %swap3A_827 = arith.index_cast %swap3A_826 : i32 to index
    %swap3A_828 = arith.constant 16 : index
    %swap3A_829 = tpu.vector_load %arg13[%swap3A_827, %swap3A_828] {strides = array<i32>} : memref<8x128xi32, #tpu.memory_space<vmem>>, vector<16xi32>,
    tpu.vector_store %arg13[%swap3A_827, %swap3A_828], %and3A_825 {strides = array<i32>} : memref<8x128xi32, #tpu.memory_space<vmem>>, vector<16xi32>,
    %get3A_830 = arith.constant 6 : i32
    %get3A_831 = arith.index_cast %get3A_830 : i32 to index
    %get3A_832 = arith.constant 32 : index
    %get3A_833 = tpu.vector_load %arg12[%get3A_831, %get3A_832] {strides = array<i32>} : memref<80x128xi32, #tpu.memory_space<vmem>>, vector<16xi32>,
    %and3A_834 = arith.andi %get3A_833, %broadcast_in_dim3A_1 : vector<16xi32>
    %swap3A_835 = arith.constant 6 : i32
    %swap3A_836 = arith.index_cast %swap3A_835 : i32 to index
    %swap3A_837 = arith.constant 32 : index
    %swap3A_838 = tpu.vector_load %arg13[%swap3A_836, %swap3A_837] {strides = array<i32>} : memref<8x128xi32, #tpu.memory_space<vmem>>, vector<16xi32>,
    tpu.vector_store %arg13[%swap3A_836, %swap3A_837], %and3A_834 {strides = array<i32>} : memref<8x128xi32, #tpu.memory_space<vmem>>, vector<16xi32>,
    %get3A_839 = arith.constant 6 : i32
    %get3A_840 = arith.index_cast %get3A_839 : i32 to index
    %get3A_841 = arith.constant 48 : index
    %get3A_842 = tpu.vector_load %arg12[%get3A_840, %get3A_841] {strides = array<i32>} : memref<80x128xi32, #tpu.memory_space<vmem>>, vector<16xi32>,
    %and3A_843 = arith.andi %get3A_842, %broadcast_in_dim3A_1 : vector<16xi32>
    %swap3A_844 = arith.constant 6 : i32
    %swap3A_845 = arith.index_cast %swap3A_844 : i32 to index
    %swap3A_846 = arith.constant 48 : index
    %swap3A_847 = tpu.vector_load %arg13[%swap3A_845, %swap3A_846] {strides = array<i32>} : memref<8x128xi32, #tpu.memory_space<vmem>>, vector<16xi32>,
    tpu.vector_store %arg13[%swap3A_845, %swap3A_846], %and3A_843 {strides = array<i32>} : memref<8x128xi32, #tpu.memory_space<vmem>>, vector<16xi32>,
    %get3A_848 = arith.constant 6 : i32
    %get3A_849 = arith.index_cast %get3A_848 : i32 to index
    %get3A_850 = arith.constant 64 : index
    %get3A_851 = tpu.vector_load %arg12[%get3A_849, %get3A_850] {strides = array<i32>} : memref<80x128xi32, #tpu.memory_space<vmem>>, vector<16xi32>,
    %and3A_852 = arith.andi %get3A_851, %broadcast_in_dim3A_1 : vector<16xi32>
    %swap3A_853 = arith.constant 6 : i32
    %swap3A_854 = arith.index_cast %swap3A_853 : i32 to index
    %swap3A_855 = arith.constant 64 : index
    %swap3A_856 = tpu.vector_load %arg13[%swap3A_854, %swap3A_855] {strides = array<i32>} : memref<8x128xi32, #tpu.memory_space<vmem>>, vector<16xi32>,
    tpu.vector_store %arg13[%swap3A_854, %swap3A_855], %and3A_852 {strides = array<i32>} : memref<8x128xi32, #tpu.memory_space<vmem>>, vector<16xi32>,
    %get3A_857 = arith.constant 6 : i32
    %get3A_858 = arith.index_cast %get3A_857 : i32 to index
    %get3A_859 = arith.constant 80 : index
    %get3A_860 = tpu.vector_load %arg12[%get3A_858, %get3A_859] {strides = array<i32>} : memref<80x128xi32, #tpu.memory_space<vmem>>, vector<16xi32>,
    %and3A_861 = arith.andi %get3A_860, %broadcast_in_dim3A_1 : vector<16xi32>
    %swap3A_862 = arith.constant 6 : i32
    %swap3A_863 = arith.index_cast %swap3A_862 : i32 to index
    %swap3A_864 = arith.constant 80 : index
    %swap3A_865 = tpu.vector_load %arg13[%swap3A_863, %swap3A_864] {strides = array<i32>} : memref<8x128xi32, #tpu.memory_space<vmem>>, vector<16xi32>,
    tpu.vector_store %arg13[%swap3A_863, %swap3A_864], %and3A_861 {strides = array<i32>} : memref<8x128xi32, #tpu.memory_space<vmem>>, vector<16xi32>,
    %get3A_866 = arith.constant 6 : i32
    %get3A_867 = arith.index_cast %get3A_866 : i32 to index
    %get3A_868 = arith.constant 96 : index
    %get3A_869 = tpu.vector_load %arg12[%get3A_867, %get3A_868] {strides = array<i32>} : memref<80x128xi32, #tpu.memory_space<vmem>>, vector<16xi32>,
    %and3A_870 = arith.andi %get3A_869, %broadcast_in_dim3A_1 : vector<16xi32>
    %swap3A_871 = arith.constant 6 : i32
    %swap3A_872 = arith.index_cast %swap3A_871 : i32 to index
    %swap3A_873 = arith.constant 96 : index
    %swap3A_874 = tpu.vector_load %arg13[%swap3A_872, %swap3A_873] {strides = array<i32>} : memref<8x128xi32, #tpu.memory_space<vmem>>, vector<16xi32>,
    tpu.vector_store %arg13[%swap3A_872, %swap3A_873], %and3A_870 {strides = array<i32>} : memref<8x128xi32, #tpu.memory_space<vmem>>, vector<16xi32>,
    %get3A_875 = arith.constant 6 : i32
    %get3A_876 = arith.index_cast %get3A_875 : i32 to index
    %get3A_877 = arith.constant 112 : index
    %get3A_878 = tpu.vector_load %arg12[%get3A_876, %get3A_877] {strides = array<i32>} : memref<80x128xi32, #tpu.memory_space<vmem>>, vector<16xi32>,
    %and3A_879 = arith.andi %get3A_878, %broadcast_in_dim3A_1 : vector<16xi32>
    %swap3A_880 = arith.constant 6 : i32
    %swap3A_881 = arith.index_cast %swap3A_880 : i32 to index
    %swap3A_882 = arith.constant 112 : index
    %swap3A_883 = tpu.vector_load %arg13[%swap3A_881, %swap3A_882] {strides = array<i32>} : memref<8x128xi32, #tpu.memory_space<vmem>>, vector<16xi32>,
    tpu.vector_store %arg13[%swap3A_881, %swap3A_882], %and3A_879 {strides = array<i32>} : memref<8x128xi32, #tpu.memory_space<vmem>>, vector<16xi32>,
    %eq3A_884 = arith.constant 0 : i32
    %eq3A_885 = arith.cmpi eq, %arg0, %eq3A_884 : i32
    %convert_element_type3A_886 = arith.extui %eq3A_885 : i1 to i32
    %cond3A_887 = arith.constant 0 : i32
    %cond3A_888 = arith.cmpi ne, %convert_element_type3A_886, %cond3A_887 : i32
    scf.if %cond3A_888 {
      %dma_start3A_1639 = arith.constant 6 : i32
      %dma_start3A_1640 = arith.constant 0 : i32
      %dma_start3A_1641 = tpu.memref_slice %arg13[%dma_start3A_1639, %dma_start3A_1640] : memref<8x128xi32, #tpu.memory_space<vmem>> -> memref<1x128xi32, #tpu.memory_space<vmem>>
      %dma_start3A_1642 = tpu.memref_squeeze %dma_start3A_1641 : memref<1x128xi32, #tpu.memory_space<vmem>> -> memref<128xi32, #tpu.memory_space<vmem>>
      %dma_start3A_1643 = arith.constant 0 : i32
      %dma_start3A_1644 = arith.constant 0 : i32
      %dma_start3A_1645 = tpu.memref_slice %arg2[%dma_start3A_1643, %dma_start3A_1644] : memref<10000x128xbf16, #tpu.memory_space<hbm>> -> memref<10000x128xbf16, #tpu.memory_space<hbm>>
      tpu.enqueue_indirect_dma source(%dma_start3A_1645 : memref<10000x128xbf16, #tpu.memory_space<hbm>>) target(%arg21 : memref<128x128xbf16, #tpu.memory_space<vmem>>) offsets(%dma_start3A_1642 : memref<128xi32, #tpu.memory_space<vmem>>) semaphore(%arg29 : memref<!tpu.dma_semaphore, #tpu.memory_space<semaphore_mem>>)
    } else {
    }
    %eq3A_889 = arith.constant 1 : i32
    %eq3A_890 = arith.cmpi eq, %arg0, %eq3A_889 : i32
    %convert_element_type3A_891 = arith.extui %eq3A_890 : i1 to i32
    %cond3A_892 = arith.constant 0 : i32
    %cond3A_893 = arith.cmpi ne, %convert_element_type3A_891, %cond3A_892 : i32
    scf.if %cond3A_893 {
      %dma_start3A_1639 = arith.constant 6 : i32
      %dma_start3A_1640 = arith.constant 0 : i32
      %dma_start3A_1641 = tpu.memref_slice %arg13[%dma_start3A_1639, %dma_start3A_1640] : memref<8x128xi32, #tpu.memory_space<vmem>> -> memref<1x128xi32, #tpu.memory_space<vmem>>
      %dma_start3A_1642 = tpu.memref_squeeze %dma_start3A_1641 : memref<1x128xi32, #tpu.memory_space<vmem>> -> memref<128xi32, #tpu.memory_space<vmem>>
      %dma_start3A_1643 = arith.constant 0 : i32
      %dma_start3A_1644 = arith.constant 0 : i32
      %dma_start3A_1645 = tpu.memref_slice %arg3[%dma_start3A_1643, %dma_start3A_1644] : memref<10000x128xbf16, #tpu.memory_space<hbm>> -> memref<10000x128xbf16, #tpu.memory_space<hbm>>
      tpu.enqueue_indirect_dma source(%dma_start3A_1645 : memref<10000x128xbf16, #tpu.memory_space<hbm>>) target(%arg21 : memref<128x128xbf16, #tpu.memory_space<vmem>>) offsets(%dma_start3A_1642 : memref<128xi32, #tpu.memory_space<vmem>>) semaphore(%arg29 : memref<!tpu.dma_semaphore, #tpu.memory_space<semaphore_mem>>)
    } else {
    }
    %dma_wait3A_894 = arith.constant 3 : i32
    %dma_wait3A_895 = arith.constant 0 : i32
    %dma_wait3A_896 = tpu.memref_slice %arg13[%dma_wait3A_894, %dma_wait3A_895] : memref<8x128xi32, #tpu.memory_space<vmem>> -> memref<1x128xi32, #tpu.memory_space<vmem>>
    %dma_wait3A_897 = tpu.memref_squeeze %dma_wait3A_896 : memref<1x128xi32, #tpu.memory_space<vmem>> -> memref<128xi32, #tpu.memory_space<vmem>>
    %dma_wait3A_898 = arith.constant 0 : i32
    %dma_wait3A_899 = arith.constant 0 : i32
    %dma_wait3A_900 = tpu.memref_slice %arg2[%dma_wait3A_898, %dma_wait3A_899] : memref<10000x128xbf16, #tpu.memory_space<hbm>> -> memref<10000x128xbf16, #tpu.memory_space<hbm>>
    tpu.wait_indirect_dma semaphore(%arg26 : memref<!tpu.dma_semaphore, #tpu.memory_space<semaphore_mem>>) src(%dma_wait3A_900 : memref<10000x128xbf16, #tpu.memory_space<hbm>>) dst(%arg18 : memref<128x128xbf16, #tpu.memory_space<vmem>>)
    %get3A_901 = arith.constant 3 : i32
    %get3A_902 = arith.index_cast %get3A_901 : i32 to index
    %get3A_903 = arith.constant 0 : index
    %get3A_904 = tpu.vector_load %arg12[%get3A_902, %get3A_903] {strides = array<i32>} : memref<80x128xi32, #tpu.memory_space<vmem>>, vector<16xi32>,
    %shift_right_logical3A_905 = arith.constant 16 : i32
    %shift_right_logical3A_906 = vector.broadcast %shift_right_logical3A_905 : i32 to vector<16xi32>
    %shift_right_logical3A_907 = arith.shrui %get3A_904, %shift_right_logical3A_906 : vector<16xi32>
    %swap3A_908 = arith.constant 3 : i32
    %swap3A_909 = arith.index_cast %swap3A_908 : i32 to index
    %swap3A_910 = arith.constant 0 : index
    %swap3A_911 = tpu.vector_load %arg14[%swap3A_909, %swap3A_910] {strides = array<i32>} : memref<8x128xi32, #tpu.memory_space<vmem>>, vector<16xi32>,
    tpu.vector_store %arg14[%swap3A_909, %swap3A_910], %shift_right_logical3A_907 {strides = array<i32>} : memref<8x128xi32, #tpu.memory_space<vmem>>, vector<16xi32>,
    %get3A_912 = arith.constant 3 : i32
    %get3A_913 = arith.index_cast %get3A_912 : i32 to index
    %get3A_914 = arith.constant 16 : index
    %get3A_915 = tpu.vector_load %arg12[%get3A_913, %get3A_914] {strides = array<i32>} : memref<80x128xi32, #tpu.memory_space<vmem>>, vector<16xi32>,
    %shift_right_logical3A_916 = arith.constant 16 : i32
    %shift_right_logical3A_917 = vector.broadcast %shift_right_logical3A_916 : i32 to vector<16xi32>
    %shift_right_logical3A_918 = arith.shrui %get3A_915, %shift_right_logical3A_917 : vector<16xi32>
    %swap3A_919 = arith.constant 3 : i32
    %swap3A_920 = arith.index_cast %swap3A_919 : i32 to index
    %swap3A_921 = arith.constant 16 : index
    %swap3A_922 = tpu.vector_load %arg14[%swap3A_920, %swap3A_921] {strides = array<i32>} : memref<8x128xi32, #tpu.memory_space<vmem>>, vector<16xi32>,
    tpu.vector_store %arg14[%swap3A_920, %swap3A_921], %shift_right_logical3A_918 {strides = array<i32>} : memref<8x128xi32, #tpu.memory_space<vmem>>, vector<16xi32>,
    %get3A_923 = arith.constant 3 : i32
    %get3A_924 = arith.index_cast %get3A_923 : i32 to index
    %get3A_925 = arith.constant 32 : index
    %get3A_926 = tpu.vector_load %arg12[%get3A_924, %get3A_925] {strides = array<i32>} : memref<80x128xi32, #tpu.memory_space<vmem>>, vector<16xi32>,
    %shift_right_logical3A_927 = arith.constant 16 : i32
    %shift_right_logical3A_928 = vector.broadcast %shift_right_logical3A_927 : i32 to vector<16xi32>
    %shift_right_logical3A_929 = arith.shrui %get3A_926, %shift_right_logical3A_928 : vector<16xi32>
    %swap3A_930 = arith.constant 3 : i32
    %swap3A_931 = arith.index_cast %swap3A_930 : i32 to index
    %swap3A_932 = arith.constant 32 : index
    %swap3A_933 = tpu.vector_load %arg14[%swap3A_931, %swap3A_932] {strides = array<i32>} : memref<8x128xi32, #tpu.memory_space<vmem>>, vector<16xi32>,
    tpu.vector_store %arg14[%swap3A_931, %swap3A_932], %shift_right_logical3A_929 {strides = array<i32>} : memref<8x128xi32, #tpu.memory_space<vmem>>, vector<16xi32>,
    %get3A_934 = arith.constant 3 : i32
    %get3A_935 = arith.index_cast %get3A_934 : i32 to index
    %get3A_936 = arith.constant 48 : index
    %get3A_937 = tpu.vector_load %arg12[%get3A_935, %get3A_936] {strides = array<i32>} : memref<80x128xi32, #tpu.memory_space<vmem>>, vector<16xi32>,
    %shift_right_logical3A_938 = arith.constant 16 : i32
    %shift_right_logical3A_939 = vector.broadcast %shift_right_logical3A_938 : i32 to vector<16xi32>
    %shift_right_logical3A_940 = arith.shrui %get3A_937, %shift_right_logical3A_939 : vector<16xi32>
    %swap3A_941 = arith.constant 3 : i32
    %swap3A_942 = arith.index_cast %swap3A_941 : i32 to index
    %swap3A_943 = arith.constant 48 : index
    %swap3A_944 = tpu.vector_load %arg14[%swap3A_942, %swap3A_943] {strides = array<i32>} : memref<8x128xi32, #tpu.memory_space<vmem>>, vector<16xi32>,
    tpu.vector_store %arg14[%swap3A_942, %swap3A_943], %shift_right_logical3A_940 {strides = array<i32>} : memref<8x128xi32, #tpu.memory_space<vmem>>, vector<16xi32>,
    %get3A_945 = arith.constant 3 : i32
    %get3A_946 = arith.index_cast %get3A_945 : i32 to index
    %get3A_947 = arith.constant 64 : index
    %get3A_948 = tpu.vector_load %arg12[%get3A_946, %get3A_947] {strides = array<i32>} : memref<80x128xi32, #tpu.memory_space<vmem>>, vector<16xi32>,
    %shift_right_logical3A_949 = arith.constant 16 : i32
    %shift_right_logical3A_950 = vector.broadcast %shift_right_logical3A_949 : i32 to vector<16xi32>
    %shift_right_logical3A_951 = arith.shrui %get3A_948, %shift_right_logical3A_950 : vector<16xi32>
    %swap3A_952 = arith.constant 3 : i32
    %swap3A_953 = arith.index_cast %swap3A_952 : i32 to index
    %swap3A_954 = arith.constant 64 : index
    %swap3A_955 = tpu.vector_load %arg14[%swap3A_953, %swap3A_954] {strides = array<i32>} : memref<8x128xi32, #tpu.memory_space<vmem>>, vector<16xi32>,
    tpu.vector_store %arg14[%swap3A_953, %swap3A_954], %shift_right_logical3A_951 {strides = array<i32>} : memref<8x128xi32, #tpu.memory_space<vmem>>, vector<16xi32>,
    %get3A_956 = arith.constant 3 : i32
    %get3A_957 = arith.index_cast %get3A_956 : i32 to index
    %get3A_958 = arith.constant 80 : index
    %get3A_959 = tpu.vector_load %arg12[%get3A_957, %get3A_958] {strides = array<i32>} : memref<80x128xi32, #tpu.memory_space<vmem>>, vector<16xi32>,
    %shift_right_logical3A_960 = arith.constant 16 : i32
    %shift_right_logical3A_961 = vector.broadcast %shift_right_logical3A_960 : i32 to vector<16xi32>
    %shift_right_logical3A_962 = arith.shrui %get3A_959, %shift_right_logical3A_961 : vector<16xi32>
    %swap3A_963 = arith.constant 3 : i32
    %swap3A_964 = arith.index_cast %swap3A_963 : i32 to index
    %swap3A_965 = arith.constant 80 : index
    %swap3A_966 = tpu.vector_load %arg14[%swap3A_964, %swap3A_965] {strides = array<i32>} : memref<8x128xi32, #tpu.memory_space<vmem>>, vector<16xi32>,
    tpu.vector_store %arg14[%swap3A_964, %swap3A_965], %shift_right_logical3A_962 {strides = array<i32>} : memref<8x128xi32, #tpu.memory_space<vmem>>, vector<16xi32>,
    %get3A_967 = arith.constant 3 : i32
    %get3A_968 = arith.index_cast %get3A_967 : i32 to index
    %get3A_969 = arith.constant 96 : index
    %get3A_970 = tpu.vector_load %arg12[%get3A_968, %get3A_969] {strides = array<i32>} : memref<80x128xi32, #tpu.memory_space<vmem>>, vector<16xi32>,
    %shift_right_logical3A_971 = arith.constant 16 : i32
    %shift_right_logical3A_972 = vector.broadcast %shift_right_logical3A_971 : i32 to vector<16xi32>
    %shift_right_logical3A_973 = arith.shrui %get3A_970, %shift_right_logical3A_972 : vector<16xi32>
    %swap3A_974 = arith.constant 3 : i32
    %swap3A_975 = arith.index_cast %swap3A_974 : i32 to index
    %swap3A_976 = arith.constant 96 : index
    %swap3A_977 = tpu.vector_load %arg14[%swap3A_975, %swap3A_976] {strides = array<i32>} : memref<8x128xi32, #tpu.memory_space<vmem>>, vector<16xi32>,
    tpu.vector_store %arg14[%swap3A_975, %swap3A_976], %shift_right_logical3A_973 {strides = array<i32>} : memref<8x128xi32, #tpu.memory_space<vmem>>, vector<16xi32>,
    %get3A_978 = arith.constant 3 : i32
    %get3A_979 = arith.index_cast %get3A_978 : i32 to index
    %get3A_980 = arith.constant 112 : index
    %get3A_981 = tpu.vector_load %arg12[%get3A_979, %get3A_980] {strides = array<i32>} : memref<80x128xi32, #tpu.memory_space<vmem>>, vector<16xi32>,
    %shift_right_logical3A_982 = arith.constant 16 : i32
    %shift_right_logical3A_983 = vector.broadcast %shift_right_logical3A_982 : i32 to vector<16xi32>
    %shift_right_logical3A_984 = arith.shrui %get3A_981, %shift_right_logical3A_983 : vector<16xi32>
    %swap3A_985 = arith.constant 3 : i32
    %swap3A_986 = arith.index_cast %swap3A_985 : i32 to index
    %swap3A_987 = arith.constant 112 : index
    %swap3A_988 = tpu.vector_load %arg14[%swap3A_986, %swap3A_987] {strides = array<i32>} : memref<8x128xi32, #tpu.memory_space<vmem>>, vector<16xi32>,
    tpu.vector_store %arg14[%swap3A_986, %swap3A_987], %shift_right_logical3A_984 {strides = array<i32>} : memref<8x128xi32, #tpu.memory_space<vmem>>, vector<16xi32>,
    %dma_start3A_989 = arith.constant 3 : i32
    %dma_start3A_990 = arith.constant 0 : i32
    %dma_start3A_991 = tpu.memref_slice %arg14[%dma_start3A_989, %dma_start3A_990] : memref<8x128xi32, #tpu.memory_space<vmem>> -> memref<1x128xi32, #tpu.memory_space<vmem>>
    %dma_start3A_992 = tpu.memref_squeeze %dma_start3A_991 : memref<1x128xi32, #tpu.memory_space<vmem>> -> memref<128xi32, #tpu.memory_space<vmem>>
    %dma_start3A_993 = arith.constant 0 : i32
    %dma_start3A_994 = arith.constant 0 : i32
    %dma_start3A_995 = tpu.memref_slice %arg10[%dma_start3A_993, %dma_start3A_994] : memref<10112x128xbf16, #tpu.memory_space<vmem_shared>> -> memref<10112x128xbf16, #tpu.memory_space<vmem_shared>>
    tpu.enqueue_indirect_dma source(%arg18 : memref<128x128xbf16, #tpu.memory_space<vmem>>) target(%dma_start3A_995 : memref<10112x128xbf16, #tpu.memory_space<vmem_shared>>) offsets(%dma_start3A_992 : memref<128xi32, #tpu.memory_space<vmem>>) semaphore(%arg34 : memref<!tpu.dma_semaphore, #tpu.memory_space<semaphore_mem>>) {add = true}
    %dma_start3A_996 = arith.constant 3 : i32
    %dma_start3A_997 = arith.constant 0 : i32
    %dma_start3A_998 = tpu.memref_slice %arg14[%dma_start3A_996, %dma_start3A_997] : memref<8x128xi32, #tpu.memory_space<vmem>> -> memref<1x128xi32, #tpu.memory_space<vmem>>
    %dma_start3A_999 = tpu.memref_squeeze %dma_start3A_998 : memref<1x128xi32, #tpu.memory_space<vmem>> -> memref<128xi32, #tpu.memory_space<vmem>>
    %dma_start3A_1000 = arith.constant 0 : i32
    %dma_start3A_1001 = arith.constant 0 : i32
    %dma_start3A_1002 = tpu.memref_slice %arg11[%dma_start3A_1000, %dma_start3A_1001] : memref<10112x16xf32, #tpu.memory_space<vmem_shared>> -> memref<10112x16xf32, #tpu.memory_space<vmem_shared>>
    tpu.enqueue_indirect_dma source(%arg39 : memref<128x16xf32, #tpu.memory_space<vmem>>) target(%dma_start3A_1002 : memref<10112x16xf32, #tpu.memory_space<vmem_shared>>) offsets(%dma_start3A_999 : memref<128xi32, #tpu.memory_space<vmem>>) semaphore(%arg34 : memref<!tpu.dma_semaphore, #tpu.memory_space<semaphore_mem>>) {add = true}
    %get3A_1003 = arith.constant 7 : i32
    %get3A_1004 = arith.index_cast %get3A_1003 : i32 to index
    %get3A_1005 = arith.constant 0 : index
    %get3A_1006 = tpu.vector_load %arg12[%get3A_1004, %get3A_1005] {strides = array<i32>} : memref<80x128xi32, #tpu.memory_space<vmem>>, vector<16xi32>,
    %and3A_1007 = arith.andi %get3A_1006, %broadcast_in_dim3A_1 : vector<16xi32>
    %swap3A_1008 = arith.constant 7 : i32
    %swap3A_1009 = arith.index_cast %swap3A_1008 : i32 to index
    %swap3A_1010 = arith.constant 0 : index
    %swap3A_1011 = tpu.vector_load %arg13[%swap3A_1009, %swap3A_1010] {strides = array<i32>} : memref<8x128xi32, #tpu.memory_space<vmem>>, vector<16xi32>,
    tpu.vector_store %arg13[%swap3A_1009, %swap3A_1010], %and3A_1007 {strides = array<i32>} : memref<8x128xi32, #tpu.memory_space<vmem>>, vector<16xi32>,
    %get3A_1012 = arith.constant 7 : i32
    %get3A_1013 = arith.index_cast %get3A_1012 : i32 to index
    %get3A_1014 = arith.constant 16 : index
    %get3A_1015 = tpu.vector_load %arg12[%get3A_1013, %get3A_1014] {strides = array<i32>} : memref<80x128xi32, #tpu.memory_space<vmem>>, vector<16xi32>,
    %and3A_1016 = arith.andi %get3A_1015, %broadcast_in_dim3A_1 : vector<16xi32>
    %swap3A_1017 = arith.constant 7 : i32
    %swap3A_1018 = arith.index_cast %swap3A_1017 : i32 to index
    %swap3A_1019 = arith.constant 16 : index
    %swap3A_1020 = tpu.vector_load %arg13[%swap3A_1018, %swap3A_1019] {strides = array<i32>} : memref<8x128xi32, #tpu.memory_space<vmem>>, vector<16xi32>,
    tpu.vector_store %arg13[%swap3A_1018, %swap3A_1019], %and3A_1016 {strides = array<i32>} : memref<8x128xi32, #tpu.memory_space<vmem>>, vector<16xi32>,
    %get3A_1021 = arith.constant 7 : i32
    %get3A_1022 = arith.index_cast %get3A_1021 : i32 to index
    %get3A_1023 = arith.constant 32 : index
    %get3A_1024 = tpu.vector_load %arg12[%get3A_1022, %get3A_1023] {strides = array<i32>} : memref<80x128xi32, #tpu.memory_space<vmem>>, vector<16xi32>,
    %and3A_1025 = arith.andi %get3A_1024, %broadcast_in_dim3A_1 : vector<16xi32>
    %swap3A_1026 = arith.constant 7 : i32
    %swap3A_1027 = arith.index_cast %swap3A_1026 : i32 to index
    %swap3A_1028 = arith.constant 32 : index
    %swap3A_1029 = tpu.vector_load %arg13[%swap3A_1027, %swap3A_1028] {strides = array<i32>} : memref<8x128xi32, #tpu.memory_space<vmem>>, vector<16xi32>,
    tpu.vector_store %arg13[%swap3A_1027, %swap3A_1028], %and3A_1025 {strides = array<i32>} : memref<8x128xi32, #tpu.memory_space<vmem>>, vector<16xi32>,
    %get3A_1030 = arith.constant 7 : i32
    %get3A_1031 = arith.index_cast %get3A_1030 : i32 to index
    %get3A_1032 = arith.constant 48 : index
    %get3A_1033 = tpu.vector_load %arg12[%get3A_1031, %get3A_1032] {strides = array<i32>} : memref<80x128xi32, #tpu.memory_space<vmem>>, vector<16xi32>,
    %and3A_1034 = arith.andi %get3A_1033, %broadcast_in_dim3A_1 : vector<16xi32>
    %swap3A_1035 = arith.constant 7 : i32
    %swap3A_1036 = arith.index_cast %swap3A_1035 : i32 to index
    %swap3A_1037 = arith.constant 48 : index
    %swap3A_1038 = tpu.vector_load %arg13[%swap3A_1036, %swap3A_1037] {strides = array<i32>} : memref<8x128xi32, #tpu.memory_space<vmem>>, vector<16xi32>,
    tpu.vector_store %arg13[%swap3A_1036, %swap3A_1037], %and3A_1034 {strides = array<i32>} : memref<8x128xi32, #tpu.memory_space<vmem>>, vector<16xi32>,
    %get3A_1039 = arith.constant 7 : i32
    %get3A_1040 = arith.index_cast %get3A_1039 : i32 to index
    %get3A_1041 = arith.constant 64 : index
    %get3A_1042 = tpu.vector_load %arg12[%get3A_1040, %get3A_1041] {strides = array<i32>} : memref<80x128xi32, #tpu.memory_space<vmem>>, vector<16xi32>,
    %and3A_1043 = arith.andi %get3A_1042, %broadcast_in_dim3A_1 : vector<16xi32>
    %swap3A_1044 = arith.constant 7 : i32
    %swap3A_1045 = arith.index_cast %swap3A_1044 : i32 to index
    %swap3A_1046 = arith.constant 64 : index
    %swap3A_1047 = tpu.vector_load %arg13[%swap3A_1045, %swap3A_1046] {strides = array<i32>} : memref<8x128xi32, #tpu.memory_space<vmem>>, vector<16xi32>,
    tpu.vector_store %arg13[%swap3A_1045, %swap3A_1046], %and3A_1043 {strides = array<i32>} : memref<8x128xi32, #tpu.memory_space<vmem>>, vector<16xi32>,
    %get3A_1048 = arith.constant 7 : i32
    %get3A_1049 = arith.index_cast %get3A_1048 : i32 to index
    %get3A_1050 = arith.constant 80 : index
    %get3A_1051 = tpu.vector_load %arg12[%get3A_1049, %get3A_1050] {strides = array<i32>} : memref<80x128xi32, #tpu.memory_space<vmem>>, vector<16xi32>,
    %and3A_1052 = arith.andi %get3A_1051, %broadcast_in_dim3A_1 : vector<16xi32>
    %swap3A_1053 = arith.constant 7 : i32
    %swap3A_1054 = arith.index_cast %swap3A_1053 : i32 to index
    %swap3A_1055 = arith.constant 80 : index
    %swap3A_1056 = tpu.vector_load %arg13[%swap3A_1054, %swap3A_1055] {strides = array<i32>} : memref<8x128xi32, #tpu.memory_space<vmem>>, vector<16xi32>,
    tpu.vector_store %arg13[%swap3A_1054, %swap3A_1055], %and3A_1052 {strides = array<i32>} : memref<8x128xi32, #tpu.memory_space<vmem>>, vector<16xi32>,
    %get3A_1057 = arith.constant 7 : i32
    %get3A_1058 = arith.index_cast %get3A_1057 : i32 to index
    %get3A_1059 = arith.constant 96 : index
    %get3A_1060 = tpu.vector_load %arg12[%get3A_1058, %get3A_1059] {strides = array<i32>} : memref<80x128xi32, #tpu.memory_space<vmem>>, vector<16xi32>,
    %and3A_1061 = arith.andi %get3A_1060, %broadcast_in_dim3A_1 : vector<16xi32>
    %swap3A_1062 = arith.constant 7 : i32
    %swap3A_1063 = arith.index_cast %swap3A_1062 : i32 to index
    %swap3A_1064 = arith.constant 96 : index
    %swap3A_1065 = tpu.vector_load %arg13[%swap3A_1063, %swap3A_1064] {strides = array<i32>} : memref<8x128xi32, #tpu.memory_space<vmem>>, vector<16xi32>,
    tpu.vector_store %arg13[%swap3A_1063, %swap3A_1064], %and3A_1061 {strides = array<i32>} : memref<8x128xi32, #tpu.memory_space<vmem>>, vector<16xi32>,
    %get3A_1066 = arith.constant 7 : i32
    %get3A_1067 = arith.index_cast %get3A_1066 : i32 to index
    %get3A_1068 = arith.constant 112 : index
    %get3A_1069 = tpu.vector_load %arg12[%get3A_1067, %get3A_1068] {strides = array<i32>} : memref<80x128xi32, #tpu.memory_space<vmem>>, vector<16xi32>,
    %and3A_1070 = arith.andi %get3A_1069, %broadcast_in_dim3A_1 : vector<16xi32>
    %swap3A_1071 = arith.constant 7 : i32
    %swap3A_1072 = arith.index_cast %swap3A_1071 : i32 to index
    %swap3A_1073 = arith.constant 112 : index
    %swap3A_1074 = tpu.vector_load %arg13[%swap3A_1072, %swap3A_1073] {strides = array<i32>} : memref<8x128xi32, #tpu.memory_space<vmem>>, vector<16xi32>,
    tpu.vector_store %arg13[%swap3A_1072, %swap3A_1073], %and3A_1070 {strides = array<i32>} : memref<8x128xi32, #tpu.memory_space<vmem>>, vector<16xi32>,
    %eq3A_1075 = arith.constant 0 : i32
    %eq3A_1076 = arith.cmpi eq, %arg0, %eq3A_1075 : i32
    %convert_element_type3A_1077 = arith.extui %eq3A_1076 : i1 to i32
    %cond3A_1078 = arith.constant 0 : i32
    %cond3A_1079 = arith.cmpi ne, %convert_element_type3A_1077, %cond3A_1078 : i32
    scf.if %cond3A_1079 {
      %dma_start3A_1639 = arith.constant 7 : i32
      %dma_start3A_1640 = arith.constant 0 : i32
      %dma_start3A_1641 = tpu.memref_slice %arg13[%dma_start3A_1639, %dma_start3A_1640] : memref<8x128xi32, #tpu.memory_space<vmem>> -> memref<1x128xi32, #tpu.memory_space<vmem>>
      %dma_start3A_1642 = tpu.memref_squeeze %dma_start3A_1641 : memref<1x128xi32, #tpu.memory_space<vmem>> -> memref<128xi32, #tpu.memory_space<vmem>>
      %dma_start3A_1643 = arith.constant 0 : i32
      %dma_start3A_1644 = arith.constant 0 : i32
      %dma_start3A_1645 = tpu.memref_slice %arg2[%dma_start3A_1643, %dma_start3A_1644] : memref<10000x128xbf16, #tpu.memory_space<hbm>> -> memref<10000x128xbf16, #tpu.memory_space<hbm>>
      tpu.enqueue_indirect_dma source(%dma_start3A_1645 : memref<10000x128xbf16, #tpu.memory_space<hbm>>) target(%arg22 : memref<128x128xbf16, #tpu.memory_space<vmem>>) offsets(%dma_start3A_1642 : memref<128xi32, #tpu.memory_space<vmem>>) semaphore(%arg30 : memref<!tpu.dma_semaphore, #tpu.memory_space<semaphore_mem>>)
    } else {
    }
    %eq3A_1080 = arith.constant 1 : i32
    %eq3A_1081 = arith.cmpi eq, %arg0, %eq3A_1080 : i32
    %convert_element_type3A_1082 = arith.extui %eq3A_1081 : i1 to i32
    %cond3A_1083 = arith.constant 0 : i32
    %cond3A_1084 = arith.cmpi ne, %convert_element_type3A_1082, %cond3A_1083 : i32
    scf.if %cond3A_1084 {
      %dma_start3A_1639 = arith.constant 7 : i32
      %dma_start3A_1640 = arith.constant 0 : i32
      %dma_start3A_1641 = tpu.memref_slice %arg13[%dma_start3A_1639, %dma_start3A_1640] : memref<8x128xi32, #tpu.memory_space<vmem>> -> memref<1x128xi32, #tpu.memory_space<vmem>>
      %dma_start3A_1642 = tpu.memref_squeeze %dma_start3A_1641 : memref<1x128xi32, #tpu.memory_space<vmem>> -> memref<128xi32, #tpu.memory_space<vmem>>
      %dma_start3A_1643 = arith.constant 0 : i32
      %dma_start3A_1644 = arith.constant 0 : i32
      %dma_start3A_1645 = tpu.memref_slice %arg3[%dma_start3A_1643, %dma_start3A_1644] : memref<10000x128xbf16, #tpu.memory_space<hbm>> -> memref<10000x128xbf16, #tpu.memory_space<hbm>>
      tpu.enqueue_indirect_dma source(%dma_start3A_1645 : memref<10000x128xbf16, #tpu.memory_space<hbm>>) target(%arg22 : memref<128x128xbf16, #tpu.memory_space<vmem>>) offsets(%dma_start3A_1642 : memref<128xi32, #tpu.memory_space<vmem>>) semaphore(%arg30 : memref<!tpu.dma_semaphore, #tpu.memory_space<semaphore_mem>>)
    } else {
    }
    %scan3A = arith.constant 0 : i32
    %scan3A_1085 = arith.constant 0 : i32
    %scan3A_1086 = arith.constant 9 : i32
    %scan3A_1087 = arith.addi %scan3A_1085, %scan3A_1086 : i32
    %scan3A_1088 = arith.constant 1 : i32
    scf.for %scan3A_1639 = %scan3A_1085 to %scan3A_1087 step %scan3A_1088  : i32 {
      %mul3A_1640 = arith.constant 8 : i32
      %mul3A_1641 = arith.muli %mul3A_1640, %scan3A_1639 : i32
      %add3A = arith.constant 4 : i32
      %add3A_1642 = arith.addi %add3A, %mul3A_1641 : i32
      %add3A_1643 = arith.constant 0 : i32
      %add3A_1644 = arith.addi %add3A_1642, %add3A_1643 : i32
      %dma_wait3A_1645 = arith.constant 4 : i32
      %dma_wait3A_1646 = arith.constant 0 : i32
      %dma_wait3A_1647 = tpu.memref_slice %arg13[%dma_wait3A_1645, %dma_wait3A_1646] : memref<8x128xi32, #tpu.memory_space<vmem>> -> memref<1x128xi32, #tpu.memory_space<vmem>>
      %dma_wait3A_1648 = tpu.memref_squeeze %dma_wait3A_1647 : memref<1x128xi32, #tpu.memory_space<vmem>> -> memref<128xi32, #tpu.memory_space<vmem>>
      %dma_wait3A_1649 = arith.constant 0 : i32
      %dma_wait3A_1650 = arith.constant 0 : i32
      %dma_wait3A_1651 = tpu.memref_slice %arg2[%dma_wait3A_1649, %dma_wait3A_1650] : memref<10000x128xbf16, #tpu.memory_space<hbm>> -> memref<10000x128xbf16, #tpu.memory_space<hbm>>
      tpu.wait_indirect_dma semaphore(%arg27 : memref<!tpu.dma_semaphore, #tpu.memory_space<semaphore_mem>>) src(%dma_wait3A_1651 : memref<10000x128xbf16, #tpu.memory_space<hbm>>) dst(%arg19 : memref<128x128xbf16, #tpu.memory_space<vmem>>)
      %get3A_1652 = arith.index_cast %add3A_1644 : i32 to index
      %get3A_1653 = arith.constant 0 : index
      %get3A_1654 = tpu.vector_load %arg12[%get3A_1652, %get3A_1653] {strides = array<i32>} : memref<80x128xi32, #tpu.memory_space<vmem>>, vector<16xi32>,
      %shift_right_logical3A_1655 = arith.constant 16 : i32
      %shift_right_logical3A_1656 = vector.broadcast %shift_right_logical3A_1655 : i32 to vector<16xi32>
      %shift_right_logical3A_1657 = arith.shrui %get3A_1654, %shift_right_logical3A_1656 : vector<16xi32>
      %swap3A_1658 = arith.constant 4 : i32
      %swap3A_1659 = arith.index_cast %swap3A_1658 : i32 to index
      %swap3A_1660 = arith.constant 0 : index
      %swap3A_1661 = tpu.vector_load %arg14[%swap3A_1659, %swap3A_1660] {strides = array<i32>} : memref<8x128xi32, #tpu.memory_space<vmem>>, vector<16xi32>,
      tpu.vector_store %arg14[%swap3A_1659, %swap3A_1660], %shift_right_logical3A_1657 {strides = array<i32>} : memref<8x128xi32, #tpu.memory_space<vmem>>, vector<16xi32>,
      %get3A_1662 = arith.index_cast %add3A_1644 : i32 to index
      %get3A_1663 = arith.constant 16 : index
      %get3A_1664 = tpu.vector_load %arg12[%get3A_1662, %get3A_1663] {strides = array<i32>} : memref<80x128xi32, #tpu.memory_space<vmem>>, vector<16xi32>,
      %shift_right_logical3A_1665 = arith.constant 16 : i32
      %shift_right_logical3A_1666 = vector.broadcast %shift_right_logical3A_1665 : i32 to vector<16xi32>
      %shift_right_logical3A_1667 = arith.shrui %get3A_1664, %shift_right_logical3A_1666 : vector<16xi32>
      %swap3A_1668 = arith.constant 4 : i32
      %swap3A_1669 = arith.index_cast %swap3A_1668 : i32 to index
      %swap3A_1670 = arith.constant 16 : index
      %swap3A_1671 = tpu.vector_load %arg14[%swap3A_1669, %swap3A_1670] {strides = array<i32>} : memref<8x128xi32, #tpu.memory_space<vmem>>, vector<16xi32>,
      tpu.vector_store %arg14[%swap3A_1669, %swap3A_1670], %shift_right_logical3A_1667 {strides = array<i32>} : memref<8x128xi32, #tpu.memory_space<vmem>>, vector<16xi32>,
      %get3A_1672 = arith.index_cast %add3A_1644 : i32 to index
      %get3A_1673 = arith.constant 32 : index
      %get3A_1674 = tpu.vector_load %arg12[%get3A_1672, %get3A_1673] {strides = array<i32>} : memref<80x128xi32, #tpu.memory_space<vmem>>, vector<16xi32>,
      %shift_right_logical3A_1675 = arith.constant 16 : i32
      %shift_right_logical3A_1676 = vector.broadcast %shift_right_logical3A_1675 : i32 to vector<16xi32>
      %shift_right_logical3A_1677 = arith.shrui %get3A_1674, %shift_right_logical3A_1676 : vector<16xi32>
      %swap3A_1678 = arith.constant 4 : i32
      %swap3A_1679 = arith.index_cast %swap3A_1678 : i32 to index
      %swap3A_1680 = arith.constant 32 : index
      %swap3A_1681 = tpu.vector_load %arg14[%swap3A_1679, %swap3A_1680] {strides = array<i32>} : memref<8x128xi32, #tpu.memory_space<vmem>>, vector<16xi32>,
      tpu.vector_store %arg14[%swap3A_1679, %swap3A_1680], %shift_right_logical3A_1677 {strides = array<i32>} : memref<8x128xi32, #tpu.memory_space<vmem>>, vector<16xi32>,
      %get3A_1682 = arith.index_cast %add3A_1644 : i32 to index
      %get3A_1683 = arith.constant 48 : index
      %get3A_1684 = tpu.vector_load %arg12[%get3A_1682, %get3A_1683] {strides = array<i32>} : memref<80x128xi32, #tpu.memory_space<vmem>>, vector<16xi32>,
      %shift_right_logical3A_1685 = arith.constant 16 : i32
      %shift_right_logical3A_1686 = vector.broadcast %shift_right_logical3A_1685 : i32 to vector<16xi32>
      %shift_right_logical3A_1687 = arith.shrui %get3A_1684, %shift_right_logical3A_1686 : vector<16xi32>
      %swap3A_1688 = arith.constant 4 : i32
      %swap3A_1689 = arith.index_cast %swap3A_1688 : i32 to index
      %swap3A_1690 = arith.constant 48 : index
      %swap3A_1691 = tpu.vector_load %arg14[%swap3A_1689, %swap3A_1690] {strides = array<i32>} : memref<8x128xi32, #tpu.memory_space<vmem>>, vector<16xi32>,
      tpu.vector_store %arg14[%swap3A_1689, %swap3A_1690], %shift_right_logical3A_1687 {strides = array<i32>} : memref<8x128xi32, #tpu.memory_space<vmem>>, vector<16xi32>,
      %get3A_1692 = arith.index_cast %add3A_1644 : i32 to index
      %get3A_1693 = arith.constant 64 : index
      %get3A_1694 = tpu.vector_load %arg12[%get3A_1692, %get3A_1693] {strides = array<i32>} : memref<80x128xi32, #tpu.memory_space<vmem>>, vector<16xi32>,
      %shift_right_logical3A_1695 = arith.constant 16 : i32
      %shift_right_logical3A_1696 = vector.broadcast %shift_right_logical3A_1695 : i32 to vector<16xi32>
      %shift_right_logical3A_1697 = arith.shrui %get3A_1694, %shift_right_logical3A_1696 : vector<16xi32>
      %swap3A_1698 = arith.constant 4 : i32
      %swap3A_1699 = arith.index_cast %swap3A_1698 : i32 to index
      %swap3A_1700 = arith.constant 64 : index
      %swap3A_1701 = tpu.vector_load %arg14[%swap3A_1699, %swap3A_1700] {strides = array<i32>} : memref<8x128xi32, #tpu.memory_space<vmem>>, vector<16xi32>,
      tpu.vector_store %arg14[%swap3A_1699, %swap3A_1700], %shift_right_logical3A_1697 {strides = array<i32>} : memref<8x128xi32, #tpu.memory_space<vmem>>, vector<16xi32>,
      %get3A_1702 = arith.index_cast %add3A_1644 : i32 to index
      %get3A_1703 = arith.constant 80 : index
      %get3A_1704 = tpu.vector_load %arg12[%get3A_1702, %get3A_1703] {strides = array<i32>} : memref<80x128xi32, #tpu.memory_space<vmem>>, vector<16xi32>,
      %shift_right_logical3A_1705 = arith.constant 16 : i32
      %shift_right_logical3A_1706 = vector.broadcast %shift_right_logical3A_1705 : i32 to vector<16xi32>
      %shift_right_logical3A_1707 = arith.shrui %get3A_1704, %shift_right_logical3A_1706 : vector<16xi32>
      %swap3A_1708 = arith.constant 4 : i32
      %swap3A_1709 = arith.index_cast %swap3A_1708 : i32 to index
      %swap3A_1710 = arith.constant 80 : index
      %swap3A_1711 = tpu.vector_load %arg14[%swap3A_1709, %swap3A_1710] {strides = array<i32>} : memref<8x128xi32, #tpu.memory_space<vmem>>, vector<16xi32>,
      tpu.vector_store %arg14[%swap3A_1709, %swap3A_1710], %shift_right_logical3A_1707 {strides = array<i32>} : memref<8x128xi32, #tpu.memory_space<vmem>>, vector<16xi32>,
      %get3A_1712 = arith.index_cast %add3A_1644 : i32 to index
      %get3A_1713 = arith.constant 96 : index
      %get3A_1714 = tpu.vector_load %arg12[%get3A_1712, %get3A_1713] {strides = array<i32>} : memref<80x128xi32, #tpu.memory_space<vmem>>, vector<16xi32>,
      %shift_right_logical3A_1715 = arith.constant 16 : i32
      %shift_right_logical3A_1716 = vector.broadcast %shift_right_logical3A_1715 : i32 to vector<16xi32>
      %shift_right_logical3A_1717 = arith.shrui %get3A_1714, %shift_right_logical3A_1716 : vector<16xi32>
      %swap3A_1718 = arith.constant 4 : i32
      %swap3A_1719 = arith.index_cast %swap3A_1718 : i32 to index
      %swap3A_1720 = arith.constant 96 : index
      %swap3A_1721 = tpu.vector_load %arg14[%swap3A_1719, %swap3A_1720] {strides = array<i32>} : memref<8x128xi32, #tpu.memory_space<vmem>>, vector<16xi32>,
      tpu.vector_store %arg14[%swap3A_1719, %swap3A_1720], %shift_right_logical3A_1717 {strides = array<i32>} : memref<8x128xi32, #tpu.memory_space<vmem>>, vector<16xi32>,
      %get3A_1722 = arith.index_cast %add3A_1644 : i32 to index
      %get3A_1723 = arith.constant 112 : index
      %get3A_1724 = tpu.vector_load %arg12[%get3A_1722, %get3A_1723] {strides = array<i32>} : memref<80x128xi32, #tpu.memory_space<vmem>>, vector<16xi32>,
      %shift_right_logical3A_1725 = arith.constant 16 : i32
      %shift_right_logical3A_1726 = vector.broadcast %shift_right_logical3A_1725 : i32 to vector<16xi32>
      %shift_right_logical3A_1727 = arith.shrui %get3A_1724, %shift_right_logical3A_1726 : vector<16xi32>
      %swap3A_1728 = arith.constant 4 : i32
      %swap3A_1729 = arith.index_cast %swap3A_1728 : i32 to index
      %swap3A_1730 = arith.constant 112 : index
      %swap3A_1731 = tpu.vector_load %arg14[%swap3A_1729, %swap3A_1730] {strides = array<i32>} : memref<8x128xi32, #tpu.memory_space<vmem>>, vector<16xi32>,
      tpu.vector_store %arg14[%swap3A_1729, %swap3A_1730], %shift_right_logical3A_1727 {strides = array<i32>} : memref<8x128xi32, #tpu.memory_space<vmem>>, vector<16xi32>,
      %dma_start3A_1732 = arith.constant 4 : i32
      %dma_start3A_1733 = arith.constant 0 : i32
      %dma_start3A_1734 = tpu.memref_slice %arg14[%dma_start3A_1732, %dma_start3A_1733] : memref<8x128xi32, #tpu.memory_space<vmem>> -> memref<1x128xi32, #tpu.memory_space<vmem>>
      %dma_start3A_1735 = tpu.memref_squeeze %dma_start3A_1734 : memref<1x128xi32, #tpu.memory_space<vmem>> -> memref<128xi32, #tpu.memory_space<vmem>>
      %dma_start3A_1736 = arith.constant 0 : i32
      %dma_start3A_1737 = arith.constant 0 : i32
      %dma_start3A_1738 = tpu.memref_slice %arg10[%dma_start3A_1736, %dma_start3A_1737] : memref<10112x128xbf16, #tpu.memory_space<vmem_shared>> -> memref<10112x128xbf16, #tpu.memory_space<vmem_shared>>
      tpu.enqueue_indirect_dma source(%arg19 : memref<128x128xbf16, #tpu.memory_space<vmem>>) target(%dma_start3A_1738 : memref<10112x128xbf16, #tpu.memory_space<vmem_shared>>) offsets(%dma_start3A_1735 : memref<128xi32, #tpu.memory_space<vmem>>) semaphore(%arg35 : memref<!tpu.dma_semaphore, #tpu.memory_space<semaphore_mem>>) {add = true}
      %dma_start3A_1739 = arith.constant 4 : i32
      %dma_start3A_1740 = arith.constant 0 : i32
      %dma_start3A_1741 = tpu.memref_slice %arg14[%dma_start3A_1739, %dma_start3A_1740] : memref<8x128xi32, #tpu.memory_space<vmem>> -> memref<1x128xi32, #tpu.memory_space<vmem>>
      %dma_start3A_1742 = tpu.memref_squeeze %dma_start3A_1741 : memref<1x128xi32, #tpu.memory_space<vmem>> -> memref<128xi32, #tpu.memory_space<vmem>>
      %dma_start3A_1743 = arith.constant 0 : i32
      %dma_start3A_1744 = arith.constant 0 : i32
      %dma_start3A_1745 = tpu.memref_slice %arg11[%dma_start3A_1743, %dma_start3A_1744] : memref<10112x16xf32, #tpu.memory_space<vmem_shared>> -> memref<10112x16xf32, #tpu.memory_space<vmem_shared>>
      tpu.enqueue_indirect_dma source(%arg39 : memref<128x16xf32, #tpu.memory_space<vmem>>) target(%dma_start3A_1745 : memref<10112x16xf32, #tpu.memory_space<vmem_shared>>) offsets(%dma_start3A_1742 : memref<128xi32, #tpu.memory_space<vmem>>) semaphore(%arg35 : memref<!tpu.dma_semaphore, #tpu.memory_space<semaphore_mem>>) {add = true}
      %dma_wait3A_1746 = arith.constant 0 : i32
      %dma_wait3A_1747 = arith.constant 0 : i32
      %dma_wait3A_1748 = tpu.memref_slice %arg14[%dma_wait3A_1746, %dma_wait3A_1747] : memref<8x128xi32, #tpu.memory_space<vmem>> -> memref<1x128xi32, #tpu.memory_space<vmem>>
      %dma_wait3A_1749 = tpu.memref_squeeze %dma_wait3A_1748 : memref<1x128xi32, #tpu.memory_space<vmem>> -> memref<128xi32, #tpu.memory_space<vmem>>
      %dma_wait3A_1750 = arith.constant 0 : i32
      %dma_wait3A_1751 = arith.constant 0 : i32
      %dma_wait3A_1752 = tpu.memref_slice %arg10[%dma_wait3A_1750, %dma_wait3A_1751] : memref<10112x128xbf16, #tpu.memory_space<vmem_shared>> -> memref<10112x128xbf16, #tpu.memory_space<vmem_shared>>
      tpu.wait_indirect_dma semaphore(%arg31 : memref<!tpu.dma_semaphore, #tpu.memory_space<semaphore_mem>>) src(%arg15 : memref<128x128xbf16, #tpu.memory_space<vmem>>) dst(%dma_wait3A_1752 : memref<10112x128xbf16, #tpu.memory_space<vmem_shared>>)
      %dma_wait3A_1753 = arith.constant 0 : i32
      %dma_wait3A_1754 = arith.constant 0 : i32
      %dma_wait3A_1755 = tpu.memref_slice %arg14[%dma_wait3A_1753, %dma_wait3A_1754] : memref<8x128xi32, #tpu.memory_space<vmem>> -> memref<1x128xi32, #tpu.memory_space<vmem>>
      %dma_wait3A_1756 = tpu.memref_squeeze %dma_wait3A_1755 : memref<1x128xi32, #tpu.memory_space<vmem>> -> memref<128xi32, #tpu.memory_space<vmem>>
      %dma_wait3A_1757 = arith.constant 0 : i32
      %dma_wait3A_1758 = arith.constant 0 : i32
      %dma_wait3A_1759 = tpu.memref_slice %arg11[%dma_wait3A_1757, %dma_wait3A_1758] : memref<10112x16xf32, #tpu.memory_space<vmem_shared>> -> memref<10112x16xf32, #tpu.memory_space<vmem_shared>>
      tpu.wait_indirect_dma semaphore(%arg31 : memref<!tpu.dma_semaphore, #tpu.memory_space<semaphore_mem>>) src(%arg39 : memref<128x16xf32, #tpu.memory_space<vmem>>) dst(%dma_wait3A_1759 : memref<10112x16xf32, #tpu.memory_space<vmem_shared>>)
      %add3A_1760 = arith.constant 4 : i32
      %add3A_1761 = arith.addi %add3A_1644, %add3A_1760 : i32
      %get3A_1762 = arith.index_cast %add3A_1761 : i32 to index
      %get3A_1763 = arith.constant 0 : index
      %get3A_1764 = tpu.vector_load %arg12[%get3A_1762, %get3A_1763] {strides = array<i32>} : memref<80x128xi32, #tpu.memory_space<vmem>>, vector<16xi32>,
      %and3A_1765 = arith.andi %get3A_1764, %broadcast_in_dim3A_1 : vector<16xi32>
      %swap3A_1766 = arith.constant 0 : i32
      %swap3A_1767 = arith.index_cast %swap3A_1766 : i32 to index
      %swap3A_1768 = arith.constant 0 : index
      %swap3A_1769 = tpu.vector_load %arg13[%swap3A_1767, %swap3A_1768] {strides = array<i32>} : memref<8x128xi32, #tpu.memory_space<vmem>>, vector<16xi32>,
      tpu.vector_store %arg13[%swap3A_1767, %swap3A_1768], %and3A_1765 {strides = array<i32>} : memref<8x128xi32, #tpu.memory_space<vmem>>, vector<16xi32>,
      %get3A_1770 = arith.index_cast %add3A_1761 : i32 to index
      %get3A_1771 = arith.constant 16 : index
      %get3A_1772 = tpu.vector_load %arg12[%get3A_1770, %get3A_1771] {strides = array<i32>} : memref<80x128xi32, #tpu.memory_space<vmem>>, vector<16xi32>,
      %and3A_1773 = arith.andi %get3A_1772, %broadcast_in_dim3A_1 : vector<16xi32>
      %swap3A_1774 = arith.constant 0 : i32
      %swap3A_1775 = arith.index_cast %swap3A_1774 : i32 to index
      %swap3A_1776 = arith.constant 16 : index
      %swap3A_1777 = tpu.vector_load %arg13[%swap3A_1775, %swap3A_1776] {strides = array<i32>} : memref<8x128xi32, #tpu.memory_space<vmem>>, vector<16xi32>,
      tpu.vector_store %arg13[%swap3A_1775, %swap3A_1776], %and3A_1773 {strides = array<i32>} : memref<8x128xi32, #tpu.memory_space<vmem>>, vector<16xi32>,
      %get3A_1778 = arith.index_cast %add3A_1761 : i32 to index
      %get3A_1779 = arith.constant 32 : index
      %get3A_1780 = tpu.vector_load %arg12[%get3A_1778, %get3A_1779] {strides = array<i32>} : memref<80x128xi32, #tpu.memory_space<vmem>>, vector<16xi32>,
      %and3A_1781 = arith.andi %get3A_1780, %broadcast_in_dim3A_1 : vector<16xi32>
      %swap3A_1782 = arith.constant 0 : i32
      %swap3A_1783 = arith.index_cast %swap3A_1782 : i32 to index
      %swap3A_1784 = arith.constant 32 : index
      %swap3A_1785 = tpu.vector_load %arg13[%swap3A_1783, %swap3A_1784] {strides = array<i32>} : memref<8x128xi32, #tpu.memory_space<vmem>>, vector<16xi32>,
      tpu.vector_store %arg13[%swap3A_1783, %swap3A_1784], %and3A_1781 {strides = array<i32>} : memref<8x128xi32, #tpu.memory_space<vmem>>, vector<16xi32>,
      %get3A_1786 = arith.index_cast %add3A_1761 : i32 to index
      %get3A_1787 = arith.constant 48 : index
      %get3A_1788 = tpu.vector_load %arg12[%get3A_1786, %get3A_1787] {strides = array<i32>} : memref<80x128xi32, #tpu.memory_space<vmem>>, vector<16xi32>,
      %and3A_1789 = arith.andi %get3A_1788, %broadcast_in_dim3A_1 : vector<16xi32>
      %swap3A_1790 = arith.constant 0 : i32
      %swap3A_1791 = arith.index_cast %swap3A_1790 : i32 to index
      %swap3A_1792 = arith.constant 48 : index
      %swap3A_1793 = tpu.vector_load %arg13[%swap3A_1791, %swap3A_1792] {strides = array<i32>} : memref<8x128xi32, #tpu.memory_space<vmem>>, vector<16xi32>,
      tpu.vector_store %arg13[%swap3A_1791, %swap3A_1792], %and3A_1789 {strides = array<i32>} : memref<8x128xi32, #tpu.memory_space<vmem>>, vector<16xi32>,
      %get3A_1794 = arith.index_cast %add3A_1761 : i32 to index
      %get3A_1795 = arith.constant 64 : index
      %get3A_1796 = tpu.vector_load %arg12[%get3A_1794, %get3A_1795] {strides = array<i32>} : memref<80x128xi32, #tpu.memory_space<vmem>>, vector<16xi32>,
      %and3A_1797 = arith.andi %get3A_1796, %broadcast_in_dim3A_1 : vector<16xi32>
      %swap3A_1798 = arith.constant 0 : i32
      %swap3A_1799 = arith.index_cast %swap3A_1798 : i32 to index
      %swap3A_1800 = arith.constant 64 : index
      %swap3A_1801 = tpu.vector_load %arg13[%swap3A_1799, %swap3A_1800] {strides = array<i32>} : memref<8x128xi32, #tpu.memory_space<vmem>>, vector<16xi32>,
      tpu.vector_store %arg13[%swap3A_1799, %swap3A_1800], %and3A_1797 {strides = array<i32>} : memref<8x128xi32, #tpu.memory_space<vmem>>, vector<16xi32>,
      %get3A_1802 = arith.index_cast %add3A_1761 : i32 to index
      %get3A_1803 = arith.constant 80 : index
      %get3A_1804 = tpu.vector_load %arg12[%get3A_1802, %get3A_1803] {strides = array<i32>} : memref<80x128xi32, #tpu.memory_space<vmem>>, vector<16xi32>,
      %and3A_1805 = arith.andi %get3A_1804, %broadcast_in_dim3A_1 : vector<16xi32>
      %swap3A_1806 = arith.constant 0 : i32
      %swap3A_1807 = arith.index_cast %swap3A_1806 : i32 to index
      %swap3A_1808 = arith.constant 80 : index
      %swap3A_1809 = tpu.vector_load %arg13[%swap3A_1807, %swap3A_1808] {strides = array<i32>} : memref<8x128xi32, #tpu.memory_space<vmem>>, vector<16xi32>,
      tpu.vector_store %arg13[%swap3A_1807, %swap3A_1808], %and3A_1805 {strides = array<i32>} : memref<8x128xi32, #tpu.memory_space<vmem>>, vector<16xi32>,
      %get3A_1810 = arith.index_cast %add3A_1761 : i32 to index
      %get3A_1811 = arith.constant 96 : index
      %get3A_1812 = tpu.vector_load %arg12[%get3A_1810, %get3A_1811] {strides = array<i32>} : memref<80x128xi32, #tpu.memory_space<vmem>>, vector<16xi32>,
      %and3A_1813 = arith.andi %get3A_1812, %broadcast_in_dim3A_1 : vector<16xi32>
      %swap3A_1814 = arith.constant 0 : i32
      %swap3A_1815 = arith.index_cast %swap3A_1814 : i32 to index
      %swap3A_1816 = arith.constant 96 : index
      %swap3A_1817 = tpu.vector_load %arg13[%swap3A_1815, %swap3A_1816] {strides = array<i32>} : memref<8x128xi32, #tpu.memory_space<vmem>>, vector<16xi32>,
      tpu.vector_store %arg13[%swap3A_1815, %swap3A_1816], %and3A_1813 {strides = array<i32>} : memref<8x128xi32, #tpu.memory_space<vmem>>, vector<16xi32>,
      %get3A_1818 = arith.index_cast %add3A_1761 : i32 to index
      %get3A_1819 = arith.constant 112 : index
      %get3A_1820 = tpu.vector_load %arg12[%get3A_1818, %get3A_1819] {strides = array<i32>} : memref<80x128xi32, #tpu.memory_space<vmem>>, vector<16xi32>,
      %and3A_1821 = arith.andi %get3A_1820, %broadcast_in_dim3A_1 : vector<16xi32>
      %swap3A_1822 = arith.constant 0 : i32
      %swap3A_1823 = arith.index_cast %swap3A_1822 : i32 to index
      %swap3A_1824 = arith.constant 112 : index
      %swap3A_1825 = tpu.vector_load %arg13[%swap3A_1823, %swap3A_1824] {strides = array<i32>} : memref<8x128xi32, #tpu.memory_space<vmem>>, vector<16xi32>,
      tpu.vector_store %arg13[%swap3A_1823, %swap3A_1824], %and3A_1821 {strides = array<i32>} : memref<8x128xi32, #tpu.memory_space<vmem>>, vector<16xi32>,
      %eq3A_1826 = arith.constant 0 : i32
      %eq3A_1827 = arith.cmpi eq, %arg0, %eq3A_1826 : i32
      %convert_element_type3A_1828 = arith.extui %eq3A_1827 : i1 to i32
      %cond3A_1829 = arith.constant 0 : i32
      %cond3A_1830 = arith.cmpi ne, %convert_element_type3A_1828, %cond3A_1829 : i32
      scf.if %cond3A_1830 {
        %dma_start3A_3187 = arith.constant 0 : i32
        %dma_start3A_3188 = arith.constant 0 : i32
        %dma_start3A_3189 = tpu.memref_slice %arg13[%dma_start3A_3187, %dma_start3A_3188] : memref<8x128xi32, #tpu.memory_space<vmem>> -> memref<1x128xi32, #tpu.memory_space<vmem>>
        %dma_start3A_3190 = tpu.memref_squeeze %dma_start3A_3189 : memref<1x128xi32, #tpu.memory_space<vmem>> -> memref<128xi32, #tpu.memory_space<vmem>>
        %dma_start3A_3191 = arith.constant 0 : i32
        %dma_start3A_3192 = arith.constant 0 : i32
        %dma_start3A_3193 = tpu.memref_slice %arg2[%dma_start3A_3191, %dma_start3A_3192] : memref<10000x128xbf16, #tpu.memory_space<hbm>> -> memref<10000x128xbf16, #tpu.memory_space<hbm>>
        tpu.enqueue_indirect_dma source(%dma_start3A_3193 : memref<10000x128xbf16, #tpu.memory_space<hbm>>) target(%arg15 : memref<128x128xbf16, #tpu.memory_space<vmem>>) offsets(%dma_start3A_3190 : memref<128xi32, #tpu.memory_space<vmem>>) semaphore(%arg23 : memref<!tpu.dma_semaphore, #tpu.memory_space<semaphore_mem>>)
      } else {
      }
      %eq3A_1831 = arith.constant 1 : i32
      %eq3A_1832 = arith.cmpi eq, %arg0, %eq3A_1831 : i32
      %convert_element_type3A_1833 = arith.extui %eq3A_1832 : i1 to i32
      %cond3A_1834 = arith.constant 0 : i32
      %cond3A_1835 = arith.cmpi ne, %convert_element_type3A_1833, %cond3A_1834 : i32
      scf.if %cond3A_1835 {
        %dma_start3A_3187 = arith.constant 0 : i32
        %dma_start3A_3188 = arith.constant 0 : i32
        %dma_start3A_3189 = tpu.memref_slice %arg13[%dma_start3A_3187, %dma_start3A_3188] : memref<8x128xi32, #tpu.memory_space<vmem>> -> memref<1x128xi32, #tpu.memory_space<vmem>>
        %dma_start3A_3190 = tpu.memref_squeeze %dma_start3A_3189 : memref<1x128xi32, #tpu.memory_space<vmem>> -> memref<128xi32, #tpu.memory_space<vmem>>
        %dma_start3A_3191 = arith.constant 0 : i32
        %dma_start3A_3192 = arith.constant 0 : i32
        %dma_start3A_3193 = tpu.memref_slice %arg3[%dma_start3A_3191, %dma_start3A_3192] : memref<10000x128xbf16, #tpu.memory_space<hbm>> -> memref<10000x128xbf16, #tpu.memory_space<hbm>>
        tpu.enqueue_indirect_dma source(%dma_start3A_3193 : memref<10000x128xbf16, #tpu.memory_space<hbm>>) target(%arg15 : memref<128x128xbf16, #tpu.memory_space<vmem>>) offsets(%dma_start3A_3190 : memref<128xi32, #tpu.memory_space<vmem>>) semaphore(%arg23 : memref<!tpu.dma_semaphore, #tpu.memory_space<semaphore_mem>>)
      } else {
      }
      %add3A_1836 = arith.constant 1 : i32
      %add3A_1837 = arith.addi %add3A_1642, %add3A_1836 : i32
      %dma_wait3A_1838 = arith.constant 5 : i32
      %dma_wait3A_1839 = arith.constant 0 : i32
      %dma_wait3A_1840 = tpu.memref_slice %arg13[%dma_wait3A_1838, %dma_wait3A_1839] : memref<8x128xi32, #tpu.memory_space<vmem>> -> memref<1x128xi32, #tpu.memory_space<vmem>>
      %dma_wait3A_1841 = tpu.memref_squeeze %dma_wait3A_1840 : memref<1x128xi32, #tpu.memory_space<vmem>> -> memref<128xi32, #tpu.memory_space<vmem>>
      %dma_wait3A_1842 = arith.constant 0 : i32
      %dma_wait3A_1843 = arith.constant 0 : i32
      %dma_wait3A_1844 = tpu.memref_slice %arg2[%dma_wait3A_1842, %dma_wait3A_1843] : memref<10000x128xbf16, #tpu.memory_space<hbm>> -> memref<10000x128xbf16, #tpu.memory_space<hbm>>
      tpu.wait_indirect_dma semaphore(%arg28 : memref<!tpu.dma_semaphore, #tpu.memory_space<semaphore_mem>>) src(%dma_wait3A_1844 : memref<10000x128xbf16, #tpu.memory_space<hbm>>) dst(%arg20 : memref<128x128xbf16, #tpu.memory_space<vmem>>)
      %get3A_1845 = arith.index_cast %add3A_1837 : i32 to index
      %get3A_1846 = arith.constant 0 : index
      %get3A_1847 = tpu.vector_load %arg12[%get3A_1845, %get3A_1846] {strides = array<i32>} : memref<80x128xi32, #tpu.memory_space<vmem>>, vector<16xi32>,
      %shift_right_logical3A_1848 = arith.constant 16 : i32
      %shift_right_logical3A_1849 = vector.broadcast %shift_right_logical3A_1848 : i32 to vector<16xi32>
      %shift_right_logical3A_1850 = arith.shrui %get3A_1847, %shift_right_logical3A_1849 : vector<16xi32>
      %swap3A_1851 = arith.constant 5 : i32
      %swap3A_1852 = arith.index_cast %swap3A_1851 : i32 to index
      %swap3A_1853 = arith.constant 0 : index
      %swap3A_1854 = tpu.vector_load %arg14[%swap3A_1852, %swap3A_1853] {strides = array<i32>} : memref<8x128xi32, #tpu.memory_space<vmem>>, vector<16xi32>,
      tpu.vector_store %arg14[%swap3A_1852, %swap3A_1853], %shift_right_logical3A_1850 {strides = array<i32>} : memref<8x128xi32, #tpu.memory_space<vmem>>, vector<16xi32>,
      %get3A_1855 = arith.index_cast %add3A_1837 : i32 to index
      %get3A_1856 = arith.constant 16 : index
      %get3A_1857 = tpu.vector_load %arg12[%get3A_1855, %get3A_1856] {strides = array<i32>} : memref<80x128xi32, #tpu.memory_space<vmem>>, vector<16xi32>,
      %shift_right_logical3A_1858 = arith.constant 16 : i32
      %shift_right_logical3A_1859 = vector.broadcast %shift_right_logical3A_1858 : i32 to vector<16xi32>
      %shift_right_logical3A_1860 = arith.shrui %get3A_1857, %shift_right_logical3A_1859 : vector<16xi32>
      %swap3A_1861 = arith.constant 5 : i32
      %swap3A_1862 = arith.index_cast %swap3A_1861 : i32 to index
      %swap3A_1863 = arith.constant 16 : index
      %swap3A_1864 = tpu.vector_load %arg14[%swap3A_1862, %swap3A_1863] {strides = array<i32>} : memref<8x128xi32, #tpu.memory_space<vmem>>, vector<16xi32>,
      tpu.vector_store %arg14[%swap3A_1862, %swap3A_1863], %shift_right_logical3A_1860 {strides = array<i32>} : memref<8x128xi32, #tpu.memory_space<vmem>>, vector<16xi32>,
      %get3A_1865 = arith.index_cast %add3A_1837 : i32 to index
      %get3A_1866 = arith.constant 32 : index
      %get3A_1867 = tpu.vector_load %arg12[%get3A_1865, %get3A_1866] {strides = array<i32>} : memref<80x128xi32, #tpu.memory_space<vmem>>, vector<16xi32>,
      %shift_right_logical3A_1868 = arith.constant 16 : i32
      %shift_right_logical3A_1869 = vector.broadcast %shift_right_logical3A_1868 : i32 to vector<16xi32>
      %shift_right_logical3A_1870 = arith.shrui %get3A_1867, %shift_right_logical3A_1869 : vector<16xi32>
      %swap3A_1871 = arith.constant 5 : i32
      %swap3A_1872 = arith.index_cast %swap3A_1871 : i32 to index
      %swap3A_1873 = arith.constant 32 : index
      %swap3A_1874 = tpu.vector_load %arg14[%swap3A_1872, %swap3A_1873] {strides = array<i32>} : memref<8x128xi32, #tpu.memory_space<vmem>>, vector<16xi32>,
      tpu.vector_store %arg14[%swap3A_1872, %swap3A_1873], %shift_right_logical3A_1870 {strides = array<i32>} : memref<8x128xi32, #tpu.memory_space<vmem>>, vector<16xi32>,
      %get3A_1875 = arith.index_cast %add3A_1837 : i32 to index
      %get3A_1876 = arith.constant 48 : index
      %get3A_1877 = tpu.vector_load %arg12[%get3A_1875, %get3A_1876] {strides = array<i32>} : memref<80x128xi32, #tpu.memory_space<vmem>>, vector<16xi32>,
      %shift_right_logical3A_1878 = arith.constant 16 : i32
      %shift_right_logical3A_1879 = vector.broadcast %shift_right_logical3A_1878 : i32 to vector<16xi32>
      %shift_right_logical3A_1880 = arith.shrui %get3A_1877, %shift_right_logical3A_1879 : vector<16xi32>
      %swap3A_1881 = arith.constant 5 : i32
      %swap3A_1882 = arith.index_cast %swap3A_1881 : i32 to index
      %swap3A_1883 = arith.constant 48 : index
      %swap3A_1884 = tpu.vector_load %arg14[%swap3A_1882, %swap3A_1883] {strides = array<i32>} : memref<8x128xi32, #tpu.memory_space<vmem>>, vector<16xi32>,
      tpu.vector_store %arg14[%swap3A_1882, %swap3A_1883], %shift_right_logical3A_1880 {strides = array<i32>} : memref<8x128xi32, #tpu.memory_space<vmem>>, vector<16xi32>,
      %get3A_1885 = arith.index_cast %add3A_1837 : i32 to index
      %get3A_1886 = arith.constant 64 : index
      %get3A_1887 = tpu.vector_load %arg12[%get3A_1885, %get3A_1886] {strides = array<i32>} : memref<80x128xi32, #tpu.memory_space<vmem>>, vector<16xi32>,
      %shift_right_logical3A_1888 = arith.constant 16 : i32
      %shift_right_logical3A_1889 = vector.broadcast %shift_right_logical3A_1888 : i32 to vector<16xi32>
      %shift_right_logical3A_1890 = arith.shrui %get3A_1887, %shift_right_logical3A_1889 : vector<16xi32>
      %swap3A_1891 = arith.constant 5 : i32
      %swap3A_1892 = arith.index_cast %swap3A_1891 : i32 to index
      %swap3A_1893 = arith.constant 64 : index
      %swap3A_1894 = tpu.vector_load %arg14[%swap3A_1892, %swap3A_1893] {strides = array<i32>} : memref<8x128xi32, #tpu.memory_space<vmem>>, vector<16xi32>,
      tpu.vector_store %arg14[%swap3A_1892, %swap3A_1893], %shift_right_logical3A_1890 {strides = array<i32>} : memref<8x128xi32, #tpu.memory_space<vmem>>, vector<16xi32>,
      %get3A_1895 = arith.index_cast %add3A_1837 : i32 to index
      %get3A_1896 = arith.constant 80 : index
      %get3A_1897 = tpu.vector_load %arg12[%get3A_1895, %get3A_1896] {strides = array<i32>} : memref<80x128xi32, #tpu.memory_space<vmem>>, vector<16xi32>,
      %shift_right_logical3A_1898 = arith.constant 16 : i32
      %shift_right_logical3A_1899 = vector.broadcast %shift_right_logical3A_1898 : i32 to vector<16xi32>
      %shift_right_logical3A_1900 = arith.shrui %get3A_1897, %shift_right_logical3A_1899 : vector<16xi32>
      %swap3A_1901 = arith.constant 5 : i32
      %swap3A_1902 = arith.index_cast %swap3A_1901 : i32 to index
      %swap3A_1903 = arith.constant 80 : index
      %swap3A_1904 = tpu.vector_load %arg14[%swap3A_1902, %swap3A_1903] {strides = array<i32>} : memref<8x128xi32, #tpu.memory_space<vmem>>, vector<16xi32>,
      tpu.vector_store %arg14[%swap3A_1902, %swap3A_1903], %shift_right_logical3A_1900 {strides = array<i32>} : memref<8x128xi32, #tpu.memory_space<vmem>>, vector<16xi32>,
      %get3A_1905 = arith.index_cast %add3A_1837 : i32 to index
      %get3A_1906 = arith.constant 96 : index
      %get3A_1907 = tpu.vector_load %arg12[%get3A_1905, %get3A_1906] {strides = array<i32>} : memref<80x128xi32, #tpu.memory_space<vmem>>, vector<16xi32>,
      %shift_right_logical3A_1908 = arith.constant 16 : i32
      %shift_right_logical3A_1909 = vector.broadcast %shift_right_logical3A_1908 : i32 to vector<16xi32>
      %shift_right_logical3A_1910 = arith.shrui %get3A_1907, %shift_right_logical3A_1909 : vector<16xi32>
      %swap3A_1911 = arith.constant 5 : i32
      %swap3A_1912 = arith.index_cast %swap3A_1911 : i32 to index
      %swap3A_1913 = arith.constant 96 : index
      %swap3A_1914 = tpu.vector_load %arg14[%swap3A_1912, %swap3A_1913] {strides = array<i32>} : memref<8x128xi32, #tpu.memory_space<vmem>>, vector<16xi32>,
      tpu.vector_store %arg14[%swap3A_1912, %swap3A_1913], %shift_right_logical3A_1910 {strides = array<i32>} : memref<8x128xi32, #tpu.memory_space<vmem>>, vector<16xi32>,
      %get3A_1915 = arith.index_cast %add3A_1837 : i32 to index
      %get3A_1916 = arith.constant 112 : index
      %get3A_1917 = tpu.vector_load %arg12[%get3A_1915, %get3A_1916] {strides = array<i32>} : memref<80x128xi32, #tpu.memory_space<vmem>>, vector<16xi32>,
      %shift_right_logical3A_1918 = arith.constant 16 : i32
      %shift_right_logical3A_1919 = vector.broadcast %shift_right_logical3A_1918 : i32 to vector<16xi32>
      %shift_right_logical3A_1920 = arith.shrui %get3A_1917, %shift_right_logical3A_1919 : vector<16xi32>
      %swap3A_1921 = arith.constant 5 : i32
      %swap3A_1922 = arith.index_cast %swap3A_1921 : i32 to index
      %swap3A_1923 = arith.constant 112 : index
      %swap3A_1924 = tpu.vector_load %arg14[%swap3A_1922, %swap3A_1923] {strides = array<i32>} : memref<8x128xi32, #tpu.memory_space<vmem>>, vector<16xi32>,
      tpu.vector_store %arg14[%swap3A_1922, %swap3A_1923], %shift_right_logical3A_1920 {strides = array<i32>} : memref<8x128xi32, #tpu.memory_space<vmem>>, vector<16xi32>,
      %dma_start3A_1925 = arith.constant 5 : i32
      %dma_start3A_1926 = arith.constant 0 : i32
      %dma_start3A_1927 = tpu.memref_slice %arg14[%dma_start3A_1925, %dma_start3A_1926] : memref<8x128xi32, #tpu.memory_space<vmem>> -> memref<1x128xi32, #tpu.memory_space<vmem>>
      %dma_start3A_1928 = tpu.memref_squeeze %dma_start3A_1927 : memref<1x128xi32, #tpu.memory_space<vmem>> -> memref<128xi32, #tpu.memory_space<vmem>>
      %dma_start3A_1929 = arith.constant 0 : i32
      %dma_start3A_1930 = arith.constant 0 : i32
      %dma_start3A_1931 = tpu.memref_slice %arg10[%dma_start3A_1929, %dma_start3A_1930] : memref<10112x128xbf16, #tpu.memory_space<vmem_shared>> -> memref<10112x128xbf16, #tpu.memory_space<vmem_shared>>
      tpu.enqueue_indirect_dma source(%arg20 : memref<128x128xbf16, #tpu.memory_space<vmem>>) target(%dma_start3A_1931 : memref<10112x128xbf16, #tpu.memory_space<vmem_shared>>) offsets(%dma_start3A_1928 : memref<128xi32, #tpu.memory_space<vmem>>) semaphore(%arg36 : memref<!tpu.dma_semaphore, #tpu.memory_space<semaphore_mem>>) {add = true}
      %dma_start3A_1932 = arith.constant 5 : i32
      %dma_start3A_1933 = arith.constant 0 : i32
      %dma_start3A_1934 = tpu.memref_slice %arg14[%dma_start3A_1932, %dma_start3A_1933] : memref<8x128xi32, #tpu.memory_space<vmem>> -> memref<1x128xi32, #tpu.memory_space<vmem>>
      %dma_start3A_1935 = tpu.memref_squeeze %dma_start3A_1934 : memref<1x128xi32, #tpu.memory_space<vmem>> -> memref<128xi32, #tpu.memory_space<vmem>>
      %dma_start3A_1936 = arith.constant 0 : i32
      %dma_start3A_1937 = arith.constant 0 : i32
      %dma_start3A_1938 = tpu.memref_slice %arg11[%dma_start3A_1936, %dma_start3A_1937] : memref<10112x16xf32, #tpu.memory_space<vmem_shared>> -> memref<10112x16xf32, #tpu.memory_space<vmem_shared>>
      tpu.enqueue_indirect_dma source(%arg39 : memref<128x16xf32, #tpu.memory_space<vmem>>) target(%dma_start3A_1938 : memref<10112x16xf32, #tpu.memory_space<vmem_shared>>) offsets(%dma_start3A_1935 : memref<128xi32, #tpu.memory_space<vmem>>) semaphore(%arg36 : memref<!tpu.dma_semaphore, #tpu.memory_space<semaphore_mem>>) {add = true}
      %dma_wait3A_1939 = arith.constant 1 : i32
      %dma_wait3A_1940 = arith.constant 0 : i32
      %dma_wait3A_1941 = tpu.memref_slice %arg14[%dma_wait3A_1939, %dma_wait3A_1940] : memref<8x128xi32, #tpu.memory_space<vmem>> -> memref<1x128xi32, #tpu.memory_space<vmem>>
      %dma_wait3A_1942 = tpu.memref_squeeze %dma_wait3A_1941 : memref<1x128xi32, #tpu.memory_space<vmem>> -> memref<128xi32, #tpu.memory_space<vmem>>
      %dma_wait3A_1943 = arith.constant 0 : i32
      %dma_wait3A_1944 = arith.constant 0 : i32
      %dma_wait3A_1945 = tpu.memref_slice %arg10[%dma_wait3A_1943, %dma_wait3A_1944] : memref<10112x128xbf16, #tpu.memory_space<vmem_shared>> -> memref<10112x128xbf16, #tpu.memory_space<vmem_shared>>
      tpu.wait_indirect_dma semaphore(%arg32 : memref<!tpu.dma_semaphore, #tpu.memory_space<semaphore_mem>>) src(%arg16 : memref<128x128xbf16, #tpu.memory_space<vmem>>) dst(%dma_wait3A_1945 : memref<10112x128xbf16, #tpu.memory_space<vmem_shared>>)
      %dma_wait3A_1946 = arith.constant 1 : i32
      %dma_wait3A_1947 = arith.constant 0 : i32
      %dma_wait3A_1948 = tpu.memref_slice %arg14[%dma_wait3A_1946, %dma_wait3A_1947] : memref<8x128xi32, #tpu.memory_space<vmem>> -> memref<1x128xi32, #tpu.memory_space<vmem>>
      %dma_wait3A_1949 = tpu.memref_squeeze %dma_wait3A_1948 : memref<1x128xi32, #tpu.memory_space<vmem>> -> memref<128xi32, #tpu.memory_space<vmem>>
      %dma_wait3A_1950 = arith.constant 0 : i32
      %dma_wait3A_1951 = arith.constant 0 : i32
      %dma_wait3A_1952 = tpu.memref_slice %arg11[%dma_wait3A_1950, %dma_wait3A_1951] : memref<10112x16xf32, #tpu.memory_space<vmem_shared>> -> memref<10112x16xf32, #tpu.memory_space<vmem_shared>>
      tpu.wait_indirect_dma semaphore(%arg32 : memref<!tpu.dma_semaphore, #tpu.memory_space<semaphore_mem>>) src(%arg39 : memref<128x16xf32, #tpu.memory_space<vmem>>) dst(%dma_wait3A_1952 : memref<10112x16xf32, #tpu.memory_space<vmem_shared>>)
      %add3A_1953 = arith.constant 4 : i32
      %add3A_1954 = arith.addi %add3A_1837, %add3A_1953 : i32
      %get3A_1955 = arith.index_cast %add3A_1954 : i32 to index
      %get3A_1956 = arith.constant 0 : index
      %get3A_1957 = tpu.vector_load %arg12[%get3A_1955, %get3A_1956] {strides = array<i32>} : memref<80x128xi32, #tpu.memory_space<vmem>>, vector<16xi32>,
      %and3A_1958 = arith.andi %get3A_1957, %broadcast_in_dim3A_1 : vector<16xi32>
      %swap3A_1959 = arith.constant 1 : i32
      %swap3A_1960 = arith.index_cast %swap3A_1959 : i32 to index
      %swap3A_1961 = arith.constant 0 : index
      %swap3A_1962 = tpu.vector_load %arg13[%swap3A_1960, %swap3A_1961] {strides = array<i32>} : memref<8x128xi32, #tpu.memory_space<vmem>>, vector<16xi32>,
      tpu.vector_store %arg13[%swap3A_1960, %swap3A_1961], %and3A_1958 {strides = array<i32>} : memref<8x128xi32, #tpu.memory_space<vmem>>, vector<16xi32>,
      %get3A_1963 = arith.index_cast %add3A_1954 : i32 to index
      %get3A_1964 = arith.constant 16 : index
      %get3A_1965 = tpu.vector_load %arg12[%get3A_1963, %get3A_1964] {strides = array<i32>} : memref<80x128xi32, #tpu.memory_space<vmem>>, vector<16xi32>,
      %and3A_1966 = arith.andi %get3A_1965, %broadcast_in_dim3A_1 : vector<16xi32>
      %swap3A_1967 = arith.constant 1 : i32
      %swap3A_1968 = arith.index_cast %swap3A_1967 : i32 to index
      %swap3A_1969 = arith.constant 16 : index
      %swap3A_1970 = tpu.vector_load %arg13[%swap3A_1968, %swap3A_1969] {strides = array<i32>} : memref<8x128xi32, #tpu.memory_space<vmem>>, vector<16xi32>,
      tpu.vector_store %arg13[%swap3A_1968, %swap3A_1969], %and3A_1966 {strides = array<i32>} : memref<8x128xi32, #tpu.memory_space<vmem>>, vector<16xi32>,
      %get3A_1971 = arith.index_cast %add3A_1954 : i32 to index
      %get3A_1972 = arith.constant 32 : index
      %get3A_1973 = tpu.vector_load %arg12[%get3A_1971, %get3A_1972] {strides = array<i32>} : memref<80x128xi32, #tpu.memory_space<vmem>>, vector<16xi32>,
      %and3A_1974 = arith.andi %get3A_1973, %broadcast_in_dim3A_1 : vector<16xi32>
      %swap3A_1975 = arith.constant 1 : i32
      %swap3A_1976 = arith.index_cast %swap3A_1975 : i32 to index
      %swap3A_1977 = arith.constant 32 : index
      %swap3A_1978 = tpu.vector_load %arg13[%swap3A_1976, %swap3A_1977] {strides = array<i32>} : memref<8x128xi32, #tpu.memory_space<vmem>>, vector<16xi32>,
      tpu.vector_store %arg13[%swap3A_1976, %swap3A_1977], %and3A_1974 {strides = array<i32>} : memref<8x128xi32, #tpu.memory_space<vmem>>, vector<16xi32>,
      %get3A_1979 = arith.index_cast %add3A_1954 : i32 to index
      %get3A_1980 = arith.constant 48 : index
      %get3A_1981 = tpu.vector_load %arg12[%get3A_1979, %get3A_1980] {strides = array<i32>} : memref<80x128xi32, #tpu.memory_space<vmem>>, vector<16xi32>,
      %and3A_1982 = arith.andi %get3A_1981, %broadcast_in_dim3A_1 : vector<16xi32>
      %swap3A_1983 = arith.constant 1 : i32
      %swap3A_1984 = arith.index_cast %swap3A_1983 : i32 to index
      %swap3A_1985 = arith.constant 48 : index
      %swap3A_1986 = tpu.vector_load %arg13[%swap3A_1984, %swap3A_1985] {strides = array<i32>} : memref<8x128xi32, #tpu.memory_space<vmem>>, vector<16xi32>,
      tpu.vector_store %arg13[%swap3A_1984, %swap3A_1985], %and3A_1982 {strides = array<i32>} : memref<8x128xi32, #tpu.memory_space<vmem>>, vector<16xi32>,
      %get3A_1987 = arith.index_cast %add3A_1954 : i32 to index
      %get3A_1988 = arith.constant 64 : index
      %get3A_1989 = tpu.vector_load %arg12[%get3A_1987, %get3A_1988] {strides = array<i32>} : memref<80x128xi32, #tpu.memory_space<vmem>>, vector<16xi32>,
      %and3A_1990 = arith.andi %get3A_1989, %broadcast_in_dim3A_1 : vector<16xi32>
      %swap3A_1991 = arith.constant 1 : i32
      %swap3A_1992 = arith.index_cast %swap3A_1991 : i32 to index
      %swap3A_1993 = arith.constant 64 : index
      %swap3A_1994 = tpu.vector_load %arg13[%swap3A_1992, %swap3A_1993] {strides = array<i32>} : memref<8x128xi32, #tpu.memory_space<vmem>>, vector<16xi32>,
      tpu.vector_store %arg13[%swap3A_1992, %swap3A_1993], %and3A_1990 {strides = array<i32>} : memref<8x128xi32, #tpu.memory_space<vmem>>, vector<16xi32>,
      %get3A_1995 = arith.index_cast %add3A_1954 : i32 to index
      %get3A_1996 = arith.constant 80 : index
      %get3A_1997 = tpu.vector_load %arg12[%get3A_1995, %get3A_1996] {strides = array<i32>} : memref<80x128xi32, #tpu.memory_space<vmem>>, vector<16xi32>,
      %and3A_1998 = arith.andi %get3A_1997, %broadcast_in_dim3A_1 : vector<16xi32>
      %swap3A_1999 = arith.constant 1 : i32
      %swap3A_2000 = arith.index_cast %swap3A_1999 : i32 to index
      %swap3A_2001 = arith.constant 80 : index
      %swap3A_2002 = tpu.vector_load %arg13[%swap3A_2000, %swap3A_2001] {strides = array<i32>} : memref<8x128xi32, #tpu.memory_space<vmem>>, vector<16xi32>,
      tpu.vector_store %arg13[%swap3A_2000, %swap3A_2001], %and3A_1998 {strides = array<i32>} : memref<8x128xi32, #tpu.memory_space<vmem>>, vector<16xi32>,
      %get3A_2003 = arith.index_cast %add3A_1954 : i32 to index
      %get3A_2004 = arith.constant 96 : index
      %get3A_2005 = tpu.vector_load %arg12[%get3A_2003, %get3A_2004] {strides = array<i32>} : memref<80x128xi32, #tpu.memory_space<vmem>>, vector<16xi32>,
      %and3A_2006 = arith.andi %get3A_2005, %broadcast_in_dim3A_1 : vector<16xi32>
      %swap3A_2007 = arith.constant 1 : i32
      %swap3A_2008 = arith.index_cast %swap3A_2007 : i32 to index
      %swap3A_2009 = arith.constant 96 : index
      %swap3A_2010 = tpu.vector_load %arg13[%swap3A_2008, %swap3A_2009] {strides = array<i32>} : memref<8x128xi32, #tpu.memory_space<vmem>>, vector<16xi32>,
      tpu.vector_store %arg13[%swap3A_2008, %swap3A_2009], %and3A_2006 {strides = array<i32>} : memref<8x128xi32, #tpu.memory_space<vmem>>, vector<16xi32>,
      %get3A_2011 = arith.index_cast %add3A_1954 : i32 to index
      %get3A_2012 = arith.constant 112 : index
      %get3A_2013 = tpu.vector_load %arg12[%get3A_2011, %get3A_2012] {strides = array<i32>} : memref<80x128xi32, #tpu.memory_space<vmem>>, vector<16xi32>,
      %and3A_2014 = arith.andi %get3A_2013, %broadcast_in_dim3A_1 : vector<16xi32>
      %swap3A_2015 = arith.constant 1 : i32
      %swap3A_2016 = arith.index_cast %swap3A_2015 : i32 to index
      %swap3A_2017 = arith.constant 112 : index
      %swap3A_2018 = tpu.vector_load %arg13[%swap3A_2016, %swap3A_2017] {strides = array<i32>} : memref<8x128xi32, #tpu.memory_space<vmem>>, vector<16xi32>,
      tpu.vector_store %arg13[%swap3A_2016, %swap3A_2017], %and3A_2014 {strides = array<i32>} : memref<8x128xi32, #tpu.memory_space<vmem>>, vector<16xi32>,
      %eq3A_2019 = arith.constant 0 : i32
      %eq3A_2020 = arith.cmpi eq, %arg0, %eq3A_2019 : i32
      %convert_element_type3A_2021 = arith.extui %eq3A_2020 : i1 to i32
      %cond3A_2022 = arith.constant 0 : i32
      %cond3A_2023 = arith.cmpi ne, %convert_element_type3A_2021, %cond3A_2022 : i32
      scf.if %cond3A_2023 {
        %dma_start3A_3187 = arith.constant 1 : i32
        %dma_start3A_3188 = arith.constant 0 : i32
        %dma_start3A_3189 = tpu.memref_slice %arg13[%dma_start3A_3187, %dma_start3A_3188] : memref<8x128xi32, #tpu.memory_space<vmem>> -> memref<1x128xi32, #tpu.memory_space<vmem>>
        %dma_start3A_3190 = tpu.memref_squeeze %dma_start3A_3189 : memref<1x128xi32, #tpu.memory_space<vmem>> -> memref<128xi32, #tpu.memory_space<vmem>>
        %dma_start3A_3191 = arith.constant 0 : i32
        %dma_start3A_3192 = arith.constant 0 : i32
        %dma_start3A_3193 = tpu.memref_slice %arg2[%dma_start3A_3191, %dma_start3A_3192] : memref<10000x128xbf16, #tpu.memory_space<hbm>> -> memref<10000x128xbf16, #tpu.memory_space<hbm>>
        tpu.enqueue_indirect_dma source(%dma_start3A_3193 : memref<10000x128xbf16, #tpu.memory_space<hbm>>) target(%arg16 : memref<128x128xbf16, #tpu.memory_space<vmem>>) offsets(%dma_start3A_3190 : memref<128xi32, #tpu.memory_space<vmem>>) semaphore(%arg24 : memref<!tpu.dma_semaphore, #tpu.memory_space<semaphore_mem>>)
      } else {
      }
      %eq3A_2024 = arith.constant 1 : i32
      %eq3A_2025 = arith.cmpi eq, %arg0, %eq3A_2024 : i32
      %convert_element_type3A_2026 = arith.extui %eq3A_2025 : i1 to i32
      %cond3A_2027 = arith.constant 0 : i32
      %cond3A_2028 = arith.cmpi ne, %convert_element_type3A_2026, %cond3A_2027 : i32
      scf.if %cond3A_2028 {
        %dma_start3A_3187 = arith.constant 1 : i32
        %dma_start3A_3188 = arith.constant 0 : i32
        %dma_start3A_3189 = tpu.memref_slice %arg13[%dma_start3A_3187, %dma_start3A_3188] : memref<8x128xi32, #tpu.memory_space<vmem>> -> memref<1x128xi32, #tpu.memory_space<vmem>>
        %dma_start3A_3190 = tpu.memref_squeeze %dma_start3A_3189 : memref<1x128xi32, #tpu.memory_space<vmem>> -> memref<128xi32, #tpu.memory_space<vmem>>
        %dma_start3A_3191 = arith.constant 0 : i32
        %dma_start3A_3192 = arith.constant 0 : i32
        %dma_start3A_3193 = tpu.memref_slice %arg3[%dma_start3A_3191, %dma_start3A_3192] : memref<10000x128xbf16, #tpu.memory_space<hbm>> -> memref<10000x128xbf16, #tpu.memory_space<hbm>>
        tpu.enqueue_indirect_dma source(%dma_start3A_3193 : memref<10000x128xbf16, #tpu.memory_space<hbm>>) target(%arg16 : memref<128x128xbf16, #tpu.memory_space<vmem>>) offsets(%dma_start3A_3190 : memref<128xi32, #tpu.memory_space<vmem>>) semaphore(%arg24 : memref<!tpu.dma_semaphore, #tpu.memory_space<semaphore_mem>>)
      } else {
      }
      %add3A_2029 = arith.constant 2 : i32
      %add3A_2030 = arith.addi %add3A_1642, %add3A_2029 : i32
      %dma_wait3A_2031 = arith.constant 6 : i32
      %dma_wait3A_2032 = arith.constant 0 : i32
      %dma_wait3A_2033 = tpu.memref_slice %arg13[%dma_wait3A_2031, %dma_wait3A_2032] : memref<8x128xi32, #tpu.memory_space<vmem>> -> memref<1x128xi32, #tpu.memory_space<vmem>>
      %dma_wait3A_2034 = tpu.memref_squeeze %dma_wait3A_2033 : memref<1x128xi32, #tpu.memory_space<vmem>> -> memref<128xi32, #tpu.memory_space<vmem>>
      %dma_wait3A_2035 = arith.constant 0 : i32
      %dma_wait3A_2036 = arith.constant 0 : i32
      %dma_wait3A_2037 = tpu.memref_slice %arg2[%dma_wait3A_2035, %dma_wait3A_2036] : memref<10000x128xbf16, #tpu.memory_space<hbm>> -> memref<10000x128xbf16, #tpu.memory_space<hbm>>
      tpu.wait_indirect_dma semaphore(%arg29 : memref<!tpu.dma_semaphore, #tpu.memory_space<semaphore_mem>>) src(%dma_wait3A_2037 : memref<10000x128xbf16, #tpu.memory_space<hbm>>) dst(%arg21 : memref<128x128xbf16, #tpu.memory_space<vmem>>)
      %get3A_2038 = arith.index_cast %add3A_2030 : i32 to index
      %get3A_2039 = arith.constant 0 : index
      %get3A_2040 = tpu.vector_load %arg12[%get3A_2038, %get3A_2039] {strides = array<i32>} : memref<80x128xi32, #tpu.memory_space<vmem>>, vector<16xi32>,
      %shift_right_logical3A_2041 = arith.constant 16 : i32
      %shift_right_logical3A_2042 = vector.broadcast %shift_right_logical3A_2041 : i32 to vector<16xi32>
      %shift_right_logical3A_2043 = arith.shrui %get3A_2040, %shift_right_logical3A_2042 : vector<16xi32>
      %swap3A_2044 = arith.constant 6 : i32
      %swap3A_2045 = arith.index_cast %swap3A_2044 : i32 to index
      %swap3A_2046 = arith.constant 0 : index
      %swap3A_2047 = tpu.vector_load %arg14[%swap3A_2045, %swap3A_2046] {strides = array<i32>} : memref<8x128xi32, #tpu.memory_space<vmem>>, vector<16xi32>,
      tpu.vector_store %arg14[%swap3A_2045, %swap3A_2046], %shift_right_logical3A_2043 {strides = array<i32>} : memref<8x128xi32, #tpu.memory_space<vmem>>, vector<16xi32>,
      %get3A_2048 = arith.index_cast %add3A_2030 : i32 to index
      %get3A_2049 = arith.constant 16 : index
      %get3A_2050 = tpu.vector_load %arg12[%get3A_2048, %get3A_2049] {strides = array<i32>} : memref<80x128xi32, #tpu.memory_space<vmem>>, vector<16xi32>,
      %shift_right_logical3A_2051 = arith.constant 16 : i32
      %shift_right_logical3A_2052 = vector.broadcast %shift_right_logical3A_2051 : i32 to vector<16xi32>
      %shift_right_logical3A_2053 = arith.shrui %get3A_2050, %shift_right_logical3A_2052 : vector<16xi32>
      %swap3A_2054 = arith.constant 6 : i32
      %swap3A_2055 = arith.index_cast %swap3A_2054 : i32 to index
      %swap3A_2056 = arith.constant 16 : index
      %swap3A_2057 = tpu.vector_load %arg14[%swap3A_2055, %swap3A_2056] {strides = array<i32>} : memref<8x128xi32, #tpu.memory_space<vmem>>, vector<16xi32>,
      tpu.vector_store %arg14[%swap3A_2055, %swap3A_2056], %shift_right_logical3A_2053 {strides = array<i32>} : memref<8x128xi32, #tpu.memory_space<vmem>>, vector<16xi32>,
      %get3A_2058 = arith.index_cast %add3A_2030 : i32 to index
      %get3A_2059 = arith.constant 32 : index
      %get3A_2060 = tpu.vector_load %arg12[%get3A_2058, %get3A_2059] {strides = array<i32>} : memref<80x128xi32, #tpu.memory_space<vmem>>, vector<16xi32>,
      %shift_right_logical3A_2061 = arith.constant 16 : i32
      %shift_right_logical3A_2062 = vector.broadcast %shift_right_logical3A_2061 : i32 to vector<16xi32>
      %shift_right_logical3A_2063 = arith.shrui %get3A_2060, %shift_right_logical3A_2062 : vector<16xi32>
      %swap3A_2064 = arith.constant 6 : i32
      %swap3A_2065 = arith.index_cast %swap3A_2064 : i32 to index
      %swap3A_2066 = arith.constant 32 : index
      %swap3A_2067 = tpu.vector_load %arg14[%swap3A_2065, %swap3A_2066] {strides = array<i32>} : memref<8x128xi32, #tpu.memory_space<vmem>>, vector<16xi32>,
      tpu.vector_store %arg14[%swap3A_2065, %swap3A_2066], %shift_right_logical3A_2063 {strides = array<i32>} : memref<8x128xi32, #tpu.memory_space<vmem>>, vector<16xi32>,
      %get3A_2068 = arith.index_cast %add3A_2030 : i32 to index
      %get3A_2069 = arith.constant 48 : index
      %get3A_2070 = tpu.vector_load %arg12[%get3A_2068, %get3A_2069] {strides = array<i32>} : memref<80x128xi32, #tpu.memory_space<vmem>>, vector<16xi32>,
      %shift_right_logical3A_2071 = arith.constant 16 : i32
      %shift_right_logical3A_2072 = vector.broadcast %shift_right_logical3A_2071 : i32 to vector<16xi32>
      %shift_right_logical3A_2073 = arith.shrui %get3A_2070, %shift_right_logical3A_2072 : vector<16xi32>
      %swap3A_2074 = arith.constant 6 : i32
      %swap3A_2075 = arith.index_cast %swap3A_2074 : i32 to index
      %swap3A_2076 = arith.constant 48 : index
      %swap3A_2077 = tpu.vector_load %arg14[%swap3A_2075, %swap3A_2076] {strides = array<i32>} : memref<8x128xi32, #tpu.memory_space<vmem>>, vector<16xi32>,
      tpu.vector_store %arg14[%swap3A_2075, %swap3A_2076], %shift_right_logical3A_2073 {strides = array<i32>} : memref<8x128xi32, #tpu.memory_space<vmem>>, vector<16xi32>,
      %get3A_2078 = arith.index_cast %add3A_2030 : i32 to index
      %get3A_2079 = arith.constant 64 : index
      %get3A_2080 = tpu.vector_load %arg12[%get3A_2078, %get3A_2079] {strides = array<i32>} : memref<80x128xi32, #tpu.memory_space<vmem>>, vector<16xi32>,
      %shift_right_logical3A_2081 = arith.constant 16 : i32
      %shift_right_logical3A_2082 = vector.broadcast %shift_right_logical3A_2081 : i32 to vector<16xi32>
      %shift_right_logical3A_2083 = arith.shrui %get3A_2080, %shift_right_logical3A_2082 : vector<16xi32>
      %swap3A_2084 = arith.constant 6 : i32
      %swap3A_2085 = arith.index_cast %swap3A_2084 : i32 to index
      %swap3A_2086 = arith.constant 64 : index
      %swap3A_2087 = tpu.vector_load %arg14[%swap3A_2085, %swap3A_2086] {strides = array<i32>} : memref<8x128xi32, #tpu.memory_space<vmem>>, vector<16xi32>,
      tpu.vector_store %arg14[%swap3A_2085, %swap3A_2086], %shift_right_logical3A_2083 {strides = array<i32>} : memref<8x128xi32, #tpu.memory_space<vmem>>, vector<16xi32>,
      %get3A_2088 = arith.index_cast %add3A_2030 : i32 to index
      %get3A_2089 = arith.constant 80 : index
      %get3A_2090 = tpu.vector_load %arg12[%get3A_2088, %get3A_2089] {strides = array<i32>} : memref<80x128xi32, #tpu.memory_space<vmem>>, vector<16xi32>,
      %shift_right_logical3A_2091 = arith.constant 16 : i32
      %shift_right_logical3A_2092 = vector.broadcast %shift_right_logical3A_2091 : i32 to vector<16xi32>
      %shift_right_logical3A_2093 = arith.shrui %get3A_2090, %shift_right_logical3A_2092 : vector<16xi32>
      %swap3A_2094 = arith.constant 6 : i32
      %swap3A_2095 = arith.index_cast %swap3A_2094 : i32 to index
      %swap3A_2096 = arith.constant 80 : index
      %swap3A_2097 = tpu.vector_load %arg14[%swap3A_2095, %swap3A_2096] {strides = array<i32>} : memref<8x128xi32, #tpu.memory_space<vmem>>, vector<16xi32>,
      tpu.vector_store %arg14[%swap3A_2095, %swap3A_2096], %shift_right_logical3A_2093 {strides = array<i32>} : memref<8x128xi32, #tpu.memory_space<vmem>>, vector<16xi32>,
      %get3A_2098 = arith.index_cast %add3A_2030 : i32 to index
      %get3A_2099 = arith.constant 96 : index
      %get3A_2100 = tpu.vector_load %arg12[%get3A_2098, %get3A_2099] {strides = array<i32>} : memref<80x128xi32, #tpu.memory_space<vmem>>, vector<16xi32>,
      %shift_right_logical3A_2101 = arith.constant 16 : i32
      %shift_right_logical3A_2102 = vector.broadcast %shift_right_logical3A_2101 : i32 to vector<16xi32>
      %shift_right_logical3A_2103 = arith.shrui %get3A_2100, %shift_right_logical3A_2102 : vector<16xi32>
      %swap3A_2104 = arith.constant 6 : i32
      %swap3A_2105 = arith.index_cast %swap3A_2104 : i32 to index
      %swap3A_2106 = arith.constant 96 : index
      %swap3A_2107 = tpu.vector_load %arg14[%swap3A_2105, %swap3A_2106] {strides = array<i32>} : memref<8x128xi32, #tpu.memory_space<vmem>>, vector<16xi32>,
      tpu.vector_store %arg14[%swap3A_2105, %swap3A_2106], %shift_right_logical3A_2103 {strides = array<i32>} : memref<8x128xi32, #tpu.memory_space<vmem>>, vector<16xi32>,
      %get3A_2108 = arith.index_cast %add3A_2030 : i32 to index
      %get3A_2109 = arith.constant 112 : index
      %get3A_2110 = tpu.vector_load %arg12[%get3A_2108, %get3A_2109] {strides = array<i32>} : memref<80x128xi32, #tpu.memory_space<vmem>>, vector<16xi32>,
      %shift_right_logical3A_2111 = arith.constant 16 : i32
      %shift_right_logical3A_2112 = vector.broadcast %shift_right_logical3A_2111 : i32 to vector<16xi32>
      %shift_right_logical3A_2113 = arith.shrui %get3A_2110, %shift_right_logical3A_2112 : vector<16xi32>
      %swap3A_2114 = arith.constant 6 : i32
      %swap3A_2115 = arith.index_cast %swap3A_2114 : i32 to index
      %swap3A_2116 = arith.constant 112 : index
      %swap3A_2117 = tpu.vector_load %arg14[%swap3A_2115, %swap3A_2116] {strides = array<i32>} : memref<8x128xi32, #tpu.memory_space<vmem>>, vector<16xi32>,
      tpu.vector_store %arg14[%swap3A_2115, %swap3A_2116], %shift_right_logical3A_2113 {strides = array<i32>} : memref<8x128xi32, #tpu.memory_space<vmem>>, vector<16xi32>,
      %dma_start3A_2118 = arith.constant 6 : i32
      %dma_start3A_2119 = arith.constant 0 : i32
      %dma_start3A_2120 = tpu.memref_slice %arg14[%dma_start3A_2118, %dma_start3A_2119] : memref<8x128xi32, #tpu.memory_space<vmem>> -> memref<1x128xi32, #tpu.memory_space<vmem>>
      %dma_start3A_2121 = tpu.memref_squeeze %dma_start3A_2120 : memref<1x128xi32, #tpu.memory_space<vmem>> -> memref<128xi32, #tpu.memory_space<vmem>>
      %dma_start3A_2122 = arith.constant 0 : i32
      %dma_start3A_2123 = arith.constant 0 : i32
      %dma_start3A_2124 = tpu.memref_slice %arg10[%dma_start3A_2122, %dma_start3A_2123] : memref<10112x128xbf16, #tpu.memory_space<vmem_shared>> -> memref<10112x128xbf16, #tpu.memory_space<vmem_shared>>
      tpu.enqueue_indirect_dma source(%arg21 : memref<128x128xbf16, #tpu.memory_space<vmem>>) target(%dma_start3A_2124 : memref<10112x128xbf16, #tpu.memory_space<vmem_shared>>) offsets(%dma_start3A_2121 : memref<128xi32, #tpu.memory_space<vmem>>) semaphore(%arg37 : memref<!tpu.dma_semaphore, #tpu.memory_space<semaphore_mem>>) {add = true}
      %dma_start3A_2125 = arith.constant 6 : i32
      %dma_start3A_2126 = arith.constant 0 : i32
      %dma_start3A_2127 = tpu.memref_slice %arg14[%dma_start3A_2125, %dma_start3A_2126] : memref<8x128xi32, #tpu.memory_space<vmem>> -> memref<1x128xi32, #tpu.memory_space<vmem>>
      %dma_start3A_2128 = tpu.memref_squeeze %dma_start3A_2127 : memref<1x128xi32, #tpu.memory_space<vmem>> -> memref<128xi32, #tpu.memory_space<vmem>>
      %dma_start3A_2129 = arith.constant 0 : i32
      %dma_start3A_2130 = arith.constant 0 : i32
      %dma_start3A_2131 = tpu.memref_slice %arg11[%dma_start3A_2129, %dma_start3A_2130] : memref<10112x16xf32, #tpu.memory_space<vmem_shared>> -> memref<10112x16xf32, #tpu.memory_space<vmem_shared>>
      tpu.enqueue_indirect_dma source(%arg39 : memref<128x16xf32, #tpu.memory_space<vmem>>) target(%dma_start3A_2131 : memref<10112x16xf32, #tpu.memory_space<vmem_shared>>) offsets(%dma_start3A_2128 : memref<128xi32, #tpu.memory_space<vmem>>) semaphore(%arg37 : memref<!tpu.dma_semaphore, #tpu.memory_space<semaphore_mem>>) {add = true}
      %dma_wait3A_2132 = arith.constant 2 : i32
      %dma_wait3A_2133 = arith.constant 0 : i32
      %dma_wait3A_2134 = tpu.memref_slice %arg14[%dma_wait3A_2132, %dma_wait3A_2133] : memref<8x128xi32, #tpu.memory_space<vmem>> -> memref<1x128xi32, #tpu.memory_space<vmem>>
      %dma_wait3A_2135 = tpu.memref_squeeze %dma_wait3A_2134 : memref<1x128xi32, #tpu.memory_space<vmem>> -> memref<128xi32, #tpu.memory_space<vmem>>
      %dma_wait3A_2136 = arith.constant 0 : i32
      %dma_wait3A_2137 = arith.constant 0 : i32
      %dma_wait3A_2138 = tpu.memref_slice %arg10[%dma_wait3A_2136, %dma_wait3A_2137] : memref<10112x128xbf16, #tpu.memory_space<vmem_shared>> -> memref<10112x128xbf16, #tpu.memory_space<vmem_shared>>
      tpu.wait_indirect_dma semaphore(%arg33 : memref<!tpu.dma_semaphore, #tpu.memory_space<semaphore_mem>>) src(%arg17 : memref<128x128xbf16, #tpu.memory_space<vmem>>) dst(%dma_wait3A_2138 : memref<10112x128xbf16, #tpu.memory_space<vmem_shared>>)
      %dma_wait3A_2139 = arith.constant 2 : i32
      %dma_wait3A_2140 = arith.constant 0 : i32
      %dma_wait3A_2141 = tpu.memref_slice %arg14[%dma_wait3A_2139, %dma_wait3A_2140] : memref<8x128xi32, #tpu.memory_space<vmem>> -> memref<1x128xi32, #tpu.memory_space<vmem>>
      %dma_wait3A_2142 = tpu.memref_squeeze %dma_wait3A_2141 : memref<1x128xi32, #tpu.memory_space<vmem>> -> memref<128xi32, #tpu.memory_space<vmem>>
      %dma_wait3A_2143 = arith.constant 0 : i32
      %dma_wait3A_2144 = arith.constant 0 : i32
      %dma_wait3A_2145 = tpu.memref_slice %arg11[%dma_wait3A_2143, %dma_wait3A_2144] : memref<10112x16xf32, #tpu.memory_space<vmem_shared>> -> memref<10112x16xf32, #tpu.memory_space<vmem_shared>>
      tpu.wait_indirect_dma semaphore(%arg33 : memref<!tpu.dma_semaphore, #tpu.memory_space<semaphore_mem>>) src(%arg39 : memref<128x16xf32, #tpu.memory_space<vmem>>) dst(%dma_wait3A_2145 : memref<10112x16xf32, #tpu.memory_space<vmem_shared>>)
      %add3A_2146 = arith.constant 4 : i32
      %add3A_2147 = arith.addi %add3A_2030, %add3A_2146 : i32
      %get3A_2148 = arith.index_cast %add3A_2147 : i32 to index
      %get3A_2149 = arith.constant 0 : index
      %get3A_2150 = tpu.vector_load %arg12[%get3A_2148, %get3A_2149] {strides = array<i32>} : memref<80x128xi32, #tpu.memory_space<vmem>>, vector<16xi32>,
      %and3A_2151 = arith.andi %get3A_2150, %broadcast_in_dim3A_1 : vector<16xi32>
      %swap3A_2152 = arith.constant 2 : i32
      %swap3A_2153 = arith.index_cast %swap3A_2152 : i32 to index
      %swap3A_2154 = arith.constant 0 : index
      %swap3A_2155 = tpu.vector_load %arg13[%swap3A_2153, %swap3A_2154] {strides = array<i32>} : memref<8x128xi32, #tpu.memory_space<vmem>>, vector<16xi32>,
      tpu.vector_store %arg13[%swap3A_2153, %swap3A_2154], %and3A_2151 {strides = array<i32>} : memref<8x128xi32, #tpu.memory_space<vmem>>, vector<16xi32>,
      %get3A_2156 = arith.index_cast %add3A_2147 : i32 to index
      %get3A_2157 = arith.constant 16 : index
      %get3A_2158 = tpu.vector_load %arg12[%get3A_2156, %get3A_2157] {strides = array<i32>} : memref<80x128xi32, #tpu.memory_space<vmem>>, vector<16xi32>,
      %and3A_2159 = arith.andi %get3A_2158, %broadcast_in_dim3A_1 : vector<16xi32>
      %swap3A_2160 = arith.constant 2 : i32
      %swap3A_2161 = arith.index_cast %swap3A_2160 : i32 to index
      %swap3A_2162 = arith.constant 16 : index
      %swap3A_2163 = tpu.vector_load %arg13[%swap3A_2161, %swap3A_2162] {strides = array<i32>} : memref<8x128xi32, #tpu.memory_space<vmem>>, vector<16xi32>,
      tpu.vector_store %arg13[%swap3A_2161, %swap3A_2162], %and3A_2159 {strides = array<i32>} : memref<8x128xi32, #tpu.memory_space<vmem>>, vector<16xi32>,
      %get3A_2164 = arith.index_cast %add3A_2147 : i32 to index
      %get3A_2165 = arith.constant 32 : index
      %get3A_2166 = tpu.vector_load %arg12[%get3A_2164, %get3A_2165] {strides = array<i32>} : memref<80x128xi32, #tpu.memory_space<vmem>>, vector<16xi32>,
      %and3A_2167 = arith.andi %get3A_2166, %broadcast_in_dim3A_1 : vector<16xi32>
      %swap3A_2168 = arith.constant 2 : i32
      %swap3A_2169 = arith.index_cast %swap3A_2168 : i32 to index
      %swap3A_2170 = arith.constant 32 : index
      %swap3A_2171 = tpu.vector_load %arg13[%swap3A_2169, %swap3A_2170] {strides = array<i32>} : memref<8x128xi32, #tpu.memory_space<vmem>>, vector<16xi32>,
      tpu.vector_store %arg13[%swap3A_2169, %swap3A_2170], %and3A_2167 {strides = array<i32>} : memref<8x128xi32, #tpu.memory_space<vmem>>, vector<16xi32>,
      %get3A_2172 = arith.index_cast %add3A_2147 : i32 to index
      %get3A_2173 = arith.constant 48 : index
      %get3A_2174 = tpu.vector_load %arg12[%get3A_2172, %get3A_2173] {strides = array<i32>} : memref<80x128xi32, #tpu.memory_space<vmem>>, vector<16xi32>,
      %and3A_2175 = arith.andi %get3A_2174, %broadcast_in_dim3A_1 : vector<16xi32>
      %swap3A_2176 = arith.constant 2 : i32
      %swap3A_2177 = arith.index_cast %swap3A_2176 : i32 to index
      %swap3A_2178 = arith.constant 48 : index
      %swap3A_2179 = tpu.vector_load %arg13[%swap3A_2177, %swap3A_2178] {strides = array<i32>} : memref<8x128xi32, #tpu.memory_space<vmem>>, vector<16xi32>,
      tpu.vector_store %arg13[%swap3A_2177, %swap3A_2178], %and3A_2175 {strides = array<i32>} : memref<8x128xi32, #tpu.memory_space<vmem>>, vector<16xi32>,
      %get3A_2180 = arith.index_cast %add3A_2147 : i32 to index
      %get3A_2181 = arith.constant 64 : index
      %get3A_2182 = tpu.vector_load %arg12[%get3A_2180, %get3A_2181] {strides = array<i32>} : memref<80x128xi32, #tpu.memory_space<vmem>>, vector<16xi32>,
      %and3A_2183 = arith.andi %get3A_2182, %broadcast_in_dim3A_1 : vector<16xi32>
      %swap3A_2184 = arith.constant 2 : i32
      %swap3A_2185 = arith.index_cast %swap3A_2184 : i32 to index
      %swap3A_2186 = arith.constant 64 : index
      %swap3A_2187 = tpu.vector_load %arg13[%swap3A_2185, %swap3A_2186] {strides = array<i32>} : memref<8x128xi32, #tpu.memory_space<vmem>>, vector<16xi32>,
      tpu.vector_store %arg13[%swap3A_2185, %swap3A_2186], %and3A_2183 {strides = array<i32>} : memref<8x128xi32, #tpu.memory_space<vmem>>, vector<16xi32>,
      %get3A_2188 = arith.index_cast %add3A_2147 : i32 to index
      %get3A_2189 = arith.constant 80 : index
      %get3A_2190 = tpu.vector_load %arg12[%get3A_2188, %get3A_2189] {strides = array<i32>} : memref<80x128xi32, #tpu.memory_space<vmem>>, vector<16xi32>,
      %and3A_2191 = arith.andi %get3A_2190, %broadcast_in_dim3A_1 : vector<16xi32>
      %swap3A_2192 = arith.constant 2 : i32
      %swap3A_2193 = arith.index_cast %swap3A_2192 : i32 to index
      %swap3A_2194 = arith.constant 80 : index
      %swap3A_2195 = tpu.vector_load %arg13[%swap3A_2193, %swap3A_2194] {strides = array<i32>} : memref<8x128xi32, #tpu.memory_space<vmem>>, vector<16xi32>,
      tpu.vector_store %arg13[%swap3A_2193, %swap3A_2194], %and3A_2191 {strides = array<i32>} : memref<8x128xi32, #tpu.memory_space<vmem>>, vector<16xi32>,
      %get3A_2196 = arith.index_cast %add3A_2147 : i32 to index
      %get3A_2197 = arith.constant 96 : index
      %get3A_2198 = tpu.vector_load %arg12[%get3A_2196, %get3A_2197] {strides = array<i32>} : memref<80x128xi32, #tpu.memory_space<vmem>>, vector<16xi32>,
      %and3A_2199 = arith.andi %get3A_2198, %broadcast_in_dim3A_1 : vector<16xi32>
      %swap3A_2200 = arith.constant 2 : i32
      %swap3A_2201 = arith.index_cast %swap3A_2200 : i32 to index
      %swap3A_2202 = arith.constant 96 : index
      %swap3A_2203 = tpu.vector_load %arg13[%swap3A_2201, %swap3A_2202] {strides = array<i32>} : memref<8x128xi32, #tpu.memory_space<vmem>>, vector<16xi32>,
      tpu.vector_store %arg13[%swap3A_2201, %swap3A_2202], %and3A_2199 {strides = array<i32>} : memref<8x128xi32, #tpu.memory_space<vmem>>, vector<16xi32>,
      %get3A_2204 = arith.index_cast %add3A_2147 : i32 to index
      %get3A_2205 = arith.constant 112 : index
      %get3A_2206 = tpu.vector_load %arg12[%get3A_2204, %get3A_2205] {strides = array<i32>} : memref<80x128xi32, #tpu.memory_space<vmem>>, vector<16xi32>,
      %and3A_2207 = arith.andi %get3A_2206, %broadcast_in_dim3A_1 : vector<16xi32>
      %swap3A_2208 = arith.constant 2 : i32
      %swap3A_2209 = arith.index_cast %swap3A_2208 : i32 to index
      %swap3A_2210 = arith.constant 112 : index
      %swap3A_2211 = tpu.vector_load %arg13[%swap3A_2209, %swap3A_2210] {strides = array<i32>} : memref<8x128xi32, #tpu.memory_space<vmem>>, vector<16xi32>,
      tpu.vector_store %arg13[%swap3A_2209, %swap3A_2210], %and3A_2207 {strides = array<i32>} : memref<8x128xi32, #tpu.memory_space<vmem>>, vector<16xi32>,
      %eq3A_2212 = arith.constant 0 : i32
      %eq3A_2213 = arith.cmpi eq, %arg0, %eq3A_2212 : i32
      %convert_element_type3A_2214 = arith.extui %eq3A_2213 : i1 to i32
      %cond3A_2215 = arith.constant 0 : i32
      %cond3A_2216 = arith.cmpi ne, %convert_element_type3A_2214, %cond3A_2215 : i32
      scf.if %cond3A_2216 {
        %dma_start3A_3187 = arith.constant 2 : i32
        %dma_start3A_3188 = arith.constant 0 : i32
        %dma_start3A_3189 = tpu.memref_slice %arg13[%dma_start3A_3187, %dma_start3A_3188] : memref<8x128xi32, #tpu.memory_space<vmem>> -> memref<1x128xi32, #tpu.memory_space<vmem>>
        %dma_start3A_3190 = tpu.memref_squeeze %dma_start3A_3189 : memref<1x128xi32, #tpu.memory_space<vmem>> -> memref<128xi32, #tpu.memory_space<vmem>>
        %dma_start3A_3191 = arith.constant 0 : i32
        %dma_start3A_3192 = arith.constant 0 : i32
        %dma_start3A_3193 = tpu.memref_slice %arg2[%dma_start3A_3191, %dma_start3A_3192] : memref<10000x128xbf16, #tpu.memory_space<hbm>> -> memref<10000x128xbf16, #tpu.memory_space<hbm>>
        tpu.enqueue_indirect_dma source(%dma_start3A_3193 : memref<10000x128xbf16, #tpu.memory_space<hbm>>) target(%arg17 : memref<128x128xbf16, #tpu.memory_space<vmem>>) offsets(%dma_start3A_3190 : memref<128xi32, #tpu.memory_space<vmem>>) semaphore(%arg25 : memref<!tpu.dma_semaphore, #tpu.memory_space<semaphore_mem>>)
      } else {
      }
      %eq3A_2217 = arith.constant 1 : i32
      %eq3A_2218 = arith.cmpi eq, %arg0, %eq3A_2217 : i32
      %convert_element_type3A_2219 = arith.extui %eq3A_2218 : i1 to i32
      %cond3A_2220 = arith.constant 0 : i32
      %cond3A_2221 = arith.cmpi ne, %convert_element_type3A_2219, %cond3A_2220 : i32
      scf.if %cond3A_2221 {
        %dma_start3A_3187 = arith.constant 2 : i32
        %dma_start3A_3188 = arith.constant 0 : i32
        %dma_start3A_3189 = tpu.memref_slice %arg13[%dma_start3A_3187, %dma_start3A_3188] : memref<8x128xi32, #tpu.memory_space<vmem>> -> memref<1x128xi32, #tpu.memory_space<vmem>>
        %dma_start3A_3190 = tpu.memref_squeeze %dma_start3A_3189 : memref<1x128xi32, #tpu.memory_space<vmem>> -> memref<128xi32, #tpu.memory_space<vmem>>
        %dma_start3A_3191 = arith.constant 0 : i32
        %dma_start3A_3192 = arith.constant 0 : i32
        %dma_start3A_3193 = tpu.memref_slice %arg3[%dma_start3A_3191, %dma_start3A_3192] : memref<10000x128xbf16, #tpu.memory_space<hbm>> -> memref<10000x128xbf16, #tpu.memory_space<hbm>>
        tpu.enqueue_indirect_dma source(%dma_start3A_3193 : memref<10000x128xbf16, #tpu.memory_space<hbm>>) target(%arg17 : memref<128x128xbf16, #tpu.memory_space<vmem>>) offsets(%dma_start3A_3190 : memref<128xi32, #tpu.memory_space<vmem>>) semaphore(%arg25 : memref<!tpu.dma_semaphore, #tpu.memory_space<semaphore_mem>>)
      } else {
      }
      %add3A_2222 = arith.constant 3 : i32
      %add3A_2223 = arith.addi %add3A_1642, %add3A_2222 : i32
      %dma_wait3A_2224 = arith.constant 7 : i32
      %dma_wait3A_2225 = arith.constant 0 : i32
      %dma_wait3A_2226 = tpu.memref_slice %arg13[%dma_wait3A_2224, %dma_wait3A_2225] : memref<8x128xi32, #tpu.memory_space<vmem>> -> memref<1x128xi32, #tpu.memory_space<vmem>>
      %dma_wait3A_2227 = tpu.memref_squeeze %dma_wait3A_2226 : memref<1x128xi32, #tpu.memory_space<vmem>> -> memref<128xi32, #tpu.memory_space<vmem>>
      %dma_wait3A_2228 = arith.constant 0 : i32
      %dma_wait3A_2229 = arith.constant 0 : i32
      %dma_wait3A_2230 = tpu.memref_slice %arg2[%dma_wait3A_2228, %dma_wait3A_2229] : memref<10000x128xbf16, #tpu.memory_space<hbm>> -> memref<10000x128xbf16, #tpu.memory_space<hbm>>
      tpu.wait_indirect_dma semaphore(%arg30 : memref<!tpu.dma_semaphore, #tpu.memory_space<semaphore_mem>>) src(%dma_wait3A_2230 : memref<10000x128xbf16, #tpu.memory_space<hbm>>) dst(%arg22 : memref<128x128xbf16, #tpu.memory_space<vmem>>)
      %get3A_2231 = arith.index_cast %add3A_2223 : i32 to index
      %get3A_2232 = arith.constant 0 : index
      %get3A_2233 = tpu.vector_load %arg12[%get3A_2231, %get3A_2232] {strides = array<i32>} : memref<80x128xi32, #tpu.memory_space<vmem>>, vector<16xi32>,
      %shift_right_logical3A_2234 = arith.constant 16 : i32
      %shift_right_logical3A_2235 = vector.broadcast %shift_right_logical3A_2234 : i32 to vector<16xi32>
      %shift_right_logical3A_2236 = arith.shrui %get3A_2233, %shift_right_logical3A_2235 : vector<16xi32>
      %swap3A_2237 = arith.constant 7 : i32
      %swap3A_2238 = arith.index_cast %swap3A_2237 : i32 to index
      %swap3A_2239 = arith.constant 0 : index
      %swap3A_2240 = tpu.vector_load %arg14[%swap3A_2238, %swap3A_2239] {strides = array<i32>} : memref<8x128xi32, #tpu.memory_space<vmem>>, vector<16xi32>,
      tpu.vector_store %arg14[%swap3A_2238, %swap3A_2239], %shift_right_logical3A_2236 {strides = array<i32>} : memref<8x128xi32, #tpu.memory_space<vmem>>, vector<16xi32>,
      %get3A_2241 = arith.index_cast %add3A_2223 : i32 to index
      %get3A_2242 = arith.constant 16 : index
      %get3A_2243 = tpu.vector_load %arg12[%get3A_2241, %get3A_2242] {strides = array<i32>} : memref<80x128xi32, #tpu.memory_space<vmem>>, vector<16xi32>,
      %shift_right_logical3A_2244 = arith.constant 16 : i32
      %shift_right_logical3A_2245 = vector.broadcast %shift_right_logical3A_2244 : i32 to vector<16xi32>
      %shift_right_logical3A_2246 = arith.shrui %get3A_2243, %shift_right_logical3A_2245 : vector<16xi32>
      %swap3A_2247 = arith.constant 7 : i32
      %swap3A_2248 = arith.index_cast %swap3A_2247 : i32 to index
      %swap3A_2249 = arith.constant 16 : index
      %swap3A_2250 = tpu.vector_load %arg14[%swap3A_2248, %swap3A_2249] {strides = array<i32>} : memref<8x128xi32, #tpu.memory_space<vmem>>, vector<16xi32>,
      tpu.vector_store %arg14[%swap3A_2248, %swap3A_2249], %shift_right_logical3A_2246 {strides = array<i32>} : memref<8x128xi32, #tpu.memory_space<vmem>>, vector<16xi32>,
      %get3A_2251 = arith.index_cast %add3A_2223 : i32 to index
      %get3A_2252 = arith.constant 32 : index
      %get3A_2253 = tpu.vector_load %arg12[%get3A_2251, %get3A_2252] {strides = array<i32>} : memref<80x128xi32, #tpu.memory_space<vmem>>, vector<16xi32>,
      %shift_right_logical3A_2254 = arith.constant 16 : i32
      %shift_right_logical3A_2255 = vector.broadcast %shift_right_logical3A_2254 : i32 to vector<16xi32>
      %shift_right_logical3A_2256 = arith.shrui %get3A_2253, %shift_right_logical3A_2255 : vector<16xi32>
      %swap3A_2257 = arith.constant 7 : i32
      %swap3A_2258 = arith.index_cast %swap3A_2257 : i32 to index
      %swap3A_2259 = arith.constant 32 : index
      %swap3A_2260 = tpu.vector_load %arg14[%swap3A_2258, %swap3A_2259] {strides = array<i32>} : memref<8x128xi32, #tpu.memory_space<vmem>>, vector<16xi32>,
      tpu.vector_store %arg14[%swap3A_2258, %swap3A_2259], %shift_right_logical3A_2256 {strides = array<i32>} : memref<8x128xi32, #tpu.memory_space<vmem>>, vector<16xi32>,
      %get3A_2261 = arith.index_cast %add3A_2223 : i32 to index
      %get3A_2262 = arith.constant 48 : index
      %get3A_2263 = tpu.vector_load %arg12[%get3A_2261, %get3A_2262] {strides = array<i32>} : memref<80x128xi32, #tpu.memory_space<vmem>>, vector<16xi32>,
      %shift_right_logical3A_2264 = arith.constant 16 : i32
      %shift_right_logical3A_2265 = vector.broadcast %shift_right_logical3A_2264 : i32 to vector<16xi32>
      %shift_right_logical3A_2266 = arith.shrui %get3A_2263, %shift_right_logical3A_2265 : vector<16xi32>
      %swap3A_2267 = arith.constant 7 : i32
      %swap3A_2268 = arith.index_cast %swap3A_2267 : i32 to index
      %swap3A_2269 = arith.constant 48 : index
      %swap3A_2270 = tpu.vector_load %arg14[%swap3A_2268, %swap3A_2269] {strides = array<i32>} : memref<8x128xi32, #tpu.memory_space<vmem>>, vector<16xi32>,
      tpu.vector_store %arg14[%swap3A_2268, %swap3A_2269], %shift_right_logical3A_2266 {strides = array<i32>} : memref<8x128xi32, #tpu.memory_space<vmem>>, vector<16xi32>,
      %get3A_2271 = arith.index_cast %add3A_2223 : i32 to index
      %get3A_2272 = arith.constant 64 : index
      %get3A_2273 = tpu.vector_load %arg12[%get3A_2271, %get3A_2272] {strides = array<i32>} : memref<80x128xi32, #tpu.memory_space<vmem>>, vector<16xi32>,
      %shift_right_logical3A_2274 = arith.constant 16 : i32
      %shift_right_logical3A_2275 = vector.broadcast %shift_right_logical3A_2274 : i32 to vector<16xi32>
      %shift_right_logical3A_2276 = arith.shrui %get3A_2273, %shift_right_logical3A_2275 : vector<16xi32>
      %swap3A_2277 = arith.constant 7 : i32
      %swap3A_2278 = arith.index_cast %swap3A_2277 : i32 to index
      %swap3A_2279 = arith.constant 64 : index
      %swap3A_2280 = tpu.vector_load %arg14[%swap3A_2278, %swap3A_2279] {strides = array<i32>} : memref<8x128xi32, #tpu.memory_space<vmem>>, vector<16xi32>,
      tpu.vector_store %arg14[%swap3A_2278, %swap3A_2279], %shift_right_logical3A_2276 {strides = array<i32>} : memref<8x128xi32, #tpu.memory_space<vmem>>, vector<16xi32>,
      %get3A_2281 = arith.index_cast %add3A_2223 : i32 to index
      %get3A_2282 = arith.constant 80 : index
      %get3A_2283 = tpu.vector_load %arg12[%get3A_2281, %get3A_2282] {strides = array<i32>} : memref<80x128xi32, #tpu.memory_space<vmem>>, vector<16xi32>,
      %shift_right_logical3A_2284 = arith.constant 16 : i32
      %shift_right_logical3A_2285 = vector.broadcast %shift_right_logical3A_2284 : i32 to vector<16xi32>
      %shift_right_logical3A_2286 = arith.shrui %get3A_2283, %shift_right_logical3A_2285 : vector<16xi32>
      %swap3A_2287 = arith.constant 7 : i32
      %swap3A_2288 = arith.index_cast %swap3A_2287 : i32 to index
      %swap3A_2289 = arith.constant 80 : index
      %swap3A_2290 = tpu.vector_load %arg14[%swap3A_2288, %swap3A_2289] {strides = array<i32>} : memref<8x128xi32, #tpu.memory_space<vmem>>, vector<16xi32>,
      tpu.vector_store %arg14[%swap3A_2288, %swap3A_2289], %shift_right_logical3A_2286 {strides = array<i32>} : memref<8x128xi32, #tpu.memory_space<vmem>>, vector<16xi32>,
      %get3A_2291 = arith.index_cast %add3A_2223 : i32 to index
      %get3A_2292 = arith.constant 96 : index
      %get3A_2293 = tpu.vector_load %arg12[%get3A_2291, %get3A_2292] {strides = array<i32>} : memref<80x128xi32, #tpu.memory_space<vmem>>, vector<16xi32>,
      %shift_right_logical3A_2294 = arith.constant 16 : i32
      %shift_right_logical3A_2295 = vector.broadcast %shift_right_logical3A_2294 : i32 to vector<16xi32>
      %shift_right_logical3A_2296 = arith.shrui %get3A_2293, %shift_right_logical3A_2295 : vector<16xi32>
      %swap3A_2297 = arith.constant 7 : i32
      %swap3A_2298 = arith.index_cast %swap3A_2297 : i32 to index
      %swap3A_2299 = arith.constant 96 : index
      %swap3A_2300 = tpu.vector_load %arg14[%swap3A_2298, %swap3A_2299] {strides = array<i32>} : memref<8x128xi32, #tpu.memory_space<vmem>>, vector<16xi32>,
      tpu.vector_store %arg14[%swap3A_2298, %swap3A_2299], %shift_right_logical3A_2296 {strides = array<i32>} : memref<8x128xi32, #tpu.memory_space<vmem>>, vector<16xi32>,
      %get3A_2301 = arith.index_cast %add3A_2223 : i32 to index
      %get3A_2302 = arith.constant 112 : index
      %get3A_2303 = tpu.vector_load %arg12[%get3A_2301, %get3A_2302] {strides = array<i32>} : memref<80x128xi32, #tpu.memory_space<vmem>>, vector<16xi32>,
      %shift_right_logical3A_2304 = arith.constant 16 : i32
      %shift_right_logical3A_2305 = vector.broadcast %shift_right_logical3A_2304 : i32 to vector<16xi32>
      %shift_right_logical3A_2306 = arith.shrui %get3A_2303, %shift_right_logical3A_2305 : vector<16xi32>
      %swap3A_2307 = arith.constant 7 : i32
      %swap3A_2308 = arith.index_cast %swap3A_2307 : i32 to index
      %swap3A_2309 = arith.constant 112 : index
      %swap3A_2310 = tpu.vector_load %arg14[%swap3A_2308, %swap3A_2309] {strides = array<i32>} : memref<8x128xi32, #tpu.memory_space<vmem>>, vector<16xi32>,
      tpu.vector_store %arg14[%swap3A_2308, %swap3A_2309], %shift_right_logical3A_2306 {strides = array<i32>} : memref<8x128xi32, #tpu.memory_space<vmem>>, vector<16xi32>,
      %dma_start3A_2311 = arith.constant 7 : i32
      %dma_start3A_2312 = arith.constant 0 : i32
      %dma_start3A_2313 = tpu.memref_slice %arg14[%dma_start3A_2311, %dma_start3A_2312] : memref<8x128xi32, #tpu.memory_space<vmem>> -> memref<1x128xi32, #tpu.memory_space<vmem>>
      %dma_start3A_2314 = tpu.memref_squeeze %dma_start3A_2313 : memref<1x128xi32, #tpu.memory_space<vmem>> -> memref<128xi32, #tpu.memory_space<vmem>>
      %dma_start3A_2315 = arith.constant 0 : i32
      %dma_start3A_2316 = arith.constant 0 : i32
      %dma_start3A_2317 = tpu.memref_slice %arg10[%dma_start3A_2315, %dma_start3A_2316] : memref<10112x128xbf16, #tpu.memory_space<vmem_shared>> -> memref<10112x128xbf16, #tpu.memory_space<vmem_shared>>
      tpu.enqueue_indirect_dma source(%arg22 : memref<128x128xbf16, #tpu.memory_space<vmem>>) target(%dma_start3A_2317 : memref<10112x128xbf16, #tpu.memory_space<vmem_shared>>) offsets(%dma_start3A_2314 : memref<128xi32, #tpu.memory_space<vmem>>) semaphore(%arg38 : memref<!tpu.dma_semaphore, #tpu.memory_space<semaphore_mem>>) {add = true}
      %dma_start3A_2318 = arith.constant 7 : i32
      %dma_start3A_2319 = arith.constant 0 : i32
      %dma_start3A_2320 = tpu.memref_slice %arg14[%dma_start3A_2318, %dma_start3A_2319] : memref<8x128xi32, #tpu.memory_space<vmem>> -> memref<1x128xi32, #tpu.memory_space<vmem>>
      %dma_start3A_2321 = tpu.memref_squeeze %dma_start3A_2320 : memref<1x128xi32, #tpu.memory_space<vmem>> -> memref<128xi32, #tpu.memory_space<vmem>>
      %dma_start3A_2322 = arith.constant 0 : i32
      %dma_start3A_2323 = arith.constant 0 : i32
      %dma_start3A_2324 = tpu.memref_slice %arg11[%dma_start3A_2322, %dma_start3A_2323] : memref<10112x16xf32, #tpu.memory_space<vmem_shared>> -> memref<10112x16xf32, #tpu.memory_space<vmem_shared>>
      tpu.enqueue_indirect_dma source(%arg39 : memref<128x16xf32, #tpu.memory_space<vmem>>) target(%dma_start3A_2324 : memref<10112x16xf32, #tpu.memory_space<vmem_shared>>) offsets(%dma_start3A_2321 : memref<128xi32, #tpu.memory_space<vmem>>) semaphore(%arg38 : memref<!tpu.dma_semaphore, #tpu.memory_space<semaphore_mem>>) {add = true}
      %dma_wait3A_2325 = arith.constant 3 : i32
      %dma_wait3A_2326 = arith.constant 0 : i32
      %dma_wait3A_2327 = tpu.memref_slice %arg14[%dma_wait3A_2325, %dma_wait3A_2326] : memref<8x128xi32, #tpu.memory_space<vmem>> -> memref<1x128xi32, #tpu.memory_space<vmem>>
      %dma_wait3A_2328 = tpu.memref_squeeze %dma_wait3A_2327 : memref<1x128xi32, #tpu.memory_space<vmem>> -> memref<128xi32, #tpu.memory_space<vmem>>
      %dma_wait3A_2329 = arith.constant 0 : i32
      %dma_wait3A_2330 = arith.constant 0 : i32
      %dma_wait3A_2331 = tpu.memref_slice %arg10[%dma_wait3A_2329, %dma_wait3A_2330] : memref<10112x128xbf16, #tpu.memory_space<vmem_shared>> -> memref<10112x128xbf16, #tpu.memory_space<vmem_shared>>
      tpu.wait_indirect_dma semaphore(%arg34 : memref<!tpu.dma_semaphore, #tpu.memory_space<semaphore_mem>>) src(%arg18 : memref<128x128xbf16, #tpu.memory_space<vmem>>) dst(%dma_wait3A_2331 : memref<10112x128xbf16, #tpu.memory_space<vmem_shared>>)
      %dma_wait3A_2332 = arith.constant 3 : i32
      %dma_wait3A_2333 = arith.constant 0 : i32
      %dma_wait3A_2334 = tpu.memref_slice %arg14[%dma_wait3A_2332, %dma_wait3A_2333] : memref<8x128xi32, #tpu.memory_space<vmem>> -> memref<1x128xi32, #tpu.memory_space<vmem>>
      %dma_wait3A_2335 = tpu.memref_squeeze %dma_wait3A_2334 : memref<1x128xi32, #tpu.memory_space<vmem>> -> memref<128xi32, #tpu.memory_space<vmem>>
      %dma_wait3A_2336 = arith.constant 0 : i32
      %dma_wait3A_2337 = arith.constant 0 : i32
      %dma_wait3A_2338 = tpu.memref_slice %arg11[%dma_wait3A_2336, %dma_wait3A_2337] : memref<10112x16xf32, #tpu.memory_space<vmem_shared>> -> memref<10112x16xf32, #tpu.memory_space<vmem_shared>>
      tpu.wait_indirect_dma semaphore(%arg34 : memref<!tpu.dma_semaphore, #tpu.memory_space<semaphore_mem>>) src(%arg39 : memref<128x16xf32, #tpu.memory_space<vmem>>) dst(%dma_wait3A_2338 : memref<10112x16xf32, #tpu.memory_space<vmem_shared>>)
      %add3A_2339 = arith.constant 4 : i32
      %add3A_2340 = arith.addi %add3A_2223, %add3A_2339 : i32
      %get3A_2341 = arith.index_cast %add3A_2340 : i32 to index
      %get3A_2342 = arith.constant 0 : index
      %get3A_2343 = tpu.vector_load %arg12[%get3A_2341, %get3A_2342] {strides = array<i32>} : memref<80x128xi32, #tpu.memory_space<vmem>>, vector<16xi32>,
      %and3A_2344 = arith.andi %get3A_2343, %broadcast_in_dim3A_1 : vector<16xi32>
      %swap3A_2345 = arith.constant 3 : i32
      %swap3A_2346 = arith.index_cast %swap3A_2345 : i32 to index
      %swap3A_2347 = arith.constant 0 : index
      %swap3A_2348 = tpu.vector_load %arg13[%swap3A_2346, %swap3A_2347] {strides = array<i32>} : memref<8x128xi32, #tpu.memory_space<vmem>>, vector<16xi32>,
      tpu.vector_store %arg13[%swap3A_2346, %swap3A_2347], %and3A_2344 {strides = array<i32>} : memref<8x128xi32, #tpu.memory_space<vmem>>, vector<16xi32>,
      %get3A_2349 = arith.index_cast %add3A_2340 : i32 to index
      %get3A_2350 = arith.constant 16 : index
      %get3A_2351 = tpu.vector_load %arg12[%get3A_2349, %get3A_2350] {strides = array<i32>} : memref<80x128xi32, #tpu.memory_space<vmem>>, vector<16xi32>,
      %and3A_2352 = arith.andi %get3A_2351, %broadcast_in_dim3A_1 : vector<16xi32>
      %swap3A_2353 = arith.constant 3 : i32
      %swap3A_2354 = arith.index_cast %swap3A_2353 : i32 to index
      %swap3A_2355 = arith.constant 16 : index
      %swap3A_2356 = tpu.vector_load %arg13[%swap3A_2354, %swap3A_2355] {strides = array<i32>} : memref<8x128xi32, #tpu.memory_space<vmem>>, vector<16xi32>,
      tpu.vector_store %arg13[%swap3A_2354, %swap3A_2355], %and3A_2352 {strides = array<i32>} : memref<8x128xi32, #tpu.memory_space<vmem>>, vector<16xi32>,
      %get3A_2357 = arith.index_cast %add3A_2340 : i32 to index
      %get3A_2358 = arith.constant 32 : index
      %get3A_2359 = tpu.vector_load %arg12[%get3A_2357, %get3A_2358] {strides = array<i32>} : memref<80x128xi32, #tpu.memory_space<vmem>>, vector<16xi32>,
      %and3A_2360 = arith.andi %get3A_2359, %broadcast_in_dim3A_1 : vector<16xi32>
      %swap3A_2361 = arith.constant 3 : i32
      %swap3A_2362 = arith.index_cast %swap3A_2361 : i32 to index
      %swap3A_2363 = arith.constant 32 : index
      %swap3A_2364 = tpu.vector_load %arg13[%swap3A_2362, %swap3A_2363] {strides = array<i32>} : memref<8x128xi32, #tpu.memory_space<vmem>>, vector<16xi32>,
      tpu.vector_store %arg13[%swap3A_2362, %swap3A_2363], %and3A_2360 {strides = array<i32>} : memref<8x128xi32, #tpu.memory_space<vmem>>, vector<16xi32>,
      %get3A_2365 = arith.index_cast %add3A_2340 : i32 to index
      %get3A_2366 = arith.constant 48 : index
      %get3A_2367 = tpu.vector_load %arg12[%get3A_2365, %get3A_2366] {strides = array<i32>} : memref<80x128xi32, #tpu.memory_space<vmem>>, vector<16xi32>,
      %and3A_2368 = arith.andi %get3A_2367, %broadcast_in_dim3A_1 : vector<16xi32>
      %swap3A_2369 = arith.constant 3 : i32
      %swap3A_2370 = arith.index_cast %swap3A_2369 : i32 to index
      %swap3A_2371 = arith.constant 48 : index
      %swap3A_2372 = tpu.vector_load %arg13[%swap3A_2370, %swap3A_2371] {strides = array<i32>} : memref<8x128xi32, #tpu.memory_space<vmem>>, vector<16xi32>,
      tpu.vector_store %arg13[%swap3A_2370, %swap3A_2371], %and3A_2368 {strides = array<i32>} : memref<8x128xi32, #tpu.memory_space<vmem>>, vector<16xi32>,
      %get3A_2373 = arith.index_cast %add3A_2340 : i32 to index
      %get3A_2374 = arith.constant 64 : index
      %get3A_2375 = tpu.vector_load %arg12[%get3A_2373, %get3A_2374] {strides = array<i32>} : memref<80x128xi32, #tpu.memory_space<vmem>>, vector<16xi32>,
      %and3A_2376 = arith.andi %get3A_2375, %broadcast_in_dim3A_1 : vector<16xi32>
      %swap3A_2377 = arith.constant 3 : i32
      %swap3A_2378 = arith.index_cast %swap3A_2377 : i32 to index
      %swap3A_2379 = arith.constant 64 : index
      %swap3A_2380 = tpu.vector_load %arg13[%swap3A_2378, %swap3A_2379] {strides = array<i32>} : memref<8x128xi32, #tpu.memory_space<vmem>>, vector<16xi32>,
      tpu.vector_store %arg13[%swap3A_2378, %swap3A_2379], %and3A_2376 {strides = array<i32>} : memref<8x128xi32, #tpu.memory_space<vmem>>, vector<16xi32>,
      %get3A_2381 = arith.index_cast %add3A_2340 : i32 to index
      %get3A_2382 = arith.constant 80 : index
      %get3A_2383 = tpu.vector_load %arg12[%get3A_2381, %get3A_2382] {strides = array<i32>} : memref<80x128xi32, #tpu.memory_space<vmem>>, vector<16xi32>,
      %and3A_2384 = arith.andi %get3A_2383, %broadcast_in_dim3A_1 : vector<16xi32>
      %swap3A_2385 = arith.constant 3 : i32
      %swap3A_2386 = arith.index_cast %swap3A_2385 : i32 to index
      %swap3A_2387 = arith.constant 80 : index
      %swap3A_2388 = tpu.vector_load %arg13[%swap3A_2386, %swap3A_2387] {strides = array<i32>} : memref<8x128xi32, #tpu.memory_space<vmem>>, vector<16xi32>,
      tpu.vector_store %arg13[%swap3A_2386, %swap3A_2387], %and3A_2384 {strides = array<i32>} : memref<8x128xi32, #tpu.memory_space<vmem>>, vector<16xi32>,
      %get3A_2389 = arith.index_cast %add3A_2340 : i32 to index
      %get3A_2390 = arith.constant 96 : index
      %get3A_2391 = tpu.vector_load %arg12[%get3A_2389, %get3A_2390] {strides = array<i32>} : memref<80x128xi32, #tpu.memory_space<vmem>>, vector<16xi32>,
      %and3A_2392 = arith.andi %get3A_2391, %broadcast_in_dim3A_1 : vector<16xi32>
      %swap3A_2393 = arith.constant 3 : i32
      %swap3A_2394 = arith.index_cast %swap3A_2393 : i32 to index
      %swap3A_2395 = arith.constant 96 : index
      %swap3A_2396 = tpu.vector_load %arg13[%swap3A_2394, %swap3A_2395] {strides = array<i32>} : memref<8x128xi32, #tpu.memory_space<vmem>>, vector<16xi32>,
      tpu.vector_store %arg13[%swap3A_2394, %swap3A_2395], %and3A_2392 {strides = array<i32>} : memref<8x128xi32, #tpu.memory_space<vmem>>, vector<16xi32>,
      %get3A_2397 = arith.index_cast %add3A_2340 : i32 to index
      %get3A_2398 = arith.constant 112 : index
      %get3A_2399 = tpu.vector_load %arg12[%get3A_2397, %get3A_2398] {strides = array<i32>} : memref<80x128xi32, #tpu.memory_space<vmem>>, vector<16xi32>,
      %and3A_2400 = arith.andi %get3A_2399, %broadcast_in_dim3A_1 : vector<16xi32>
      %swap3A_2401 = arith.constant 3 : i32
      %swap3A_2402 = arith.index_cast %swap3A_2401 : i32 to index
      %swap3A_2403 = arith.constant 112 : index
      %swap3A_2404 = tpu.vector_load %arg13[%swap3A_2402, %swap3A_2403] {strides = array<i32>} : memref<8x128xi32, #tpu.memory_space<vmem>>, vector<16xi32>,
      tpu.vector_store %arg13[%swap3A_2402, %swap3A_2403], %and3A_2400 {strides = array<i32>} : memref<8x128xi32, #tpu.memory_space<vmem>>, vector<16xi32>,
      %eq3A_2405 = arith.constant 0 : i32
      %eq3A_2406 = arith.cmpi eq, %arg0, %eq3A_2405 : i32
      %convert_element_type3A_2407 = arith.extui %eq3A_2406 : i1 to i32
      %cond3A_2408 = arith.constant 0 : i32
      %cond3A_2409 = arith.cmpi ne, %convert_element_type3A_2407, %cond3A_2408 : i32
      scf.if %cond3A_2409 {
        %dma_start3A_3187 = arith.constant 3 : i32
        %dma_start3A_3188 = arith.constant 0 : i32
        %dma_start3A_3189 = tpu.memref_slice %arg13[%dma_start3A_3187, %dma_start3A_3188] : memref<8x128xi32, #tpu.memory_space<vmem>> -> memref<1x128xi32, #tpu.memory_space<vmem>>
        %dma_start3A_3190 = tpu.memref_squeeze %dma_start3A_3189 : memref<1x128xi32, #tpu.memory_space<vmem>> -> memref<128xi32, #tpu.memory_space<vmem>>
        %dma_start3A_3191 = arith.constant 0 : i32
        %dma_start3A_3192 = arith.constant 0 : i32
        %dma_start3A_3193 = tpu.memref_slice %arg2[%dma_start3A_3191, %dma_start3A_3192] : memref<10000x128xbf16, #tpu.memory_space<hbm>> -> memref<10000x128xbf16, #tpu.memory_space<hbm>>
        tpu.enqueue_indirect_dma source(%dma_start3A_3193 : memref<10000x128xbf16, #tpu.memory_space<hbm>>) target(%arg18 : memref<128x128xbf16, #tpu.memory_space<vmem>>) offsets(%dma_start3A_3190 : memref<128xi32, #tpu.memory_space<vmem>>) semaphore(%arg26 : memref<!tpu.dma_semaphore, #tpu.memory_space<semaphore_mem>>)
      } else {
      }
      %eq3A_2410 = arith.constant 1 : i32
      %eq3A_2411 = arith.cmpi eq, %arg0, %eq3A_2410 : i32
      %convert_element_type3A_2412 = arith.extui %eq3A_2411 : i1 to i32
      %cond3A_2413 = arith.constant 0 : i32
      %cond3A_2414 = arith.cmpi ne, %convert_element_type3A_2412, %cond3A_2413 : i32
      scf.if %cond3A_2414 {
        %dma_start3A_3187 = arith.constant 3 : i32
        %dma_start3A_3188 = arith.constant 0 : i32
        %dma_start3A_3189 = tpu.memref_slice %arg13[%dma_start3A_3187, %dma_start3A_3188] : memref<8x128xi32, #tpu.memory_space<vmem>> -> memref<1x128xi32, #tpu.memory_space<vmem>>
        %dma_start3A_3190 = tpu.memref_squeeze %dma_start3A_3189 : memref<1x128xi32, #tpu.memory_space<vmem>> -> memref<128xi32, #tpu.memory_space<vmem>>
        %dma_start3A_3191 = arith.constant 0 : i32
        %dma_start3A_3192 = arith.constant 0 : i32
        %dma_start3A_3193 = tpu.memref_slice %arg3[%dma_start3A_3191, %dma_start3A_3192] : memref<10000x128xbf16, #tpu.memory_space<hbm>> -> memref<10000x128xbf16, #tpu.memory_space<hbm>>
        tpu.enqueue_indirect_dma source(%dma_start3A_3193 : memref<10000x128xbf16, #tpu.memory_space<hbm>>) target(%arg18 : memref<128x128xbf16, #tpu.memory_space<vmem>>) offsets(%dma_start3A_3190 : memref<128xi32, #tpu.memory_space<vmem>>) semaphore(%arg26 : memref<!tpu.dma_semaphore, #tpu.memory_space<semaphore_mem>>)
      } else {
      }
      %add3A_2415 = arith.constant 4 : i32
      %add3A_2416 = arith.addi %add3A_1642, %add3A_2415 : i32
      %dma_wait3A_2417 = arith.constant 0 : i32
      %dma_wait3A_2418 = arith.constant 0 : i32
      %dma_wait3A_2419 = tpu.memref_slice %arg13[%dma_wait3A_2417, %dma_wait3A_2418] : memref<8x128xi32, #tpu.memory_space<vmem>> -> memref<1x128xi32, #tpu.memory_space<vmem>>
      %dma_wait3A_2420 = tpu.memref_squeeze %dma_wait3A_2419 : memref<1x128xi32, #tpu.memory_space<vmem>> -> memref<128xi32, #tpu.memory_space<vmem>>
      %dma_wait3A_2421 = arith.constant 0 : i32
      %dma_wait3A_2422 = arith.constant 0 : i32
      %dma_wait3A_2423 = tpu.memref_slice %arg2[%dma_wait3A_2421, %dma_wait3A_2422] : memref<10000x128xbf16, #tpu.memory_space<hbm>> -> memref<10000x128xbf16, #tpu.memory_space<hbm>>
      tpu.wait_indirect_dma semaphore(%arg23 : memref<!tpu.dma_semaphore, #tpu.memory_space<semaphore_mem>>) src(%dma_wait3A_2423 : memref<10000x128xbf16, #tpu.memory_space<hbm>>) dst(%arg15 : memref<128x128xbf16, #tpu.memory_space<vmem>>)
      %get3A_2424 = arith.index_cast %add3A_2416 : i32 to index
      %get3A_2425 = arith.constant 0 : index
      %get3A_2426 = tpu.vector_load %arg12[%get3A_2424, %get3A_2425] {strides = array<i32>} : memref<80x128xi32, #tpu.memory_space<vmem>>, vector<16xi32>,
      %shift_right_logical3A_2427 = arith.constant 16 : i32
      %shift_right_logical3A_2428 = vector.broadcast %shift_right_logical3A_2427 : i32 to vector<16xi32>
      %shift_right_logical3A_2429 = arith.shrui %get3A_2426, %shift_right_logical3A_2428 : vector<16xi32>
      %swap3A_2430 = arith.constant 0 : i32
      %swap3A_2431 = arith.index_cast %swap3A_2430 : i32 to index
      %swap3A_2432 = arith.constant 0 : index
      %swap3A_2433 = tpu.vector_load %arg14[%swap3A_2431, %swap3A_2432] {strides = array<i32>} : memref<8x128xi32, #tpu.memory_space<vmem>>, vector<16xi32>,
      tpu.vector_store %arg14[%swap3A_2431, %swap3A_2432], %shift_right_logical3A_2429 {strides = array<i32>} : memref<8x128xi32, #tpu.memory_space<vmem>>, vector<16xi32>,
      %get3A_2434 = arith.index_cast %add3A_2416 : i32 to index
      %get3A_2435 = arith.constant 16 : index
      %get3A_2436 = tpu.vector_load %arg12[%get3A_2434, %get3A_2435] {strides = array<i32>} : memref<80x128xi32, #tpu.memory_space<vmem>>, vector<16xi32>,
      %shift_right_logical3A_2437 = arith.constant 16 : i32
      %shift_right_logical3A_2438 = vector.broadcast %shift_right_logical3A_2437 : i32 to vector<16xi32>
      %shift_right_logical3A_2439 = arith.shrui %get3A_2436, %shift_right_logical3A_2438 : vector<16xi32>
      %swap3A_2440 = arith.constant 0 : i32
      %swap3A_2441 = arith.index_cast %swap3A_2440 : i32 to index
      %swap3A_2442 = arith.constant 16 : index
      %swap3A_2443 = tpu.vector_load %arg14[%swap3A_2441, %swap3A_2442] {strides = array<i32>} : memref<8x128xi32, #tpu.memory_space<vmem>>, vector<16xi32>,
      tpu.vector_store %arg14[%swap3A_2441, %swap3A_2442], %shift_right_logical3A_2439 {strides = array<i32>} : memref<8x128xi32, #tpu.memory_space<vmem>>, vector<16xi32>,
      %get3A_2444 = arith.index_cast %add3A_2416 : i32 to index
      %get3A_2445 = arith.constant 32 : index
      %get3A_2446 = tpu.vector_load %arg12[%get3A_2444, %get3A_2445] {strides = array<i32>} : memref<80x128xi32, #tpu.memory_space<vmem>>, vector<16xi32>,
      %shift_right_logical3A_2447 = arith.constant 16 : i32
      %shift_right_logical3A_2448 = vector.broadcast %shift_right_logical3A_2447 : i32 to vector<16xi32>
      %shift_right_logical3A_2449 = arith.shrui %get3A_2446, %shift_right_logical3A_2448 : vector<16xi32>
      %swap3A_2450 = arith.constant 0 : i32
      %swap3A_2451 = arith.index_cast %swap3A_2450 : i32 to index
      %swap3A_2452 = arith.constant 32 : index
      %swap3A_2453 = tpu.vector_load %arg14[%swap3A_2451, %swap3A_2452] {strides = array<i32>} : memref<8x128xi32, #tpu.memory_space<vmem>>, vector<16xi32>,
      tpu.vector_store %arg14[%swap3A_2451, %swap3A_2452], %shift_right_logical3A_2449 {strides = array<i32>} : memref<8x128xi32, #tpu.memory_space<vmem>>, vector<16xi32>,
      %get3A_2454 = arith.index_cast %add3A_2416 : i32 to index
      %get3A_2455 = arith.constant 48 : index
      %get3A_2456 = tpu.vector_load %arg12[%get3A_2454, %get3A_2455] {strides = array<i32>} : memref<80x128xi32, #tpu.memory_space<vmem>>, vector<16xi32>,
      %shift_right_logical3A_2457 = arith.constant 16 : i32
      %shift_right_logical3A_2458 = vector.broadcast %shift_right_logical3A_2457 : i32 to vector<16xi32>
      %shift_right_logical3A_2459 = arith.shrui %get3A_2456, %shift_right_logical3A_2458 : vector<16xi32>
      %swap3A_2460 = arith.constant 0 : i32
      %swap3A_2461 = arith.index_cast %swap3A_2460 : i32 to index
      %swap3A_2462 = arith.constant 48 : index
      %swap3A_2463 = tpu.vector_load %arg14[%swap3A_2461, %swap3A_2462] {strides = array<i32>} : memref<8x128xi32, #tpu.memory_space<vmem>>, vector<16xi32>,
      tpu.vector_store %arg14[%swap3A_2461, %swap3A_2462], %shift_right_logical3A_2459 {strides = array<i32>} : memref<8x128xi32, #tpu.memory_space<vmem>>, vector<16xi32>,
      %get3A_2464 = arith.index_cast %add3A_2416 : i32 to index
      %get3A_2465 = arith.constant 64 : index
      %get3A_2466 = tpu.vector_load %arg12[%get3A_2464, %get3A_2465] {strides = array<i32>} : memref<80x128xi32, #tpu.memory_space<vmem>>, vector<16xi32>,
      %shift_right_logical3A_2467 = arith.constant 16 : i32
      %shift_right_logical3A_2468 = vector.broadcast %shift_right_logical3A_2467 : i32 to vector<16xi32>
      %shift_right_logical3A_2469 = arith.shrui %get3A_2466, %shift_right_logical3A_2468 : vector<16xi32>
      %swap3A_2470 = arith.constant 0 : i32
      %swap3A_2471 = arith.index_cast %swap3A_2470 : i32 to index
      %swap3A_2472 = arith.constant 64 : index
      %swap3A_2473 = tpu.vector_load %arg14[%swap3A_2471, %swap3A_2472] {strides = array<i32>} : memref<8x128xi32, #tpu.memory_space<vmem>>, vector<16xi32>,
      tpu.vector_store %arg14[%swap3A_2471, %swap3A_2472], %shift_right_logical3A_2469 {strides = array<i32>} : memref<8x128xi32, #tpu.memory_space<vmem>>, vector<16xi32>,
      %get3A_2474 = arith.index_cast %add3A_2416 : i32 to index
      %get3A_2475 = arith.constant 80 : index
      %get3A_2476 = tpu.vector_load %arg12[%get3A_2474, %get3A_2475] {strides = array<i32>} : memref<80x128xi32, #tpu.memory_space<vmem>>, vector<16xi32>,
      %shift_right_logical3A_2477 = arith.constant 16 : i32
      %shift_right_logical3A_2478 = vector.broadcast %shift_right_logical3A_2477 : i32 to vector<16xi32>
      %shift_right_logical3A_2479 = arith.shrui %get3A_2476, %shift_right_logical3A_2478 : vector<16xi32>
      %swap3A_2480 = arith.constant 0 : i32
      %swap3A_2481 = arith.index_cast %swap3A_2480 : i32 to index
      %swap3A_2482 = arith.constant 80 : index
      %swap3A_2483 = tpu.vector_load %arg14[%swap3A_2481, %swap3A_2482] {strides = array<i32>} : memref<8x128xi32, #tpu.memory_space<vmem>>, vector<16xi32>,
      tpu.vector_store %arg14[%swap3A_2481, %swap3A_2482], %shift_right_logical3A_2479 {strides = array<i32>} : memref<8x128xi32, #tpu.memory_space<vmem>>, vector<16xi32>,
      %get3A_2484 = arith.index_cast %add3A_2416 : i32 to index
      %get3A_2485 = arith.constant 96 : index
      %get3A_2486 = tpu.vector_load %arg12[%get3A_2484, %get3A_2485] {strides = array<i32>} : memref<80x128xi32, #tpu.memory_space<vmem>>, vector<16xi32>,
      %shift_right_logical3A_2487 = arith.constant 16 : i32
      %shift_right_logical3A_2488 = vector.broadcast %shift_right_logical3A_2487 : i32 to vector<16xi32>
      %shift_right_logical3A_2489 = arith.shrui %get3A_2486, %shift_right_logical3A_2488 : vector<16xi32>
      %swap3A_2490 = arith.constant 0 : i32
      %swap3A_2491 = arith.index_cast %swap3A_2490 : i32 to index
      %swap3A_2492 = arith.constant 96 : index
      %swap3A_2493 = tpu.vector_load %arg14[%swap3A_2491, %swap3A_2492] {strides = array<i32>} : memref<8x128xi32, #tpu.memory_space<vmem>>, vector<16xi32>,
      tpu.vector_store %arg14[%swap3A_2491, %swap3A_2492], %shift_right_logical3A_2489 {strides = array<i32>} : memref<8x128xi32, #tpu.memory_space<vmem>>, vector<16xi32>,
      %get3A_2494 = arith.index_cast %add3A_2416 : i32 to index
      %get3A_2495 = arith.constant 112 : index
      %get3A_2496 = tpu.vector_load %arg12[%get3A_2494, %get3A_2495] {strides = array<i32>} : memref<80x128xi32, #tpu.memory_space<vmem>>, vector<16xi32>,
      %shift_right_logical3A_2497 = arith.constant 16 : i32
      %shift_right_logical3A_2498 = vector.broadcast %shift_right_logical3A_2497 : i32 to vector<16xi32>
      %shift_right_logical3A_2499 = arith.shrui %get3A_2496, %shift_right_logical3A_2498 : vector<16xi32>
      %swap3A_2500 = arith.constant 0 : i32
      %swap3A_2501 = arith.index_cast %swap3A_2500 : i32 to index
      %swap3A_2502 = arith.constant 112 : index
      %swap3A_2503 = tpu.vector_load %arg14[%swap3A_2501, %swap3A_2502] {strides = array<i32>} : memref<8x128xi32, #tpu.memory_space<vmem>>, vector<16xi32>,
      tpu.vector_store %arg14[%swap3A_2501, %swap3A_2502], %shift_right_logical3A_2499 {strides = array<i32>} : memref<8x128xi32, #tpu.memory_space<vmem>>, vector<16xi32>,
      %dma_start3A_2504 = arith.constant 0 : i32
      %dma_start3A_2505 = arith.constant 0 : i32
      %dma_start3A_2506 = tpu.memref_slice %arg14[%dma_start3A_2504, %dma_start3A_2505] : memref<8x128xi32, #tpu.memory_space<vmem>> -> memref<1x128xi32, #tpu.memory_space<vmem>>
      %dma_start3A_2507 = tpu.memref_squeeze %dma_start3A_2506 : memref<1x128xi32, #tpu.memory_space<vmem>> -> memref<128xi32, #tpu.memory_space<vmem>>
      %dma_start3A_2508 = arith.constant 0 : i32
      %dma_start3A_2509 = arith.constant 0 : i32
      %dma_start3A_2510 = tpu.memref_slice %arg10[%dma_start3A_2508, %dma_start3A_2509] : memref<10112x128xbf16, #tpu.memory_space<vmem_shared>> -> memref<10112x128xbf16, #tpu.memory_space<vmem_shared>>
      tpu.enqueue_indirect_dma source(%arg15 : memref<128x128xbf16, #tpu.memory_space<vmem>>) target(%dma_start3A_2510 : memref<10112x128xbf16, #tpu.memory_space<vmem_shared>>) offsets(%dma_start3A_2507 : memref<128xi32, #tpu.memory_space<vmem>>) semaphore(%arg31 : memref<!tpu.dma_semaphore, #tpu.memory_space<semaphore_mem>>) {add = true}
      %dma_start3A_2511 = arith.constant 0 : i32
      %dma_start3A_2512 = arith.constant 0 : i32
      %dma_start3A_2513 = tpu.memref_slice %arg14[%dma_start3A_2511, %dma_start3A_2512] : memref<8x128xi32, #tpu.memory_space<vmem>> -> memref<1x128xi32, #tpu.memory_space<vmem>>
      %dma_start3A_2514 = tpu.memref_squeeze %dma_start3A_2513 : memref<1x128xi32, #tpu.memory_space<vmem>> -> memref<128xi32, #tpu.memory_space<vmem>>
      %dma_start3A_2515 = arith.constant 0 : i32
      %dma_start3A_2516 = arith.constant 0 : i32
      %dma_start3A_2517 = tpu.memref_slice %arg11[%dma_start3A_2515, %dma_start3A_2516] : memref<10112x16xf32, #tpu.memory_space<vmem_shared>> -> memref<10112x16xf32, #tpu.memory_space<vmem_shared>>
      tpu.enqueue_indirect_dma source(%arg39 : memref<128x16xf32, #tpu.memory_space<vmem>>) target(%dma_start3A_2517 : memref<10112x16xf32, #tpu.memory_space<vmem_shared>>) offsets(%dma_start3A_2514 : memref<128xi32, #tpu.memory_space<vmem>>) semaphore(%arg31 : memref<!tpu.dma_semaphore, #tpu.memory_space<semaphore_mem>>) {add = true}
      %dma_wait3A_2518 = arith.constant 4 : i32
      %dma_wait3A_2519 = arith.constant 0 : i32
      %dma_wait3A_2520 = tpu.memref_slice %arg14[%dma_wait3A_2518, %dma_wait3A_2519] : memref<8x128xi32, #tpu.memory_space<vmem>> -> memref<1x128xi32, #tpu.memory_space<vmem>>
      %dma_wait3A_2521 = tpu.memref_squeeze %dma_wait3A_2520 : memref<1x128xi32, #tpu.memory_space<vmem>> -> memref<128xi32, #tpu.memory_space<vmem>>
      %dma_wait3A_2522 = arith.constant 0 : i32
      %dma_wait3A_2523 = arith.constant 0 : i32
      %dma_wait3A_2524 = tpu.memref_slice %arg10[%dma_wait3A_2522, %dma_wait3A_2523] : memref<10112x128xbf16, #tpu.memory_space<vmem_shared>> -> memref<10112x128xbf16, #tpu.memory_space<vmem_shared>>
      tpu.wait_indirect_dma semaphore(%arg35 : memref<!tpu.dma_semaphore, #tpu.memory_space<semaphore_mem>>) src(%arg19 : memref<128x128xbf16, #tpu.memory_space<vmem>>) dst(%dma_wait3A_2524 : memref<10112x128xbf16, #tpu.memory_space<vmem_shared>>)
      %dma_wait3A_2525 = arith.constant 4 : i32
      %dma_wait3A_2526 = arith.constant 0 : i32
      %dma_wait3A_2527 = tpu.memref_slice %arg14[%dma_wait3A_2525, %dma_wait3A_2526] : memref<8x128xi32, #tpu.memory_space<vmem>> -> memref<1x128xi32, #tpu.memory_space<vmem>>
      %dma_wait3A_2528 = tpu.memref_squeeze %dma_wait3A_2527 : memref<1x128xi32, #tpu.memory_space<vmem>> -> memref<128xi32, #tpu.memory_space<vmem>>
      %dma_wait3A_2529 = arith.constant 0 : i32
      %dma_wait3A_2530 = arith.constant 0 : i32
      %dma_wait3A_2531 = tpu.memref_slice %arg11[%dma_wait3A_2529, %dma_wait3A_2530] : memref<10112x16xf32, #tpu.memory_space<vmem_shared>> -> memref<10112x16xf32, #tpu.memory_space<vmem_shared>>
      tpu.wait_indirect_dma semaphore(%arg35 : memref<!tpu.dma_semaphore, #tpu.memory_space<semaphore_mem>>) src(%arg39 : memref<128x16xf32, #tpu.memory_space<vmem>>) dst(%dma_wait3A_2531 : memref<10112x16xf32, #tpu.memory_space<vmem_shared>>)
      %add3A_2532 = arith.constant 4 : i32
      %add3A_2533 = arith.addi %add3A_2416, %add3A_2532 : i32
      %get3A_2534 = arith.index_cast %add3A_2533 : i32 to index
      %get3A_2535 = arith.constant 0 : index
      %get3A_2536 = tpu.vector_load %arg12[%get3A_2534, %get3A_2535] {strides = array<i32>} : memref<80x128xi32, #tpu.memory_space<vmem>>, vector<16xi32>,
      %and3A_2537 = arith.andi %get3A_2536, %broadcast_in_dim3A_1 : vector<16xi32>
      %swap3A_2538 = arith.constant 4 : i32
      %swap3A_2539 = arith.index_cast %swap3A_2538 : i32 to index
      %swap3A_2540 = arith.constant 0 : index
      %swap3A_2541 = tpu.vector_load %arg13[%swap3A_2539, %swap3A_2540] {strides = array<i32>} : memref<8x128xi32, #tpu.memory_space<vmem>>, vector<16xi32>,
      tpu.vector_store %arg13[%swap3A_2539, %swap3A_2540], %and3A_2537 {strides = array<i32>} : memref<8x128xi32, #tpu.memory_space<vmem>>, vector<16xi32>,
      %get3A_2542 = arith.index_cast %add3A_2533 : i32 to index
      %get3A_2543 = arith.constant 16 : index
      %get3A_2544 = tpu.vector_load %arg12[%get3A_2542, %get3A_2543] {strides = array<i32>} : memref<80x128xi32, #tpu.memory_space<vmem>>, vector<16xi32>,
      %and3A_2545 = arith.andi %get3A_2544, %broadcast_in_dim3A_1 : vector<16xi32>
      %swap3A_2546 = arith.constant 4 : i32
      %swap3A_2547 = arith.index_cast %swap3A_2546 : i32 to index
      %swap3A_2548 = arith.constant 16 : index
      %swap3A_2549 = tpu.vector_load %arg13[%swap3A_2547, %swap3A_2548] {strides = array<i32>} : memref<8x128xi32, #tpu.memory_space<vmem>>, vector<16xi32>,
      tpu.vector_store %arg13[%swap3A_2547, %swap3A_2548], %and3A_2545 {strides = array<i32>} : memref<8x128xi32, #tpu.memory_space<vmem>>, vector<16xi32>,
      %get3A_2550 = arith.index_cast %add3A_2533 : i32 to index
      %get3A_2551 = arith.constant 32 : index
      %get3A_2552 = tpu.vector_load %arg12[%get3A_2550, %get3A_2551] {strides = array<i32>} : memref<80x128xi32, #tpu.memory_space<vmem>>, vector<16xi32>,
      %and3A_2553 = arith.andi %get3A_2552, %broadcast_in_dim3A_1 : vector<16xi32>
      %swap3A_2554 = arith.constant 4 : i32
      %swap3A_2555 = arith.index_cast %swap3A_2554 : i32 to index
      %swap3A_2556 = arith.constant 32 : index
      %swap3A_2557 = tpu.vector_load %arg13[%swap3A_2555, %swap3A_2556] {strides = array<i32>} : memref<8x128xi32, #tpu.memory_space<vmem>>, vector<16xi32>,
      tpu.vector_store %arg13[%swap3A_2555, %swap3A_2556], %and3A_2553 {strides = array<i32>} : memref<8x128xi32, #tpu.memory_space<vmem>>, vector<16xi32>,
      %get3A_2558 = arith.index_cast %add3A_2533 : i32 to index
      %get3A_2559 = arith.constant 48 : index
      %get3A_2560 = tpu.vector_load %arg12[%get3A_2558, %get3A_2559] {strides = array<i32>} : memref<80x128xi32, #tpu.memory_space<vmem>>, vector<16xi32>,
      %and3A_2561 = arith.andi %get3A_2560, %broadcast_in_dim3A_1 : vector<16xi32>
      %swap3A_2562 = arith.constant 4 : i32
      %swap3A_2563 = arith.index_cast %swap3A_2562 : i32 to index
      %swap3A_2564 = arith.constant 48 : index
      %swap3A_2565 = tpu.vector_load %arg13[%swap3A_2563, %swap3A_2564] {strides = array<i32>} : memref<8x128xi32, #tpu.memory_space<vmem>>, vector<16xi32>,
      tpu.vector_store %arg13[%swap3A_2563, %swap3A_2564], %and3A_2561 {strides = array<i32>} : memref<8x128xi32, #tpu.memory_space<vmem>>, vector<16xi32>,
      %get3A_2566 = arith.index_cast %add3A_2533 : i32 to index
      %get3A_2567 = arith.constant 64 : index
      %get3A_2568 = tpu.vector_load %arg12[%get3A_2566, %get3A_2567] {strides = array<i32>} : memref<80x128xi32, #tpu.memory_space<vmem>>, vector<16xi32>,
      %and3A_2569 = arith.andi %get3A_2568, %broadcast_in_dim3A_1 : vector<16xi32>
      %swap3A_2570 = arith.constant 4 : i32
      %swap3A_2571 = arith.index_cast %swap3A_2570 : i32 to index
      %swap3A_2572 = arith.constant 64 : index
      %swap3A_2573 = tpu.vector_load %arg13[%swap3A_2571, %swap3A_2572] {strides = array<i32>} : memref<8x128xi32, #tpu.memory_space<vmem>>, vector<16xi32>,
      tpu.vector_store %arg13[%swap3A_2571, %swap3A_2572], %and3A_2569 {strides = array<i32>} : memref<8x128xi32, #tpu.memory_space<vmem>>, vector<16xi32>,
      %get3A_2574 = arith.index_cast %add3A_2533 : i32 to index
      %get3A_2575 = arith.constant 80 : index
      %get3A_2576 = tpu.vector_load %arg12[%get3A_2574, %get3A_2575] {strides = array<i32>} : memref<80x128xi32, #tpu.memory_space<vmem>>, vector<16xi32>,
      %and3A_2577 = arith.andi %get3A_2576, %broadcast_in_dim3A_1 : vector<16xi32>
      %swap3A_2578 = arith.constant 4 : i32
      %swap3A_2579 = arith.index_cast %swap3A_2578 : i32 to index
      %swap3A_2580 = arith.constant 80 : index
      %swap3A_2581 = tpu.vector_load %arg13[%swap3A_2579, %swap3A_2580] {strides = array<i32>} : memref<8x128xi32, #tpu.memory_space<vmem>>, vector<16xi32>,
      tpu.vector_store %arg13[%swap3A_2579, %swap3A_2580], %and3A_2577 {strides = array<i32>} : memref<8x128xi32, #tpu.memory_space<vmem>>, vector<16xi32>,
      %get3A_2582 = arith.index_cast %add3A_2533 : i32 to index
      %get3A_2583 = arith.constant 96 : index
      %get3A_2584 = tpu.vector_load %arg12[%get3A_2582, %get3A_2583] {strides = array<i32>} : memref<80x128xi32, #tpu.memory_space<vmem>>, vector<16xi32>,
      %and3A_2585 = arith.andi %get3A_2584, %broadcast_in_dim3A_1 : vector<16xi32>
      %swap3A_2586 = arith.constant 4 : i32
      %swap3A_2587 = arith.index_cast %swap3A_2586 : i32 to index
      %swap3A_2588 = arith.constant 96 : index
      %swap3A_2589 = tpu.vector_load %arg13[%swap3A_2587, %swap3A_2588] {strides = array<i32>} : memref<8x128xi32, #tpu.memory_space<vmem>>, vector<16xi32>,
      tpu.vector_store %arg13[%swap3A_2587, %swap3A_2588], %and3A_2585 {strides = array<i32>} : memref<8x128xi32, #tpu.memory_space<vmem>>, vector<16xi32>,
      %get3A_2590 = arith.index_cast %add3A_2533 : i32 to index
      %get3A_2591 = arith.constant 112 : index
      %get3A_2592 = tpu.vector_load %arg12[%get3A_2590, %get3A_2591] {strides = array<i32>} : memref<80x128xi32, #tpu.memory_space<vmem>>, vector<16xi32>,
      %and3A_2593 = arith.andi %get3A_2592, %broadcast_in_dim3A_1 : vector<16xi32>
      %swap3A_2594 = arith.constant 4 : i32
      %swap3A_2595 = arith.index_cast %swap3A_2594 : i32 to index
      %swap3A_2596 = arith.constant 112 : index
      %swap3A_2597 = tpu.vector_load %arg13[%swap3A_2595, %swap3A_2596] {strides = array<i32>} : memref<8x128xi32, #tpu.memory_space<vmem>>, vector<16xi32>,
      tpu.vector_store %arg13[%swap3A_2595, %swap3A_2596], %and3A_2593 {strides = array<i32>} : memref<8x128xi32, #tpu.memory_space<vmem>>, vector<16xi32>,
      %eq3A_2598 = arith.constant 0 : i32
      %eq3A_2599 = arith.cmpi eq, %arg0, %eq3A_2598 : i32
      %convert_element_type3A_2600 = arith.extui %eq3A_2599 : i1 to i32
      %cond3A_2601 = arith.constant 0 : i32
      %cond3A_2602 = arith.cmpi ne, %convert_element_type3A_2600, %cond3A_2601 : i32
      scf.if %cond3A_2602 {
        %dma_start3A_3187 = arith.constant 4 : i32
        %dma_start3A_3188 = arith.constant 0 : i32
        %dma_start3A_3189 = tpu.memref_slice %arg13[%dma_start3A_3187, %dma_start3A_3188] : memref<8x128xi32, #tpu.memory_space<vmem>> -> memref<1x128xi32, #tpu.memory_space<vmem>>
        %dma_start3A_3190 = tpu.memref_squeeze %dma_start3A_3189 : memref<1x128xi32, #tpu.memory_space<vmem>> -> memref<128xi32, #tpu.memory_space<vmem>>
        %dma_start3A_3191 = arith.constant 0 : i32
        %dma_start3A_3192 = arith.constant 0 : i32
        %dma_start3A_3193 = tpu.memref_slice %arg2[%dma_start3A_3191, %dma_start3A_3192] : memref<10000x128xbf16, #tpu.memory_space<hbm>> -> memref<10000x128xbf16, #tpu.memory_space<hbm>>
        tpu.enqueue_indirect_dma source(%dma_start3A_3193 : memref<10000x128xbf16, #tpu.memory_space<hbm>>) target(%arg19 : memref<128x128xbf16, #tpu.memory_space<vmem>>) offsets(%dma_start3A_3190 : memref<128xi32, #tpu.memory_space<vmem>>) semaphore(%arg27 : memref<!tpu.dma_semaphore, #tpu.memory_space<semaphore_mem>>)
      } else {
      }
      %eq3A_2603 = arith.constant 1 : i32
      %eq3A_2604 = arith.cmpi eq, %arg0, %eq3A_2603 : i32
      %convert_element_type3A_2605 = arith.extui %eq3A_2604 : i1 to i32
      %cond3A_2606 = arith.constant 0 : i32
      %cond3A_2607 = arith.cmpi ne, %convert_element_type3A_2605, %cond3A_2606 : i32
      scf.if %cond3A_2607 {
        %dma_start3A_3187 = arith.constant 4 : i32
        %dma_start3A_3188 = arith.constant 0 : i32
        %dma_start3A_3189 = tpu.memref_slice %arg13[%dma_start3A_3187, %dma_start3A_3188] : memref<8x128xi32, #tpu.memory_space<vmem>> -> memref<1x128xi32, #tpu.memory_space<vmem>>
        %dma_start3A_3190 = tpu.memref_squeeze %dma_start3A_3189 : memref<1x128xi32, #tpu.memory_space<vmem>> -> memref<128xi32, #tpu.memory_space<vmem>>
        %dma_start3A_3191 = arith.constant 0 : i32
        %dma_start3A_3192 = arith.constant 0 : i32
        %dma_start3A_3193 = tpu.memref_slice %arg3[%dma_start3A_3191, %dma_start3A_3192] : memref<10000x128xbf16, #tpu.memory_space<hbm>> -> memref<10000x128xbf16, #tpu.memory_space<hbm>>
        tpu.enqueue_indirect_dma source(%dma_start3A_3193 : memref<10000x128xbf16, #tpu.memory_space<hbm>>) target(%arg19 : memref<128x128xbf16, #tpu.memory_space<vmem>>) offsets(%dma_start3A_3190 : memref<128xi32, #tpu.memory_space<vmem>>) semaphore(%arg27 : memref<!tpu.dma_semaphore, #tpu.memory_space<semaphore_mem>>)
      } else {
      }
      %add3A_2608 = arith.constant 5 : i32
      %add3A_2609 = arith.addi %add3A_1642, %add3A_2608 : i32
      %dma_wait3A_2610 = arith.constant 1 : i32
      %dma_wait3A_2611 = arith.constant 0 : i32
      %dma_wait3A_2612 = tpu.memref_slice %arg13[%dma_wait3A_2610, %dma_wait3A_2611] : memref<8x128xi32, #tpu.memory_space<vmem>> -> memref<1x128xi32, #tpu.memory_space<vmem>>
      %dma_wait3A_2613 = tpu.memref_squeeze %dma_wait3A_2612 : memref<1x128xi32, #tpu.memory_space<vmem>> -> memref<128xi32, #tpu.memory_space<vmem>>
      %dma_wait3A_2614 = arith.constant 0 : i32
      %dma_wait3A_2615 = arith.constant 0 : i32
      %dma_wait3A_2616 = tpu.memref_slice %arg2[%dma_wait3A_2614, %dma_wait3A_2615] : memref<10000x128xbf16, #tpu.memory_space<hbm>> -> memref<10000x128xbf16, #tpu.memory_space<hbm>>
      tpu.wait_indirect_dma semaphore(%arg24 : memref<!tpu.dma_semaphore, #tpu.memory_space<semaphore_mem>>) src(%dma_wait3A_2616 : memref<10000x128xbf16, #tpu.memory_space<hbm>>) dst(%arg16 : memref<128x128xbf16, #tpu.memory_space<vmem>>)
      %get3A_2617 = arith.index_cast %add3A_2609 : i32 to index
      %get3A_2618 = arith.constant 0 : index
      %get3A_2619 = tpu.vector_load %arg12[%get3A_2617, %get3A_2618] {strides = array<i32>} : memref<80x128xi32, #tpu.memory_space<vmem>>, vector<16xi32>,
      %shift_right_logical3A_2620 = arith.constant 16 : i32
      %shift_right_logical3A_2621 = vector.broadcast %shift_right_logical3A_2620 : i32 to vector<16xi32>
      %shift_right_logical3A_2622 = arith.shrui %get3A_2619, %shift_right_logical3A_2621 : vector<16xi32>
      %swap3A_2623 = arith.constant 1 : i32
      %swap3A_2624 = arith.index_cast %swap3A_2623 : i32 to index
      %swap3A_2625 = arith.constant 0 : index
      %swap3A_2626 = tpu.vector_load %arg14[%swap3A_2624, %swap3A_2625] {strides = array<i32>} : memref<8x128xi32, #tpu.memory_space<vmem>>, vector<16xi32>,
      tpu.vector_store %arg14[%swap3A_2624, %swap3A_2625], %shift_right_logical3A_2622 {strides = array<i32>} : memref<8x128xi32, #tpu.memory_space<vmem>>, vector<16xi32>,
      %get3A_2627 = arith.index_cast %add3A_2609 : i32 to index
      %get3A_2628 = arith.constant 16 : index
      %get3A_2629 = tpu.vector_load %arg12[%get3A_2627, %get3A_2628] {strides = array<i32>} : memref<80x128xi32, #tpu.memory_space<vmem>>, vector<16xi32>,
      %shift_right_logical3A_2630 = arith.constant 16 : i32
      %shift_right_logical3A_2631 = vector.broadcast %shift_right_logical3A_2630 : i32 to vector<16xi32>
      %shift_right_logical3A_2632 = arith.shrui %get3A_2629, %shift_right_logical3A_2631 : vector<16xi32>
      %swap3A_2633 = arith.constant 1 : i32
      %swap3A_2634 = arith.index_cast %swap3A_2633 : i32 to index
      %swap3A_2635 = arith.constant 16 : index
      %swap3A_2636 = tpu.vector_load %arg14[%swap3A_2634, %swap3A_2635] {strides = array<i32>} : memref<8x128xi32, #tpu.memory_space<vmem>>, vector<16xi32>,
      tpu.vector_store %arg14[%swap3A_2634, %swap3A_2635], %shift_right_logical3A_2632 {strides = array<i32>} : memref<8x128xi32, #tpu.memory_space<vmem>>, vector<16xi32>,
      %get3A_2637 = arith.index_cast %add3A_2609 : i32 to index
      %get3A_2638 = arith.constant 32 : index
      %get3A_2639 = tpu.vector_load %arg12[%get3A_2637, %get3A_2638] {strides = array<i32>} : memref<80x128xi32, #tpu.memory_space<vmem>>, vector<16xi32>,
      %shift_right_logical3A_2640 = arith.constant 16 : i32
      %shift_right_logical3A_2641 = vector.broadcast %shift_right_logical3A_2640 : i32 to vector<16xi32>
      %shift_right_logical3A_2642 = arith.shrui %get3A_2639, %shift_right_logical3A_2641 : vector<16xi32>
      %swap3A_2643 = arith.constant 1 : i32
      %swap3A_2644 = arith.index_cast %swap3A_2643 : i32 to index
      %swap3A_2645 = arith.constant 32 : index
      %swap3A_2646 = tpu.vector_load %arg14[%swap3A_2644, %swap3A_2645] {strides = array<i32>} : memref<8x128xi32, #tpu.memory_space<vmem>>, vector<16xi32>,
      tpu.vector_store %arg14[%swap3A_2644, %swap3A_2645], %shift_right_logical3A_2642 {strides = array<i32>} : memref<8x128xi32, #tpu.memory_space<vmem>>, vector<16xi32>,
      %get3A_2647 = arith.index_cast %add3A_2609 : i32 to index
      %get3A_2648 = arith.constant 48 : index
      %get3A_2649 = tpu.vector_load %arg12[%get3A_2647, %get3A_2648] {strides = array<i32>} : memref<80x128xi32, #tpu.memory_space<vmem>>, vector<16xi32>,
      %shift_right_logical3A_2650 = arith.constant 16 : i32
      %shift_right_logical3A_2651 = vector.broadcast %shift_right_logical3A_2650 : i32 to vector<16xi32>
      %shift_right_logical3A_2652 = arith.shrui %get3A_2649, %shift_right_logical3A_2651 : vector<16xi32>
      %swap3A_2653 = arith.constant 1 : i32
      %swap3A_2654 = arith.index_cast %swap3A_2653 : i32 to index
      %swap3A_2655 = arith.constant 48 : index
      %swap3A_2656 = tpu.vector_load %arg14[%swap3A_2654, %swap3A_2655] {strides = array<i32>} : memref<8x128xi32, #tpu.memory_space<vmem>>, vector<16xi32>,
      tpu.vector_store %arg14[%swap3A_2654, %swap3A_2655], %shift_right_logical3A_2652 {strides = array<i32>} : memref<8x128xi32, #tpu.memory_space<vmem>>, vector<16xi32>,
      %get3A_2657 = arith.index_cast %add3A_2609 : i32 to index
      %get3A_2658 = arith.constant 64 : index
      %get3A_2659 = tpu.vector_load %arg12[%get3A_2657, %get3A_2658] {strides = array<i32>} : memref<80x128xi32, #tpu.memory_space<vmem>>, vector<16xi32>,
      %shift_right_logical3A_2660 = arith.constant 16 : i32
      %shift_right_logical3A_2661 = vector.broadcast %shift_right_logical3A_2660 : i32 to vector<16xi32>
      %shift_right_logical3A_2662 = arith.shrui %get3A_2659, %shift_right_logical3A_2661 : vector<16xi32>
      %swap3A_2663 = arith.constant 1 : i32
      %swap3A_2664 = arith.index_cast %swap3A_2663 : i32 to index
      %swap3A_2665 = arith.constant 64 : index
      %swap3A_2666 = tpu.vector_load %arg14[%swap3A_2664, %swap3A_2665] {strides = array<i32>} : memref<8x128xi32, #tpu.memory_space<vmem>>, vector<16xi32>,
      tpu.vector_store %arg14[%swap3A_2664, %swap3A_2665], %shift_right_logical3A_2662 {strides = array<i32>} : memref<8x128xi32, #tpu.memory_space<vmem>>, vector<16xi32>,
      %get3A_2667 = arith.index_cast %add3A_2609 : i32 to index
      %get3A_2668 = arith.constant 80 : index
      %get3A_2669 = tpu.vector_load %arg12[%get3A_2667, %get3A_2668] {strides = array<i32>} : memref<80x128xi32, #tpu.memory_space<vmem>>, vector<16xi32>,
      %shift_right_logical3A_2670 = arith.constant 16 : i32
      %shift_right_logical3A_2671 = vector.broadcast %shift_right_logical3A_2670 : i32 to vector<16xi32>
      %shift_right_logical3A_2672 = arith.shrui %get3A_2669, %shift_right_logical3A_2671 : vector<16xi32>
      %swap3A_2673 = arith.constant 1 : i32
      %swap3A_2674 = arith.index_cast %swap3A_2673 : i32 to index
      %swap3A_2675 = arith.constant 80 : index
      %swap3A_2676 = tpu.vector_load %arg14[%swap3A_2674, %swap3A_2675] {strides = array<i32>} : memref<8x128xi32, #tpu.memory_space<vmem>>, vector<16xi32>,
      tpu.vector_store %arg14[%swap3A_2674, %swap3A_2675], %shift_right_logical3A_2672 {strides = array<i32>} : memref<8x128xi32, #tpu.memory_space<vmem>>, vector<16xi32>,
      %get3A_2677 = arith.index_cast %add3A_2609 : i32 to index
      %get3A_2678 = arith.constant 96 : index
      %get3A_2679 = tpu.vector_load %arg12[%get3A_2677, %get3A_2678] {strides = array<i32>} : memref<80x128xi32, #tpu.memory_space<vmem>>, vector<16xi32>,
      %shift_right_logical3A_2680 = arith.constant 16 : i32
      %shift_right_logical3A_2681 = vector.broadcast %shift_right_logical3A_2680 : i32 to vector<16xi32>
      %shift_right_logical3A_2682 = arith.shrui %get3A_2679, %shift_right_logical3A_2681 : vector<16xi32>
      %swap3A_2683 = arith.constant 1 : i32
      %swap3A_2684 = arith.index_cast %swap3A_2683 : i32 to index
      %swap3A_2685 = arith.constant 96 : index
      %swap3A_2686 = tpu.vector_load %arg14[%swap3A_2684, %swap3A_2685] {strides = array<i32>} : memref<8x128xi32, #tpu.memory_space<vmem>>, vector<16xi32>,
      tpu.vector_store %arg14[%swap3A_2684, %swap3A_2685], %shift_right_logical3A_2682 {strides = array<i32>} : memref<8x128xi32, #tpu.memory_space<vmem>>, vector<16xi32>,
      %get3A_2687 = arith.index_cast %add3A_2609 : i32 to index
      %get3A_2688 = arith.constant 112 : index
      %get3A_2689 = tpu.vector_load %arg12[%get3A_2687, %get3A_2688] {strides = array<i32>} : memref<80x128xi32, #tpu.memory_space<vmem>>, vector<16xi32>,
      %shift_right_logical3A_2690 = arith.constant 16 : i32
      %shift_right_logical3A_2691 = vector.broadcast %shift_right_logical3A_2690 : i32 to vector<16xi32>
      %shift_right_logical3A_2692 = arith.shrui %get3A_2689, %shift_right_logical3A_2691 : vector<16xi32>
      %swap3A_2693 = arith.constant 1 : i32
      %swap3A_2694 = arith.index_cast %swap3A_2693 : i32 to index
      %swap3A_2695 = arith.constant 112 : index
      %swap3A_2696 = tpu.vector_load %arg14[%swap3A_2694, %swap3A_2695] {strides = array<i32>} : memref<8x128xi32, #tpu.memory_space<vmem>>, vector<16xi32>,
      tpu.vector_store %arg14[%swap3A_2694, %swap3A_2695], %shift_right_logical3A_2692 {strides = array<i32>} : memref<8x128xi32, #tpu.memory_space<vmem>>, vector<16xi32>,
      %dma_start3A_2697 = arith.constant 1 : i32
      %dma_start3A_2698 = arith.constant 0 : i32
      %dma_start3A_2699 = tpu.memref_slice %arg14[%dma_start3A_2697, %dma_start3A_2698] : memref<8x128xi32, #tpu.memory_space<vmem>> -> memref<1x128xi32, #tpu.memory_space<vmem>>
      %dma_start3A_2700 = tpu.memref_squeeze %dma_start3A_2699 : memref<1x128xi32, #tpu.memory_space<vmem>> -> memref<128xi32, #tpu.memory_space<vmem>>
      %dma_start3A_2701 = arith.constant 0 : i32
      %dma_start3A_2702 = arith.constant 0 : i32
      %dma_start3A_2703 = tpu.memref_slice %arg10[%dma_start3A_2701, %dma_start3A_2702] : memref<10112x128xbf16, #tpu.memory_space<vmem_shared>> -> memref<10112x128xbf16, #tpu.memory_space<vmem_shared>>
      tpu.enqueue_indirect_dma source(%arg16 : memref<128x128xbf16, #tpu.memory_space<vmem>>) target(%dma_start3A_2703 : memref<10112x128xbf16, #tpu.memory_space<vmem_shared>>) offsets(%dma_start3A_2700 : memref<128xi32, #tpu.memory_space<vmem>>) semaphore(%arg32 : memref<!tpu.dma_semaphore, #tpu.memory_space<semaphore_mem>>) {add = true}
      %dma_start3A_2704 = arith.constant 1 : i32
      %dma_start3A_2705 = arith.constant 0 : i32
      %dma_start3A_2706 = tpu.memref_slice %arg14[%dma_start3A_2704, %dma_start3A_2705] : memref<8x128xi32, #tpu.memory_space<vmem>> -> memref<1x128xi32, #tpu.memory_space<vmem>>
      %dma_start3A_2707 = tpu.memref_squeeze %dma_start3A_2706 : memref<1x128xi32, #tpu.memory_space<vmem>> -> memref<128xi32, #tpu.memory_space<vmem>>
      %dma_start3A_2708 = arith.constant 0 : i32
      %dma_start3A_2709 = arith.constant 0 : i32
      %dma_start3A_2710 = tpu.memref_slice %arg11[%dma_start3A_2708, %dma_start3A_2709] : memref<10112x16xf32, #tpu.memory_space<vmem_shared>> -> memref<10112x16xf32, #tpu.memory_space<vmem_shared>>
      tpu.enqueue_indirect_dma source(%arg39 : memref<128x16xf32, #tpu.memory_space<vmem>>) target(%dma_start3A_2710 : memref<10112x16xf32, #tpu.memory_space<vmem_shared>>) offsets(%dma_start3A_2707 : memref<128xi32, #tpu.memory_space<vmem>>) semaphore(%arg32 : memref<!tpu.dma_semaphore, #tpu.memory_space<semaphore_mem>>) {add = true}
      %dma_wait3A_2711 = arith.constant 5 : i32
      %dma_wait3A_2712 = arith.constant 0 : i32
      %dma_wait3A_2713 = tpu.memref_slice %arg14[%dma_wait3A_2711, %dma_wait3A_2712] : memref<8x128xi32, #tpu.memory_space<vmem>> -> memref<1x128xi32, #tpu.memory_space<vmem>>
      %dma_wait3A_2714 = tpu.memref_squeeze %dma_wait3A_2713 : memref<1x128xi32, #tpu.memory_space<vmem>> -> memref<128xi32, #tpu.memory_space<vmem>>
      %dma_wait3A_2715 = arith.constant 0 : i32
      %dma_wait3A_2716 = arith.constant 0 : i32
      %dma_wait3A_2717 = tpu.memref_slice %arg10[%dma_wait3A_2715, %dma_wait3A_2716] : memref<10112x128xbf16, #tpu.memory_space<vmem_shared>> -> memref<10112x128xbf16, #tpu.memory_space<vmem_shared>>
      tpu.wait_indirect_dma semaphore(%arg36 : memref<!tpu.dma_semaphore, #tpu.memory_space<semaphore_mem>>) src(%arg20 : memref<128x128xbf16, #tpu.memory_space<vmem>>) dst(%dma_wait3A_2717 : memref<10112x128xbf16, #tpu.memory_space<vmem_shared>>)
      %dma_wait3A_2718 = arith.constant 5 : i32
      %dma_wait3A_2719 = arith.constant 0 : i32
      %dma_wait3A_2720 = tpu.memref_slice %arg14[%dma_wait3A_2718, %dma_wait3A_2719] : memref<8x128xi32, #tpu.memory_space<vmem>> -> memref<1x128xi32, #tpu.memory_space<vmem>>
      %dma_wait3A_2721 = tpu.memref_squeeze %dma_wait3A_2720 : memref<1x128xi32, #tpu.memory_space<vmem>> -> memref<128xi32, #tpu.memory_space<vmem>>
      %dma_wait3A_2722 = arith.constant 0 : i32
      %dma_wait3A_2723 = arith.constant 0 : i32
      %dma_wait3A_2724 = tpu.memref_slice %arg11[%dma_wait3A_2722, %dma_wait3A_2723] : memref<10112x16xf32, #tpu.memory_space<vmem_shared>> -> memref<10112x16xf32, #tpu.memory_space<vmem_shared>>
      tpu.wait_indirect_dma semaphore(%arg36 : memref<!tpu.dma_semaphore, #tpu.memory_space<semaphore_mem>>) src(%arg39 : memref<128x16xf32, #tpu.memory_space<vmem>>) dst(%dma_wait3A_2724 : memref<10112x16xf32, #tpu.memory_space<vmem_shared>>)
      %add3A_2725 = arith.constant 4 : i32
      %add3A_2726 = arith.addi %add3A_2609, %add3A_2725 : i32
      %get3A_2727 = arith.index_cast %add3A_2726 : i32 to index
      %get3A_2728 = arith.constant 0 : index
      %get3A_2729 = tpu.vector_load %arg12[%get3A_2727, %get3A_2728] {strides = array<i32>} : memref<80x128xi32, #tpu.memory_space<vmem>>, vector<16xi32>,
      %and3A_2730 = arith.andi %get3A_2729, %broadcast_in_dim3A_1 : vector<16xi32>
      %swap3A_2731 = arith.constant 5 : i32
      %swap3A_2732 = arith.index_cast %swap3A_2731 : i32 to index
      %swap3A_2733 = arith.constant 0 : index
      %swap3A_2734 = tpu.vector_load %arg13[%swap3A_2732, %swap3A_2733] {strides = array<i32>} : memref<8x128xi32, #tpu.memory_space<vmem>>, vector<16xi32>,
      tpu.vector_store %arg13[%swap3A_2732, %swap3A_2733], %and3A_2730 {strides = array<i32>} : memref<8x128xi32, #tpu.memory_space<vmem>>, vector<16xi32>,
      %get3A_2735 = arith.index_cast %add3A_2726 : i32 to index
      %get3A_2736 = arith.constant 16 : index
      %get3A_2737 = tpu.vector_load %arg12[%get3A_2735, %get3A_2736] {strides = array<i32>} : memref<80x128xi32, #tpu.memory_space<vmem>>, vector<16xi32>,
      %and3A_2738 = arith.andi %get3A_2737, %broadcast_in_dim3A_1 : vector<16xi32>
      %swap3A_2739 = arith.constant 5 : i32
      %swap3A_2740 = arith.index_cast %swap3A_2739 : i32 to index
      %swap3A_2741 = arith.constant 16 : index
      %swap3A_2742 = tpu.vector_load %arg13[%swap3A_2740, %swap3A_2741] {strides = array<i32>} : memref<8x128xi32, #tpu.memory_space<vmem>>, vector<16xi32>,
      tpu.vector_store %arg13[%swap3A_2740, %swap3A_2741], %and3A_2738 {strides = array<i32>} : memref<8x128xi32, #tpu.memory_space<vmem>>, vector<16xi32>,
      %get3A_2743 = arith.index_cast %add3A_2726 : i32 to index
      %get3A_2744 = arith.constant 32 : index
      %get3A_2745 = tpu.vector_load %arg12[%get3A_2743, %get3A_2744] {strides = array<i32>} : memref<80x128xi32, #tpu.memory_space<vmem>>, vector<16xi32>,
      %and3A_2746 = arith.andi %get3A_2745, %broadcast_in_dim3A_1 : vector<16xi32>
      %swap3A_2747 = arith.constant 5 : i32
      %swap3A_2748 = arith.index_cast %swap3A_2747 : i32 to index
      %swap3A_2749 = arith.constant 32 : index
      %swap3A_2750 = tpu.vector_load %arg13[%swap3A_2748, %swap3A_2749] {strides = array<i32>} : memref<8x128xi32, #tpu.memory_space<vmem>>, vector<16xi32>,
      tpu.vector_store %arg13[%swap3A_2748, %swap3A_2749], %and3A_2746 {strides = array<i32>} : memref<8x128xi32, #tpu.memory_space<vmem>>, vector<16xi32>,
      %get3A_2751 = arith.index_cast %add3A_2726 : i32 to index
      %get3A_2752 = arith.constant 48 : index
      %get3A_2753 = tpu.vector_load %arg12[%get3A_2751, %get3A_2752] {strides = array<i32>} : memref<80x128xi32, #tpu.memory_space<vmem>>, vector<16xi32>,
      %and3A_2754 = arith.andi %get3A_2753, %broadcast_in_dim3A_1 : vector<16xi32>
      %swap3A_2755 = arith.constant 5 : i32
      %swap3A_2756 = arith.index_cast %swap3A_2755 : i32 to index
      %swap3A_2757 = arith.constant 48 : index
      %swap3A_2758 = tpu.vector_load %arg13[%swap3A_2756, %swap3A_2757] {strides = array<i32>} : memref<8x128xi32, #tpu.memory_space<vmem>>, vector<16xi32>,
      tpu.vector_store %arg13[%swap3A_2756, %swap3A_2757], %and3A_2754 {strides = array<i32>} : memref<8x128xi32, #tpu.memory_space<vmem>>, vector<16xi32>,
      %get3A_2759 = arith.index_cast %add3A_2726 : i32 to index
      %get3A_2760 = arith.constant 64 : index
      %get3A_2761 = tpu.vector_load %arg12[%get3A_2759, %get3A_2760] {strides = array<i32>} : memref<80x128xi32, #tpu.memory_space<vmem>>, vector<16xi32>,
      %and3A_2762 = arith.andi %get3A_2761, %broadcast_in_dim3A_1 : vector<16xi32>
      %swap3A_2763 = arith.constant 5 : i32
      %swap3A_2764 = arith.index_cast %swap3A_2763 : i32 to index
      %swap3A_2765 = arith.constant 64 : index
      %swap3A_2766 = tpu.vector_load %arg13[%swap3A_2764, %swap3A_2765] {strides = array<i32>} : memref<8x128xi32, #tpu.memory_space<vmem>>, vector<16xi32>,
      tpu.vector_store %arg13[%swap3A_2764, %swap3A_2765], %and3A_2762 {strides = array<i32>} : memref<8x128xi32, #tpu.memory_space<vmem>>, vector<16xi32>,
      %get3A_2767 = arith.index_cast %add3A_2726 : i32 to index
      %get3A_2768 = arith.constant 80 : index
      %get3A_2769 = tpu.vector_load %arg12[%get3A_2767, %get3A_2768] {strides = array<i32>} : memref<80x128xi32, #tpu.memory_space<vmem>>, vector<16xi32>,
      %and3A_2770 = arith.andi %get3A_2769, %broadcast_in_dim3A_1 : vector<16xi32>
      %swap3A_2771 = arith.constant 5 : i32
      %swap3A_2772 = arith.index_cast %swap3A_2771 : i32 to index
      %swap3A_2773 = arith.constant 80 : index
      %swap3A_2774 = tpu.vector_load %arg13[%swap3A_2772, %swap3A_2773] {strides = array<i32>} : memref<8x128xi32, #tpu.memory_space<vmem>>, vector<16xi32>,
      tpu.vector_store %arg13[%swap3A_2772, %swap3A_2773], %and3A_2770 {strides = array<i32>} : memref<8x128xi32, #tpu.memory_space<vmem>>, vector<16xi32>,
      %get3A_2775 = arith.index_cast %add3A_2726 : i32 to index
      %get3A_2776 = arith.constant 96 : index
      %get3A_2777 = tpu.vector_load %arg12[%get3A_2775, %get3A_2776] {strides = array<i32>} : memref<80x128xi32, #tpu.memory_space<vmem>>, vector<16xi32>,
      %and3A_2778 = arith.andi %get3A_2777, %broadcast_in_dim3A_1 : vector<16xi32>
      %swap3A_2779 = arith.constant 5 : i32
      %swap3A_2780 = arith.index_cast %swap3A_2779 : i32 to index
      %swap3A_2781 = arith.constant 96 : index
      %swap3A_2782 = tpu.vector_load %arg13[%swap3A_2780, %swap3A_2781] {strides = array<i32>} : memref<8x128xi32, #tpu.memory_space<vmem>>, vector<16xi32>,
      tpu.vector_store %arg13[%swap3A_2780, %swap3A_2781], %and3A_2778 {strides = array<i32>} : memref<8x128xi32, #tpu.memory_space<vmem>>, vector<16xi32>,
      %get3A_2783 = arith.index_cast %add3A_2726 : i32 to index
      %get3A_2784 = arith.constant 112 : index
      %get3A_2785 = tpu.vector_load %arg12[%get3A_2783, %get3A_2784] {strides = array<i32>} : memref<80x128xi32, #tpu.memory_space<vmem>>, vector<16xi32>,
      %and3A_2786 = arith.andi %get3A_2785, %broadcast_in_dim3A_1 : vector<16xi32>
      %swap3A_2787 = arith.constant 5 : i32
      %swap3A_2788 = arith.index_cast %swap3A_2787 : i32 to index
      %swap3A_2789 = arith.constant 112 : index
      %swap3A_2790 = tpu.vector_load %arg13[%swap3A_2788, %swap3A_2789] {strides = array<i32>} : memref<8x128xi32, #tpu.memory_space<vmem>>, vector<16xi32>,
      tpu.vector_store %arg13[%swap3A_2788, %swap3A_2789], %and3A_2786 {strides = array<i32>} : memref<8x128xi32, #tpu.memory_space<vmem>>, vector<16xi32>,
      %eq3A_2791 = arith.constant 0 : i32
      %eq3A_2792 = arith.cmpi eq, %arg0, %eq3A_2791 : i32
      %convert_element_type3A_2793 = arith.extui %eq3A_2792 : i1 to i32
      %cond3A_2794 = arith.constant 0 : i32
      %cond3A_2795 = arith.cmpi ne, %convert_element_type3A_2793, %cond3A_2794 : i32
      scf.if %cond3A_2795 {
        %dma_start3A_3187 = arith.constant 5 : i32
        %dma_start3A_3188 = arith.constant 0 : i32
        %dma_start3A_3189 = tpu.memref_slice %arg13[%dma_start3A_3187, %dma_start3A_3188] : memref<8x128xi32, #tpu.memory_space<vmem>> -> memref<1x128xi32, #tpu.memory_space<vmem>>
        %dma_start3A_3190 = tpu.memref_squeeze %dma_start3A_3189 : memref<1x128xi32, #tpu.memory_space<vmem>> -> memref<128xi32, #tpu.memory_space<vmem>>
        %dma_start3A_3191 = arith.constant 0 : i32
        %dma_start3A_3192 = arith.constant 0 : i32
        %dma_start3A_3193 = tpu.memref_slice %arg2[%dma_start3A_3191, %dma_start3A_3192] : memref<10000x128xbf16, #tpu.memory_space<hbm>> -> memref<10000x128xbf16, #tpu.memory_space<hbm>>
        tpu.enqueue_indirect_dma source(%dma_start3A_3193 : memref<10000x128xbf16, #tpu.memory_space<hbm>>) target(%arg20 : memref<128x128xbf16, #tpu.memory_space<vmem>>) offsets(%dma_start3A_3190 : memref<128xi32, #tpu.memory_space<vmem>>) semaphore(%arg28 : memref<!tpu.dma_semaphore, #tpu.memory_space<semaphore_mem>>)
      } else {
      }
      %eq3A_2796 = arith.constant 1 : i32
      %eq3A_2797 = arith.cmpi eq, %arg0, %eq3A_2796 : i32
      %convert_element_type3A_2798 = arith.extui %eq3A_2797 : i1 to i32
      %cond3A_2799 = arith.constant 0 : i32
      %cond3A_2800 = arith.cmpi ne, %convert_element_type3A_2798, %cond3A_2799 : i32
      scf.if %cond3A_2800 {
        %dma_start3A_3187 = arith.constant 5 : i32
        %dma_start3A_3188 = arith.constant 0 : i32
        %dma_start3A_3189 = tpu.memref_slice %arg13[%dma_start3A_3187, %dma_start3A_3188] : memref<8x128xi32, #tpu.memory_space<vmem>> -> memref<1x128xi32, #tpu.memory_space<vmem>>
        %dma_start3A_3190 = tpu.memref_squeeze %dma_start3A_3189 : memref<1x128xi32, #tpu.memory_space<vmem>> -> memref<128xi32, #tpu.memory_space<vmem>>
        %dma_start3A_3191 = arith.constant 0 : i32
        %dma_start3A_3192 = arith.constant 0 : i32
        %dma_start3A_3193 = tpu.memref_slice %arg3[%dma_start3A_3191, %dma_start3A_3192] : memref<10000x128xbf16, #tpu.memory_space<hbm>> -> memref<10000x128xbf16, #tpu.memory_space<hbm>>
        tpu.enqueue_indirect_dma source(%dma_start3A_3193 : memref<10000x128xbf16, #tpu.memory_space<hbm>>) target(%arg20 : memref<128x128xbf16, #tpu.memory_space<vmem>>) offsets(%dma_start3A_3190 : memref<128xi32, #tpu.memory_space<vmem>>) semaphore(%arg28 : memref<!tpu.dma_semaphore, #tpu.memory_space<semaphore_mem>>)
      } else {
      }
      %add3A_2801 = arith.constant 6 : i32
      %add3A_2802 = arith.addi %add3A_1642, %add3A_2801 : i32
      %dma_wait3A_2803 = arith.constant 2 : i32
      %dma_wait3A_2804 = arith.constant 0 : i32
      %dma_wait3A_2805 = tpu.memref_slice %arg13[%dma_wait3A_2803, %dma_wait3A_2804] : memref<8x128xi32, #tpu.memory_space<vmem>> -> memref<1x128xi32, #tpu.memory_space<vmem>>
      %dma_wait3A_2806 = tpu.memref_squeeze %dma_wait3A_2805 : memref<1x128xi32, #tpu.memory_space<vmem>> -> memref<128xi32, #tpu.memory_space<vmem>>
      %dma_wait3A_2807 = arith.constant 0 : i32
      %dma_wait3A_2808 = arith.constant 0 : i32
      %dma_wait3A_2809 = tpu.memref_slice %arg2[%dma_wait3A_2807, %dma_wait3A_2808] : memref<10000x128xbf16, #tpu.memory_space<hbm>> -> memref<10000x128xbf16, #tpu.memory_space<hbm>>
      tpu.wait_indirect_dma semaphore(%arg25 : memref<!tpu.dma_semaphore, #tpu.memory_space<semaphore_mem>>) src(%dma_wait3A_2809 : memref<10000x128xbf16, #tpu.memory_space<hbm>>) dst(%arg17 : memref<128x128xbf16, #tpu.memory_space<vmem>>)
      %get3A_2810 = arith.index_cast %add3A_2802 : i32 to index
      %get3A_2811 = arith.constant 0 : index
      %get3A_2812 = tpu.vector_load %arg12[%get3A_2810, %get3A_2811] {strides = array<i32>} : memref<80x128xi32, #tpu.memory_space<vmem>>, vector<16xi32>,
      %shift_right_logical3A_2813 = arith.constant 16 : i32
      %shift_right_logical3A_2814 = vector.broadcast %shift_right_logical3A_2813 : i32 to vector<16xi32>
      %shift_right_logical3A_2815 = arith.shrui %get3A_2812, %shift_right_logical3A_2814 : vector<16xi32>
      %swap3A_2816 = arith.constant 2 : i32
      %swap3A_2817 = arith.index_cast %swap3A_2816 : i32 to index
      %swap3A_2818 = arith.constant 0 : index
      %swap3A_2819 = tpu.vector_load %arg14[%swap3A_2817, %swap3A_2818] {strides = array<i32>} : memref<8x128xi32, #tpu.memory_space<vmem>>, vector<16xi32>,
      tpu.vector_store %arg14[%swap3A_2817, %swap3A_2818], %shift_right_logical3A_2815 {strides = array<i32>} : memref<8x128xi32, #tpu.memory_space<vmem>>, vector<16xi32>,
      %get3A_2820 = arith.index_cast %add3A_2802 : i32 to index
      %get3A_2821 = arith.constant 16 : index
      %get3A_2822 = tpu.vector_load %arg12[%get3A_2820, %get3A_2821] {strides = array<i32>} : memref<80x128xi32, #tpu.memory_space<vmem>>, vector<16xi32>,
      %shift_right_logical3A_2823 = arith.constant 16 : i32
      %shift_right_logical3A_2824 = vector.broadcast %shift_right_logical3A_2823 : i32 to vector<16xi32>
      %shift_right_logical3A_2825 = arith.shrui %get3A_2822, %shift_right_logical3A_2824 : vector<16xi32>
      %swap3A_2826 = arith.constant 2 : i32
      %swap3A_2827 = arith.index_cast %swap3A_2826 : i32 to index
      %swap3A_2828 = arith.constant 16 : index
      %swap3A_2829 = tpu.vector_load %arg14[%swap3A_2827, %swap3A_2828] {strides = array<i32>} : memref<8x128xi32, #tpu.memory_space<vmem>>, vector<16xi32>,
      tpu.vector_store %arg14[%swap3A_2827, %swap3A_2828], %shift_right_logical3A_2825 {strides = array<i32>} : memref<8x128xi32, #tpu.memory_space<vmem>>, vector<16xi32>,
      %get3A_2830 = arith.index_cast %add3A_2802 : i32 to index
      %get3A_2831 = arith.constant 32 : index
      %get3A_2832 = tpu.vector_load %arg12[%get3A_2830, %get3A_2831] {strides = array<i32>} : memref<80x128xi32, #tpu.memory_space<vmem>>, vector<16xi32>,
      %shift_right_logical3A_2833 = arith.constant 16 : i32
      %shift_right_logical3A_2834 = vector.broadcast %shift_right_logical3A_2833 : i32 to vector<16xi32>
      %shift_right_logical3A_2835 = arith.shrui %get3A_2832, %shift_right_logical3A_2834 : vector<16xi32>
      %swap3A_2836 = arith.constant 2 : i32
      %swap3A_2837 = arith.index_cast %swap3A_2836 : i32 to index
      %swap3A_2838 = arith.constant 32 : index
      %swap3A_2839 = tpu.vector_load %arg14[%swap3A_2837, %swap3A_2838] {strides = array<i32>} : memref<8x128xi32, #tpu.memory_space<vmem>>, vector<16xi32>,
      tpu.vector_store %arg14[%swap3A_2837, %swap3A_2838], %shift_right_logical3A_2835 {strides = array<i32>} : memref<8x128xi32, #tpu.memory_space<vmem>>, vector<16xi32>,
      %get3A_2840 = arith.index_cast %add3A_2802 : i32 to index
      %get3A_2841 = arith.constant 48 : index
      %get3A_2842 = tpu.vector_load %arg12[%get3A_2840, %get3A_2841] {strides = array<i32>} : memref<80x128xi32, #tpu.memory_space<vmem>>, vector<16xi32>,
      %shift_right_logical3A_2843 = arith.constant 16 : i32
      %shift_right_logical3A_2844 = vector.broadcast %shift_right_logical3A_2843 : i32 to vector<16xi32>
      %shift_right_logical3A_2845 = arith.shrui %get3A_2842, %shift_right_logical3A_2844 : vector<16xi32>
      %swap3A_2846 = arith.constant 2 : i32
      %swap3A_2847 = arith.index_cast %swap3A_2846 : i32 to index
      %swap3A_2848 = arith.constant 48 : index
      %swap3A_2849 = tpu.vector_load %arg14[%swap3A_2847, %swap3A_2848] {strides = array<i32>} : memref<8x128xi32, #tpu.memory_space<vmem>>, vector<16xi32>,
      tpu.vector_store %arg14[%swap3A_2847, %swap3A_2848], %shift_right_logical3A_2845 {strides = array<i32>} : memref<8x128xi32, #tpu.memory_space<vmem>>, vector<16xi32>,
      %get3A_2850 = arith.index_cast %add3A_2802 : i32 to index
      %get3A_2851 = arith.constant 64 : index
      %get3A_2852 = tpu.vector_load %arg12[%get3A_2850, %get3A_2851] {strides = array<i32>} : memref<80x128xi32, #tpu.memory_space<vmem>>, vector<16xi32>,
      %shift_right_logical3A_2853 = arith.constant 16 : i32
      %shift_right_logical3A_2854 = vector.broadcast %shift_right_logical3A_2853 : i32 to vector<16xi32>
      %shift_right_logical3A_2855 = arith.shrui %get3A_2852, %shift_right_logical3A_2854 : vector<16xi32>
      %swap3A_2856 = arith.constant 2 : i32
      %swap3A_2857 = arith.index_cast %swap3A_2856 : i32 to index
      %swap3A_2858 = arith.constant 64 : index
      %swap3A_2859 = tpu.vector_load %arg14[%swap3A_2857, %swap3A_2858] {strides = array<i32>} : memref<8x128xi32, #tpu.memory_space<vmem>>, vector<16xi32>,
      tpu.vector_store %arg14[%swap3A_2857, %swap3A_2858], %shift_right_logical3A_2855 {strides = array<i32>} : memref<8x128xi32, #tpu.memory_space<vmem>>, vector<16xi32>,
      %get3A_2860 = arith.index_cast %add3A_2802 : i32 to index
      %get3A_2861 = arith.constant 80 : index
      %get3A_2862 = tpu.vector_load %arg12[%get3A_2860, %get3A_2861] {strides = array<i32>} : memref<80x128xi32, #tpu.memory_space<vmem>>, vector<16xi32>,
      %shift_right_logical3A_2863 = arith.constant 16 : i32
      %shift_right_logical3A_2864 = vector.broadcast %shift_right_logical3A_2863 : i32 to vector<16xi32>
      %shift_right_logical3A_2865 = arith.shrui %get3A_2862, %shift_right_logical3A_2864 : vector<16xi32>
      %swap3A_2866 = arith.constant 2 : i32
      %swap3A_2867 = arith.index_cast %swap3A_2866 : i32 to index
      %swap3A_2868 = arith.constant 80 : index
      %swap3A_2869 = tpu.vector_load %arg14[%swap3A_2867, %swap3A_2868] {strides = array<i32>} : memref<8x128xi32, #tpu.memory_space<vmem>>, vector<16xi32>,
      tpu.vector_store %arg14[%swap3A_2867, %swap3A_2868], %shift_right_logical3A_2865 {strides = array<i32>} : memref<8x128xi32, #tpu.memory_space<vmem>>, vector<16xi32>,
      %get3A_2870 = arith.index_cast %add3A_2802 : i32 to index
      %get3A_2871 = arith.constant 96 : index
      %get3A_2872 = tpu.vector_load %arg12[%get3A_2870, %get3A_2871] {strides = array<i32>} : memref<80x128xi32, #tpu.memory_space<vmem>>, vector<16xi32>,
      %shift_right_logical3A_2873 = arith.constant 16 : i32
      %shift_right_logical3A_2874 = vector.broadcast %shift_right_logical3A_2873 : i32 to vector<16xi32>
      %shift_right_logical3A_2875 = arith.shrui %get3A_2872, %shift_right_logical3A_2874 : vector<16xi32>
      %swap3A_2876 = arith.constant 2 : i32
      %swap3A_2877 = arith.index_cast %swap3A_2876 : i32 to index
      %swap3A_2878 = arith.constant 96 : index
      %swap3A_2879 = tpu.vector_load %arg14[%swap3A_2877, %swap3A_2878] {strides = array<i32>} : memref<8x128xi32, #tpu.memory_space<vmem>>, vector<16xi32>,
      tpu.vector_store %arg14[%swap3A_2877, %swap3A_2878], %shift_right_logical3A_2875 {strides = array<i32>} : memref<8x128xi32, #tpu.memory_space<vmem>>, vector<16xi32>,
      %get3A_2880 = arith.index_cast %add3A_2802 : i32 to index
      %get3A_2881 = arith.constant 112 : index
      %get3A_2882 = tpu.vector_load %arg12[%get3A_2880, %get3A_2881] {strides = array<i32>} : memref<80x128xi32, #tpu.memory_space<vmem>>, vector<16xi32>,
      %shift_right_logical3A_2883 = arith.constant 16 : i32
      %shift_right_logical3A_2884 = vector.broadcast %shift_right_logical3A_2883 : i32 to vector<16xi32>
      %shift_right_logical3A_2885 = arith.shrui %get3A_2882, %shift_right_logical3A_2884 : vector<16xi32>
      %swap3A_2886 = arith.constant 2 : i32
      %swap3A_2887 = arith.index_cast %swap3A_2886 : i32 to index
      %swap3A_2888 = arith.constant 112 : index
      %swap3A_2889 = tpu.vector_load %arg14[%swap3A_2887, %swap3A_2888] {strides = array<i32>} : memref<8x128xi32, #tpu.memory_space<vmem>>, vector<16xi32>,
      tpu.vector_store %arg14[%swap3A_2887, %swap3A_2888], %shift_right_logical3A_2885 {strides = array<i32>} : memref<8x128xi32, #tpu.memory_space<vmem>>, vector<16xi32>,
      %dma_start3A_2890 = arith.constant 2 : i32
      %dma_start3A_2891 = arith.constant 0 : i32
      %dma_start3A_2892 = tpu.memref_slice %arg14[%dma_start3A_2890, %dma_start3A_2891] : memref<8x128xi32, #tpu.memory_space<vmem>> -> memref<1x128xi32, #tpu.memory_space<vmem>>
      %dma_start3A_2893 = tpu.memref_squeeze %dma_start3A_2892 : memref<1x128xi32, #tpu.memory_space<vmem>> -> memref<128xi32, #tpu.memory_space<vmem>>
      %dma_start3A_2894 = arith.constant 0 : i32
      %dma_start3A_2895 = arith.constant 0 : i32
      %dma_start3A_2896 = tpu.memref_slice %arg10[%dma_start3A_2894, %dma_start3A_2895] : memref<10112x128xbf16, #tpu.memory_space<vmem_shared>> -> memref<10112x128xbf16, #tpu.memory_space<vmem_shared>>
      tpu.enqueue_indirect_dma source(%arg17 : memref<128x128xbf16, #tpu.memory_space<vmem>>) target(%dma_start3A_2896 : memref<10112x128xbf16, #tpu.memory_space<vmem_shared>>) offsets(%dma_start3A_2893 : memref<128xi32, #tpu.memory_space<vmem>>) semaphore(%arg33 : memref<!tpu.dma_semaphore, #tpu.memory_space<semaphore_mem>>) {add = true}
      %dma_start3A_2897 = arith.constant 2 : i32
      %dma_start3A_2898 = arith.constant 0 : i32
      %dma_start3A_2899 = tpu.memref_slice %arg14[%dma_start3A_2897, %dma_start3A_2898] : memref<8x128xi32, #tpu.memory_space<vmem>> -> memref<1x128xi32, #tpu.memory_space<vmem>>
      %dma_start3A_2900 = tpu.memref_squeeze %dma_start3A_2899 : memref<1x128xi32, #tpu.memory_space<vmem>> -> memref<128xi32, #tpu.memory_space<vmem>>
      %dma_start3A_2901 = arith.constant 0 : i32
      %dma_start3A_2902 = arith.constant 0 : i32
      %dma_start3A_2903 = tpu.memref_slice %arg11[%dma_start3A_2901, %dma_start3A_2902] : memref<10112x16xf32, #tpu.memory_space<vmem_shared>> -> memref<10112x16xf32, #tpu.memory_space<vmem_shared>>
      tpu.enqueue_indirect_dma source(%arg39 : memref<128x16xf32, #tpu.memory_space<vmem>>) target(%dma_start3A_2903 : memref<10112x16xf32, #tpu.memory_space<vmem_shared>>) offsets(%dma_start3A_2900 : memref<128xi32, #tpu.memory_space<vmem>>) semaphore(%arg33 : memref<!tpu.dma_semaphore, #tpu.memory_space<semaphore_mem>>) {add = true}
      %dma_wait3A_2904 = arith.constant 6 : i32
      %dma_wait3A_2905 = arith.constant 0 : i32
      %dma_wait3A_2906 = tpu.memref_slice %arg14[%dma_wait3A_2904, %dma_wait3A_2905] : memref<8x128xi32, #tpu.memory_space<vmem>> -> memref<1x128xi32, #tpu.memory_space<vmem>>
      %dma_wait3A_2907 = tpu.memref_squeeze %dma_wait3A_2906 : memref<1x128xi32, #tpu.memory_space<vmem>> -> memref<128xi32, #tpu.memory_space<vmem>>
      %dma_wait3A_2908 = arith.constant 0 : i32
      %dma_wait3A_2909 = arith.constant 0 : i32
      %dma_wait3A_2910 = tpu.memref_slice %arg10[%dma_wait3A_2908, %dma_wait3A_2909] : memref<10112x128xbf16, #tpu.memory_space<vmem_shared>> -> memref<10112x128xbf16, #tpu.memory_space<vmem_shared>>
      tpu.wait_indirect_dma semaphore(%arg37 : memref<!tpu.dma_semaphore, #tpu.memory_space<semaphore_mem>>) src(%arg21 : memref<128x128xbf16, #tpu.memory_space<vmem>>) dst(%dma_wait3A_2910 : memref<10112x128xbf16, #tpu.memory_space<vmem_shared>>)
      %dma_wait3A_2911 = arith.constant 6 : i32
      %dma_wait3A_2912 = arith.constant 0 : i32
      %dma_wait3A_2913 = tpu.memref_slice %arg14[%dma_wait3A_2911, %dma_wait3A_2912] : memref<8x128xi32, #tpu.memory_space<vmem>> -> memref<1x128xi32, #tpu.memory_space<vmem>>
      %dma_wait3A_2914 = tpu.memref_squeeze %dma_wait3A_2913 : memref<1x128xi32, #tpu.memory_space<vmem>> -> memref<128xi32, #tpu.memory_space<vmem>>
      %dma_wait3A_2915 = arith.constant 0 : i32
      %dma_wait3A_2916 = arith.constant 0 : i32
      %dma_wait3A_2917 = tpu.memref_slice %arg11[%dma_wait3A_2915, %dma_wait3A_2916] : memref<10112x16xf32, #tpu.memory_space<vmem_shared>> -> memref<10112x16xf32, #tpu.memory_space<vmem_shared>>
      tpu.wait_indirect_dma semaphore(%arg37 : memref<!tpu.dma_semaphore, #tpu.memory_space<semaphore_mem>>) src(%arg39 : memref<128x16xf32, #tpu.memory_space<vmem>>) dst(%dma_wait3A_2917 : memref<10112x16xf32, #tpu.memory_space<vmem_shared>>)
      %add3A_2918 = arith.constant 4 : i32
      %add3A_2919 = arith.addi %add3A_2802, %add3A_2918 : i32
      %get3A_2920 = arith.index_cast %add3A_2919 : i32 to index
      %get3A_2921 = arith.constant 0 : index
      %get3A_2922 = tpu.vector_load %arg12[%get3A_2920, %get3A_2921] {strides = array<i32>} : memref<80x128xi32, #tpu.memory_space<vmem>>, vector<16xi32>,
      %and3A_2923 = arith.andi %get3A_2922, %broadcast_in_dim3A_1 : vector<16xi32>
      %swap3A_2924 = arith.constant 6 : i32
      %swap3A_2925 = arith.index_cast %swap3A_2924 : i32 to index
      %swap3A_2926 = arith.constant 0 : index
      %swap3A_2927 = tpu.vector_load %arg13[%swap3A_2925, %swap3A_2926] {strides = array<i32>} : memref<8x128xi32, #tpu.memory_space<vmem>>, vector<16xi32>,
      tpu.vector_store %arg13[%swap3A_2925, %swap3A_2926], %and3A_2923 {strides = array<i32>} : memref<8x128xi32, #tpu.memory_space<vmem>>, vector<16xi32>,
      %get3A_2928 = arith.index_cast %add3A_2919 : i32 to index
      %get3A_2929 = arith.constant 16 : index
      %get3A_2930 = tpu.vector_load %arg12[%get3A_2928, %get3A_2929] {strides = array<i32>} : memref<80x128xi32, #tpu.memory_space<vmem>>, vector<16xi32>,
      %and3A_2931 = arith.andi %get3A_2930, %broadcast_in_dim3A_1 : vector<16xi32>
      %swap3A_2932 = arith.constant 6 : i32
      %swap3A_2933 = arith.index_cast %swap3A_2932 : i32 to index
      %swap3A_2934 = arith.constant 16 : index
      %swap3A_2935 = tpu.vector_load %arg13[%swap3A_2933, %swap3A_2934] {strides = array<i32>} : memref<8x128xi32, #tpu.memory_space<vmem>>, vector<16xi32>,
      tpu.vector_store %arg13[%swap3A_2933, %swap3A_2934], %and3A_2931 {strides = array<i32>} : memref<8x128xi32, #tpu.memory_space<vmem>>, vector<16xi32>,
      %get3A_2936 = arith.index_cast %add3A_2919 : i32 to index
      %get3A_2937 = arith.constant 32 : index
      %get3A_2938 = tpu.vector_load %arg12[%get3A_2936, %get3A_2937] {strides = array<i32>} : memref<80x128xi32, #tpu.memory_space<vmem>>, vector<16xi32>,
      %and3A_2939 = arith.andi %get3A_2938, %broadcast_in_dim3A_1 : vector<16xi32>
      %swap3A_2940 = arith.constant 6 : i32
      %swap3A_2941 = arith.index_cast %swap3A_2940 : i32 to index
      %swap3A_2942 = arith.constant 32 : index
      %swap3A_2943 = tpu.vector_load %arg13[%swap3A_2941, %swap3A_2942] {strides = array<i32>} : memref<8x128xi32, #tpu.memory_space<vmem>>, vector<16xi32>,
      tpu.vector_store %arg13[%swap3A_2941, %swap3A_2942], %and3A_2939 {strides = array<i32>} : memref<8x128xi32, #tpu.memory_space<vmem>>, vector<16xi32>,
      %get3A_2944 = arith.index_cast %add3A_2919 : i32 to index
      %get3A_2945 = arith.constant 48 : index
      %get3A_2946 = tpu.vector_load %arg12[%get3A_2944, %get3A_2945] {strides = array<i32>} : memref<80x128xi32, #tpu.memory_space<vmem>>, vector<16xi32>,
      %and3A_2947 = arith.andi %get3A_2946, %broadcast_in_dim3A_1 : vector<16xi32>
      %swap3A_2948 = arith.constant 6 : i32
      %swap3A_2949 = arith.index_cast %swap3A_2948 : i32 to index
      %swap3A_2950 = arith.constant 48 : index
      %swap3A_2951 = tpu.vector_load %arg13[%swap3A_2949, %swap3A_2950] {strides = array<i32>} : memref<8x128xi32, #tpu.memory_space<vmem>>, vector<16xi32>,
      tpu.vector_store %arg13[%swap3A_2949, %swap3A_2950], %and3A_2947 {strides = array<i32>} : memref<8x128xi32, #tpu.memory_space<vmem>>, vector<16xi32>,
      %get3A_2952 = arith.index_cast %add3A_2919 : i32 to index
      %get3A_2953 = arith.constant 64 : index
      %get3A_2954 = tpu.vector_load %arg12[%get3A_2952, %get3A_2953] {strides = array<i32>} : memref<80x128xi32, #tpu.memory_space<vmem>>, vector<16xi32>,
      %and3A_2955 = arith.andi %get3A_2954, %broadcast_in_dim3A_1 : vector<16xi32>
      %swap3A_2956 = arith.constant 6 : i32
      %swap3A_2957 = arith.index_cast %swap3A_2956 : i32 to index
      %swap3A_2958 = arith.constant 64 : index
      %swap3A_2959 = tpu.vector_load %arg13[%swap3A_2957, %swap3A_2958] {strides = array<i32>} : memref<8x128xi32, #tpu.memory_space<vmem>>, vector<16xi32>,
      tpu.vector_store %arg13[%swap3A_2957, %swap3A_2958], %and3A_2955 {strides = array<i32>} : memref<8x128xi32, #tpu.memory_space<vmem>>, vector<16xi32>,
      %get3A_2960 = arith.index_cast %add3A_2919 : i32 to index
      %get3A_2961 = arith.constant 80 : index
      %get3A_2962 = tpu.vector_load %arg12[%get3A_2960, %get3A_2961] {strides = array<i32>} : memref<80x128xi32, #tpu.memory_space<vmem>>, vector<16xi32>,
      %and3A_2963 = arith.andi %get3A_2962, %broadcast_in_dim3A_1 : vector<16xi32>
      %swap3A_2964 = arith.constant 6 : i32
      %swap3A_2965 = arith.index_cast %swap3A_2964 : i32 to index
      %swap3A_2966 = arith.constant 80 : index
      %swap3A_2967 = tpu.vector_load %arg13[%swap3A_2965, %swap3A_2966] {strides = array<i32>} : memref<8x128xi32, #tpu.memory_space<vmem>>, vector<16xi32>,
      tpu.vector_store %arg13[%swap3A_2965, %swap3A_2966], %and3A_2963 {strides = array<i32>} : memref<8x128xi32, #tpu.memory_space<vmem>>, vector<16xi32>,
      %get3A_2968 = arith.index_cast %add3A_2919 : i32 to index
      %get3A_2969 = arith.constant 96 : index
      %get3A_2970 = tpu.vector_load %arg12[%get3A_2968, %get3A_2969] {strides = array<i32>} : memref<80x128xi32, #tpu.memory_space<vmem>>, vector<16xi32>,
      %and3A_2971 = arith.andi %get3A_2970, %broadcast_in_dim3A_1 : vector<16xi32>
      %swap3A_2972 = arith.constant 6 : i32
      %swap3A_2973 = arith.index_cast %swap3A_2972 : i32 to index
      %swap3A_2974 = arith.constant 96 : index
      %swap3A_2975 = tpu.vector_load %arg13[%swap3A_2973, %swap3A_2974] {strides = array<i32>} : memref<8x128xi32, #tpu.memory_space<vmem>>, vector<16xi32>,
      tpu.vector_store %arg13[%swap3A_2973, %swap3A_2974], %and3A_2971 {strides = array<i32>} : memref<8x128xi32, #tpu.memory_space<vmem>>, vector<16xi32>,
      %get3A_2976 = arith.index_cast %add3A_2919 : i32 to index
      %get3A_2977 = arith.constant 112 : index
      %get3A_2978 = tpu.vector_load %arg12[%get3A_2976, %get3A_2977] {strides = array<i32>} : memref<80x128xi32, #tpu.memory_space<vmem>>, vector<16xi32>,
      %and3A_2979 = arith.andi %get3A_2978, %broadcast_in_dim3A_1 : vector<16xi32>
      %swap3A_2980 = arith.constant 6 : i32
      %swap3A_2981 = arith.index_cast %swap3A_2980 : i32 to index
      %swap3A_2982 = arith.constant 112 : index
      %swap3A_2983 = tpu.vector_load %arg13[%swap3A_2981, %swap3A_2982] {strides = array<i32>} : memref<8x128xi32, #tpu.memory_space<vmem>>, vector<16xi32>,
      tpu.vector_store %arg13[%swap3A_2981, %swap3A_2982], %and3A_2979 {strides = array<i32>} : memref<8x128xi32, #tpu.memory_space<vmem>>, vector<16xi32>,
      %eq3A_2984 = arith.constant 0 : i32
      %eq3A_2985 = arith.cmpi eq, %arg0, %eq3A_2984 : i32
      %convert_element_type3A_2986 = arith.extui %eq3A_2985 : i1 to i32
      %cond3A_2987 = arith.constant 0 : i32
      %cond3A_2988 = arith.cmpi ne, %convert_element_type3A_2986, %cond3A_2987 : i32
      scf.if %cond3A_2988 {
        %dma_start3A_3187 = arith.constant 6 : i32
        %dma_start3A_3188 = arith.constant 0 : i32
        %dma_start3A_3189 = tpu.memref_slice %arg13[%dma_start3A_3187, %dma_start3A_3188] : memref<8x128xi32, #tpu.memory_space<vmem>> -> memref<1x128xi32, #tpu.memory_space<vmem>>
        %dma_start3A_3190 = tpu.memref_squeeze %dma_start3A_3189 : memref<1x128xi32, #tpu.memory_space<vmem>> -> memref<128xi32, #tpu.memory_space<vmem>>
        %dma_start3A_3191 = arith.constant 0 : i32
        %dma_start3A_3192 = arith.constant 0 : i32
        %dma_start3A_3193 = tpu.memref_slice %arg2[%dma_start3A_3191, %dma_start3A_3192] : memref<10000x128xbf16, #tpu.memory_space<hbm>> -> memref<10000x128xbf16, #tpu.memory_space<hbm>>
        tpu.enqueue_indirect_dma source(%dma_start3A_3193 : memref<10000x128xbf16, #tpu.memory_space<hbm>>) target(%arg21 : memref<128x128xbf16, #tpu.memory_space<vmem>>) offsets(%dma_start3A_3190 : memref<128xi32, #tpu.memory_space<vmem>>) semaphore(%arg29 : memref<!tpu.dma_semaphore, #tpu.memory_space<semaphore_mem>>)
      } else {
      }
      %eq3A_2989 = arith.constant 1 : i32
      %eq3A_2990 = arith.cmpi eq, %arg0, %eq3A_2989 : i32
      %convert_element_type3A_2991 = arith.extui %eq3A_2990 : i1 to i32
      %cond3A_2992 = arith.constant 0 : i32
      %cond3A_2993 = arith.cmpi ne, %convert_element_type3A_2991, %cond3A_2992 : i32
      scf.if %cond3A_2993 {
        %dma_start3A_3187 = arith.constant 6 : i32
        %dma_start3A_3188 = arith.constant 0 : i32
        %dma_start3A_3189 = tpu.memref_slice %arg13[%dma_start3A_3187, %dma_start3A_3188] : memref<8x128xi32, #tpu.memory_space<vmem>> -> memref<1x128xi32, #tpu.memory_space<vmem>>
        %dma_start3A_3190 = tpu.memref_squeeze %dma_start3A_3189 : memref<1x128xi32, #tpu.memory_space<vmem>> -> memref<128xi32, #tpu.memory_space<vmem>>
        %dma_start3A_3191 = arith.constant 0 : i32
        %dma_start3A_3192 = arith.constant 0 : i32
        %dma_start3A_3193 = tpu.memref_slice %arg3[%dma_start3A_3191, %dma_start3A_3192] : memref<10000x128xbf16, #tpu.memory_space<hbm>> -> memref<10000x128xbf16, #tpu.memory_space<hbm>>
        tpu.enqueue_indirect_dma source(%dma_start3A_3193 : memref<10000x128xbf16, #tpu.memory_space<hbm>>) target(%arg21 : memref<128x128xbf16, #tpu.memory_space<vmem>>) offsets(%dma_start3A_3190 : memref<128xi32, #tpu.memory_space<vmem>>) semaphore(%arg29 : memref<!tpu.dma_semaphore, #tpu.memory_space<semaphore_mem>>)
      } else {
      }
      %add3A_2994 = arith.constant 7 : i32
      %add3A_2995 = arith.addi %add3A_1642, %add3A_2994 : i32
      %dma_wait3A_2996 = arith.constant 3 : i32
      %dma_wait3A_2997 = arith.constant 0 : i32
      %dma_wait3A_2998 = tpu.memref_slice %arg13[%dma_wait3A_2996, %dma_wait3A_2997] : memref<8x128xi32, #tpu.memory_space<vmem>> -> memref<1x128xi32, #tpu.memory_space<vmem>>
      %dma_wait3A_2999 = tpu.memref_squeeze %dma_wait3A_2998 : memref<1x128xi32, #tpu.memory_space<vmem>> -> memref<128xi32, #tpu.memory_space<vmem>>
      %dma_wait3A_3000 = arith.constant 0 : i32
      %dma_wait3A_3001 = arith.constant 0 : i32
      %dma_wait3A_3002 = tpu.memref_slice %arg2[%dma_wait3A_3000, %dma_wait3A_3001] : memref<10000x128xbf16, #tpu.memory_space<hbm>> -> memref<10000x128xbf16, #tpu.memory_space<hbm>>
      tpu.wait_indirect_dma semaphore(%arg26 : memref<!tpu.dma_semaphore, #tpu.memory_space<semaphore_mem>>) src(%dma_wait3A_3002 : memref<10000x128xbf16, #tpu.memory_space<hbm>>) dst(%arg18 : memref<128x128xbf16, #tpu.memory_space<vmem>>)
      %get3A_3003 = arith.index_cast %add3A_2995 : i32 to index
      %get3A_3004 = arith.constant 0 : index
      %get3A_3005 = tpu.vector_load %arg12[%get3A_3003, %get3A_3004] {strides = array<i32>} : memref<80x128xi32, #tpu.memory_space<vmem>>, vector<16xi32>,
      %shift_right_logical3A_3006 = arith.constant 16 : i32
      %shift_right_logical3A_3007 = vector.broadcast %shift_right_logical3A_3006 : i32 to vector<16xi32>
      %shift_right_logical3A_3008 = arith.shrui %get3A_3005, %shift_right_logical3A_3007 : vector<16xi32>
      %swap3A_3009 = arith.constant 3 : i32
      %swap3A_3010 = arith.index_cast %swap3A_3009 : i32 to index
      %swap3A_3011 = arith.constant 0 : index
      %swap3A_3012 = tpu.vector_load %arg14[%swap3A_3010, %swap3A_3011] {strides = array<i32>} : memref<8x128xi32, #tpu.memory_space<vmem>>, vector<16xi32>,
      tpu.vector_store %arg14[%swap3A_3010, %swap3A_3011], %shift_right_logical3A_3008 {strides = array<i32>} : memref<8x128xi32, #tpu.memory_space<vmem>>, vector<16xi32>,
      %get3A_3013 = arith.index_cast %add3A_2995 : i32 to index
      %get3A_3014 = arith.constant 16 : index
      %get3A_3015 = tpu.vector_load %arg12[%get3A_3013, %get3A_3014] {strides = array<i32>} : memref<80x128xi32, #tpu.memory_space<vmem>>, vector<16xi32>,
      %shift_right_logical3A_3016 = arith.constant 16 : i32
      %shift_right_logical3A_3017 = vector.broadcast %shift_right_logical3A_3016 : i32 to vector<16xi32>
      %shift_right_logical3A_3018 = arith.shrui %get3A_3015, %shift_right_logical3A_3017 : vector<16xi32>
      %swap3A_3019 = arith.constant 3 : i32
      %swap3A_3020 = arith.index_cast %swap3A_3019 : i32 to index
      %swap3A_3021 = arith.constant 16 : index
      %swap3A_3022 = tpu.vector_load %arg14[%swap3A_3020, %swap3A_3021] {strides = array<i32>} : memref<8x128xi32, #tpu.memory_space<vmem>>, vector<16xi32>,
      tpu.vector_store %arg14[%swap3A_3020, %swap3A_3021], %shift_right_logical3A_3018 {strides = array<i32>} : memref<8x128xi32, #tpu.memory_space<vmem>>, vector<16xi32>,
      %get3A_3023 = arith.index_cast %add3A_2995 : i32 to index
      %get3A_3024 = arith.constant 32 : index
      %get3A_3025 = tpu.vector_load %arg12[%get3A_3023, %get3A_3024] {strides = array<i32>} : memref<80x128xi32, #tpu.memory_space<vmem>>, vector<16xi32>,
      %shift_right_logical3A_3026 = arith.constant 16 : i32
      %shift_right_logical3A_3027 = vector.broadcast %shift_right_logical3A_3026 : i32 to vector<16xi32>
      %shift_right_logical3A_3028 = arith.shrui %get3A_3025, %shift_right_logical3A_3027 : vector<16xi32>
      %swap3A_3029 = arith.constant 3 : i32
      %swap3A_3030 = arith.index_cast %swap3A_3029 : i32 to index
      %swap3A_3031 = arith.constant 32 : index
      %swap3A_3032 = tpu.vector_load %arg14[%swap3A_3030, %swap3A_3031] {strides = array<i32>} : memref<8x128xi32, #tpu.memory_space<vmem>>, vector<16xi32>,
      tpu.vector_store %arg14[%swap3A_3030, %swap3A_3031], %shift_right_logical3A_3028 {strides = array<i32>} : memref<8x128xi32, #tpu.memory_space<vmem>>, vector<16xi32>,
      %get3A_3033 = arith.index_cast %add3A_2995 : i32 to index
      %get3A_3034 = arith.constant 48 : index
      %get3A_3035 = tpu.vector_load %arg12[%get3A_3033, %get3A_3034] {strides = array<i32>} : memref<80x128xi32, #tpu.memory_space<vmem>>, vector<16xi32>,
      %shift_right_logical3A_3036 = arith.constant 16 : i32
      %shift_right_logical3A_3037 = vector.broadcast %shift_right_logical3A_3036 : i32 to vector<16xi32>
      %shift_right_logical3A_3038 = arith.shrui %get3A_3035, %shift_right_logical3A_3037 : vector<16xi32>
      %swap3A_3039 = arith.constant 3 : i32
      %swap3A_3040 = arith.index_cast %swap3A_3039 : i32 to index
      %swap3A_3041 = arith.constant 48 : index
      %swap3A_3042 = tpu.vector_load %arg14[%swap3A_3040, %swap3A_3041] {strides = array<i32>} : memref<8x128xi32, #tpu.memory_space<vmem>>, vector<16xi32>,
      tpu.vector_store %arg14[%swap3A_3040, %swap3A_3041], %shift_right_logical3A_3038 {strides = array<i32>} : memref<8x128xi32, #tpu.memory_space<vmem>>, vector<16xi32>,
      %get3A_3043 = arith.index_cast %add3A_2995 : i32 to index
      %get3A_3044 = arith.constant 64 : index
      %get3A_3045 = tpu.vector_load %arg12[%get3A_3043, %get3A_3044] {strides = array<i32>} : memref<80x128xi32, #tpu.memory_space<vmem>>, vector<16xi32>,
      %shift_right_logical3A_3046 = arith.constant 16 : i32
      %shift_right_logical3A_3047 = vector.broadcast %shift_right_logical3A_3046 : i32 to vector<16xi32>
      %shift_right_logical3A_3048 = arith.shrui %get3A_3045, %shift_right_logical3A_3047 : vector<16xi32>
      %swap3A_3049 = arith.constant 3 : i32
      %swap3A_3050 = arith.index_cast %swap3A_3049 : i32 to index
      %swap3A_3051 = arith.constant 64 : index
      %swap3A_3052 = tpu.vector_load %arg14[%swap3A_3050, %swap3A_3051] {strides = array<i32>} : memref<8x128xi32, #tpu.memory_space<vmem>>, vector<16xi32>,
      tpu.vector_store %arg14[%swap3A_3050, %swap3A_3051], %shift_right_logical3A_3048 {strides = array<i32>} : memref<8x128xi32, #tpu.memory_space<vmem>>, vector<16xi32>,
      %get3A_3053 = arith.index_cast %add3A_2995 : i32 to index
      %get3A_3054 = arith.constant 80 : index
      %get3A_3055 = tpu.vector_load %arg12[%get3A_3053, %get3A_3054] {strides = array<i32>} : memref<80x128xi32, #tpu.memory_space<vmem>>, vector<16xi32>,
      %shift_right_logical3A_3056 = arith.constant 16 : i32
      %shift_right_logical3A_3057 = vector.broadcast %shift_right_logical3A_3056 : i32 to vector<16xi32>
      %shift_right_logical3A_3058 = arith.shrui %get3A_3055, %shift_right_logical3A_3057 : vector<16xi32>
      %swap3A_3059 = arith.constant 3 : i32
      %swap3A_3060 = arith.index_cast %swap3A_3059 : i32 to index
      %swap3A_3061 = arith.constant 80 : index
      %swap3A_3062 = tpu.vector_load %arg14[%swap3A_3060, %swap3A_3061] {strides = array<i32>} : memref<8x128xi32, #tpu.memory_space<vmem>>, vector<16xi32>,
      tpu.vector_store %arg14[%swap3A_3060, %swap3A_3061], %shift_right_logical3A_3058 {strides = array<i32>} : memref<8x128xi32, #tpu.memory_space<vmem>>, vector<16xi32>,
      %get3A_3063 = arith.index_cast %add3A_2995 : i32 to index
      %get3A_3064 = arith.constant 96 : index
      %get3A_3065 = tpu.vector_load %arg12[%get3A_3063, %get3A_3064] {strides = array<i32>} : memref<80x128xi32, #tpu.memory_space<vmem>>, vector<16xi32>,
      %shift_right_logical3A_3066 = arith.constant 16 : i32
      %shift_right_logical3A_3067 = vector.broadcast %shift_right_logical3A_3066 : i32 to vector<16xi32>
      %shift_right_logical3A_3068 = arith.shrui %get3A_3065, %shift_right_logical3A_3067 : vector<16xi32>
      %swap3A_3069 = arith.constant 3 : i32
      %swap3A_3070 = arith.index_cast %swap3A_3069 : i32 to index
      %swap3A_3071 = arith.constant 96 : index
      %swap3A_3072 = tpu.vector_load %arg14[%swap3A_3070, %swap3A_3071] {strides = array<i32>} : memref<8x128xi32, #tpu.memory_space<vmem>>, vector<16xi32>,
      tpu.vector_store %arg14[%swap3A_3070, %swap3A_3071], %shift_right_logical3A_3068 {strides = array<i32>} : memref<8x128xi32, #tpu.memory_space<vmem>>, vector<16xi32>,
      %get3A_3073 = arith.index_cast %add3A_2995 : i32 to index
      %get3A_3074 = arith.constant 112 : index
      %get3A_3075 = tpu.vector_load %arg12[%get3A_3073, %get3A_3074] {strides = array<i32>} : memref<80x128xi32, #tpu.memory_space<vmem>>, vector<16xi32>,
      %shift_right_logical3A_3076 = arith.constant 16 : i32
      %shift_right_logical3A_3077 = vector.broadcast %shift_right_logical3A_3076 : i32 to vector<16xi32>
      %shift_right_logical3A_3078 = arith.shrui %get3A_3075, %shift_right_logical3A_3077 : vector<16xi32>
      %swap3A_3079 = arith.constant 3 : i32
      %swap3A_3080 = arith.index_cast %swap3A_3079 : i32 to index
      %swap3A_3081 = arith.constant 112 : index
      %swap3A_3082 = tpu.vector_load %arg14[%swap3A_3080, %swap3A_3081] {strides = array<i32>} : memref<8x128xi32, #tpu.memory_space<vmem>>, vector<16xi32>,
      tpu.vector_store %arg14[%swap3A_3080, %swap3A_3081], %shift_right_logical3A_3078 {strides = array<i32>} : memref<8x128xi32, #tpu.memory_space<vmem>>, vector<16xi32>,
      %dma_start3A_3083 = arith.constant 3 : i32
      %dma_start3A_3084 = arith.constant 0 : i32
      %dma_start3A_3085 = tpu.memref_slice %arg14[%dma_start3A_3083, %dma_start3A_3084] : memref<8x128xi32, #tpu.memory_space<vmem>> -> memref<1x128xi32, #tpu.memory_space<vmem>>
      %dma_start3A_3086 = tpu.memref_squeeze %dma_start3A_3085 : memref<1x128xi32, #tpu.memory_space<vmem>> -> memref<128xi32, #tpu.memory_space<vmem>>
      %dma_start3A_3087 = arith.constant 0 : i32
      %dma_start3A_3088 = arith.constant 0 : i32
      %dma_start3A_3089 = tpu.memref_slice %arg10[%dma_start3A_3087, %dma_start3A_3088] : memref<10112x128xbf16, #tpu.memory_space<vmem_shared>> -> memref<10112x128xbf16, #tpu.memory_space<vmem_shared>>
      tpu.enqueue_indirect_dma source(%arg18 : memref<128x128xbf16, #tpu.memory_space<vmem>>) target(%dma_start3A_3089 : memref<10112x128xbf16, #tpu.memory_space<vmem_shared>>) offsets(%dma_start3A_3086 : memref<128xi32, #tpu.memory_space<vmem>>) semaphore(%arg34 : memref<!tpu.dma_semaphore, #tpu.memory_space<semaphore_mem>>) {add = true}
      %dma_start3A_3090 = arith.constant 3 : i32
      %dma_start3A_3091 = arith.constant 0 : i32
      %dma_start3A_3092 = tpu.memref_slice %arg14[%dma_start3A_3090, %dma_start3A_3091] : memref<8x128xi32, #tpu.memory_space<vmem>> -> memref<1x128xi32, #tpu.memory_space<vmem>>
      %dma_start3A_3093 = tpu.memref_squeeze %dma_start3A_3092 : memref<1x128xi32, #tpu.memory_space<vmem>> -> memref<128xi32, #tpu.memory_space<vmem>>
      %dma_start3A_3094 = arith.constant 0 : i32
      %dma_start3A_3095 = arith.constant 0 : i32
      %dma_start3A_3096 = tpu.memref_slice %arg11[%dma_start3A_3094, %dma_start3A_3095] : memref<10112x16xf32, #tpu.memory_space<vmem_shared>> -> memref<10112x16xf32, #tpu.memory_space<vmem_shared>>
      tpu.enqueue_indirect_dma source(%arg39 : memref<128x16xf32, #tpu.memory_space<vmem>>) target(%dma_start3A_3096 : memref<10112x16xf32, #tpu.memory_space<vmem_shared>>) offsets(%dma_start3A_3093 : memref<128xi32, #tpu.memory_space<vmem>>) semaphore(%arg34 : memref<!tpu.dma_semaphore, #tpu.memory_space<semaphore_mem>>) {add = true}
      %dma_wait3A_3097 = arith.constant 7 : i32
      %dma_wait3A_3098 = arith.constant 0 : i32
      %dma_wait3A_3099 = tpu.memref_slice %arg14[%dma_wait3A_3097, %dma_wait3A_3098] : memref<8x128xi32, #tpu.memory_space<vmem>> -> memref<1x128xi32, #tpu.memory_space<vmem>>
      %dma_wait3A_3100 = tpu.memref_squeeze %dma_wait3A_3099 : memref<1x128xi32, #tpu.memory_space<vmem>> -> memref<128xi32, #tpu.memory_space<vmem>>
      %dma_wait3A_3101 = arith.constant 0 : i32
      %dma_wait3A_3102 = arith.constant 0 : i32
      %dma_wait3A_3103 = tpu.memref_slice %arg10[%dma_wait3A_3101, %dma_wait3A_3102] : memref<10112x128xbf16, #tpu.memory_space<vmem_shared>> -> memref<10112x128xbf16, #tpu.memory_space<vmem_shared>>
      tpu.wait_indirect_dma semaphore(%arg38 : memref<!tpu.dma_semaphore, #tpu.memory_space<semaphore_mem>>) src(%arg22 : memref<128x128xbf16, #tpu.memory_space<vmem>>) dst(%dma_wait3A_3103 : memref<10112x128xbf16, #tpu.memory_space<vmem_shared>>)
      %dma_wait3A_3104 = arith.constant 7 : i32
      %dma_wait3A_3105 = arith.constant 0 : i32
      %dma_wait3A_3106 = tpu.memref_slice %arg14[%dma_wait3A_3104, %dma_wait3A_3105] : memref<8x128xi32, #tpu.memory_space<vmem>> -> memref<1x128xi32, #tpu.memory_space<vmem>>
      %dma_wait3A_3107 = tpu.memref_squeeze %dma_wait3A_3106 : memref<1x128xi32, #tpu.memory_space<vmem>> -> memref<128xi32, #tpu.memory_space<vmem>>
      %dma_wait3A_3108 = arith.constant 0 : i32
      %dma_wait3A_3109 = arith.constant 0 : i32
      %dma_wait3A_3110 = tpu.memref_slice %arg11[%dma_wait3A_3108, %dma_wait3A_3109] : memref<10112x16xf32, #tpu.memory_space<vmem_shared>> -> memref<10112x16xf32, #tpu.memory_space<vmem_shared>>
      tpu.wait_indirect_dma semaphore(%arg38 : memref<!tpu.dma_semaphore, #tpu.memory_space<semaphore_mem>>) src(%arg39 : memref<128x16xf32, #tpu.memory_space<vmem>>) dst(%dma_wait3A_3110 : memref<10112x16xf32, #tpu.memory_space<vmem_shared>>)
      %add3A_3111 = arith.constant 4 : i32
      %add3A_3112 = arith.addi %add3A_2995, %add3A_3111 : i32
      %get3A_3113 = arith.index_cast %add3A_3112 : i32 to index
      %get3A_3114 = arith.constant 0 : index
      %get3A_3115 = tpu.vector_load %arg12[%get3A_3113, %get3A_3114] {strides = array<i32>} : memref<80x128xi32, #tpu.memory_space<vmem>>, vector<16xi32>,
      %and3A_3116 = arith.andi %get3A_3115, %broadcast_in_dim3A_1 : vector<16xi32>
      %swap3A_3117 = arith.constant 7 : i32
      %swap3A_3118 = arith.index_cast %swap3A_3117 : i32 to index
      %swap3A_3119 = arith.constant 0 : index
      %swap3A_3120 = tpu.vector_load %arg13[%swap3A_3118, %swap3A_3119] {strides = array<i32>} : memref<8x128xi32, #tpu.memory_space<vmem>>, vector<16xi32>,
      tpu.vector_store %arg13[%swap3A_3118, %swap3A_3119], %and3A_3116 {strides = array<i32>} : memref<8x128xi32, #tpu.memory_space<vmem>>, vector<16xi32>,
      %get3A_3121 = arith.index_cast %add3A_3112 : i32 to index
      %get3A_3122 = arith.constant 16 : index
      %get3A_3123 = tpu.vector_load %arg12[%get3A_3121, %get3A_3122] {strides = array<i32>} : memref<80x128xi32, #tpu.memory_space<vmem>>, vector<16xi32>,
      %and3A_3124 = arith.andi %get3A_3123, %broadcast_in_dim3A_1 : vector<16xi32>
      %swap3A_3125 = arith.constant 7 : i32
      %swap3A_3126 = arith.index_cast %swap3A_3125 : i32 to index
      %swap3A_3127 = arith.constant 16 : index
      %swap3A_3128 = tpu.vector_load %arg13[%swap3A_3126, %swap3A_3127] {strides = array<i32>} : memref<8x128xi32, #tpu.memory_space<vmem>>, vector<16xi32>,
      tpu.vector_store %arg13[%swap3A_3126, %swap3A_3127], %and3A_3124 {strides = array<i32>} : memref<8x128xi32, #tpu.memory_space<vmem>>, vector<16xi32>,
      %get3A_3129 = arith.index_cast %add3A_3112 : i32 to index
      %get3A_3130 = arith.constant 32 : index
      %get3A_3131 = tpu.vector_load %arg12[%get3A_3129, %get3A_3130] {strides = array<i32>} : memref<80x128xi32, #tpu.memory_space<vmem>>, vector<16xi32>,
      %and3A_3132 = arith.andi %get3A_3131, %broadcast_in_dim3A_1 : vector<16xi32>
      %swap3A_3133 = arith.constant 7 : i32
      %swap3A_3134 = arith.index_cast %swap3A_3133 : i32 to index
      %swap3A_3135 = arith.constant 32 : index
      %swap3A_3136 = tpu.vector_load %arg13[%swap3A_3134, %swap3A_3135] {strides = array<i32>} : memref<8x128xi32, #tpu.memory_space<vmem>>, vector<16xi32>,
      tpu.vector_store %arg13[%swap3A_3134, %swap3A_3135], %and3A_3132 {strides = array<i32>} : memref<8x128xi32, #tpu.memory_space<vmem>>, vector<16xi32>,
      %get3A_3137 = arith.index_cast %add3A_3112 : i32 to index
      %get3A_3138 = arith.constant 48 : index
      %get3A_3139 = tpu.vector_load %arg12[%get3A_3137, %get3A_3138] {strides = array<i32>} : memref<80x128xi32, #tpu.memory_space<vmem>>, vector<16xi32>,
      %and3A_3140 = arith.andi %get3A_3139, %broadcast_in_dim3A_1 : vector<16xi32>
      %swap3A_3141 = arith.constant 7 : i32
      %swap3A_3142 = arith.index_cast %swap3A_3141 : i32 to index
      %swap3A_3143 = arith.constant 48 : index
      %swap3A_3144 = tpu.vector_load %arg13[%swap3A_3142, %swap3A_3143] {strides = array<i32>} : memref<8x128xi32, #tpu.memory_space<vmem>>, vector<16xi32>,
      tpu.vector_store %arg13[%swap3A_3142, %swap3A_3143], %and3A_3140 {strides = array<i32>} : memref<8x128xi32, #tpu.memory_space<vmem>>, vector<16xi32>,
      %get3A_3145 = arith.index_cast %add3A_3112 : i32 to index
      %get3A_3146 = arith.constant 64 : index
      %get3A_3147 = tpu.vector_load %arg12[%get3A_3145, %get3A_3146] {strides = array<i32>} : memref<80x128xi32, #tpu.memory_space<vmem>>, vector<16xi32>,
      %and3A_3148 = arith.andi %get3A_3147, %broadcast_in_dim3A_1 : vector<16xi32>
      %swap3A_3149 = arith.constant 7 : i32
      %swap3A_3150 = arith.index_cast %swap3A_3149 : i32 to index
      %swap3A_3151 = arith.constant 64 : index
      %swap3A_3152 = tpu.vector_load %arg13[%swap3A_3150, %swap3A_3151] {strides = array<i32>} : memref<8x128xi32, #tpu.memory_space<vmem>>, vector<16xi32>,
      tpu.vector_store %arg13[%swap3A_3150, %swap3A_3151], %and3A_3148 {strides = array<i32>} : memref<8x128xi32, #tpu.memory_space<vmem>>, vector<16xi32>,
      %get3A_3153 = arith.index_cast %add3A_3112 : i32 to index
      %get3A_3154 = arith.constant 80 : index
      %get3A_3155 = tpu.vector_load %arg12[%get3A_3153, %get3A_3154] {strides = array<i32>} : memref<80x128xi32, #tpu.memory_space<vmem>>, vector<16xi32>,
      %and3A_3156 = arith.andi %get3A_3155, %broadcast_in_dim3A_1 : vector<16xi32>
      %swap3A_3157 = arith.constant 7 : i32
      %swap3A_3158 = arith.index_cast %swap3A_3157 : i32 to index
      %swap3A_3159 = arith.constant 80 : index
      %swap3A_3160 = tpu.vector_load %arg13[%swap3A_3158, %swap3A_3159] {strides = array<i32>} : memref<8x128xi32, #tpu.memory_space<vmem>>, vector<16xi32>,
      tpu.vector_store %arg13[%swap3A_3158, %swap3A_3159], %and3A_3156 {strides = array<i32>} : memref<8x128xi32, #tpu.memory_space<vmem>>, vector<16xi32>,
      %get3A_3161 = arith.index_cast %add3A_3112 : i32 to index
      %get3A_3162 = arith.constant 96 : index
      %get3A_3163 = tpu.vector_load %arg12[%get3A_3161, %get3A_3162] {strides = array<i32>} : memref<80x128xi32, #tpu.memory_space<vmem>>, vector<16xi32>,
      %and3A_3164 = arith.andi %get3A_3163, %broadcast_in_dim3A_1 : vector<16xi32>
      %swap3A_3165 = arith.constant 7 : i32
      %swap3A_3166 = arith.index_cast %swap3A_3165 : i32 to index
      %swap3A_3167 = arith.constant 96 : index
      %swap3A_3168 = tpu.vector_load %arg13[%swap3A_3166, %swap3A_3167] {strides = array<i32>} : memref<8x128xi32, #tpu.memory_space<vmem>>, vector<16xi32>,
      tpu.vector_store %arg13[%swap3A_3166, %swap3A_3167], %and3A_3164 {strides = array<i32>} : memref<8x128xi32, #tpu.memory_space<vmem>>, vector<16xi32>,
      %get3A_3169 = arith.index_cast %add3A_3112 : i32 to index
      %get3A_3170 = arith.constant 112 : index
      %get3A_3171 = tpu.vector_load %arg12[%get3A_3169, %get3A_3170] {strides = array<i32>} : memref<80x128xi32, #tpu.memory_space<vmem>>, vector<16xi32>,
      %and3A_3172 = arith.andi %get3A_3171, %broadcast_in_dim3A_1 : vector<16xi32>
      %swap3A_3173 = arith.constant 7 : i32
      %swap3A_3174 = arith.index_cast %swap3A_3173 : i32 to index
      %swap3A_3175 = arith.constant 112 : index
      %swap3A_3176 = tpu.vector_load %arg13[%swap3A_3174, %swap3A_3175] {strides = array<i32>} : memref<8x128xi32, #tpu.memory_space<vmem>>, vector<16xi32>,
      tpu.vector_store %arg13[%swap3A_3174, %swap3A_3175], %and3A_3172 {strides = array<i32>} : memref<8x128xi32, #tpu.memory_space<vmem>>, vector<16xi32>,
      %eq3A_3177 = arith.constant 0 : i32
      %eq3A_3178 = arith.cmpi eq, %arg0, %eq3A_3177 : i32
      %convert_element_type3A_3179 = arith.extui %eq3A_3178 : i1 to i32
      %cond3A_3180 = arith.constant 0 : i32
      %cond3A_3181 = arith.cmpi ne, %convert_element_type3A_3179, %cond3A_3180 : i32
      scf.if %cond3A_3181 {
        %dma_start3A_3187 = arith.constant 7 : i32
        %dma_start3A_3188 = arith.constant 0 : i32
        %dma_start3A_3189 = tpu.memref_slice %arg13[%dma_start3A_3187, %dma_start3A_3188] : memref<8x128xi32, #tpu.memory_space<vmem>> -> memref<1x128xi32, #tpu.memory_space<vmem>>
        %dma_start3A_3190 = tpu.memref_squeeze %dma_start3A_3189 : memref<1x128xi32, #tpu.memory_space<vmem>> -> memref<128xi32, #tpu.memory_space<vmem>>
        %dma_start3A_3191 = arith.constant 0 : i32
        %dma_start3A_3192 = arith.constant 0 : i32
        %dma_start3A_3193 = tpu.memref_slice %arg2[%dma_start3A_3191, %dma_start3A_3192] : memref<10000x128xbf16, #tpu.memory_space<hbm>> -> memref<10000x128xbf16, #tpu.memory_space<hbm>>
        tpu.enqueue_indirect_dma source(%dma_start3A_3193 : memref<10000x128xbf16, #tpu.memory_space<hbm>>) target(%arg22 : memref<128x128xbf16, #tpu.memory_space<vmem>>) offsets(%dma_start3A_3190 : memref<128xi32, #tpu.memory_space<vmem>>) semaphore(%arg30 : memref<!tpu.dma_semaphore, #tpu.memory_space<semaphore_mem>>)
      } else {
      }
      %eq3A_3182 = arith.constant 1 : i32
      %eq3A_3183 = arith.cmpi eq, %arg0, %eq3A_3182 : i32
      %convert_element_type3A_3184 = arith.extui %eq3A_3183 : i1 to i32
      %cond3A_3185 = arith.constant 0 : i32
      %cond3A_3186 = arith.cmpi ne, %convert_element_type3A_3184, %cond3A_3185 : i32
      scf.if %cond3A_3186 {
        %dma_start3A_3187 = arith.constant 7 : i32
        %dma_start3A_3188 = arith.constant 0 : i32
        %dma_start3A_3189 = tpu.memref_slice %arg13[%dma_start3A_3187, %dma_start3A_3188] : memref<8x128xi32, #tpu.memory_space<vmem>> -> memref<1x128xi32, #tpu.memory_space<vmem>>
        %dma_start3A_3190 = tpu.memref_squeeze %dma_start3A_3189 : memref<1x128xi32, #tpu.memory_space<vmem>> -> memref<128xi32, #tpu.memory_space<vmem>>
        %dma_start3A_3191 = arith.constant 0 : i32
        %dma_start3A_3192 = arith.constant 0 : i32
        %dma_start3A_3193 = tpu.memref_slice %arg3[%dma_start3A_3191, %dma_start3A_3192] : memref<10000x128xbf16, #tpu.memory_space<hbm>> -> memref<10000x128xbf16, #tpu.memory_space<hbm>>
        tpu.enqueue_indirect_dma source(%dma_start3A_3193 : memref<10000x128xbf16, #tpu.memory_space<hbm>>) target(%arg22 : memref<128x128xbf16, #tpu.memory_space<vmem>>) offsets(%dma_start3A_3190 : memref<128xi32, #tpu.memory_space<vmem>>) semaphore(%arg30 : memref<!tpu.dma_semaphore, #tpu.memory_space<semaphore_mem>>)
      } else {
      }
    }
    %scan3A_1089 = arith.constant 9 : i32
    %dma_wait3A_1090 = arith.constant 4 : i32
    %dma_wait3A_1091 = arith.constant 0 : i32
    %dma_wait3A_1092 = tpu.memref_slice %arg13[%dma_wait3A_1090, %dma_wait3A_1091] : memref<8x128xi32, #tpu.memory_space<vmem>> -> memref<1x128xi32, #tpu.memory_space<vmem>>
    %dma_wait3A_1093 = tpu.memref_squeeze %dma_wait3A_1092 : memref<1x128xi32, #tpu.memory_space<vmem>> -> memref<128xi32, #tpu.memory_space<vmem>>
    %dma_wait3A_1094 = arith.constant 0 : i32
    %dma_wait3A_1095 = arith.constant 0 : i32
    %dma_wait3A_1096 = tpu.memref_slice %arg2[%dma_wait3A_1094, %dma_wait3A_1095] : memref<10000x128xbf16, #tpu.memory_space<hbm>> -> memref<10000x128xbf16, #tpu.memory_space<hbm>>
    tpu.wait_indirect_dma semaphore(%arg27 : memref<!tpu.dma_semaphore, #tpu.memory_space<semaphore_mem>>) src(%dma_wait3A_1096 : memref<10000x128xbf16, #tpu.memory_space<hbm>>) dst(%arg19 : memref<128x128xbf16, #tpu.memory_space<vmem>>)
    %get3A_1097 = arith.constant 76 : i32
    %get3A_1098 = arith.index_cast %get3A_1097 : i32 to index
    %get3A_1099 = arith.constant 0 : index
    %get3A_1100 = tpu.vector_load %arg12[%get3A_1098, %get3A_1099] {strides = array<i32>} : memref<80x128xi32, #tpu.memory_space<vmem>>, vector<16xi32>,
    %shift_right_logical3A_1101 = arith.constant 16 : i32
    %shift_right_logical3A_1102 = vector.broadcast %shift_right_logical3A_1101 : i32 to vector<16xi32>
    %shift_right_logical3A_1103 = arith.shrui %get3A_1100, %shift_right_logical3A_1102 : vector<16xi32>
    %swap3A_1104 = arith.constant 4 : i32
    %swap3A_1105 = arith.index_cast %swap3A_1104 : i32 to index
    %swap3A_1106 = arith.constant 0 : index
    %swap3A_1107 = tpu.vector_load %arg14[%swap3A_1105, %swap3A_1106] {strides = array<i32>} : memref<8x128xi32, #tpu.memory_space<vmem>>, vector<16xi32>,
    tpu.vector_store %arg14[%swap3A_1105, %swap3A_1106], %shift_right_logical3A_1103 {strides = array<i32>} : memref<8x128xi32, #tpu.memory_space<vmem>>, vector<16xi32>,
    %get3A_1108 = arith.constant 76 : i32
    %get3A_1109 = arith.index_cast %get3A_1108 : i32 to index
    %get3A_1110 = arith.constant 16 : index
    %get3A_1111 = tpu.vector_load %arg12[%get3A_1109, %get3A_1110] {strides = array<i32>} : memref<80x128xi32, #tpu.memory_space<vmem>>, vector<16xi32>,
    %shift_right_logical3A_1112 = arith.constant 16 : i32
    %shift_right_logical3A_1113 = vector.broadcast %shift_right_logical3A_1112 : i32 to vector<16xi32>
    %shift_right_logical3A_1114 = arith.shrui %get3A_1111, %shift_right_logical3A_1113 : vector<16xi32>
    %swap3A_1115 = arith.constant 4 : i32
    %swap3A_1116 = arith.index_cast %swap3A_1115 : i32 to index
    %swap3A_1117 = arith.constant 16 : index
    %swap3A_1118 = tpu.vector_load %arg14[%swap3A_1116, %swap3A_1117] {strides = array<i32>} : memref<8x128xi32, #tpu.memory_space<vmem>>, vector<16xi32>,
    tpu.vector_store %arg14[%swap3A_1116, %swap3A_1117], %shift_right_logical3A_1114 {strides = array<i32>} : memref<8x128xi32, #tpu.memory_space<vmem>>, vector<16xi32>,
    %get3A_1119 = arith.constant 76 : i32
    %get3A_1120 = arith.index_cast %get3A_1119 : i32 to index
    %get3A_1121 = arith.constant 32 : index
    %get3A_1122 = tpu.vector_load %arg12[%get3A_1120, %get3A_1121] {strides = array<i32>} : memref<80x128xi32, #tpu.memory_space<vmem>>, vector<16xi32>,
    %shift_right_logical3A_1123 = arith.constant 16 : i32
    %shift_right_logical3A_1124 = vector.broadcast %shift_right_logical3A_1123 : i32 to vector<16xi32>
    %shift_right_logical3A_1125 = arith.shrui %get3A_1122, %shift_right_logical3A_1124 : vector<16xi32>
    %swap3A_1126 = arith.constant 4 : i32
    %swap3A_1127 = arith.index_cast %swap3A_1126 : i32 to index
    %swap3A_1128 = arith.constant 32 : index
    %swap3A_1129 = tpu.vector_load %arg14[%swap3A_1127, %swap3A_1128] {strides = array<i32>} : memref<8x128xi32, #tpu.memory_space<vmem>>, vector<16xi32>,
    tpu.vector_store %arg14[%swap3A_1127, %swap3A_1128], %shift_right_logical3A_1125 {strides = array<i32>} : memref<8x128xi32, #tpu.memory_space<vmem>>, vector<16xi32>,
    %get3A_1130 = arith.constant 76 : i32
    %get3A_1131 = arith.index_cast %get3A_1130 : i32 to index
    %get3A_1132 = arith.constant 48 : index
    %get3A_1133 = tpu.vector_load %arg12[%get3A_1131, %get3A_1132] {strides = array<i32>} : memref<80x128xi32, #tpu.memory_space<vmem>>, vector<16xi32>,
    %shift_right_logical3A_1134 = arith.constant 16 : i32
    %shift_right_logical3A_1135 = vector.broadcast %shift_right_logical3A_1134 : i32 to vector<16xi32>
    %shift_right_logical3A_1136 = arith.shrui %get3A_1133, %shift_right_logical3A_1135 : vector<16xi32>
    %swap3A_1137 = arith.constant 4 : i32
    %swap3A_1138 = arith.index_cast %swap3A_1137 : i32 to index
    %swap3A_1139 = arith.constant 48 : index
    %swap3A_1140 = tpu.vector_load %arg14[%swap3A_1138, %swap3A_1139] {strides = array<i32>} : memref<8x128xi32, #tpu.memory_space<vmem>>, vector<16xi32>,
    tpu.vector_store %arg14[%swap3A_1138, %swap3A_1139], %shift_right_logical3A_1136 {strides = array<i32>} : memref<8x128xi32, #tpu.memory_space<vmem>>, vector<16xi32>,
    %get3A_1141 = arith.constant 76 : i32
    %get3A_1142 = arith.index_cast %get3A_1141 : i32 to index
    %get3A_1143 = arith.constant 64 : index
    %get3A_1144 = tpu.vector_load %arg12[%get3A_1142, %get3A_1143] {strides = array<i32>} : memref<80x128xi32, #tpu.memory_space<vmem>>, vector<16xi32>,
    %shift_right_logical3A_1145 = arith.constant 16 : i32
    %shift_right_logical3A_1146 = vector.broadcast %shift_right_logical3A_1145 : i32 to vector<16xi32>
    %shift_right_logical3A_1147 = arith.shrui %get3A_1144, %shift_right_logical3A_1146 : vector<16xi32>
    %swap3A_1148 = arith.constant 4 : i32
    %swap3A_1149 = arith.index_cast %swap3A_1148 : i32 to index
    %swap3A_1150 = arith.constant 64 : index
    %swap3A_1151 = tpu.vector_load %arg14[%swap3A_1149, %swap3A_1150] {strides = array<i32>} : memref<8x128xi32, #tpu.memory_space<vmem>>, vector<16xi32>,
    tpu.vector_store %arg14[%swap3A_1149, %swap3A_1150], %shift_right_logical3A_1147 {strides = array<i32>} : memref<8x128xi32, #tpu.memory_space<vmem>>, vector<16xi32>,
    %get3A_1152 = arith.constant 76 : i32
    %get3A_1153 = arith.index_cast %get3A_1152 : i32 to index
    %get3A_1154 = arith.constant 80 : index
    %get3A_1155 = tpu.vector_load %arg12[%get3A_1153, %get3A_1154] {strides = array<i32>} : memref<80x128xi32, #tpu.memory_space<vmem>>, vector<16xi32>,
    %shift_right_logical3A_1156 = arith.constant 16 : i32
    %shift_right_logical3A_1157 = vector.broadcast %shift_right_logical3A_1156 : i32 to vector<16xi32>
    %shift_right_logical3A_1158 = arith.shrui %get3A_1155, %shift_right_logical3A_1157 : vector<16xi32>
    %swap3A_1159 = arith.constant 4 : i32
    %swap3A_1160 = arith.index_cast %swap3A_1159 : i32 to index
    %swap3A_1161 = arith.constant 80 : index
    %swap3A_1162 = tpu.vector_load %arg14[%swap3A_1160, %swap3A_1161] {strides = array<i32>} : memref<8x128xi32, #tpu.memory_space<vmem>>, vector<16xi32>,
    tpu.vector_store %arg14[%swap3A_1160, %swap3A_1161], %shift_right_logical3A_1158 {strides = array<i32>} : memref<8x128xi32, #tpu.memory_space<vmem>>, vector<16xi32>,
    %get3A_1163 = arith.constant 76 : i32
    %get3A_1164 = arith.index_cast %get3A_1163 : i32 to index
    %get3A_1165 = arith.constant 96 : index
    %get3A_1166 = tpu.vector_load %arg12[%get3A_1164, %get3A_1165] {strides = array<i32>} : memref<80x128xi32, #tpu.memory_space<vmem>>, vector<16xi32>,
    %shift_right_logical3A_1167 = arith.constant 16 : i32
    %shift_right_logical3A_1168 = vector.broadcast %shift_right_logical3A_1167 : i32 to vector<16xi32>
    %shift_right_logical3A_1169 = arith.shrui %get3A_1166, %shift_right_logical3A_1168 : vector<16xi32>
    %swap3A_1170 = arith.constant 4 : i32
    %swap3A_1171 = arith.index_cast %swap3A_1170 : i32 to index
    %swap3A_1172 = arith.constant 96 : index
    %swap3A_1173 = tpu.vector_load %arg14[%swap3A_1171, %swap3A_1172] {strides = array<i32>} : memref<8x128xi32, #tpu.memory_space<vmem>>, vector<16xi32>,
    tpu.vector_store %arg14[%swap3A_1171, %swap3A_1172], %shift_right_logical3A_1169 {strides = array<i32>} : memref<8x128xi32, #tpu.memory_space<vmem>>, vector<16xi32>,
    %get3A_1174 = arith.constant 76 : i32
    %get3A_1175 = arith.index_cast %get3A_1174 : i32 to index
    %get3A_1176 = arith.constant 112 : index
    %get3A_1177 = tpu.vector_load %arg12[%get3A_1175, %get3A_1176] {strides = array<i32>} : memref<80x128xi32, #tpu.memory_space<vmem>>, vector<16xi32>,
    %shift_right_logical3A_1178 = arith.constant 16 : i32
    %shift_right_logical3A_1179 = vector.broadcast %shift_right_logical3A_1178 : i32 to vector<16xi32>
    %shift_right_logical3A_1180 = arith.shrui %get3A_1177, %shift_right_logical3A_1179 : vector<16xi32>
    %swap3A_1181 = arith.constant 4 : i32
    %swap3A_1182 = arith.index_cast %swap3A_1181 : i32 to index
    %swap3A_1183 = arith.constant 112 : index
    %swap3A_1184 = tpu.vector_load %arg14[%swap3A_1182, %swap3A_1183] {strides = array<i32>} : memref<8x128xi32, #tpu.memory_space<vmem>>, vector<16xi32>,
    tpu.vector_store %arg14[%swap3A_1182, %swap3A_1183], %shift_right_logical3A_1180 {strides = array<i32>} : memref<8x128xi32, #tpu.memory_space<vmem>>, vector<16xi32>,
    %dma_start3A_1185 = arith.constant 4 : i32
    %dma_start3A_1186 = arith.constant 0 : i32
    %dma_start3A_1187 = tpu.memref_slice %arg14[%dma_start3A_1185, %dma_start3A_1186] : memref<8x128xi32, #tpu.memory_space<vmem>> -> memref<1x128xi32, #tpu.memory_space<vmem>>
    %dma_start3A_1188 = tpu.memref_squeeze %dma_start3A_1187 : memref<1x128xi32, #tpu.memory_space<vmem>> -> memref<128xi32, #tpu.memory_space<vmem>>
    %dma_start3A_1189 = arith.constant 0 : i32
    %dma_start3A_1190 = arith.constant 0 : i32
    %dma_start3A_1191 = tpu.memref_slice %arg10[%dma_start3A_1189, %dma_start3A_1190] : memref<10112x128xbf16, #tpu.memory_space<vmem_shared>> -> memref<10112x128xbf16, #tpu.memory_space<vmem_shared>>
    tpu.enqueue_indirect_dma source(%arg19 : memref<128x128xbf16, #tpu.memory_space<vmem>>) target(%dma_start3A_1191 : memref<10112x128xbf16, #tpu.memory_space<vmem_shared>>) offsets(%dma_start3A_1188 : memref<128xi32, #tpu.memory_space<vmem>>) semaphore(%arg35 : memref<!tpu.dma_semaphore, #tpu.memory_space<semaphore_mem>>) {add = true}
    %dma_start3A_1192 = arith.constant 4 : i32
    %dma_start3A_1193 = arith.constant 0 : i32
    %dma_start3A_1194 = tpu.memref_slice %arg14[%dma_start3A_1192, %dma_start3A_1193] : memref<8x128xi32, #tpu.memory_space<vmem>> -> memref<1x128xi32, #tpu.memory_space<vmem>>
    %dma_start3A_1195 = tpu.memref_squeeze %dma_start3A_1194 : memref<1x128xi32, #tpu.memory_space<vmem>> -> memref<128xi32, #tpu.memory_space<vmem>>
    %dma_start3A_1196 = arith.constant 0 : i32
    %dma_start3A_1197 = arith.constant 0 : i32
    %dma_start3A_1198 = tpu.memref_slice %arg11[%dma_start3A_1196, %dma_start3A_1197] : memref<10112x16xf32, #tpu.memory_space<vmem_shared>> -> memref<10112x16xf32, #tpu.memory_space<vmem_shared>>
    tpu.enqueue_indirect_dma source(%arg39 : memref<128x16xf32, #tpu.memory_space<vmem>>) target(%dma_start3A_1198 : memref<10112x16xf32, #tpu.memory_space<vmem_shared>>) offsets(%dma_start3A_1195 : memref<128xi32, #tpu.memory_space<vmem>>) semaphore(%arg35 : memref<!tpu.dma_semaphore, #tpu.memory_space<semaphore_mem>>) {add = true}
    %dma_wait3A_1199 = arith.constant 5 : i32
    %dma_wait3A_1200 = arith.constant 0 : i32
    %dma_wait3A_1201 = tpu.memref_slice %arg13[%dma_wait3A_1199, %dma_wait3A_1200] : memref<8x128xi32, #tpu.memory_space<vmem>> -> memref<1x128xi32, #tpu.memory_space<vmem>>
    %dma_wait3A_1202 = tpu.memref_squeeze %dma_wait3A_1201 : memref<1x128xi32, #tpu.memory_space<vmem>> -> memref<128xi32, #tpu.memory_space<vmem>>
    %dma_wait3A_1203 = arith.constant 0 : i32
    %dma_wait3A_1204 = arith.constant 0 : i32
    %dma_wait3A_1205 = tpu.memref_slice %arg2[%dma_wait3A_1203, %dma_wait3A_1204] : memref<10000x128xbf16, #tpu.memory_space<hbm>> -> memref<10000x128xbf16, #tpu.memory_space<hbm>>
    tpu.wait_indirect_dma semaphore(%arg28 : memref<!tpu.dma_semaphore, #tpu.memory_space<semaphore_mem>>) src(%dma_wait3A_1205 : memref<10000x128xbf16, #tpu.memory_space<hbm>>) dst(%arg20 : memref<128x128xbf16, #tpu.memory_space<vmem>>)
    %get3A_1206 = arith.constant 77 : i32
    %get3A_1207 = arith.index_cast %get3A_1206 : i32 to index
    %get3A_1208 = arith.constant 0 : index
    %get3A_1209 = tpu.vector_load %arg12[%get3A_1207, %get3A_1208] {strides = array<i32>} : memref<80x128xi32, #tpu.memory_space<vmem>>, vector<16xi32>,
    %shift_right_logical3A_1210 = arith.constant 16 : i32
    %shift_right_logical3A_1211 = vector.broadcast %shift_right_logical3A_1210 : i32 to vector<16xi32>
    %shift_right_logical3A_1212 = arith.shrui %get3A_1209, %shift_right_logical3A_1211 : vector<16xi32>
    %swap3A_1213 = arith.constant 5 : i32
    %swap3A_1214 = arith.index_cast %swap3A_1213 : i32 to index
    %swap3A_1215 = arith.constant 0 : index
    %swap3A_1216 = tpu.vector_load %arg14[%swap3A_1214, %swap3A_1215] {strides = array<i32>} : memref<8x128xi32, #tpu.memory_space<vmem>>, vector<16xi32>,
    tpu.vector_store %arg14[%swap3A_1214, %swap3A_1215], %shift_right_logical3A_1212 {strides = array<i32>} : memref<8x128xi32, #tpu.memory_space<vmem>>, vector<16xi32>,
    %get3A_1217 = arith.constant 77 : i32
    %get3A_1218 = arith.index_cast %get3A_1217 : i32 to index
    %get3A_1219 = arith.constant 16 : index
    %get3A_1220 = tpu.vector_load %arg12[%get3A_1218, %get3A_1219] {strides = array<i32>} : memref<80x128xi32, #tpu.memory_space<vmem>>, vector<16xi32>,
    %shift_right_logical3A_1221 = arith.constant 16 : i32
    %shift_right_logical3A_1222 = vector.broadcast %shift_right_logical3A_1221 : i32 to vector<16xi32>
    %shift_right_logical3A_1223 = arith.shrui %get3A_1220, %shift_right_logical3A_1222 : vector<16xi32>
    %swap3A_1224 = arith.constant 5 : i32
    %swap3A_1225 = arith.index_cast %swap3A_1224 : i32 to index
    %swap3A_1226 = arith.constant 16 : index
    %swap3A_1227 = tpu.vector_load %arg14[%swap3A_1225, %swap3A_1226] {strides = array<i32>} : memref<8x128xi32, #tpu.memory_space<vmem>>, vector<16xi32>,
    tpu.vector_store %arg14[%swap3A_1225, %swap3A_1226], %shift_right_logical3A_1223 {strides = array<i32>} : memref<8x128xi32, #tpu.memory_space<vmem>>, vector<16xi32>,
    %get3A_1228 = arith.constant 77 : i32
    %get3A_1229 = arith.index_cast %get3A_1228 : i32 to index
    %get3A_1230 = arith.constant 32 : index
    %get3A_1231 = tpu.vector_load %arg12[%get3A_1229, %get3A_1230] {strides = array<i32>} : memref<80x128xi32, #tpu.memory_space<vmem>>, vector<16xi32>,
    %shift_right_logical3A_1232 = arith.constant 16 : i32
    %shift_right_logical3A_1233 = vector.broadcast %shift_right_logical3A_1232 : i32 to vector<16xi32>
    %shift_right_logical3A_1234 = arith.shrui %get3A_1231, %shift_right_logical3A_1233 : vector<16xi32>
    %swap3A_1235 = arith.constant 5 : i32
    %swap3A_1236 = arith.index_cast %swap3A_1235 : i32 to index
    %swap3A_1237 = arith.constant 32 : index
    %swap3A_1238 = tpu.vector_load %arg14[%swap3A_1236, %swap3A_1237] {strides = array<i32>} : memref<8x128xi32, #tpu.memory_space<vmem>>, vector<16xi32>,
    tpu.vector_store %arg14[%swap3A_1236, %swap3A_1237], %shift_right_logical3A_1234 {strides = array<i32>} : memref<8x128xi32, #tpu.memory_space<vmem>>, vector<16xi32>,
    %get3A_1239 = arith.constant 77 : i32
    %get3A_1240 = arith.index_cast %get3A_1239 : i32 to index
    %get3A_1241 = arith.constant 48 : index
    %get3A_1242 = tpu.vector_load %arg12[%get3A_1240, %get3A_1241] {strides = array<i32>} : memref<80x128xi32, #tpu.memory_space<vmem>>, vector<16xi32>,
    %shift_right_logical3A_1243 = arith.constant 16 : i32
    %shift_right_logical3A_1244 = vector.broadcast %shift_right_logical3A_1243 : i32 to vector<16xi32>
    %shift_right_logical3A_1245 = arith.shrui %get3A_1242, %shift_right_logical3A_1244 : vector<16xi32>
    %swap3A_1246 = arith.constant 5 : i32
    %swap3A_1247 = arith.index_cast %swap3A_1246 : i32 to index
    %swap3A_1248 = arith.constant 48 : index
    %swap3A_1249 = tpu.vector_load %arg14[%swap3A_1247, %swap3A_1248] {strides = array<i32>} : memref<8x128xi32, #tpu.memory_space<vmem>>, vector<16xi32>,
    tpu.vector_store %arg14[%swap3A_1247, %swap3A_1248], %shift_right_logical3A_1245 {strides = array<i32>} : memref<8x128xi32, #tpu.memory_space<vmem>>, vector<16xi32>,
    %get3A_1250 = arith.constant 77 : i32
    %get3A_1251 = arith.index_cast %get3A_1250 : i32 to index
    %get3A_1252 = arith.constant 64 : index
    %get3A_1253 = tpu.vector_load %arg12[%get3A_1251, %get3A_1252] {strides = array<i32>} : memref<80x128xi32, #tpu.memory_space<vmem>>, vector<16xi32>,
    %shift_right_logical3A_1254 = arith.constant 16 : i32
    %shift_right_logical3A_1255 = vector.broadcast %shift_right_logical3A_1254 : i32 to vector<16xi32>
    %shift_right_logical3A_1256 = arith.shrui %get3A_1253, %shift_right_logical3A_1255 : vector<16xi32>
    %swap3A_1257 = arith.constant 5 : i32
    %swap3A_1258 = arith.index_cast %swap3A_1257 : i32 to index
    %swap3A_1259 = arith.constant 64 : index
    %swap3A_1260 = tpu.vector_load %arg14[%swap3A_1258, %swap3A_1259] {strides = array<i32>} : memref<8x128xi32, #tpu.memory_space<vmem>>, vector<16xi32>,
    tpu.vector_store %arg14[%swap3A_1258, %swap3A_1259], %shift_right_logical3A_1256 {strides = array<i32>} : memref<8x128xi32, #tpu.memory_space<vmem>>, vector<16xi32>,
    %get3A_1261 = arith.constant 77 : i32
    %get3A_1262 = arith.index_cast %get3A_1261 : i32 to index
    %get3A_1263 = arith.constant 80 : index
    %get3A_1264 = tpu.vector_load %arg12[%get3A_1262, %get3A_1263] {strides = array<i32>} : memref<80x128xi32, #tpu.memory_space<vmem>>, vector<16xi32>,
    %shift_right_logical3A_1265 = arith.constant 16 : i32
    %shift_right_logical3A_1266 = vector.broadcast %shift_right_logical3A_1265 : i32 to vector<16xi32>
    %shift_right_logical3A_1267 = arith.shrui %get3A_1264, %shift_right_logical3A_1266 : vector<16xi32>
    %swap3A_1268 = arith.constant 5 : i32
    %swap3A_1269 = arith.index_cast %swap3A_1268 : i32 to index
    %swap3A_1270 = arith.constant 80 : index
    %swap3A_1271 = tpu.vector_load %arg14[%swap3A_1269, %swap3A_1270] {strides = array<i32>} : memref<8x128xi32, #tpu.memory_space<vmem>>, vector<16xi32>,
    tpu.vector_store %arg14[%swap3A_1269, %swap3A_1270], %shift_right_logical3A_1267 {strides = array<i32>} : memref<8x128xi32, #tpu.memory_space<vmem>>, vector<16xi32>,
    %get3A_1272 = arith.constant 77 : i32
    %get3A_1273 = arith.index_cast %get3A_1272 : i32 to index
    %get3A_1274 = arith.constant 96 : index
    %get3A_1275 = tpu.vector_load %arg12[%get3A_1273, %get3A_1274] {strides = array<i32>} : memref<80x128xi32, #tpu.memory_space<vmem>>, vector<16xi32>,
    %shift_right_logical3A_1276 = arith.constant 16 : i32
    %shift_right_logical3A_1277 = vector.broadcast %shift_right_logical3A_1276 : i32 to vector<16xi32>
    %shift_right_logical3A_1278 = arith.shrui %get3A_1275, %shift_right_logical3A_1277 : vector<16xi32>
    %swap3A_1279 = arith.constant 5 : i32
    %swap3A_1280 = arith.index_cast %swap3A_1279 : i32 to index
    %swap3A_1281 = arith.constant 96 : index
    %swap3A_1282 = tpu.vector_load %arg14[%swap3A_1280, %swap3A_1281] {strides = array<i32>} : memref<8x128xi32, #tpu.memory_space<vmem>>, vector<16xi32>,
    tpu.vector_store %arg14[%swap3A_1280, %swap3A_1281], %shift_right_logical3A_1278 {strides = array<i32>} : memref<8x128xi32, #tpu.memory_space<vmem>>, vector<16xi32>,
    %get3A_1283 = arith.constant 77 : i32
    %get3A_1284 = arith.index_cast %get3A_1283 : i32 to index
    %get3A_1285 = arith.constant 112 : index
    %get3A_1286 = tpu.vector_load %arg12[%get3A_1284, %get3A_1285] {strides = array<i32>} : memref<80x128xi32, #tpu.memory_space<vmem>>, vector<16xi32>,
    %shift_right_logical3A_1287 = arith.constant 16 : i32
    %shift_right_logical3A_1288 = vector.broadcast %shift_right_logical3A_1287 : i32 to vector<16xi32>
    %shift_right_logical3A_1289 = arith.shrui %get3A_1286, %shift_right_logical3A_1288 : vector<16xi32>
    %swap3A_1290 = arith.constant 5 : i32
    %swap3A_1291 = arith.index_cast %swap3A_1290 : i32 to index
    %swap3A_1292 = arith.constant 112 : index
    %swap3A_1293 = tpu.vector_load %arg14[%swap3A_1291, %swap3A_1292] {strides = array<i32>} : memref<8x128xi32, #tpu.memory_space<vmem>>, vector<16xi32>,
    tpu.vector_store %arg14[%swap3A_1291, %swap3A_1292], %shift_right_logical3A_1289 {strides = array<i32>} : memref<8x128xi32, #tpu.memory_space<vmem>>, vector<16xi32>,
    %dma_start3A_1294 = arith.constant 5 : i32
    %dma_start3A_1295 = arith.constant 0 : i32
    %dma_start3A_1296 = tpu.memref_slice %arg14[%dma_start3A_1294, %dma_start3A_1295] : memref<8x128xi32, #tpu.memory_space<vmem>> -> memref<1x128xi32, #tpu.memory_space<vmem>>
    %dma_start3A_1297 = tpu.memref_squeeze %dma_start3A_1296 : memref<1x128xi32, #tpu.memory_space<vmem>> -> memref<128xi32, #tpu.memory_space<vmem>>
    %dma_start3A_1298 = arith.constant 0 : i32
    %dma_start3A_1299 = arith.constant 0 : i32
    %dma_start3A_1300 = tpu.memref_slice %arg10[%dma_start3A_1298, %dma_start3A_1299] : memref<10112x128xbf16, #tpu.memory_space<vmem_shared>> -> memref<10112x128xbf16, #tpu.memory_space<vmem_shared>>
    tpu.enqueue_indirect_dma source(%arg20 : memref<128x128xbf16, #tpu.memory_space<vmem>>) target(%dma_start3A_1300 : memref<10112x128xbf16, #tpu.memory_space<vmem_shared>>) offsets(%dma_start3A_1297 : memref<128xi32, #tpu.memory_space<vmem>>) semaphore(%arg36 : memref<!tpu.dma_semaphore, #tpu.memory_space<semaphore_mem>>) {add = true}
    %dma_start3A_1301 = arith.constant 5 : i32
    %dma_start3A_1302 = arith.constant 0 : i32
    %dma_start3A_1303 = tpu.memref_slice %arg14[%dma_start3A_1301, %dma_start3A_1302] : memref<8x128xi32, #tpu.memory_space<vmem>> -> memref<1x128xi32, #tpu.memory_space<vmem>>
    %dma_start3A_1304 = tpu.memref_squeeze %dma_start3A_1303 : memref<1x128xi32, #tpu.memory_space<vmem>> -> memref<128xi32, #tpu.memory_space<vmem>>
    %dma_start3A_1305 = arith.constant 0 : i32
    %dma_start3A_1306 = arith.constant 0 : i32
    %dma_start3A_1307 = tpu.memref_slice %arg11[%dma_start3A_1305, %dma_start3A_1306] : memref<10112x16xf32, #tpu.memory_space<vmem_shared>> -> memref<10112x16xf32, #tpu.memory_space<vmem_shared>>
    tpu.enqueue_indirect_dma source(%arg39 : memref<128x16xf32, #tpu.memory_space<vmem>>) target(%dma_start3A_1307 : memref<10112x16xf32, #tpu.memory_space<vmem_shared>>) offsets(%dma_start3A_1304 : memref<128xi32, #tpu.memory_space<vmem>>) semaphore(%arg36 : memref<!tpu.dma_semaphore, #tpu.memory_space<semaphore_mem>>) {add = true}
    %dma_wait3A_1308 = arith.constant 6 : i32
    %dma_wait3A_1309 = arith.constant 0 : i32
    %dma_wait3A_1310 = tpu.memref_slice %arg13[%dma_wait3A_1308, %dma_wait3A_1309] : memref<8x128xi32, #tpu.memory_space<vmem>> -> memref<1x128xi32, #tpu.memory_space<vmem>>
    %dma_wait3A_1311 = tpu.memref_squeeze %dma_wait3A_1310 : memref<1x128xi32, #tpu.memory_space<vmem>> -> memref<128xi32, #tpu.memory_space<vmem>>
    %dma_wait3A_1312 = arith.constant 0 : i32
    %dma_wait3A_1313 = arith.constant 0 : i32
    %dma_wait3A_1314 = tpu.memref_slice %arg2[%dma_wait3A_1312, %dma_wait3A_1313] : memref<10000x128xbf16, #tpu.memory_space<hbm>> -> memref<10000x128xbf16, #tpu.memory_space<hbm>>
    tpu.wait_indirect_dma semaphore(%arg29 : memref<!tpu.dma_semaphore, #tpu.memory_space<semaphore_mem>>) src(%dma_wait3A_1314 : memref<10000x128xbf16, #tpu.memory_space<hbm>>) dst(%arg21 : memref<128x128xbf16, #tpu.memory_space<vmem>>)
    %get3A_1315 = arith.constant 78 : i32
    %get3A_1316 = arith.index_cast %get3A_1315 : i32 to index
    %get3A_1317 = arith.constant 0 : index
    %get3A_1318 = tpu.vector_load %arg12[%get3A_1316, %get3A_1317] {strides = array<i32>} : memref<80x128xi32, #tpu.memory_space<vmem>>, vector<16xi32>,
    %shift_right_logical3A_1319 = arith.constant 16 : i32
    %shift_right_logical3A_1320 = vector.broadcast %shift_right_logical3A_1319 : i32 to vector<16xi32>
    %shift_right_logical3A_1321 = arith.shrui %get3A_1318, %shift_right_logical3A_1320 : vector<16xi32>
    %swap3A_1322 = arith.constant 6 : i32
    %swap3A_1323 = arith.index_cast %swap3A_1322 : i32 to index
    %swap3A_1324 = arith.constant 0 : index
    %swap3A_1325 = tpu.vector_load %arg14[%swap3A_1323, %swap3A_1324] {strides = array<i32>} : memref<8x128xi32, #tpu.memory_space<vmem>>, vector<16xi32>,
    tpu.vector_store %arg14[%swap3A_1323, %swap3A_1324], %shift_right_logical3A_1321 {strides = array<i32>} : memref<8x128xi32, #tpu.memory_space<vmem>>, vector<16xi32>,
    %get3A_1326 = arith.constant 78 : i32
    %get3A_1327 = arith.index_cast %get3A_1326 : i32 to index
    %get3A_1328 = arith.constant 16 : index
    %get3A_1329 = tpu.vector_load %arg12[%get3A_1327, %get3A_1328] {strides = array<i32>} : memref<80x128xi32, #tpu.memory_space<vmem>>, vector<16xi32>,
    %shift_right_logical3A_1330 = arith.constant 16 : i32
    %shift_right_logical3A_1331 = vector.broadcast %shift_right_logical3A_1330 : i32 to vector<16xi32>
    %shift_right_logical3A_1332 = arith.shrui %get3A_1329, %shift_right_logical3A_1331 : vector<16xi32>
    %swap3A_1333 = arith.constant 6 : i32
    %swap3A_1334 = arith.index_cast %swap3A_1333 : i32 to index
    %swap3A_1335 = arith.constant 16 : index
    %swap3A_1336 = tpu.vector_load %arg14[%swap3A_1334, %swap3A_1335] {strides = array<i32>} : memref<8x128xi32, #tpu.memory_space<vmem>>, vector<16xi32>,
    tpu.vector_store %arg14[%swap3A_1334, %swap3A_1335], %shift_right_logical3A_1332 {strides = array<i32>} : memref<8x128xi32, #tpu.memory_space<vmem>>, vector<16xi32>,
    %get3A_1337 = arith.constant 78 : i32
    %get3A_1338 = arith.index_cast %get3A_1337 : i32 to index
    %get3A_1339 = arith.constant 32 : index
    %get3A_1340 = tpu.vector_load %arg12[%get3A_1338, %get3A_1339] {strides = array<i32>} : memref<80x128xi32, #tpu.memory_space<vmem>>, vector<16xi32>,
    %shift_right_logical3A_1341 = arith.constant 16 : i32
    %shift_right_logical3A_1342 = vector.broadcast %shift_right_logical3A_1341 : i32 to vector<16xi32>
    %shift_right_logical3A_1343 = arith.shrui %get3A_1340, %shift_right_logical3A_1342 : vector<16xi32>
    %swap3A_1344 = arith.constant 6 : i32
    %swap3A_1345 = arith.index_cast %swap3A_1344 : i32 to index
    %swap3A_1346 = arith.constant 32 : index
    %swap3A_1347 = tpu.vector_load %arg14[%swap3A_1345, %swap3A_1346] {strides = array<i32>} : memref<8x128xi32, #tpu.memory_space<vmem>>, vector<16xi32>,
    tpu.vector_store %arg14[%swap3A_1345, %swap3A_1346], %shift_right_logical3A_1343 {strides = array<i32>} : memref<8x128xi32, #tpu.memory_space<vmem>>, vector<16xi32>,
    %get3A_1348 = arith.constant 78 : i32
    %get3A_1349 = arith.index_cast %get3A_1348 : i32 to index
    %get3A_1350 = arith.constant 48 : index
    %get3A_1351 = tpu.vector_load %arg12[%get3A_1349, %get3A_1350] {strides = array<i32>} : memref<80x128xi32, #tpu.memory_space<vmem>>, vector<16xi32>,
    %shift_right_logical3A_1352 = arith.constant 16 : i32
    %shift_right_logical3A_1353 = vector.broadcast %shift_right_logical3A_1352 : i32 to vector<16xi32>
    %shift_right_logical3A_1354 = arith.shrui %get3A_1351, %shift_right_logical3A_1353 : vector<16xi32>
    %swap3A_1355 = arith.constant 6 : i32
    %swap3A_1356 = arith.index_cast %swap3A_1355 : i32 to index
    %swap3A_1357 = arith.constant 48 : index
    %swap3A_1358 = tpu.vector_load %arg14[%swap3A_1356, %swap3A_1357] {strides = array<i32>} : memref<8x128xi32, #tpu.memory_space<vmem>>, vector<16xi32>,
    tpu.vector_store %arg14[%swap3A_1356, %swap3A_1357], %shift_right_logical3A_1354 {strides = array<i32>} : memref<8x128xi32, #tpu.memory_space<vmem>>, vector<16xi32>,
    %get3A_1359 = arith.constant 78 : i32
    %get3A_1360 = arith.index_cast %get3A_1359 : i32 to index
    %get3A_1361 = arith.constant 64 : index
    %get3A_1362 = tpu.vector_load %arg12[%get3A_1360, %get3A_1361] {strides = array<i32>} : memref<80x128xi32, #tpu.memory_space<vmem>>, vector<16xi32>,
    %shift_right_logical3A_1363 = arith.constant 16 : i32
    %shift_right_logical3A_1364 = vector.broadcast %shift_right_logical3A_1363 : i32 to vector<16xi32>
    %shift_right_logical3A_1365 = arith.shrui %get3A_1362, %shift_right_logical3A_1364 : vector<16xi32>
    %swap3A_1366 = arith.constant 6 : i32
    %swap3A_1367 = arith.index_cast %swap3A_1366 : i32 to index
    %swap3A_1368 = arith.constant 64 : index
    %swap3A_1369 = tpu.vector_load %arg14[%swap3A_1367, %swap3A_1368] {strides = array<i32>} : memref<8x128xi32, #tpu.memory_space<vmem>>, vector<16xi32>,
    tpu.vector_store %arg14[%swap3A_1367, %swap3A_1368], %shift_right_logical3A_1365 {strides = array<i32>} : memref<8x128xi32, #tpu.memory_space<vmem>>, vector<16xi32>,
    %get3A_1370 = arith.constant 78 : i32
    %get3A_1371 = arith.index_cast %get3A_1370 : i32 to index
    %get3A_1372 = arith.constant 80 : index
    %get3A_1373 = tpu.vector_load %arg12[%get3A_1371, %get3A_1372] {strides = array<i32>} : memref<80x128xi32, #tpu.memory_space<vmem>>, vector<16xi32>,
    %shift_right_logical3A_1374 = arith.constant 16 : i32
    %shift_right_logical3A_1375 = vector.broadcast %shift_right_logical3A_1374 : i32 to vector<16xi32>
    %shift_right_logical3A_1376 = arith.shrui %get3A_1373, %shift_right_logical3A_1375 : vector<16xi32>
    %swap3A_1377 = arith.constant 6 : i32
    %swap3A_1378 = arith.index_cast %swap3A_1377 : i32 to index
    %swap3A_1379 = arith.constant 80 : index
    %swap3A_1380 = tpu.vector_load %arg14[%swap3A_1378, %swap3A_1379] {strides = array<i32>} : memref<8x128xi32, #tpu.memory_space<vmem>>, vector<16xi32>,
    tpu.vector_store %arg14[%swap3A_1378, %swap3A_1379], %shift_right_logical3A_1376 {strides = array<i32>} : memref<8x128xi32, #tpu.memory_space<vmem>>, vector<16xi32>,
    %get3A_1381 = arith.constant 78 : i32
    %get3A_1382 = arith.index_cast %get3A_1381 : i32 to index
    %get3A_1383 = arith.constant 96 : index
    %get3A_1384 = tpu.vector_load %arg12[%get3A_1382, %get3A_1383] {strides = array<i32>} : memref<80x128xi32, #tpu.memory_space<vmem>>, vector<16xi32>,
    %shift_right_logical3A_1385 = arith.constant 16 : i32
    %shift_right_logical3A_1386 = vector.broadcast %shift_right_logical3A_1385 : i32 to vector<16xi32>
    %shift_right_logical3A_1387 = arith.shrui %get3A_1384, %shift_right_logical3A_1386 : vector<16xi32>
    %swap3A_1388 = arith.constant 6 : i32
    %swap3A_1389 = arith.index_cast %swap3A_1388 : i32 to index
    %swap3A_1390 = arith.constant 96 : index
    %swap3A_1391 = tpu.vector_load %arg14[%swap3A_1389, %swap3A_1390] {strides = array<i32>} : memref<8x128xi32, #tpu.memory_space<vmem>>, vector<16xi32>,
    tpu.vector_store %arg14[%swap3A_1389, %swap3A_1390], %shift_right_logical3A_1387 {strides = array<i32>} : memref<8x128xi32, #tpu.memory_space<vmem>>, vector<16xi32>,
    %get3A_1392 = arith.constant 78 : i32
    %get3A_1393 = arith.index_cast %get3A_1392 : i32 to index
    %get3A_1394 = arith.constant 112 : index
    %get3A_1395 = tpu.vector_load %arg12[%get3A_1393, %get3A_1394] {strides = array<i32>} : memref<80x128xi32, #tpu.memory_space<vmem>>, vector<16xi32>,
    %shift_right_logical3A_1396 = arith.constant 16 : i32
    %shift_right_logical3A_1397 = vector.broadcast %shift_right_logical3A_1396 : i32 to vector<16xi32>
    %shift_right_logical3A_1398 = arith.shrui %get3A_1395, %shift_right_logical3A_1397 : vector<16xi32>
    %swap3A_1399 = arith.constant 6 : i32
    %swap3A_1400 = arith.index_cast %swap3A_1399 : i32 to index
    %swap3A_1401 = arith.constant 112 : index
    %swap3A_1402 = tpu.vector_load %arg14[%swap3A_1400, %swap3A_1401] {strides = array<i32>} : memref<8x128xi32, #tpu.memory_space<vmem>>, vector<16xi32>,
    tpu.vector_store %arg14[%swap3A_1400, %swap3A_1401], %shift_right_logical3A_1398 {strides = array<i32>} : memref<8x128xi32, #tpu.memory_space<vmem>>, vector<16xi32>,
    %dma_start3A_1403 = arith.constant 6 : i32
    %dma_start3A_1404 = arith.constant 0 : i32
    %dma_start3A_1405 = tpu.memref_slice %arg14[%dma_start3A_1403, %dma_start3A_1404] : memref<8x128xi32, #tpu.memory_space<vmem>> -> memref<1x128xi32, #tpu.memory_space<vmem>>
    %dma_start3A_1406 = tpu.memref_squeeze %dma_start3A_1405 : memref<1x128xi32, #tpu.memory_space<vmem>> -> memref<128xi32, #tpu.memory_space<vmem>>
    %dma_start3A_1407 = arith.constant 0 : i32
    %dma_start3A_1408 = arith.constant 0 : i32
    %dma_start3A_1409 = tpu.memref_slice %arg10[%dma_start3A_1407, %dma_start3A_1408] : memref<10112x128xbf16, #tpu.memory_space<vmem_shared>> -> memref<10112x128xbf16, #tpu.memory_space<vmem_shared>>
    tpu.enqueue_indirect_dma source(%arg21 : memref<128x128xbf16, #tpu.memory_space<vmem>>) target(%dma_start3A_1409 : memref<10112x128xbf16, #tpu.memory_space<vmem_shared>>) offsets(%dma_start3A_1406 : memref<128xi32, #tpu.memory_space<vmem>>) semaphore(%arg37 : memref<!tpu.dma_semaphore, #tpu.memory_space<semaphore_mem>>) {add = true}
    %dma_start3A_1410 = arith.constant 6 : i32
    %dma_start3A_1411 = arith.constant 0 : i32
    %dma_start3A_1412 = tpu.memref_slice %arg14[%dma_start3A_1410, %dma_start3A_1411] : memref<8x128xi32, #tpu.memory_space<vmem>> -> memref<1x128xi32, #tpu.memory_space<vmem>>
    %dma_start3A_1413 = tpu.memref_squeeze %dma_start3A_1412 : memref<1x128xi32, #tpu.memory_space<vmem>> -> memref<128xi32, #tpu.memory_space<vmem>>
    %dma_start3A_1414 = arith.constant 0 : i32
    %dma_start3A_1415 = arith.constant 0 : i32
    %dma_start3A_1416 = tpu.memref_slice %arg11[%dma_start3A_1414, %dma_start3A_1415] : memref<10112x16xf32, #tpu.memory_space<vmem_shared>> -> memref<10112x16xf32, #tpu.memory_space<vmem_shared>>
    tpu.enqueue_indirect_dma source(%arg39 : memref<128x16xf32, #tpu.memory_space<vmem>>) target(%dma_start3A_1416 : memref<10112x16xf32, #tpu.memory_space<vmem_shared>>) offsets(%dma_start3A_1413 : memref<128xi32, #tpu.memory_space<vmem>>) semaphore(%arg37 : memref<!tpu.dma_semaphore, #tpu.memory_space<semaphore_mem>>) {add = true}
    %dma_wait3A_1417 = arith.constant 7 : i32
    %dma_wait3A_1418 = arith.constant 0 : i32
    %dma_wait3A_1419 = tpu.memref_slice %arg13[%dma_wait3A_1417, %dma_wait3A_1418] : memref<8x128xi32, #tpu.memory_space<vmem>> -> memref<1x128xi32, #tpu.memory_space<vmem>>
    %dma_wait3A_1420 = tpu.memref_squeeze %dma_wait3A_1419 : memref<1x128xi32, #tpu.memory_space<vmem>> -> memref<128xi32, #tpu.memory_space<vmem>>
    %dma_wait3A_1421 = arith.constant 0 : i32
    %dma_wait3A_1422 = arith.constant 0 : i32
    %dma_wait3A_1423 = tpu.memref_slice %arg2[%dma_wait3A_1421, %dma_wait3A_1422] : memref<10000x128xbf16, #tpu.memory_space<hbm>> -> memref<10000x128xbf16, #tpu.memory_space<hbm>>
    tpu.wait_indirect_dma semaphore(%arg30 : memref<!tpu.dma_semaphore, #tpu.memory_space<semaphore_mem>>) src(%dma_wait3A_1423 : memref<10000x128xbf16, #tpu.memory_space<hbm>>) dst(%arg22 : memref<128x128xbf16, #tpu.memory_space<vmem>>)
    %get3A_1424 = arith.constant 79 : i32
    %get3A_1425 = arith.index_cast %get3A_1424 : i32 to index
    %get3A_1426 = arith.constant 0 : index
    %get3A_1427 = tpu.vector_load %arg12[%get3A_1425, %get3A_1426] {strides = array<i32>} : memref<80x128xi32, #tpu.memory_space<vmem>>, vector<16xi32>,
    %shift_right_logical3A_1428 = arith.constant 16 : i32
    %shift_right_logical3A_1429 = vector.broadcast %shift_right_logical3A_1428 : i32 to vector<16xi32>
    %shift_right_logical3A_1430 = arith.shrui %get3A_1427, %shift_right_logical3A_1429 : vector<16xi32>
    %swap3A_1431 = arith.constant 7 : i32
    %swap3A_1432 = arith.index_cast %swap3A_1431 : i32 to index
    %swap3A_1433 = arith.constant 0 : index
    %swap3A_1434 = tpu.vector_load %arg14[%swap3A_1432, %swap3A_1433] {strides = array<i32>} : memref<8x128xi32, #tpu.memory_space<vmem>>, vector<16xi32>,
    tpu.vector_store %arg14[%swap3A_1432, %swap3A_1433], %shift_right_logical3A_1430 {strides = array<i32>} : memref<8x128xi32, #tpu.memory_space<vmem>>, vector<16xi32>,
    %get3A_1435 = arith.constant 79 : i32
    %get3A_1436 = arith.index_cast %get3A_1435 : i32 to index
    %get3A_1437 = arith.constant 16 : index
    %get3A_1438 = tpu.vector_load %arg12[%get3A_1436, %get3A_1437] {strides = array<i32>} : memref<80x128xi32, #tpu.memory_space<vmem>>, vector<16xi32>,
    %shift_right_logical3A_1439 = arith.constant 16 : i32
    %shift_right_logical3A_1440 = vector.broadcast %shift_right_logical3A_1439 : i32 to vector<16xi32>
    %shift_right_logical3A_1441 = arith.shrui %get3A_1438, %shift_right_logical3A_1440 : vector<16xi32>
    %swap3A_1442 = arith.constant 7 : i32
    %swap3A_1443 = arith.index_cast %swap3A_1442 : i32 to index
    %swap3A_1444 = arith.constant 16 : index
    %swap3A_1445 = tpu.vector_load %arg14[%swap3A_1443, %swap3A_1444] {strides = array<i32>} : memref<8x128xi32, #tpu.memory_space<vmem>>, vector<16xi32>,
    tpu.vector_store %arg14[%swap3A_1443, %swap3A_1444], %shift_right_logical3A_1441 {strides = array<i32>} : memref<8x128xi32, #tpu.memory_space<vmem>>, vector<16xi32>,
    %get3A_1446 = arith.constant 79 : i32
    %get3A_1447 = arith.index_cast %get3A_1446 : i32 to index
    %get3A_1448 = arith.constant 32 : index
    %get3A_1449 = tpu.vector_load %arg12[%get3A_1447, %get3A_1448] {strides = array<i32>} : memref<80x128xi32, #tpu.memory_space<vmem>>, vector<16xi32>,
    %shift_right_logical3A_1450 = arith.constant 16 : i32
    %shift_right_logical3A_1451 = vector.broadcast %shift_right_logical3A_1450 : i32 to vector<16xi32>
    %shift_right_logical3A_1452 = arith.shrui %get3A_1449, %shift_right_logical3A_1451 : vector<16xi32>
    %swap3A_1453 = arith.constant 7 : i32
    %swap3A_1454 = arith.index_cast %swap3A_1453 : i32 to index
    %swap3A_1455 = arith.constant 32 : index
    %swap3A_1456 = tpu.vector_load %arg14[%swap3A_1454, %swap3A_1455] {strides = array<i32>} : memref<8x128xi32, #tpu.memory_space<vmem>>, vector<16xi32>,
    tpu.vector_store %arg14[%swap3A_1454, %swap3A_1455], %shift_right_logical3A_1452 {strides = array<i32>} : memref<8x128xi32, #tpu.memory_space<vmem>>, vector<16xi32>,
    %get3A_1457 = arith.constant 79 : i32
    %get3A_1458 = arith.index_cast %get3A_1457 : i32 to index
    %get3A_1459 = arith.constant 48 : index
    %get3A_1460 = tpu.vector_load %arg12[%get3A_1458, %get3A_1459] {strides = array<i32>} : memref<80x128xi32, #tpu.memory_space<vmem>>, vector<16xi32>,
    %shift_right_logical3A_1461 = arith.constant 16 : i32
    %shift_right_logical3A_1462 = vector.broadcast %shift_right_logical3A_1461 : i32 to vector<16xi32>
    %shift_right_logical3A_1463 = arith.shrui %get3A_1460, %shift_right_logical3A_1462 : vector<16xi32>
    %swap3A_1464 = arith.constant 7 : i32
    %swap3A_1465 = arith.index_cast %swap3A_1464 : i32 to index
    %swap3A_1466 = arith.constant 48 : index
    %swap3A_1467 = tpu.vector_load %arg14[%swap3A_1465, %swap3A_1466] {strides = array<i32>} : memref<8x128xi32, #tpu.memory_space<vmem>>, vector<16xi32>,
    tpu.vector_store %arg14[%swap3A_1465, %swap3A_1466], %shift_right_logical3A_1463 {strides = array<i32>} : memref<8x128xi32, #tpu.memory_space<vmem>>, vector<16xi32>,
    %get3A_1468 = arith.constant 79 : i32
    %get3A_1469 = arith.index_cast %get3A_1468 : i32 to index
    %get3A_1470 = arith.constant 64 : index
    %get3A_1471 = tpu.vector_load %arg12[%get3A_1469, %get3A_1470] {strides = array<i32>} : memref<80x128xi32, #tpu.memory_space<vmem>>, vector<16xi32>,
    %shift_right_logical3A_1472 = arith.constant 16 : i32
    %shift_right_logical3A_1473 = vector.broadcast %shift_right_logical3A_1472 : i32 to vector<16xi32>
    %shift_right_logical3A_1474 = arith.shrui %get3A_1471, %shift_right_logical3A_1473 : vector<16xi32>
    %swap3A_1475 = arith.constant 7 : i32
    %swap3A_1476 = arith.index_cast %swap3A_1475 : i32 to index
    %swap3A_1477 = arith.constant 64 : index
    %swap3A_1478 = tpu.vector_load %arg14[%swap3A_1476, %swap3A_1477] {strides = array<i32>} : memref<8x128xi32, #tpu.memory_space<vmem>>, vector<16xi32>,
    tpu.vector_store %arg14[%swap3A_1476, %swap3A_1477], %shift_right_logical3A_1474 {strides = array<i32>} : memref<8x128xi32, #tpu.memory_space<vmem>>, vector<16xi32>,
    %get3A_1479 = arith.constant 79 : i32
    %get3A_1480 = arith.index_cast %get3A_1479 : i32 to index
    %get3A_1481 = arith.constant 80 : index
    %get3A_1482 = tpu.vector_load %arg12[%get3A_1480, %get3A_1481] {strides = array<i32>} : memref<80x128xi32, #tpu.memory_space<vmem>>, vector<16xi32>,
    %shift_right_logical3A_1483 = arith.constant 16 : i32
    %shift_right_logical3A_1484 = vector.broadcast %shift_right_logical3A_1483 : i32 to vector<16xi32>
    %shift_right_logical3A_1485 = arith.shrui %get3A_1482, %shift_right_logical3A_1484 : vector<16xi32>
    %swap3A_1486 = arith.constant 7 : i32
    %swap3A_1487 = arith.index_cast %swap3A_1486 : i32 to index
    %swap3A_1488 = arith.constant 80 : index
    %swap3A_1489 = tpu.vector_load %arg14[%swap3A_1487, %swap3A_1488] {strides = array<i32>} : memref<8x128xi32, #tpu.memory_space<vmem>>, vector<16xi32>,
    tpu.vector_store %arg14[%swap3A_1487, %swap3A_1488], %shift_right_logical3A_1485 {strides = array<i32>} : memref<8x128xi32, #tpu.memory_space<vmem>>, vector<16xi32>,
    %get3A_1490 = arith.constant 79 : i32
    %get3A_1491 = arith.index_cast %get3A_1490 : i32 to index
    %get3A_1492 = arith.constant 96 : index
    %get3A_1493 = tpu.vector_load %arg12[%get3A_1491, %get3A_1492] {strides = array<i32>} : memref<80x128xi32, #tpu.memory_space<vmem>>, vector<16xi32>,
    %shift_right_logical3A_1494 = arith.constant 16 : i32
    %shift_right_logical3A_1495 = vector.broadcast %shift_right_logical3A_1494 : i32 to vector<16xi32>
    %shift_right_logical3A_1496 = arith.shrui %get3A_1493, %shift_right_logical3A_1495 : vector<16xi32>
    %swap3A_1497 = arith.constant 7 : i32
    %swap3A_1498 = arith.index_cast %swap3A_1497 : i32 to index
    %swap3A_1499 = arith.constant 96 : index
    %swap3A_1500 = tpu.vector_load %arg14[%swap3A_1498, %swap3A_1499] {strides = array<i32>} : memref<8x128xi32, #tpu.memory_space<vmem>>, vector<16xi32>,
    tpu.vector_store %arg14[%swap3A_1498, %swap3A_1499], %shift_right_logical3A_1496 {strides = array<i32>} : memref<8x128xi32, #tpu.memory_space<vmem>>, vector<16xi32>,
    %get3A_1501 = arith.constant 79 : i32
    %get3A_1502 = arith.index_cast %get3A_1501 : i32 to index
    %get3A_1503 = arith.constant 112 : index
    %get3A_1504 = tpu.vector_load %arg12[%get3A_1502, %get3A_1503] {strides = array<i32>} : memref<80x128xi32, #tpu.memory_space<vmem>>, vector<16xi32>,
    %shift_right_logical3A_1505 = arith.constant 16 : i32
    %shift_right_logical3A_1506 = vector.broadcast %shift_right_logical3A_1505 : i32 to vector<16xi32>
    %shift_right_logical3A_1507 = arith.shrui %get3A_1504, %shift_right_logical3A_1506 : vector<16xi32>
    %swap3A_1508 = arith.constant 7 : i32
    %swap3A_1509 = arith.index_cast %swap3A_1508 : i32 to index
    %swap3A_1510 = arith.constant 112 : index
    %swap3A_1511 = tpu.vector_load %arg14[%swap3A_1509, %swap3A_1510] {strides = array<i32>} : memref<8x128xi32, #tpu.memory_space<vmem>>, vector<16xi32>,
    tpu.vector_store %arg14[%swap3A_1509, %swap3A_1510], %shift_right_logical3A_1507 {strides = array<i32>} : memref<8x128xi32, #tpu.memory_space<vmem>>, vector<16xi32>,
    %dma_start3A_1512 = arith.constant 7 : i32
    %dma_start3A_1513 = arith.constant 0 : i32
    %dma_start3A_1514 = tpu.memref_slice %arg14[%dma_start3A_1512, %dma_start3A_1513] : memref<8x128xi32, #tpu.memory_space<vmem>> -> memref<1x128xi32, #tpu.memory_space<vmem>>
    %dma_start3A_1515 = tpu.memref_squeeze %dma_start3A_1514 : memref<1x128xi32, #tpu.memory_space<vmem>> -> memref<128xi32, #tpu.memory_space<vmem>>
    %dma_start3A_1516 = arith.constant 0 : i32
    %dma_start3A_1517 = arith.constant 0 : i32
    %dma_start3A_1518 = tpu.memref_slice %arg10[%dma_start3A_1516, %dma_start3A_1517] : memref<10112x128xbf16, #tpu.memory_space<vmem_shared>> -> memref<10112x128xbf16, #tpu.memory_space<vmem_shared>>
    tpu.enqueue_indirect_dma source(%arg22 : memref<128x128xbf16, #tpu.memory_space<vmem>>) target(%dma_start3A_1518 : memref<10112x128xbf16, #tpu.memory_space<vmem_shared>>) offsets(%dma_start3A_1515 : memref<128xi32, #tpu.memory_space<vmem>>) semaphore(%arg38 : memref<!tpu.dma_semaphore, #tpu.memory_space<semaphore_mem>>) {add = true}
    %dma_start3A_1519 = arith.constant 7 : i32
    %dma_start3A_1520 = arith.constant 0 : i32
    %dma_start3A_1521 = tpu.memref_slice %arg14[%dma_start3A_1519, %dma_start3A_1520] : memref<8x128xi32, #tpu.memory_space<vmem>> -> memref<1x128xi32, #tpu.memory_space<vmem>>
    %dma_start3A_1522 = tpu.memref_squeeze %dma_start3A_1521 : memref<1x128xi32, #tpu.memory_space<vmem>> -> memref<128xi32, #tpu.memory_space<vmem>>
    %dma_start3A_1523 = arith.constant 0 : i32
    %dma_start3A_1524 = arith.constant 0 : i32
    %dma_start3A_1525 = tpu.memref_slice %arg11[%dma_start3A_1523, %dma_start3A_1524] : memref<10112x16xf32, #tpu.memory_space<vmem_shared>> -> memref<10112x16xf32, #tpu.memory_space<vmem_shared>>
    tpu.enqueue_indirect_dma source(%arg39 : memref<128x16xf32, #tpu.memory_space<vmem>>) target(%dma_start3A_1525 : memref<10112x16xf32, #tpu.memory_space<vmem_shared>>) offsets(%dma_start3A_1522 : memref<128xi32, #tpu.memory_space<vmem>>) semaphore(%arg38 : memref<!tpu.dma_semaphore, #tpu.memory_space<semaphore_mem>>) {add = true}
    %dma_wait3A_1526 = arith.constant 0 : i32
    %dma_wait3A_1527 = arith.constant 0 : i32
    %dma_wait3A_1528 = tpu.memref_slice %arg14[%dma_wait3A_1526, %dma_wait3A_1527] : memref<8x128xi32, #tpu.memory_space<vmem>> -> memref<1x128xi32, #tpu.memory_space<vmem>>
    %dma_wait3A_1529 = tpu.memref_squeeze %dma_wait3A_1528 : memref<1x128xi32, #tpu.memory_space<vmem>> -> memref<128xi32, #tpu.memory_space<vmem>>
    %dma_wait3A_1530 = arith.constant 0 : i32
    %dma_wait3A_1531 = arith.constant 0 : i32
    %dma_wait3A_1532 = tpu.memref_slice %arg10[%dma_wait3A_1530, %dma_wait3A_1531] : memref<10112x128xbf16, #tpu.memory_space<vmem_shared>> -> memref<10112x128xbf16, #tpu.memory_space<vmem_shared>>
    tpu.wait_indirect_dma semaphore(%arg31 : memref<!tpu.dma_semaphore, #tpu.memory_space<semaphore_mem>>) src(%arg15 : memref<128x128xbf16, #tpu.memory_space<vmem>>) dst(%dma_wait3A_1532 : memref<10112x128xbf16, #tpu.memory_space<vmem_shared>>)
    %dma_wait3A_1533 = arith.constant 0 : i32
    %dma_wait3A_1534 = arith.constant 0 : i32
    %dma_wait3A_1535 = tpu.memref_slice %arg14[%dma_wait3A_1533, %dma_wait3A_1534] : memref<8x128xi32, #tpu.memory_space<vmem>> -> memref<1x128xi32, #tpu.memory_space<vmem>>
    %dma_wait3A_1536 = tpu.memref_squeeze %dma_wait3A_1535 : memref<1x128xi32, #tpu.memory_space<vmem>> -> memref<128xi32, #tpu.memory_space<vmem>>
    %dma_wait3A_1537 = arith.constant 0 : i32
    %dma_wait3A_1538 = arith.constant 0 : i32
    %dma_wait3A_1539 = tpu.memref_slice %arg11[%dma_wait3A_1537, %dma_wait3A_1538] : memref<10112x16xf32, #tpu.memory_space<vmem_shared>> -> memref<10112x16xf32, #tpu.memory_space<vmem_shared>>
    tpu.wait_indirect_dma semaphore(%arg31 : memref<!tpu.dma_semaphore, #tpu.memory_space<semaphore_mem>>) src(%arg39 : memref<128x16xf32, #tpu.memory_space<vmem>>) dst(%dma_wait3A_1539 : memref<10112x16xf32, #tpu.memory_space<vmem_shared>>)
    %dma_wait3A_1540 = arith.constant 1 : i32
    %dma_wait3A_1541 = arith.constant 0 : i32
    %dma_wait3A_1542 = tpu.memref_slice %arg14[%dma_wait3A_1540, %dma_wait3A_1541] : memref<8x128xi32, #tpu.memory_space<vmem>> -> memref<1x128xi32, #tpu.memory_space<vmem>>
    %dma_wait3A_1543 = tpu.memref_squeeze %dma_wait3A_1542 : memref<1x128xi32, #tpu.memory_space<vmem>> -> memref<128xi32, #tpu.memory_space<vmem>>
    %dma_wait3A_1544 = arith.constant 0 : i32
    %dma_wait3A_1545 = arith.constant 0 : i32
    %dma_wait3A_1546 = tpu.memref_slice %arg10[%dma_wait3A_1544, %dma_wait3A_1545] : memref<10112x128xbf16, #tpu.memory_space<vmem_shared>> -> memref<10112x128xbf16, #tpu.memory_space<vmem_shared>>
    tpu.wait_indirect_dma semaphore(%arg32 : memref<!tpu.dma_semaphore, #tpu.memory_space<semaphore_mem>>) src(%arg16 : memref<128x128xbf16, #tpu.memory_space<vmem>>) dst(%dma_wait3A_1546 : memref<10112x128xbf16, #tpu.memory_space<vmem_shared>>)
    %dma_wait3A_1547 = arith.constant 1 : i32
    %dma_wait3A_1548 = arith.constant 0 : i32
    %dma_wait3A_1549 = tpu.memref_slice %arg14[%dma_wait3A_1547, %dma_wait3A_1548] : memref<8x128xi32, #tpu.memory_space<vmem>> -> memref<1x128xi32, #tpu.memory_space<vmem>>
    %dma_wait3A_1550 = tpu.memref_squeeze %dma_wait3A_1549 : memref<1x128xi32, #tpu.memory_space<vmem>> -> memref<128xi32, #tpu.memory_space<vmem>>
    %dma_wait3A_1551 = arith.constant 0 : i32
    %dma_wait3A_1552 = arith.constant 0 : i32
    %dma_wait3A_1553 = tpu.memref_slice %arg11[%dma_wait3A_1551, %dma_wait3A_1552] : memref<10112x16xf32, #tpu.memory_space<vmem_shared>> -> memref<10112x16xf32, #tpu.memory_space<vmem_shared>>
    tpu.wait_indirect_dma semaphore(%arg32 : memref<!tpu.dma_semaphore, #tpu.memory_space<semaphore_mem>>) src(%arg39 : memref<128x16xf32, #tpu.memory_space<vmem>>) dst(%dma_wait3A_1553 : memref<10112x16xf32, #tpu.memory_space<vmem_shared>>)
    %dma_wait3A_1554 = arith.constant 2 : i32
    %dma_wait3A_1555 = arith.constant 0 : i32
    %dma_wait3A_1556 = tpu.memref_slice %arg14[%dma_wait3A_1554, %dma_wait3A_1555] : memref<8x128xi32, #tpu.memory_space<vmem>> -> memref<1x128xi32, #tpu.memory_space<vmem>>
    %dma_wait3A_1557 = tpu.memref_squeeze %dma_wait3A_1556 : memref<1x128xi32, #tpu.memory_space<vmem>> -> memref<128xi32, #tpu.memory_space<vmem>>
    %dma_wait3A_1558 = arith.constant 0 : i32
    %dma_wait3A_1559 = arith.constant 0 : i32
    %dma_wait3A_1560 = tpu.memref_slice %arg10[%dma_wait3A_1558, %dma_wait3A_1559] : memref<10112x128xbf16, #tpu.memory_space<vmem_shared>> -> memref<10112x128xbf16, #tpu.memory_space<vmem_shared>>
    tpu.wait_indirect_dma semaphore(%arg33 : memref<!tpu.dma_semaphore, #tpu.memory_space<semaphore_mem>>) src(%arg17 : memref<128x128xbf16, #tpu.memory_space<vmem>>) dst(%dma_wait3A_1560 : memref<10112x128xbf16, #tpu.memory_space<vmem_shared>>)
    %dma_wait3A_1561 = arith.constant 2 : i32
    %dma_wait3A_1562 = arith.constant 0 : i32
    %dma_wait3A_1563 = tpu.memref_slice %arg14[%dma_wait3A_1561, %dma_wait3A_1562] : memref<8x128xi32, #tpu.memory_space<vmem>> -> memref<1x128xi32, #tpu.memory_space<vmem>>
    %dma_wait3A_1564 = tpu.memref_squeeze %dma_wait3A_1563 : memref<1x128xi32, #tpu.memory_space<vmem>> -> memref<128xi32, #tpu.memory_space<vmem>>
    %dma_wait3A_1565 = arith.constant 0 : i32
    %dma_wait3A_1566 = arith.constant 0 : i32
    %dma_wait3A_1567 = tpu.memref_slice %arg11[%dma_wait3A_1565, %dma_wait3A_1566] : memref<10112x16xf32, #tpu.memory_space<vmem_shared>> -> memref<10112x16xf32, #tpu.memory_space<vmem_shared>>
    tpu.wait_indirect_dma semaphore(%arg33 : memref<!tpu.dma_semaphore, #tpu.memory_space<semaphore_mem>>) src(%arg39 : memref<128x16xf32, #tpu.memory_space<vmem>>) dst(%dma_wait3A_1567 : memref<10112x16xf32, #tpu.memory_space<vmem_shared>>)
    %dma_wait3A_1568 = arith.constant 3 : i32
    %dma_wait3A_1569 = arith.constant 0 : i32
    %dma_wait3A_1570 = tpu.memref_slice %arg14[%dma_wait3A_1568, %dma_wait3A_1569] : memref<8x128xi32, #tpu.memory_space<vmem>> -> memref<1x128xi32, #tpu.memory_space<vmem>>
    %dma_wait3A_1571 = tpu.memref_squeeze %dma_wait3A_1570 : memref<1x128xi32, #tpu.memory_space<vmem>> -> memref<128xi32, #tpu.memory_space<vmem>>
    %dma_wait3A_1572 = arith.constant 0 : i32
    %dma_wait3A_1573 = arith.constant 0 : i32
    %dma_wait3A_1574 = tpu.memref_slice %arg10[%dma_wait3A_1572, %dma_wait3A_1573] : memref<10112x128xbf16, #tpu.memory_space<vmem_shared>> -> memref<10112x128xbf16, #tpu.memory_space<vmem_shared>>
    tpu.wait_indirect_dma semaphore(%arg34 : memref<!tpu.dma_semaphore, #tpu.memory_space<semaphore_mem>>) src(%arg18 : memref<128x128xbf16, #tpu.memory_space<vmem>>) dst(%dma_wait3A_1574 : memref<10112x128xbf16, #tpu.memory_space<vmem_shared>>)
    %dma_wait3A_1575 = arith.constant 3 : i32
    %dma_wait3A_1576 = arith.constant 0 : i32
    %dma_wait3A_1577 = tpu.memref_slice %arg14[%dma_wait3A_1575, %dma_wait3A_1576] : memref<8x128xi32, #tpu.memory_space<vmem>> -> memref<1x128xi32, #tpu.memory_space<vmem>>
    %dma_wait3A_1578 = tpu.memref_squeeze %dma_wait3A_1577 : memref<1x128xi32, #tpu.memory_space<vmem>> -> memref<128xi32, #tpu.memory_space<vmem>>
    %dma_wait3A_1579 = arith.constant 0 : i32
    %dma_wait3A_1580 = arith.constant 0 : i32
    %dma_wait3A_1581 = tpu.memref_slice %arg11[%dma_wait3A_1579, %dma_wait3A_1580] : memref<10112x16xf32, #tpu.memory_space<vmem_shared>> -> memref<10112x16xf32, #tpu.memory_space<vmem_shared>>
    tpu.wait_indirect_dma semaphore(%arg34 : memref<!tpu.dma_semaphore, #tpu.memory_space<semaphore_mem>>) src(%arg39 : memref<128x16xf32, #tpu.memory_space<vmem>>) dst(%dma_wait3A_1581 : memref<10112x16xf32, #tpu.memory_space<vmem_shared>>)
    %dma_wait3A_1582 = arith.constant 4 : i32
    %dma_wait3A_1583 = arith.constant 0 : i32
    %dma_wait3A_1584 = tpu.memref_slice %arg14[%dma_wait3A_1582, %dma_wait3A_1583] : memref<8x128xi32, #tpu.memory_space<vmem>> -> memref<1x128xi32, #tpu.memory_space<vmem>>
    %dma_wait3A_1585 = tpu.memref_squeeze %dma_wait3A_1584 : memref<1x128xi32, #tpu.memory_space<vmem>> -> memref<128xi32, #tpu.memory_space<vmem>>
    %dma_wait3A_1586 = arith.constant 0 : i32
    %dma_wait3A_1587 = arith.constant 0 : i32
    %dma_wait3A_1588 = tpu.memref_slice %arg10[%dma_wait3A_1586, %dma_wait3A_1587] : memref<10112x128xbf16, #tpu.memory_space<vmem_shared>> -> memref<10112x128xbf16, #tpu.memory_space<vmem_shared>>
    tpu.wait_indirect_dma semaphore(%arg35 : memref<!tpu.dma_semaphore, #tpu.memory_space<semaphore_mem>>) src(%arg19 : memref<128x128xbf16, #tpu.memory_space<vmem>>) dst(%dma_wait3A_1588 : memref<10112x128xbf16, #tpu.memory_space<vmem_shared>>)
    %dma_wait3A_1589 = arith.constant 4 : i32
    %dma_wait3A_1590 = arith.constant 0 : i32
    %dma_wait3A_1591 = tpu.memref_slice %arg14[%dma_wait3A_1589, %dma_wait3A_1590] : memref<8x128xi32, #tpu.memory_space<vmem>> -> memref<1x128xi32, #tpu.memory_space<vmem>>
    %dma_wait3A_1592 = tpu.memref_squeeze %dma_wait3A_1591 : memref<1x128xi32, #tpu.memory_space<vmem>> -> memref<128xi32, #tpu.memory_space<vmem>>
    %dma_wait3A_1593 = arith.constant 0 : i32
    %dma_wait3A_1594 = arith.constant 0 : i32
    %dma_wait3A_1595 = tpu.memref_slice %arg11[%dma_wait3A_1593, %dma_wait3A_1594] : memref<10112x16xf32, #tpu.memory_space<vmem_shared>> -> memref<10112x16xf32, #tpu.memory_space<vmem_shared>>
    tpu.wait_indirect_dma semaphore(%arg35 : memref<!tpu.dma_semaphore, #tpu.memory_space<semaphore_mem>>) src(%arg39 : memref<128x16xf32, #tpu.memory_space<vmem>>) dst(%dma_wait3A_1595 : memref<10112x16xf32, #tpu.memory_space<vmem_shared>>)
    %dma_wait3A_1596 = arith.constant 5 : i32
    %dma_wait3A_1597 = arith.constant 0 : i32
    %dma_wait3A_1598 = tpu.memref_slice %arg14[%dma_wait3A_1596, %dma_wait3A_1597] : memref<8x128xi32, #tpu.memory_space<vmem>> -> memref<1x128xi32, #tpu.memory_space<vmem>>
    %dma_wait3A_1599 = tpu.memref_squeeze %dma_wait3A_1598 : memref<1x128xi32, #tpu.memory_space<vmem>> -> memref<128xi32, #tpu.memory_space<vmem>>
    %dma_wait3A_1600 = arith.constant 0 : i32
    %dma_wait3A_1601 = arith.constant 0 : i32
    %dma_wait3A_1602 = tpu.memref_slice %arg10[%dma_wait3A_1600, %dma_wait3A_1601] : memref<10112x128xbf16, #tpu.memory_space<vmem_shared>> -> memref<10112x128xbf16, #tpu.memory_space<vmem_shared>>
    tpu.wait_indirect_dma semaphore(%arg36 : memref<!tpu.dma_semaphore, #tpu.memory_space<semaphore_mem>>) src(%arg20 : memref<128x128xbf16, #tpu.memory_space<vmem>>) dst(%dma_wait3A_1602 : memref<10112x128xbf16, #tpu.memory_space<vmem_shared>>)
    %dma_wait3A_1603 = arith.constant 5 : i32
    %dma_wait3A_1604 = arith.constant 0 : i32
    %dma_wait3A_1605 = tpu.memref_slice %arg14[%dma_wait3A_1603, %dma_wait3A_1604] : memref<8x128xi32, #tpu.memory_space<vmem>> -> memref<1x128xi32, #tpu.memory_space<vmem>>
    %dma_wait3A_1606 = tpu.memref_squeeze %dma_wait3A_1605 : memref<1x128xi32, #tpu.memory_space<vmem>> -> memref<128xi32, #tpu.memory_space<vmem>>
    %dma_wait3A_1607 = arith.constant 0 : i32
    %dma_wait3A_1608 = arith.constant 0 : i32
    %dma_wait3A_1609 = tpu.memref_slice %arg11[%dma_wait3A_1607, %dma_wait3A_1608] : memref<10112x16xf32, #tpu.memory_space<vmem_shared>> -> memref<10112x16xf32, #tpu.memory_space<vmem_shared>>
    tpu.wait_indirect_dma semaphore(%arg36 : memref<!tpu.dma_semaphore, #tpu.memory_space<semaphore_mem>>) src(%arg39 : memref<128x16xf32, #tpu.memory_space<vmem>>) dst(%dma_wait3A_1609 : memref<10112x16xf32, #tpu.memory_space<vmem_shared>>)
    %dma_wait3A_1610 = arith.constant 6 : i32
    %dma_wait3A_1611 = arith.constant 0 : i32
    %dma_wait3A_1612 = tpu.memref_slice %arg14[%dma_wait3A_1610, %dma_wait3A_1611] : memref<8x128xi32, #tpu.memory_space<vmem>> -> memref<1x128xi32, #tpu.memory_space<vmem>>
    %dma_wait3A_1613 = tpu.memref_squeeze %dma_wait3A_1612 : memref<1x128xi32, #tpu.memory_space<vmem>> -> memref<128xi32, #tpu.memory_space<vmem>>
    %dma_wait3A_1614 = arith.constant 0 : i32
    %dma_wait3A_1615 = arith.constant 0 : i32
    %dma_wait3A_1616 = tpu.memref_slice %arg10[%dma_wait3A_1614, %dma_wait3A_1615] : memref<10112x128xbf16, #tpu.memory_space<vmem_shared>> -> memref<10112x128xbf16, #tpu.memory_space<vmem_shared>>
    tpu.wait_indirect_dma semaphore(%arg37 : memref<!tpu.dma_semaphore, #tpu.memory_space<semaphore_mem>>) src(%arg21 : memref<128x128xbf16, #tpu.memory_space<vmem>>) dst(%dma_wait3A_1616 : memref<10112x128xbf16, #tpu.memory_space<vmem_shared>>)
    %dma_wait3A_1617 = arith.constant 6 : i32
    %dma_wait3A_1618 = arith.constant 0 : i32
    %dma_wait3A_1619 = tpu.memref_slice %arg14[%dma_wait3A_1617, %dma_wait3A_1618] : memref<8x128xi32, #tpu.memory_space<vmem>> -> memref<1x128xi32, #tpu.memory_space<vmem>>
    %dma_wait3A_1620 = tpu.memref_squeeze %dma_wait3A_1619 : memref<1x128xi32, #tpu.memory_space<vmem>> -> memref<128xi32, #tpu.memory_space<vmem>>
    %dma_wait3A_1621 = arith.constant 0 : i32
    %dma_wait3A_1622 = arith.constant 0 : i32
    %dma_wait3A_1623 = tpu.memref_slice %arg11[%dma_wait3A_1621, %dma_wait3A_1622] : memref<10112x16xf32, #tpu.memory_space<vmem_shared>> -> memref<10112x16xf32, #tpu.memory_space<vmem_shared>>
    tpu.wait_indirect_dma semaphore(%arg37 : memref<!tpu.dma_semaphore, #tpu.memory_space<semaphore_mem>>) src(%arg39 : memref<128x16xf32, #tpu.memory_space<vmem>>) dst(%dma_wait3A_1623 : memref<10112x16xf32, #tpu.memory_space<vmem_shared>>)
    %dma_wait3A_1624 = arith.constant 7 : i32
    %dma_wait3A_1625 = arith.constant 0 : i32
    %dma_wait3A_1626 = tpu.memref_slice %arg14[%dma_wait3A_1624, %dma_wait3A_1625] : memref<8x128xi32, #tpu.memory_space<vmem>> -> memref<1x128xi32, #tpu.memory_space<vmem>>
    %dma_wait3A_1627 = tpu.memref_squeeze %dma_wait3A_1626 : memref<1x128xi32, #tpu.memory_space<vmem>> -> memref<128xi32, #tpu.memory_space<vmem>>
    %dma_wait3A_1628 = arith.constant 0 : i32
    %dma_wait3A_1629 = arith.constant 0 : i32
    %dma_wait3A_1630 = tpu.memref_slice %arg10[%dma_wait3A_1628, %dma_wait3A_1629] : memref<10112x128xbf16, #tpu.memory_space<vmem_shared>> -> memref<10112x128xbf16, #tpu.memory_space<vmem_shared>>
    tpu.wait_indirect_dma semaphore(%arg38 : memref<!tpu.dma_semaphore, #tpu.memory_space<semaphore_mem>>) src(%arg22 : memref<128x128xbf16, #tpu.memory_space<vmem>>) dst(%dma_wait3A_1630 : memref<10112x128xbf16, #tpu.memory_space<vmem_shared>>)
    %dma_wait3A_1631 = arith.constant 7 : i32
    %dma_wait3A_1632 = arith.constant 0 : i32
    %dma_wait3A_1633 = tpu.memref_slice %arg14[%dma_wait3A_1631, %dma_wait3A_1632] : memref<8x128xi32, #tpu.memory_space<vmem>> -> memref<1x128xi32, #tpu.memory_space<vmem>>
    %dma_wait3A_1634 = tpu.memref_squeeze %dma_wait3A_1633 : memref<1x128xi32, #tpu.memory_space<vmem>> -> memref<128xi32, #tpu.memory_space<vmem>>
    %dma_wait3A_1635 = arith.constant 0 : i32
    %dma_wait3A_1636 = arith.constant 0 : i32
    %dma_wait3A_1637 = tpu.memref_slice %arg11[%dma_wait3A_1635, %dma_wait3A_1636] : memref<10112x16xf32, #tpu.memory_space<vmem_shared>> -> memref<10112x16xf32, #tpu.memory_space<vmem_shared>>
    tpu.wait_indirect_dma semaphore(%arg38 : memref<!tpu.dma_semaphore, #tpu.memory_space<semaphore_mem>>) src(%arg39 : memref<128x16xf32, #tpu.memory_space<vmem>>) dst(%dma_wait3A_1637 : memref<10112x16xf32, #tpu.memory_space<vmem_shared>>)
    %barrier3A_1638 = arith.constant 0 : index
    tpu.barrier barrier_id(%barrier3A_1638)
    "tpu.region"() ({
      %run_scoped3A = tpu.sem_alloc : memref<!tpu.dma_semaphore, #tpu.memory_space<semaphore_mem>>
      %dma_start3A_1639 = arith.constant 0 : i32
      %dma_start3A_1640 = tpu.memref_slice %arg8[%arg0, %mul3A_0, %dma_start3A_1639] : memref<2x10112x128xbf16, #tpu.memory_space<hbm>> -> memref<1x632x128xbf16, #tpu.memory_space<hbm>>
      %dma_start3A_1641 = tpu.memref_squeeze %dma_start3A_1640 : memref<1x632x128xbf16, #tpu.memory_space<hbm>> -> memref<632x128xbf16, #tpu.memory_space<hbm>>
      %dma_start3A_1642 = arith.constant 0 : i32
      %dma_start3A_1643 = tpu.memref_slice %arg10[%mul3A_0, %dma_start3A_1642] : memref<10112x128xbf16, #tpu.memory_space<vmem_shared>> -> memref<632x128xbf16, #tpu.memory_space<vmem_shared>>
      tpu.enqueue_dma source(%dma_start3A_1643 : memref<632x128xbf16, #tpu.memory_space<vmem_shared>>) target(%dma_start3A_1641 : memref<632x128xbf16, #tpu.memory_space<hbm>>) target_semaphore(%run_scoped3A : memref<!tpu.dma_semaphore, #tpu.memory_space<semaphore_mem>>)
      %dma_wait3A_1644 = arith.constant 0 : i32
      %dma_wait3A_1645 = tpu.memref_slice %arg8[%arg0, %mul3A_0, %dma_wait3A_1644] : memref<2x10112x128xbf16, #tpu.memory_space<hbm>> -> memref<1x632x128xbf16, #tpu.memory_space<hbm>>
      %dma_wait3A_1646 = tpu.memref_squeeze %dma_wait3A_1645 : memref<1x632x128xbf16, #tpu.memory_space<hbm>> -> memref<632x128xbf16, #tpu.memory_space<hbm>>
      %dma_wait3A_1647 = arith.constant 0 : i32
      %dma_wait3A_1648 = tpu.memref_slice %arg10[%mul3A_0, %dma_wait3A_1647] : memref<10112x128xbf16, #tpu.memory_space<vmem_shared>> -> memref<632x128xbf16, #tpu.memory_space<vmem_shared>>
      tpu.wait_dma2 semaphore(%run_scoped3A : memref<!tpu.dma_semaphore, #tpu.memory_space<semaphore_mem>>) src(%dma_wait3A_1648 : memref<632x128xbf16, #tpu.memory_space<vmem_shared>>) dst(%dma_wait3A_1646 : memref<632x128xbf16, #tpu.memory_space<hbm>>)
      tpu.yield
    }) : () -> ()
    "tpu.region"() ({
      %run_scoped3A = tpu.sem_alloc : memref<!tpu.dma_semaphore, #tpu.memory_space<semaphore_mem>>
      %dma_start3A_1639 = arith.constant 0 : i32
      %dma_start3A_1640 = tpu.memref_slice %arg9[%arg0, %mul3A_0, %dma_start3A_1639] : memref<2x10112x16xf32, #tpu.memory_space<hbm>> -> memref<1x632x16xf32, #tpu.memory_space<hbm>>
      %dma_start3A_1641 = tpu.memref_squeeze %dma_start3A_1640 : memref<1x632x16xf32, #tpu.memory_space<hbm>> -> memref<632x16xf32, #tpu.memory_space<hbm>>
      %dma_start3A_1642 = arith.constant 0 : i32
      %dma_start3A_1643 = tpu.memref_slice %arg11[%mul3A_0, %dma_start3A_1642] : memref<10112x16xf32, #tpu.memory_space<vmem_shared>> -> memref<632x16xf32, #tpu.memory_space<vmem_shared>>
      tpu.enqueue_dma source(%dma_start3A_1643 : memref<632x16xf32, #tpu.memory_space<vmem_shared>>) target(%dma_start3A_1641 : memref<632x16xf32, #tpu.memory_space<hbm>>) target_semaphore(%run_scoped3A : memref<!tpu.dma_semaphore, #tpu.memory_space<semaphore_mem>>)
      %dma_wait3A_1644 = arith.constant 0 : i32
      %dma_wait3A_1645 = tpu.memref_slice %arg9[%arg0, %mul3A_0, %dma_wait3A_1644] : memref<2x10112x16xf32, #tpu.memory_space<hbm>> -> memref<1x632x16xf32, #tpu.memory_space<hbm>>
      %dma_wait3A_1646 = tpu.memref_squeeze %dma_wait3A_1645 : memref<1x632x16xf32, #tpu.memory_space<hbm>> -> memref<632x16xf32, #tpu.memory_space<hbm>>
      %dma_wait3A_1647 = arith.constant 0 : i32
      %dma_wait3A_1648 = tpu.memref_slice %arg11[%mul3A_0, %dma_wait3A_1647] : memref<10112x16xf32, #tpu.memory_space<vmem_shared>> -> memref<632x16xf32, #tpu.memory_space<vmem_shared>>
      tpu.wait_dma2 semaphore(%run_scoped3A : memref<!tpu.dma_semaphore, #tpu.memory_space<semaphore_mem>>) src(%dma_wait3A_1648 : memref<632x16xf32, #tpu.memory_space<vmem_shared>>) dst(%dma_wait3A_1646 : memref<632x16xf32, #tpu.memory_space<hbm>>)
      tpu.yield
    }) : () -> ()
    return
  }
}

module attributes {stable_mosaic.version = 14 : i64} {
  func.func @_tc_body(%arg0: i32, %arg1: memref<2000x256xf32, #tpu.memory_space<vmem>>, %arg2: memref<2000x128xbf16, #tpu.memory_space<vmem>>, %arg3: memref<2000x128xbf16, #tpu.memory_space<vmem>>, %arg4: memref<2000x16xf32, #tpu.memory_space<vmem>>, %arg5: memref<2000x16xf32, #tpu.memory_space<vmem>>, %arg6: memref<256x256xf32, #tpu.memory_space<vmem>>, %arg7: memref<128x256xf32, #tpu.memory_space<vmem>>, %arg8: memref<128x256xf32, #tpu.memory_space<vmem>>, %arg9: memref<2000x256xf32, #tpu.memory_space<vmem>>) attributes {dimension_semantics = [#tpu.dimension_semantics<arbitrary>], iteration_bounds = array<i64: 5>, scalar_prefetch = 0 : i64, scratch_operands = 0 : i64, tpu.core_type = #tpu.core_type<tc>, window_params = [{transform_indices = @transform_0, window_bounds = array<i64: 2000, 256>}, {transform_indices = @transform_1, window_bounds = array<i64: 2000, 128>}, {transform_indices = @transform_2, window_bounds = array<i64: 2000, 128>}, {transform_indices = @transform_3, window_bounds = array<i64: 2000, 16>}, {transform_indices = @transform_4, window_bounds = array<i64: 2000, 16>}, {pipeline_mode = #tpu.pipeline_mode<synchronous>, transform_indices = @transform_5, window_bounds = array<i64: 256, 256>}, {pipeline_mode = #tpu.pipeline_mode<synchronous>, transform_indices = @transform_6, window_bounds = array<i64: 128, 256>}, {pipeline_mode = #tpu.pipeline_mode<synchronous>, transform_indices = @transform_7, window_bounds = array<i64: 128, 256>}, {transform_indices = @transform_8, window_bounds = array<i64: 2000, 256>}]} {
    %get3A = arith.constant 0 : index
    %get3A_0 = arith.constant 0 : index
    %get3A_1 = vector.load %arg4[%get3A, %get3A_0] : memref<2000x16xf32, #tpu.memory_space<vmem>>, vector<2000x1xf32>
    %get3A_2 = arith.constant 0 : index
    %get3A_3 = arith.constant 0 : index
    %get3A_4 = vector.load %arg5[%get3A_2, %get3A_3] : memref<2000x16xf32, #tpu.memory_space<vmem>>, vector<2000x1xf32>
    %add3A = arith.addf %get3A_1, %get3A_4 : vector<2000x1xf32>
    %max3A = arith.constant 1.000000e+00 : f32
    %max3A_5 = vector.broadcast %max3A : f32 to vector<2000x1xf32>
    %max3A_6 = arith.maximumf %add3A, %max3A_5 : vector<2000x1xf32>
    %div3A = arith.constant 1.000000e+00 : f32
    %div3A_7 = vector.broadcast %div3A : f32 to vector<2000x1xf32>
    %div3A_8 = arith.divf %div3A_7, %max3A_6 : vector<2000x1xf32>
    %get3A_9 = arith.constant 0 : index
    %get3A_10 = arith.constant 0 : index
    %get3A_11 = vector.load %arg1[%get3A_9, %get3A_10] : memref<2000x256xf32, #tpu.memory_space<vmem>>, vector<2000x256xf32>
    %get3A_12 = arith.constant 0 : index
    %get3A_13 = arith.constant 0 : index
    %get3A_14 = vector.load %arg6[%get3A_12, %get3A_13] : memref<256x256xf32, #tpu.memory_space<vmem>>, vector<256x256xf32>
    %dot_general3A = arith.constant dense<0.000000e+00> : vector<2000x256xf32>
    %dot_general3A_15 = tpu.matmul %get3A_11, %get3A_14, %dot_general3A {dimension_numbers = #tpu.dot_dimension_numbers<[1], [0], [0], [1], [0, 0, 1, 1], [], []>, transpose_lhs_hint = false} : vector<2000x256xf32>, vector<256x256xf32>, vector<2000x256xf32> -> vector<2000x256xf32>
    %get3A_16 = arith.constant 0 : index
    %get3A_17 = arith.constant 0 : index
    %get3A_18 = vector.load %arg2[%get3A_16, %get3A_17] : memref<2000x128xbf16, #tpu.memory_space<vmem>>, vector<2000x128xbf16>
    %convert_element_type3A = arith.extf %get3A_18 : vector<2000x128xbf16> to vector<2000x128xf32>
    %mul3A = vector.broadcast %div3A_8 : vector<2000x1xf32> to vector<2000x128xf32>
    %mul3A_19 = arith.mulf %convert_element_type3A, %mul3A : vector<2000x128xf32>
    %get3A_20 = arith.constant 0 : index
    %get3A_21 = arith.constant 0 : index
    %get3A_22 = vector.load %arg7[%get3A_20, %get3A_21] : memref<128x256xf32, #tpu.memory_space<vmem>>, vector<128x256xf32>
    %dot_general3A_23 = arith.constant dense<0.000000e+00> : vector<2000x256xf32>
    %dot_general3A_24 = tpu.matmul %mul3A_19, %get3A_22, %dot_general3A_23 {dimension_numbers = #tpu.dot_dimension_numbers<[1], [0], [0], [1], [0, 0, 1, 1], [], []>, transpose_lhs_hint = false} : vector<2000x128xf32>, vector<128x256xf32>, vector<2000x256xf32> -> vector<2000x256xf32>
    %add3A_25 = arith.addf %dot_general3A_15, %dot_general3A_24 : vector<2000x256xf32>
    %get3A_26 = arith.constant 0 : index
    %get3A_27 = arith.constant 0 : index
    %get3A_28 = vector.load %arg3[%get3A_26, %get3A_27] : memref<2000x128xbf16, #tpu.memory_space<vmem>>, vector<2000x128xbf16>
    %convert_element_type3A_29 = arith.extf %get3A_28 : vector<2000x128xbf16> to vector<2000x128xf32>
    %mul3A_30 = vector.broadcast %div3A_8 : vector<2000x1xf32> to vector<2000x128xf32>
    %mul3A_31 = arith.mulf %convert_element_type3A_29, %mul3A_30 : vector<2000x128xf32>
    %get3A_32 = arith.constant 0 : index
    %get3A_33 = arith.constant 0 : index
    %get3A_34 = vector.load %arg8[%get3A_32, %get3A_33] : memref<128x256xf32, #tpu.memory_space<vmem>>, vector<128x256xf32>
    %dot_general3A_35 = arith.constant dense<0.000000e+00> : vector<2000x256xf32>
    %dot_general3A_36 = tpu.matmul %mul3A_31, %get3A_34, %dot_general3A_35 {dimension_numbers = #tpu.dot_dimension_numbers<[1], [0], [0], [1], [0, 0, 1, 1], [], []>, transpose_lhs_hint = false} : vector<2000x128xf32>, vector<128x256xf32>, vector<2000x256xf32> -> vector<2000x256xf32>
    %add3A_37 = arith.addf %add3A_25, %dot_general3A_36 : vector<2000x256xf32>
    %swap3A = arith.constant 0 : index
    %swap3A_38 = arith.constant 0 : index
    %swap3A_39 = vector.load %arg9[%swap3A, %swap3A_38] : memref<2000x256xf32, #tpu.memory_space<vmem>>, vector<2000x256xf32>
    tpu.vector_store %arg9[%swap3A, %swap3A_38], %add3A_37 {strides = array<i32>} : memref<2000x256xf32, #tpu.memory_space<vmem>>, vector<2000x256xf32>,
    return
  }
  func.func @transform_0(%arg0: i32) -> (i32, i32) {
    %c0_i32 = arith.constant 0 : i32
    %c0_i32_0 = arith.constant 0 : i32
    return %arg0, %c0_i32 : i32, i32
  }
  func.func @transform_1(%arg0: i32) -> (i32, i32) {
    %c0_i32 = arith.constant 0 : i32
    %c0_i32_0 = arith.constant 0 : i32
    return %arg0, %c0_i32 : i32, i32
  }
  func.func @transform_2(%arg0: i32) -> (i32, i32) {
    %c0_i32 = arith.constant 0 : i32
    %c0_i32_0 = arith.constant 0 : i32
    return %arg0, %c0_i32 : i32, i32
  }
  func.func @transform_3(%arg0: i32) -> (i32, i32) {
    %c0_i32 = arith.constant 0 : i32
    %c0_i32_0 = arith.constant 0 : i32
    return %arg0, %c0_i32 : i32, i32
  }
  func.func @transform_4(%arg0: i32) -> (i32, i32) {
    %c0_i32 = arith.constant 0 : i32
    %c0_i32_0 = arith.constant 0 : i32
    return %arg0, %c0_i32 : i32, i32
  }
  func.func @transform_5(%arg0: i32) -> (i32, i32) {
    %c0_i32 = arith.constant 0 : i32
    %c0_i32_0 = arith.constant 0 : i32
    %c0_i32_1 = arith.constant 0 : i32
    return %c0_i32, %c0_i32_0 : i32, i32
  }
  func.func @transform_6(%arg0: i32) -> (i32, i32) {
    %c0_i32 = arith.constant 0 : i32
    %c0_i32_0 = arith.constant 0 : i32
    %c0_i32_1 = arith.constant 0 : i32
    return %c0_i32, %c0_i32_0 : i32, i32
  }
  func.func @transform_7(%arg0: i32) -> (i32, i32) {
    %c0_i32 = arith.constant 0 : i32
    %c0_i32_0 = arith.constant 0 : i32
    %c0_i32_1 = arith.constant 0 : i32
    return %c0_i32, %c0_i32_0 : i32, i32
  }
  func.func @transform_8(%arg0: i32) -> (i32, i32) {
    %c0_i32 = arith.constant 0 : i32
    %c0_i32_0 = arith.constant 0 : i32
    return %arg0, %c0_i32 : i32, i32
  }
}

</mosaic_0001>

<sc_bundles>
// kernel: kernel.4.cloned.1.call-start
scs
__scs_entry_jumppad:
0x0: {  	(pc) =	sbr.rel $0x88, $3  }
0x1: {  	(tag) =	ssettag $0x0;
	lr =	simm.s32 $0x1  }
0x2: {  	[smem:$0x3F9D] =	sst lr;
	_ =	strace $0xD0000000  }
0x3: {  	_ = 	snop  }
0x4: {  	_ = 	snop  }
0x5: {  	_ = 	snop  }
0x6: {  	_ = 	snop  }
0x7: {  	_ = 	snop  }
__scs_overlays_trampoline_lowered:
0x8: {  	[smem:$0x3FAC] =	sst s0  }
0x9: {  	[smem:$0x3FAD] =	sst s1  }
0xa: {  	[smem:$0x3FAE] =	sst s2  }
0xb: {  	[smem:$0x3FAF] =	sst s3  }
0xc: {  	[smem:$0x3FB0] =	sst s4  }
0xd: {  	[smem:$0x3FB1] =	sst s5  }
0xe: {  	[smem:$0x3FB2] =	sst s6  }
0xf: {  	[smem:$0x3FB3] =	sst s7  }
0x10: {  	[smem:$0x3FB4] =	sst s8  }
0x11: {  	[smem:$0x3FB5] =	sst s9;
	s0 =	simm.s32 @!p0 $0x0  }
0x12: {  	s1 =	sld [smem:$0x3F9B];
	s0 =	simm.s32 @p0 $0x1  }
0x13: {  	[smem:$0x3FB6] =	sst s0;
	s0 =	simm.s32 @!p1 $0x0  }
0x14: {  	s2 =	sld [smem:$0x3F9A];
	s0 =	simm.s32 @p1 $0x1  }
0x15: {  	[smem:$0x3FB7] =	sst s0;
	s0 =	simm.s32 @!p2 $0x0  }
0x16: {  	s3 =	sld [smem:$0x3FDB];
	s0 =	simm.s32 @p2 $0x1  }
0x17: {  	s4 =	simm.s32 $0x1BF5;
	[smem:$0x3FB9] =	sst s0  }
0x18: {  	s0 =	sld [smem:$0x3F9C];
	_ =	swait.ge [sflag:s4], $0x0  }
0x19: {  	s7 =	sld [smem:$0x3F9D]  }
0x1a: {  	s8 =	sadd.s32 $0xFFFFE003, lr  }
0x1b: {  	s9 =	sadd.s32 $0xFFFFFEF7, lr;
	s5 =	simm.s32 $0xFFFFFFFF;
	p2 =	slt.u32 s8, $0xFFFFF086  }
0x1c: {  	p1 =	slt.u32 s9, $0xF7A;
	s5 =	simm.s32 @!p2 $0x0  }
0x1d: {  	s5 =	simm.s32 @p1 $0x1;
	p0 =	seq.s32 s7, s2  }
0x1e: {  	s7 =	smul.u32 @!p0 $0xF7A, s2;
	p2 =	seq.s32 @!p0 s5, $0x0  }
0x1f: {  	s9 =	smul.u32 $0xF7A, s1;
	s8 =	simm.s32 @!p0 $0x1BF5;
	p2 =	por !p2, p0  }
0x20: {  	[sflag:s8] =	ssyncset.s32 @!p0 $0xFFFFF086;
	s6 =	sadd.s32 @!p0 s3, s7;
	s7 =	simm.s32 @!p0 $0x108  }
0x21: {  	s3 =	sadd.s32 s3, s9;
	s6 =	sadd.s32 @!p0 $0x88, s6;
	s7 =	simm.s32 @p2 $0x1082  }
0x22: {  	[simem:s7], [sflag:s8] =	dma.local @!p0 [hbm:s6], $0xF7A  }
0x23: {  	s9 =	sor.u32 $0xD0000000, s2;
	s6 =	simm.s32 $0x108;
	_ =	swait.ge @!p0 [sflag:s8], $0x0  }
0x24: {  	s3 =	sadd.s32 $0x88, s3;
	s6 =	simm.s32 @!p1 $0x1082;
	[sflag:s4] =	ssyncset.s32 $0xFFFFF086  }
0x25: {  	[simem:s6], [sflag:s4] =	dma.local [hbm:s3], $0xF7A  }
0x26: {  	[smem:$0x3F9D] =	sst s1;
	(tag) =	ssettag s2;
	_ =	strace s9  }
0x27: {  	s1 =	sld [smem:$0x3FAD]  }
0x28: {  	s2 =	sld [smem:$0x3FAE]  }
0x29: {  	s4 =	sld [smem:$0x3FB0]  }
0x2a: {  	p0 =	seq.s32 s5, $0x0;
	s5 =	sld [smem:$0x3FB1]  }
0x2b: {  	s6 =	sld [smem:$0x3FB2]  }
0x2c: {  	s7 =	sld [smem:$0x3FB3]  }
0x2d: {  	s3 =	simm.s32 $0x108;
	s8 =	sld [smem:$0x3FB4]  }
0x2e: {  	s3 =	simm.s32 @!p0 $0x1082;
	s9 =	sld [smem:$0x3FB5]  }
0x2f: {  	lr =	sadd.s32 s0, s3;
	s0 =	sld [smem:$0x3FAC]  }
0x30: {  	s3 =	sld [smem:$0x3FAF]  }
0x31: {  	[smem:$0x3FB8] =	sst s10  }
0x32: {  	s10 =	sld [smem:$0x3FB6];
	_ =	sdelay $0x3  }
0x33: {  	p0 =	seq.s32 s10, $0x1;
	s10 =	sld [smem:$0x3FB8];
	_ =	sdelay $0x3  }
0x34: {  	[smem:$0x3FB8] =	sst s10  }
0x35: {  	s10 =	sld [smem:$0x3FB7];
	_ =	sdelay $0x3  }
0x36: {  	p1 =	seq.s32 s10, $0x1;
	s10 =	sld [smem:$0x3FB8];
	_ =	sdelay $0x3  }
0x37: {  	[smem:$0x3FB8] =	sst s10  }
0x38: {  	s10 =	sld [smem:$0x3FB9]  }
0x39: {  	_ = 	snop;
	(pc) =	sbr.ind lr, $3  }
0x3a: {  	_ = 	snop  }
0x3b: {  	_ = 	snop  }
0x3c: {  	p2 =	seq.s32 s10, $0x1;
	s10 =	sld [smem:$0x3FB8]  }
0x3d: {  	_ =	shalt  }
0x3e: {  	_ =	shalt  }
0x3f: {  	_ =	shalt  }
0x40: {  	_ =	shalt  }
0x41: {  	_ =	shalt  }
0x42: {  	_ =	shalt  }
0x43: {  	_ =	shalt  }
0x44: {  	_ =	shalt  }
0x45: {  	_ =	shalt  }
0x46: {  	_ =	shalt  }
0x47: {  	_ =	shalt  }
0x48: {  	_ =	shalt  }
0x49: {  	_ =	shalt  }
0x4a: {  	_ =	shalt  }
0x4b: {  	_ =	shalt  }
0x4c: {  	_ =	shalt  }
0x4d: {  	_ =	shalt  }
0x4e: {  	_ =	shalt  }
0x4f: {  	_ =	shalt  }
0x50: {  	_ =	shalt  }
0x51: {  	_ =	shalt  }
0x52: {  	_ =	shalt  }
0x53: {  	_ =	shalt  }
0x54: {  	_ =	shalt  }
0x55: {  	_ =	shalt  }
0x56: {  	_ =	shalt  }
0x57: {  	_ =	shalt  }
0x58: {  	_ =	shalt  }
0x59: {  	_ =	shalt  }
0x5a: {  	_ =	shalt  }
0x5b: {  	_ =	shalt  }
0x5c: {  	_ =	shalt  }
0x5d: {  	_ =	shalt  }
0x5e: {  	_ =	shalt  }
0x5f: {  	_ =	shalt  }
0x60: {  	_ =	shalt  }
0x61: {  	_ =	shalt  }
0x62: {  	_ =	shalt  }
0x63: {  	_ =	shalt  }
0x64: {  	_ =	shalt  }
0x65: {  	_ =	shalt  }
0x66: {  	_ =	shalt  }
0x67: {  	_ =	shalt  }
0x68: {  	_ =	shalt  }
0x69: {  	_ =	shalt  }
0x6a: {  	_ =	shalt  }
0x6b: {  	_ =	shalt  }
0x6c: {  	_ =	shalt  }
0x6d: {  	_ =	shalt  }
0x6e: {  	_ =	shalt  }
0x6f: {  	_ =	shalt  }
0x70: {  	_ =	shalt  }
0x71: {  	_ =	shalt  }
0x72: {  	_ =	shalt  }
0x73: {  	_ =	shalt  }
0x74: {  	_ =	shalt  }
0x75: {  	_ =	shalt  }
0x76: {  	_ =	shalt  }
0x77: {  	_ =	shalt  }
0x78: {  	_ =	shalt  }
0x79: {  	_ =	shalt  }
0x7a: {  	_ =	shalt  }
0x7b: {  	_ =	shalt  }
0x7c: {  	_ =	shalt  }
0x7d: {  	_ =	shalt  }
0x7e: {  	_ =	shalt  }
0x7f: {  	_ =	shalt  }
0x80: {  	_ =	shalt  }
0x81: {  	_ =	shalt  }
0x82: {  	_ =	shalt  }
0x83: {  	_ =	shalt  }
0x84: {  	_ =	shalt  }
0x85: {  	_ =	shalt  }
0x86: {  	_ =	shalt  }
0x87: {  	_ =	shalt  }
.Lfunc_end0:
.L_simem_size_0:
called_computation_lowered:
.L_overlay_start_0:
0x88: {  	s2 =	sld [smem:$0x3FD9]  }
0x89: {  	s3 =	sld [smem:$0x3FFE];
	_ =	sdelay $0x1  }
0x8a: {  	s1 =	srdreg.scid  }
0x8b: {  	s0 =	sand.u32 $0x1, s1  }
0x8c: {  	s17 =	sshll.u32 s0, $0xA;
	s2 =	sadd.s32 s3, s2  }
0x8d: {  	s2 =	sadd.s32 s2, s17  }
0x8e: {  	[smem:$0x3FC4] =	sst s2  }
0x8f: {  	_ = 	snop  }
0x90: {  	s2 =	sld [smem:$0x3FD0];
	(tm) =	ssettm $0x1  }
0x91: {  	s18 =	sld [smem:$0x3FFB];
	_ =	sdelay $0x3  }
0x92: {  	_ =	strace s18  }
0x93: {  	s3 =	sld [smem:$0x3FFC];
	_ =	sdelay $0x3  }
0x94: {  	_ =	strace s3  }
0x95: {  	s3 =	sld [smem:$0x3FFD];
	_ =	sdelay $0x3  }
0x96: {  	_ =	strace s3  }
0x97: {  	_ =	strace $0x8FFFFFFF  }
0x98: {  	s19 =	sld [smem:$0x3FDB];
	_ =	sdelay $0x1  }
0x99: {  	s4 =	simm.s32 $_scs_section_size  }
0x9a: {  	s5 =	simm.s32 $_size__tile_overlayer_lowered;
	s6 =	simm.s32 $_tile_overlayer_lowered  }
0x9b: {  	s22 =	simm.s32 $0x1BFF;
	s21 =	sshll.u32 s6, $0x1;
	s3 =	sadd.s32 s4, s19  }
0x9c: {  	s7 =	simm.s32 $0x0;
	s20 =	sshll.u32 s5, $0x1;
	s5 =	sadd.s32 s21, s3  }
0x9d: {  	[timem:s7], [sflag:s22] =	dma.local [hbm:s5], s20  }
0x9e: {  	_ =	swait.ge [sflag:s22], s20  }
0x9f: {  	s4 =	ssub.s32 $0x0, s20;
	[sflag:s22] =	ssyncset.done $0x0  }
0xa0: {  	[sflag:s22] =	ssyncadd.s32 s4;
	_ =	sdelay $0x1  }
0xa1: {  	s23 =	simm.s32 $0x1B8B  }
0xa2: {  	_ =	swait.ge [sflag:s23], $0x1  }
0xa3: {  	[sflag:s23] =	ssyncset.done $0x0  }
0xa4: {  	s25 =	simm.s32 $0x1B8E;
	s24 =	sld [smem:$0x3FFE];
	[sflag:s23] =	ssyncadd.s32 $0xFFFFFFFF  }
0xa5: {  	s26 =	simm.s32 $execute0_lowered;
	[smem:$0x3FD2] =	sst s25  }
0xa6: {  	s5 =	sshll.u32 s26, $0x1;
	_ =	strace $0x80000046;
	[dreg:$0x1] =	wrdreg $0xFFFFFFFF  }
0xa7: {  	s28 =	simm.s32 $_size_execute0_lowered;
	s3 =	sadd.s32 s3, s5;
	[dreg:$0x0] =	wrdreg $0x0  }
0xa8: {  	s5 =	sshll.u32 s28, $0x1;
	[dreg:$0x2] =	wrdreg s3  }
0xa9: {  	[dreg:$0x3] =	wrdreg s5  }
0xaa: {  	[dreg:$0x4] =	wrdreg $0xC0  }
0xab: {  	_ =	task [dreg:s7], $0x5FFFF  }
0xac: {  	[dreg:$0x1] =	wrdreg $0xFFFFFFFF  }
0xad: {  	[dreg:$0x0] =	wrdreg $0x60  }
0xae: {  	[dreg:$0x2] =	wrdreg s24  }
0xaf: {  	[dreg:$0x3] =	wrdreg s2  }
0xb0: {  	[dreg:$0x4] =	wrdreg $0x0  }
0xb1: {  	[dreg:$0x5] =	wrdreg $0x9E000  }
0xb2: {  	[dreg:$0x6] =	wrdreg $0x9  }
0xb3: {  	_ =	task.clear_ibuf [dreg:s7], $0x7FFFF;
	_ =	strace $0x90000046  }
0xb4: {  	s29 =	simm.s32 $0x9;
	_ =	strace $0x80000048  }
0xb5: {  	_ =	swait.ge [sflag:s29], $0x1  }
0xb6: {  	[sflag:s29] =	ssyncadd.s32 $0xFFFFFFFF  }
0xb7: {  	_ =	strace $0x90000048  }
0xb8: {  	_ =	sfence  }
0xb9: {  	s30 =	sld [smem:$0x0];
	_ =	sdelay $0x2  }
0xba: {  	s31 =	sshll.u32 s1, $0xD;
	s1 =	sshrl.u32 s1, $0x2  }
0xbb: {  	s3 =	sand.u32 $0x4000, s31;
	s1 =	sadd.s32 s1, s30  }
0xbc: {  	s0 =	sor.u32 s3, s0;
	s1 =	sshll.u32 s1, $0x11  }
0xbd: {  	s0 =	sor.u32 s1, s0  }
0xbe: {  	s0 =	sadd.s32 $0x8F2B, s0  }
0xbf: {  	[sflag:s0] =	ssyncadd.remote.s32 $0x1  }
0xc0: {  	_ =	sfence.sel $0xFFFF  }
0xc1: {  	[dreg:$0x0] =	wrdreg $0xFFFFFFFF;
	(pc) =	sbr.abs _section_cstart, $3  }
0xc2: {  	[dreg:$0x1] =	wrdreg $0xFFFFFFFF  }
0xc3: {  	_ =	task.clear_ibuf [dreg:s7], $0x2FFFF;
	_ =	strace $0x9FFFFFFF  }
0xc4: {  	(tm) =	ssettm $0x7FFFFFFF  }
0xc5: {  	_ =	shalt  }
tec
execute0_lowered:
.L_overlay_start_1:
0x0: {  	(tag) =	ssettag $0x1  }
0x1: {  	s0 =	rddreg [dreg:$0x0]  }
0x2: {  	s1 =	rddreg [dreg:$0x1]  }
0x3: {  	s2 =	rddreg [dreg:$0x2]  }
0x4: {  	s3 =	rddreg [dreg:$0x3]  }
0x5: {  	s14 =	stileid.u32;
	s6 =	srdreg.scid;
	s8 =	simm.s32 $0x0  }
0x6: {  	s18 =	simm.s32 $0x1F580;
	s16 =	simm.s32 $0x1B580;
	s15 =	simm.s32 $0x5  }
0x7: {  	s28 =	simm.s32 $0xE;
	s30 =	simm.s32 $0xF;
	s4 =	smul.u32 $0x500, s14  }
0x8: {  	s31 =	simm.s32 $0x8;
	s29 =	simm.s32 $0x15580;
	s5 =	smul.u32 $0x13C00, s14  }
0x9: {  	s7 =	smul.u32 $0x2780, s14;
	s6 =	sand.u32 $0x1, s6;
	[smem:$0x7FF] =	sst s8  }
0xa: {  	s12 =	sadd.s32 $0x45E00, s0;
	s22 =	sshll.u32 s14, $0x6;
	s14 =	simm.s32 $0x0  }
0xb: {  	s19 =	smul.u32 $0x27800, s6;
	_ =	strace $0x80000047;
	s11 =	ssub.s32 $0x2, s6  }
0xc: {  	[dreg:$0x5] =	wrdreg s12;
	s13 =	smul.u32 $0x13C000, s6;
	s17 =	sor.u32 $0x1C11, s22  }
0xd: {  	p0 =	seq.s32 s6, $0x0;
	s6 =	simm.s32 $0x2;
	s22 =	simm.s32 $0x1D580  }
0xe: {  	s4 =	sadd.s32 s4, s0;
	s9 =	sshrl.u32 s5, $0x4;
	s10 =	sshrl.u32 s7, $0x3  }
0xf: {  	s20 =	sshrl.u32 s11, $0x1;
	s21 =	sshrl.u32 s5, $0x1;
	[dreg:$0x7] =	wrdreg s17  }
0x10: {  	s9 =	sadd.s32 s9, s0;
	s8 =	sadd.s32 s7, s19;
	s10 =	sadd.s32 s10, s0  }
0x11: {  	s11 =	ssub.s32 s11, s20;
	s12 =	sadd.s32 s21, s2;
	s7 =	sadd.s32 s7, s3  }
0x12: {  	s5 =	sadd.s32 s5, s13;
	s4 =	sadd.s32 $0x3BE00, s4;
	s19 =	simm.s32 $0x80  }
0x13: {  	s21 =	simm.s32 $0x19580;
	s20 =	simm.s32 $0x9;
	s8 =	sshrl.u32 s8, $0x3  }
0x14: {  	s9 =	sadd.s32 $0x28200, s9;
	s23 =	sadd.s32 $0x40E00, s10;
	[dreg:$0x9] =	wrdreg s4  }
0x15: {  	s24 =	sshrl.u32 s5, $0x4;
	s26 =	smax.u32 s11, $0x1;
	[dreg:$0x6] =	wrdreg s9  }
0x16: {  	s4 =	simm.s32 $0xF200;
	s11 =	simm.s32 $0x3;
	[dreg:$0x8] =	wrdreg s23  }
0x17: {  	s8 =	sadd.s32 s8, s0;
	s1 =	sadd.s32 s1, s24;
	[dreg:$0xc] =	wrdreg s26  }
0x18: {  	s24 =	simm.s32 $0x17580;
	s26 =	simm.s32 $0xA;
	s9 =	simm.s32 $0xB  }
0x19: {  	s23 =	simm.s32 $0xC;
	[dreg:$0xa] =	wrdreg s1;
	s25 =	sadd.s32 $0x46000, s8  }
0x1a: {  	s1 =	simm.s32 $0x14800;
	s8 =	sshrl.u32 s12, $0x3;
	[dreg:$0xb] =	wrdreg s25  }
0x1b: {  	s12 =	sshrl.u32 s7, $0x3;
	s7 =	simm.s32 $0x4;
	[dreg:$0xd] =	wrdreg s8  }
0x1c: {  	s1 =	simm.s32 @!p0 $0xE00;
	s25 =	simm.s32 $0xD;
	[dreg:$0xe] =	wrdreg s12  }
0x1d: {  	s13 =	sadd.s32 s1, s0;
	s1 =	simm.s32 $0x1;
	s0 =	simm.s32 $0x10  }
.LBB2_1:
0x1e: {  	[dreg:$0xf] =	wrdreg s14  }
0x1f: {  	s10 =	simm.s32 $0x11;
	s5 =	rddreg [dreg:$0x6]  }
0x20: {  	[spmem:s8], [sflag:s17] =	dma.local [hbm:s5], $0x13C0  }
0x21: {  	_ =	swait.ge [sflag:s10], $0x13C0  }
0x22: {  	[sflag:s10] =	ssyncset.done $0x0  }
0x23: {  	s8 =	rddreg [dreg:$0x8];
	[sflag:s10] =	ssyncadd.s32 $0xFFFFEC40  }
0x24: {  	[spmem:s12], [sflag:s17] =	dma.local [hbm:s8], $0x4F0  }
0x25: {  	_ =	swait.ge [sflag:s10], $0x4F0  }
0x26: {  	s14 =	simm.s32 $0xC580;
	[sflag:s10] =	ssyncset.done $0x0  }
0x27: {  	s5 =	simm.s32 $0x0;
	s12 =	rddreg [dreg:$0x9];
	[sflag:s10] =	ssyncadd.s32 $0xFFFFFB10  }
0x28: {  	[tilespmem:s14], [sflag:$0x11] =	stream.linear.gather [hbm4b:s12+s5], $0x2800, $0x38;
	[tilespmem:$0x1FD80] =	vst v63  }
0x29: {  	_ =	swait.ge [sflag:s10], $0x2800  }
0x2a: {  	[sflag:s10] =	ssyncset.done $0x0  }
0x2b: {  	s8 =	rddreg [dreg:$0x5];
	[sflag:s10] =	ssyncadd.s32 $0xFFFFD800  }
0x2c: {  	[tilespmem:s18], [sflag:$0x11] =	stream.linear.gather [hbm4b:s8+s5], $0x800, $0x38;
	[tilespmem:$0x1FD80] =	vst v63  }
0x2d: {  	_ =	swait.ge [sflag:s10], $0x800  }
0x2e: {  	[sflag:s10] =	ssyncset.done $0x0  }
0x2f: {  	[sflag:s10] =	ssyncadd.s32 $0xFFFFF800  }
0x30: {  	[bflag:$0x0] =	sbarrier.arrive $0xFFFF  }
0x31: {  	v0 =	vld [tilespmem:$0xC580]  }
0x32: {  	v1 =	vld [tilespmem:$0xC590]  }
0x33: {  	v2 =	vld [tilespmem:$0xC5A0]  }
0x34: {  	v3 =	vld [tilespmem:$0xC5B0]  }
0x35: {  	v4 =	vld [tilespmem:$0xC5C0]  }
0x36: {  	v5 =	vld [tilespmem:$0xC5D0];
	v0 =	vand.u32 $0xFFFF, v0  }
0x37: {  	v63 =	vld [tilespmem:$0xC5E0];
	v62 =	vand.u32 $0xFFFF, v1;
	[tilespmem:$0xED80] =	vst v0  }
0x38: {  	v7 =	vld [tilespmem:$0xC5F0];
	v6 =	vand.u32 $0xFFFF, v2;
	[tilespmem:$0xED90] =	vst v62  }
0x39: {  	v8 =	vand.u32 $0xFFFF, v3;
	[tilespmem:$0xEDA0] =	vst v6  }
0x3a: {  	v9 =	vand.u32 $0xFFFF, v4;
	[tilespmem:$0xEDB0] =	vst v8  }
0x3b: {  	v10 =	vand.u32 $0xFFFF, v5;
	[tilespmem:$0xEDC0] =	vst v9  }
0x3c: {  	v11 =	vand.u32 $0xFFFF, v63;
	[tilespmem:$0xEDD0] =	vst v10  }
0x3d: {  	v12 =	vand.u32 $0xFFFF, v7;
	[tilespmem:$0xEDE0] =	vst v11  }
0x3e: {  	s12 =	simm.s32 $0xED80;
	s8 =	simm.s32 $0xF580;
	[tilespmem:$0xEDF0] =	vst v12  }
0x3f: {  	[tilespmem:s8], [sflag:$0x1] =	stream.indirect.gather [hbm4b:s13+s19], $0x40, s12, s19, $0xb8;
	[tilespmem:$0x1FD80] =	vst v63  }
0x40: {  	v13 =	vld [tilespmem:$0xC600]  }
0x41: {  	v14 =	vld [tilespmem:$0xC610]  }
0x42: {  	v15 =	vld [tilespmem:$0xC620]  }
0x43: {  	v16 =	vld [tilespmem:$0xC630]  }
0x44: {  	v17 =	vld [tilespmem:$0xC640]  }
0x45: {  	v18 =	vld [tilespmem:$0xC650];
	v0 =	vand.u32 $0xFFFF, v13  }
0x46: {  	v20 =	vld [tilespmem:$0xC660];
	v19 =	vand.u32 $0xFFFF, v14;
	[tilespmem:$0xEE00] =	vst v0  }
0x47: {  	v22 =	vld [tilespmem:$0xC670];
	v21 =	vand.u32 $0xFFFF, v15;
	[tilespmem:$0xEE10] =	vst v19  }
0x48: {  	v23 =	vand.u32 $0xFFFF, v16;
	[tilespmem:$0xEE20] =	vst v21  }
0x49: {  	v24 =	vand.u32 $0xFFFF, v17;
	[tilespmem:$0xEE30] =	vst v23  }
0x4a: {  	v25 =	vand.u32 $0xFFFF, v18;
	[tilespmem:$0xEE40] =	vst v24  }
0x4b: {  	v26 =	vand.u32 $0xFFFF, v20;
	[tilespmem:$0xEE50] =	vst v25  }
0x4c: {  	v27 =	vand.u32 $0xFFFF, v22;
	[tilespmem:$0xEE60] =	vst v26  }
0x4d: {  	s14 =	simm.s32 $0xEE00;
	s10 =	simm.s32 $0x11580;
	[tilespmem:$0xEE70] =	vst v27  }
0x4e: {  	[tilespmem:s10], [sflag:$0x2] =	stream.indirect.gather [hbm4b:s13+s19], $0x40, s14, s19, $0xb8;
	[tilespmem:$0x1FD80] =	vst v63  }
0x4f: {  	v28 =	vld [tilespmem:$0xC680]  }
0x50: {  	v29 =	vld [tilespmem:$0xC690]  }
0x51: {  	v30 =	vld [tilespmem:$0xC6A0]  }
0x52: {  	v31 =	vld [tilespmem:$0xC6B0]  }
0x53: {  	v32 =	vld [tilespmem:$0xC6C0]  }
0x54: {  	v33 =	vld [tilespmem:$0xC6D0];
	v0 =	vand.u32 $0xFFFF, v28  }
0x55: {  	v35 =	vld [tilespmem:$0xC6E0];
	v34 =	vand.u32 $0xFFFF, v29;
	[tilespmem:$0xEE80] =	vst v0  }
0x56: {  	v37 =	vld [tilespmem:$0xC6F0];
	v36 =	vand.u32 $0xFFFF, v30;
	[tilespmem:$0xEE90] =	vst v34  }
0x57: {  	v38 =	vand.u32 $0xFFFF, v31;
	[tilespmem:$0xEEA0] =	vst v36  }
0x58: {  	v39 =	vand.u32 $0xFFFF, v32;
	[tilespmem:$0xEEB0] =	vst v38  }
0x59: {  	v40 =	vand.u32 $0xFFFF, v33;
	[tilespmem:$0xEEC0] =	vst v39  }
0x5a: {  	v41 =	vand.u32 $0xFFFF, v35;
	[tilespmem:$0xEED0] =	vst v40  }
0x5b: {  	v42 =	vand.u32 $0xFFFF, v37;
	[tilespmem:$0xEEE0] =	vst v41  }
0x5c: {  	s17 =	simm.s32 $0xEE80;
	s12 =	simm.s32 $0x13580;
	[tilespmem:$0xEEF0] =	vst v42  }
0x5d: {  	[tilespmem:s12], [sflag:$0x3] =	stream.indirect.gather [hbm4b:s13+s19], $0x40, s17, s19, $0xb8;
	[tilespmem:$0x1FD80] =	vst v63  }
0x5e: {  	v43 =	vld [tilespmem:$0xC700]  }
0x5f: {  	v44 =	vld [tilespmem:$0xC710]  }
0x60: {  	v45 =	vld [tilespmem:$0xC720]  }
0x61: {  	v46 =	vld [tilespmem:$0xC730]  }
0x62: {  	v47 =	vld [tilespmem:$0xC740]  }
0x63: {  	v48 =	vld [tilespmem:$0xC750];
	v0 =	vand.u32 $0xFFFF, v43  }
0x64: {  	v50 =	vld [tilespmem:$0xC760];
	v49 =	vand.u32 $0xFFFF, v44;
	[tilespmem:$0xEF00] =	vst v0  }
0x65: {  	v52 =	vld [tilespmem:$0xC770];
	v51 =	vand.u32 $0xFFFF, v45;
	[tilespmem:$0xEF10] =	vst v49  }
0x66: {  	v53 =	vand.u32 $0xFFFF, v46;
	[tilespmem:$0xEF20] =	vst v51  }
0x67: {  	v54 =	vand.u32 $0xFFFF, v47;
	[tilespmem:$0xEF30] =	vst v53  }
0x68: {  	v55 =	vand.u32 $0xFFFF, v48;
	[tilespmem:$0xEF40] =	vst v54  }
0x69: {  	v56 =	vand.u32 $0xFFFF, v50;
	[tilespmem:$0xEF50] =	vst v55  }
0x6a: {  	v57 =	vand.u32 $0xFFFF, v52;
	[tilespmem:$0xEF60] =	vst v56  }
0x6b: {  	s14 =	simm.s32 $0xEF00;
	s17 =	simm.s32 $0x15580;
	[tilespmem:$0xEF70] =	vst v57  }
0x6c: {  	[tilespmem:s17], [sflag:$0x4] =	stream.indirect.gather [hbm4b:s13+s19], $0x40, s14, s19, $0xb8;
	[tilespmem:$0x1FD80] =	vst v63  }
0x6d: {  	_ =	swait.ge [sflag:s1], $0x2000  }
0x6e: {  	[sflag:s1] =	ssyncset.done $0x0  }
0x6f: {  	[sflag:s1] =	ssyncadd.s32 $0xFFFFE000  }
0x70: {  	v58 =	vld [tilespmem:$0xC580]  }
0x71: {  	v59 =	vld [tilespmem:$0xC590]  }
0x72: {  	v60 =	vld [tilespmem:$0xC5A0]  }
0x73: {  	v61 =	vld [tilespmem:$0xC5B0]  }
0x74: {  	v62 =	vld [tilespmem:$0xC5C0]  }
0x75: {  	v63 =	vld [tilespmem:$0xC5D0];
	v0 =	vshrl.u32 v58, $0x10  }
0x76: {  	v7 =	vld [tilespmem:$0xC5E0];
	v6 =	vshrl.u32 v59, $0x10;
	[tilespmem:$0xF180] =	vst v0  }
0x77: {  	v9 =	vld [tilespmem:$0xC5F0];
	v8 =	vshrl.u32 v60, $0x10;
	[tilespmem:$0xF190] =	vst v6  }
0x78: {  	v10 =	vshrl.u32 v61, $0x10;
	[tilespmem:$0xF1A0] =	vst v8  }
0x79: {  	v11 =	vshrl.u32 v62, $0x10;
	[tilespmem:$0xF1B0] =	vst v10  }
0x7a: {  	v12 =	vshrl.u32 v63, $0x10;
	[tilespmem:$0xF1C0] =	vst v11  }
0x7b: {  	v13 =	vshrl.u32 v7, $0x10;
	[tilespmem:$0xF1D0] =	vst v12  }
0x7c: {  	v14 =	vshrl.u32 v9, $0x10;
	[tilespmem:$0xF1E0] =	vst v13  }
0x7d: {  	s14 =	simm.s32 $0xF180;
	[tilespmem:$0xF1F0] =	vst v14  }
0x7e: {  	[spmem:s2] =	stream.indirect.scatter.add.bf16 [tilespmem:s8], [sflag:$0x9], $0x40, s14, s19, $0xb8;
	[tilespmem:$0x1FD80] =	vst v63  }
0x7f: {  	_ = 	snop  }
0x80: {  	[spmem:s3] =	stream.indirect.scatter.add.f32 [tilespmem:s18], [sflag:$0x9], $0x10, s14, s19, $0xb8;
	[tilespmem:$0x1FD80] =	vst v63  }
0x81: {  	v15 =	vld [tilespmem:$0xC780]  }
0x82: {  	v16 =	vld [tilespmem:$0xC790]  }
0x83: {  	v17 =	vld [tilespmem:$0xC7A0]  }
0x84: {  	v18 =	vld [tilespmem:$0xC7B0]  }
0x85: {  	v19 =	vld [tilespmem:$0xC7C0]  }
0x86: {  	v20 =	vld [tilespmem:$0xC7D0];
	v0 =	vand.u32 $0xFFFF, v15  }
0x87: {  	v22 =	vld [tilespmem:$0xC7E0];
	v21 =	vand.u32 $0xFFFF, v16;
	[tilespmem:$0xEF80] =	vst v0  }
0x88: {  	v24 =	vld [tilespmem:$0xC7F0];
	v23 =	vand.u32 $0xFFFF, v17;
	[tilespmem:$0xEF90] =	vst v21  }
0x89: {  	v25 =	vand.u32 $0xFFFF, v18;
	[tilespmem:$0xEFA0] =	vst v23  }
0x8a: {  	v26 =	vand.u32 $0xFFFF, v19;
	[tilespmem:$0xEFB0] =	vst v25  }
0x8b: {  	v27 =	vand.u32 $0xFFFF, v20;
	[tilespmem:$0xEFC0] =	vst v26  }
0x8c: {  	v28 =	vand.u32 $0xFFFF, v22;
	[tilespmem:$0xEFD0] =	vst v27  }
0x8d: {  	v29 =	vand.u32 $0xFFFF, v24;
	[tilespmem:$0xEFE0] =	vst v28  }
0x8e: {  	s8 =	simm.s32 $0xEF80;
	[tilespmem:$0xEFF0] =	vst v29  }
0x8f: {  	[tilespmem:s24], [sflag:$0x5] =	stream.indirect.gather [hbm4b:s13+s19], $0x40, s8, s19, $0xb8;
	[tilespmem:$0x1FD80] =	vst v63  }
0x90: {  	_ =	swait.ge [sflag:s6], $0x2000  }
0x91: {  	[sflag:s6] =	ssyncset.done $0x0  }
0x92: {  	[sflag:s6] =	ssyncadd.s32 $0xFFFFE000  }
0x93: {  	v30 =	vld [tilespmem:$0xC600]  }
0x94: {  	v31 =	vld [tilespmem:$0xC610]  }
0x95: {  	v32 =	vld [tilespmem:$0xC620]  }
0x96: {  	v33 =	vld [tilespmem:$0xC630]  }
0x97: {  	v34 =	vld [tilespmem:$0xC640]  }
0x98: {  	v35 =	vld [tilespmem:$0xC650];
	v0 =	vshrl.u32 v30, $0x10  }
0x99: {  	v37 =	vld [tilespmem:$0xC660];
	v36 =	vshrl.u32 v31, $0x10;
	[tilespmem:$0xF200] =	vst v0  }
0x9a: {  	v39 =	vld [tilespmem:$0xC670];
	v38 =	vshrl.u32 v32, $0x10;
	[tilespmem:$0xF210] =	vst v36  }
0x9b: {  	v40 =	vshrl.u32 v33, $0x10;
	[tilespmem:$0xF220] =	vst v38  }
0x9c: {  	v41 =	vshrl.u32 v34, $0x10;
	[tilespmem:$0xF230] =	vst v40  }
0x9d: {  	v42 =	vshrl.u32 v35, $0x10;
	[tilespmem:$0xF240] =	vst v41  }
0x9e: {  	v43 =	vshrl.u32 v37, $0x10;
	[tilespmem:$0xF250] =	vst v42  }
0x9f: {  	v44 =	vshrl.u32 v39, $0x10;
	[tilespmem:$0xF260] =	vst v43  }
0xa0: {  	[tilespmem:$0xF270] =	vst v44  }
0xa1: {  	[spmem:s2] =	stream.indirect.scatter.add.bf16 [tilespmem:s10], [sflag:$0xA], $0x40, s4, s19, $0xb8;
	[tilespmem:$0x1FD80] =	vst v63  }
0xa2: {  	_ = 	snop  }
0xa3: {  	[spmem:s3] =	stream.indirect.scatter.add.f32 [tilespmem:s18], [sflag:$0xA], $0x10, s4, s19, $0xb8;
	[tilespmem:$0x1FD80] =	vst v63  }
0xa4: {  	v45 =	vld [tilespmem:$0xC800]  }
0xa5: {  	v46 =	vld [tilespmem:$0xC810]  }
0xa6: {  	v47 =	vld [tilespmem:$0xC820]  }
0xa7: {  	v48 =	vld [tilespmem:$0xC830]  }
0xa8: {  	v49 =	vld [tilespmem:$0xC840]  }
0xa9: {  	v50 =	vld [tilespmem:$0xC850];
	v0 =	vand.u32 $0xFFFF, v45  }
0xaa: {  	v52 =	vld [tilespmem:$0xC860];
	v51 =	vand.u32 $0xFFFF, v46;
	[tilespmem:$0xF000] =	vst v0  }
0xab: {  	v54 =	vld [tilespmem:$0xC870];
	v53 =	vand.u32 $0xFFFF, v47;
	[tilespmem:$0xF010] =	vst v51  }
0xac: {  	v55 =	vand.u32 $0xFFFF, v48;
	[tilespmem:$0xF020] =	vst v53  }
0xad: {  	v56 =	vand.u32 $0xFFFF, v49;
	[tilespmem:$0xF030] =	vst v55  }
0xae: {  	v57 =	vand.u32 $0xFFFF, v50;
	[tilespmem:$0xF040] =	vst v56  }
0xaf: {  	v58 =	vand.u32 $0xFFFF, v52;
	[tilespmem:$0xF050] =	vst v57  }
0xb0: {  	v59 =	vand.u32 $0xFFFF, v54;
	[tilespmem:$0xF060] =	vst v58  }
0xb1: {  	s10 =	simm.s32 $0xF000;
	[tilespmem:$0xF070] =	vst v59  }
0xb2: {  	[tilespmem:s21], [sflag:$0x6] =	stream.indirect.gather [hbm4b:s13+s19], $0x40, s10, s19, $0xb8;
	[tilespmem:$0x1FD80] =	vst v63  }
0xb3: {  	_ =	swait.ge [sflag:s11], $0x2000  }
0xb4: {  	[sflag:s11] =	ssyncset.done $0x0  }
0xb5: {  	[sflag:s11] =	ssyncadd.s32 $0xFFFFE000  }
0xb6: {  	v60 =	vld [tilespmem:$0xC680]  }
0xb7: {  	v61 =	vld [tilespmem:$0xC690]  }
0xb8: {  	v62 =	vld [tilespmem:$0xC6A0]  }
0xb9: {  	v63 =	vld [tilespmem:$0xC6B0]  }
0xba: {  	v8 =	vld [tilespmem:$0xC6C0]  }
0xbb: {  	v9 =	vld [tilespmem:$0xC6D0];
	v0 =	vshrl.u32 v60, $0x10  }
0xbc: {  	v11 =	vld [tilespmem:$0xC6E0];
	v10 =	vshrl.u32 v61, $0x10;
	[tilespmem:$0xF280] =	vst v0  }
0xbd: {  	v13 =	vld [tilespmem:$0xC6F0];
	v12 =	vshrl.u32 v62, $0x10;
	[tilespmem:$0xF290] =	vst v10  }
0xbe: {  	v14 =	vshrl.u32 v63, $0x10;
	[tilespmem:$0xF2A0] =	vst v12  }
0xbf: {  	v15 =	vshrl.u32 v8, $0x10;
	[tilespmem:$0xF2B0] =	vst v14  }
0xc0: {  	v16 =	vshrl.u32 v9, $0x10;
	[tilespmem:$0xF2C0] =	vst v15  }
0xc1: {  	v17 =	vshrl.u32 v11, $0x10;
	[tilespmem:$0xF2D0] =	vst v16  }
0xc2: {  	v18 =	vshrl.u32 v13, $0x10;
	[tilespmem:$0xF2E0] =	vst v17  }
0xc3: {  	s11 =	simm.s32 $0xF280;
	[tilespmem:$0xF2F0] =	vst v18  }
0xc4: {  	[spmem:s2] =	stream.indirect.scatter.add.bf16 [tilespmem:s12], [sflag:$0xB], $0x40, s11, s19, $0xb8;
	[tilespmem:$0x1FD80] =	vst v63  }
0xc5: {  	_ = 	snop  }
0xc6: {  	[spmem:s3] =	stream.indirect.scatter.add.f32 [tilespmem:s18], [sflag:$0xB], $0x10, s11, s19, $0xb8;
	[tilespmem:$0x1FD80] =	vst v63  }
0xc7: {  	v19 =	vld [tilespmem:$0xC880]  }
0xc8: {  	v20 =	vld [tilespmem:$0xC890]  }
0xc9: {  	v21 =	vld [tilespmem:$0xC8A0]  }
0xca: {  	v22 =	vld [tilespmem:$0xC8B0]  }
0xcb: {  	v23 =	vld [tilespmem:$0xC8C0]  }
0xcc: {  	v24 =	vld [tilespmem:$0xC8D0];
	v0 =	vand.u32 $0xFFFF, v19  }
0xcd: {  	v26 =	vld [tilespmem:$0xC8E0];
	v25 =	vand.u32 $0xFFFF, v20;
	[tilespmem:$0xF080] =	vst v0  }
0xce: {  	v28 =	vld [tilespmem:$0xC8F0];
	v27 =	vand.u32 $0xFFFF, v21;
	[tilespmem:$0xF090] =	vst v25  }
0xcf: {  	v29 =	vand.u32 $0xFFFF, v22;
	[tilespmem:$0xF0A0] =	vst v27  }
0xd0: {  	v30 =	vand.u32 $0xFFFF, v23;
	[tilespmem:$0xF0B0] =	vst v29  }
0xd1: {  	v31 =	vand.u32 $0xFFFF, v24;
	[tilespmem:$0xF0C0] =	vst v30  }
0xd2: {  	v32 =	vand.u32 $0xFFFF, v26;
	[tilespmem:$0xF0D0] =	vst v31  }
0xd3: {  	v33 =	vand.u32 $0xFFFF, v28;
	[tilespmem:$0xF0E0] =	vst v32  }
0xd4: {  	s14 =	simm.s32 $0xF080;
	[tilespmem:$0xF0F0] =	vst v33  }
0xd5: {  	[tilespmem:s16], [sflag:$0x7] =	stream.indirect.gather [hbm4b:s13+s19], $0x40, s14, s19, $0xb8;
	[tilespmem:$0x1FD80] =	vst v63  }
0xd6: {  	_ =	swait.ge [sflag:s7], $0x2000  }
0xd7: {  	[sflag:s7] =	ssyncset.done $0x0  }
0xd8: {  	[sflag:s7] =	ssyncadd.s32 $0xFFFFE000  }
0xd9: {  	v34 =	vld [tilespmem:$0xC700]  }
0xda: {  	v35 =	vld [tilespmem:$0xC710]  }
0xdb: {  	v36 =	vld [tilespmem:$0xC720]  }
0xdc: {  	v37 =	vld [tilespmem:$0xC730]  }
0xdd: {  	v38 =	vld [tilespmem:$0xC740]  }
0xde: {  	v39 =	vld [tilespmem:$0xC750];
	v0 =	vshrl.u32 v34, $0x10  }
0xdf: {  	v41 =	vld [tilespmem:$0xC760];
	v40 =	vshrl.u32 v35, $0x10;
	[tilespmem:$0xF300] =	vst v0  }
0xe0: {  	v43 =	vld [tilespmem:$0xC770];
	v42 =	vshrl.u32 v36, $0x10;
	[tilespmem:$0xF310] =	vst v40  }
0xe1: {  	v44 =	vshrl.u32 v37, $0x10;
	[tilespmem:$0xF320] =	vst v42  }
0xe2: {  	v45 =	vshrl.u32 v38, $0x10;
	[tilespmem:$0xF330] =	vst v44  }
0xe3: {  	v46 =	vshrl.u32 v39, $0x10;
	[tilespmem:$0xF340] =	vst v45  }
0xe4: {  	v47 =	vshrl.u32 v41, $0x10;
	[tilespmem:$0xF350] =	vst v46  }
0xe5: {  	v48 =	vshrl.u32 v43, $0x10;
	[tilespmem:$0xF360] =	vst v47  }
0xe6: {  	s21 =	simm.s32 $0xF300;
	[tilespmem:$0xF370] =	vst v48  }
0xe7: {  	[spmem:s2] =	stream.indirect.scatter.add.bf16 [tilespmem:s17], [sflag:$0xC], $0x40, s21, s19, $0xb8;
	[tilespmem:$0x1FD80] =	vst v63  }
0xe8: {  	_ = 	snop  }
0xe9: {  	[spmem:s3] =	stream.indirect.scatter.add.f32 [tilespmem:s18], [sflag:$0xC], $0x10, s21, s19, $0xb8;
	[tilespmem:$0x1FD80] =	vst v63  }
0xea: {  	v49 =	vld [tilespmem:$0xC900]  }
0xeb: {  	v50 =	vld [tilespmem:$0xC910]  }
0xec: {  	v51 =	vld [tilespmem:$0xC920]  }
0xed: {  	v52 =	vld [tilespmem:$0xC930]  }
0xee: {  	v53 =	vld [tilespmem:$0xC940]  }
0xef: {  	v54 =	vld [tilespmem:$0xC950];
	v0 =	vand.u32 $0xFFFF, v49  }
0xf0: {  	v56 =	vld [tilespmem:$0xC960];
	v55 =	vand.u32 $0xFFFF, v50;
	[tilespmem:$0xF100] =	vst v0  }
0xf1: {  	v58 =	vld [tilespmem:$0xC970];
	v57 =	vand.u32 $0xFFFF, v51;
	[tilespmem:$0xF110] =	vst v55  }
0xf2: {  	v59 =	vand.u32 $0xFFFF, v52;
	[tilespmem:$0xF120] =	vst v57  }
0xf3: {  	v60 =	vand.u32 $0xFFFF, v53;
	[tilespmem:$0xF130] =	vst v59  }
0xf4: {  	v61 =	vand.u32 $0xFFFF, v54;
	[tilespmem:$0xF140] =	vst v60  }
0xf5: {  	s1 =	simm.s32 $0x1;
	s8 =	simm.s32 $0x7;
	v62 =	vand.u32 $0xFFFF, v56;
	[tilespmem:$0xF150] =	vst v61  }
0xf6: {  	s24 =	simm.s32 $0xF100;
	s6 =	simm.s32 $0x2;
	s11 =	simm.s32 $0x3;
	v63 =	vand.u32 $0xFFFF, v58;
	[tilespmem:$0xF160] =	vst v62  }
0xf7: {  	s14 =	simm.s32 $0x6;
	s7 =	simm.s32 $0x4;
	s17 =	simm.s32 $0x0;
	[tilespmem:$0xF170] =	vst v63  }
0xf8: {  	[tilespmem:s22], [sflag:$0x8] =	stream.indirect.gather [hbm4b:s13+s19], $0x40, s24, s19, $0xb8;
	[tilespmem:$0x1FD80] =	vst v63  }
.LBB2_2:
0xf9: {  	_ =	swait.ge [sflag:s15], $0x2000  }
0xfa: {  	[sflag:s15] =	ssyncset.done $0x0  }
0xfb: {  	s5 =	sshra.s32 s17, $0x2;
	[sflag:s15] =	ssyncadd.s32 $0xFFFFE000  }
0xfc: {  	v0 =	vld [tilespmem:s5+$0xC780];
	_ =	sdelay $0x4  }
0xfd: {  	v0 =	vshrl.u32 v0, $0x10  }
0xfe: {  	[tilespmem:$0xF380] =	vst v0  }
0xff: {  	v0 =	vld [tilespmem:s5+$0xC790];
	_ =	sdelay $0x4  }
0x100: {  	v0 =	vshrl.u32 v0, $0x10  }
0x101: {  	[tilespmem:$0xF390] =	vst v0  }
0x102: {  	v0 =	vld [tilespmem:s5+$0xC7A0];
	_ =	sdelay $0x4  }
0x103: {  	v0 =	vshrl.u32 v0, $0x10  }
0x104: {  	[tilespmem:$0xF3A0] =	vst v0  }
0x105: {  	v0 =	vld [tilespmem:s5+$0xC7B0];
	_ =	sdelay $0x4  }
0x106: {  	v0 =	vshrl.u32 v0, $0x10  }
0x107: {  	[tilespmem:$0xF3B0] =	vst v0  }
0x108: {  	v0 =	vld [tilespmem:s5+$0xC7C0];
	_ =	sdelay $0x4  }
0x109: {  	v0 =	vshrl.u32 v0, $0x10  }
0x10a: {  	[tilespmem:$0xF3C0] =	vst v0  }
0x10b: {  	v0 =	vld [tilespmem:s5+$0xC7D0];
	_ =	sdelay $0x4  }
0x10c: {  	v0 =	vshrl.u32 v0, $0x10  }
0x10d: {  	[tilespmem:$0xF3D0] =	vst v0  }
0x10e: {  	v0 =	vld [tilespmem:s5+$0xC7E0];
	_ =	sdelay $0x4  }
0x10f: {  	v0 =	vshrl.u32 v0, $0x10  }
0x110: {  	[tilespmem:$0xF3E0] =	vst v0  }
0x111: {  	v0 =	vld [tilespmem:s5+$0xC7F0];
	_ =	sdelay $0x4  }
0x112: {  	v0 =	vshrl.u32 v0, $0x10  }
0x113: {  	s4 =	simm.s32 $0x17580;
	s10 =	simm.s32 $0xF380;
	[tilespmem:$0xF3F0] =	vst v0  }
0x114: {  	[spmem:s2] =	stream.indirect.scatter.add.bf16 [tilespmem:s4], [sflag:$0xD], $0x40, s10, s19, $0xb8;
	[tilespmem:$0x1FD80] =	vst v63  }
0x115: {  	_ = 	snop  }
0x116: {  	[spmem:s3] =	stream.indirect.scatter.add.f32 [tilespmem:s18], [sflag:$0xD], $0x10, s10, s19, $0xb8;
	[tilespmem:$0x1FD80] =	vst v63  }
0x117: {  	_ =	swait.ge [sflag:s20], $0x2000  }
0x118: {  	[sflag:s20] =	ssyncset.done $0x0  }
0x119: {  	[sflag:s20] =	ssyncadd.s32 $0xFFFFE000  }
0x11a: {  	_ =	swait.ge [sflag:s20], $0x800  }
0x11b: {  	[sflag:s20] =	ssyncset.done $0x0  }
0x11c: {  	[sflag:s20] =	ssyncadd.s32 $0xFFFFF800  }
0x11d: {  	v49 =	vld [tilespmem:s5+$0xC980];
	_ =	sdelay $0x4  }
0x11e: {  	v0 =	vand.u32 $0xFFFF, v49  }
0x11f: {  	[tilespmem:$0xED80] =	vst v0  }
0x120: {  	v0 =	vld [tilespmem:s5+$0xC990];
	_ =	sdelay $0x4  }
0x121: {  	v0 =	vand.u32 $0xFFFF, v0  }
0x122: {  	[tilespmem:$0xED90] =	vst v0  }
0x123: {  	v0 =	vld [tilespmem:s5+$0xC9A0];
	_ =	sdelay $0x4  }
0x124: {  	v0 =	vand.u32 $0xFFFF, v0  }
0x125: {  	[tilespmem:$0xEDA0] =	vst v0  }
0x126: {  	v0 =	vld [tilespmem:s5+$0xC9B0];
	_ =	sdelay $0x4  }
0x127: {  	v0 =	vand.u32 $0xFFFF, v0  }
0x128: {  	[tilespmem:$0xEDB0] =	vst v0  }
0x129: {  	v0 =	vld [tilespmem:s5+$0xC9C0];
	_ =	sdelay $0x4  }
0x12a: {  	v0 =	vand.u32 $0xFFFF, v0  }
0x12b: {  	[tilespmem:$0xEDC0] =	vst v0  }
0x12c: {  	v0 =	vld [tilespmem:s5+$0xC9D0];
	_ =	sdelay $0x4  }
0x12d: {  	v0 =	vand.u32 $0xFFFF, v0  }
0x12e: {  	[tilespmem:$0xEDD0] =	vst v0  }
0x12f: {  	v0 =	vld [tilespmem:s5+$0xC9E0];
	_ =	sdelay $0x4  }
0x130: {  	v0 =	vand.u32 $0xFFFF, v0  }
0x131: {  	[tilespmem:$0xEDE0] =	vst v0  }
0x132: {  	v0 =	vld [tilespmem:s5+$0xC9F0];
	_ =	sdelay $0x4  }
0x133: {  	v0 =	vand.u32 $0xFFFF, v0  }
0x134: {  	s12 =	simm.s32 $0xED80;
	s16 =	simm.s32 $0xF580;
	[tilespmem:$0xEDF0] =	vst v0  }
0x135: {  	[tilespmem:s16], [sflag:$0x1] =	stream.indirect.gather [hbm4b:s13+s19], $0x40, s12, s19, $0xb8;
	[tilespmem:$0x1FD80] =	vst v63  }
0x136: {  	_ =	swait.ge [sflag:s14], $0x2000  }
0x137: {  	[sflag:s14] =	ssyncset.done $0x0  }
0x138: {  	[sflag:s14] =	ssyncadd.s32 $0xFFFFE000  }
0x139: {  	v50 =	vld [tilespmem:s5+$0xC800];
	_ =	sdelay $0x4  }
0x13a: {  	v0 =	vshrl.u32 v50, $0x10  }
0x13b: {  	[tilespmem:$0xF400] =	vst v0  }
0x13c: {  	v0 =	vld [tilespmem:s5+$0xC810];
	_ =	sdelay $0x4  }
0x13d: {  	v0 =	vshrl.u32 v0, $0x10  }
0x13e: {  	[tilespmem:$0xF410] =	vst v0  }
0x13f: {  	v0 =	vld [tilespmem:s5+$0xC820];
	_ =	sdelay $0x4  }
0x140: {  	v0 =	vshrl.u32 v0, $0x10  }
0x141: {  	[tilespmem:$0xF420] =	vst v0  }
0x142: {  	v0 =	vld [tilespmem:s5+$0xC830];
	_ =	sdelay $0x4  }
0x143: {  	v0 =	vshrl.u32 v0, $0x10  }
0x144: {  	[tilespmem:$0xF430] =	vst v0  }
0x145: {  	v0 =	vld [tilespmem:s5+$0xC840];
	_ =	sdelay $0x4  }
0x146: {  	v0 =	vshrl.u32 v0, $0x10  }
0x147: {  	[tilespmem:$0xF440] =	vst v0  }
0x148: {  	v0 =	vld [tilespmem:s5+$0xC850];
	_ =	sdelay $0x4  }
0x149: {  	v0 =	vshrl.u32 v0, $0x10  }
0x14a: {  	[tilespmem:$0xF450] =	vst v0  }
0x14b: {  	v0 =	vld [tilespmem:s5+$0xC860];
	_ =	sdelay $0x4  }
0x14c: {  	v0 =	vshrl.u32 v0, $0x10  }
0x14d: {  	[tilespmem:$0xF460] =	vst v0  }
0x14e: {  	v0 =	vld [tilespmem:s5+$0xC870];
	_ =	sdelay $0x4  }
0x14f: {  	v0 =	vshrl.u32 v0, $0x10  }
0x150: {  	s10 =	simm.s32 $0x19580;
	s12 =	simm.s32 $0xF400;
	[tilespmem:$0xF470] =	vst v0  }
0x151: {  	[spmem:s2] =	stream.indirect.scatter.add.bf16 [tilespmem:s10], [sflag:$0xE], $0x40, s12, s19, $0xb8;
	[tilespmem:$0x1FD80] =	vst v63  }
0x152: {  	_ = 	snop  }
0x153: {  	[spmem:s3] =	stream.indirect.scatter.add.f32 [tilespmem:s18], [sflag:$0xE], $0x10, s12, s19, $0xb8;
	[tilespmem:$0x1FD80] =	vst v63  }
0x154: {  	_ =	swait.ge [sflag:s26], $0x2000  }
0x155: {  	[sflag:s26] =	ssyncset.done $0x0  }
0x156: {  	[sflag:s26] =	ssyncadd.s32 $0xFFFFE000  }
0x157: {  	_ =	swait.ge [sflag:s26], $0x800  }
0x158: {  	[sflag:s26] =	ssyncset.done $0x0  }
0x159: {  	[sflag:s26] =	ssyncadd.s32 $0xFFFFF800  }
0x15a: {  	v51 =	vld [tilespmem:s5+$0xCA00];
	_ =	sdelay $0x4  }
0x15b: {  	v0 =	vand.u32 $0xFFFF, v51  }
0x15c: {  	[tilespmem:$0xEE00] =	vst v0  }
0x15d: {  	v0 =	vld [tilespmem:s5+$0xCA10];
	_ =	sdelay $0x4  }
0x15e: {  	v0 =	vand.u32 $0xFFFF, v0  }
0x15f: {  	[tilespmem:$0xEE10] =	vst v0  }
0x160: {  	v0 =	vld [tilespmem:s5+$0xCA20];
	_ =	sdelay $0x4  }
0x161: {  	v0 =	vand.u32 $0xFFFF, v0  }
0x162: {  	[tilespmem:$0xEE20] =	vst v0  }
0x163: {  	v0 =	vld [tilespmem:s5+$0xCA30];
	_ =	sdelay $0x4  }
0x164: {  	v0 =	vand.u32 $0xFFFF, v0  }
0x165: {  	[tilespmem:$0xEE30] =	vst v0  }
0x166: {  	v0 =	vld [tilespmem:s5+$0xCA40];
	_ =	sdelay $0x4  }
0x167: {  	v0 =	vand.u32 $0xFFFF, v0  }
0x168: {  	[tilespmem:$0xEE40] =	vst v0  }
0x169: {  	v0 =	vld [tilespmem:s5+$0xCA50];
	_ =	sdelay $0x4  }
0x16a: {  	v0 =	vand.u32 $0xFFFF, v0  }
0x16b: {  	[tilespmem:$0xEE50] =	vst v0  }
0x16c: {  	v0 =	vld [tilespmem:s5+$0xCA60];
	_ =	sdelay $0x4  }
0x16d: {  	v0 =	vand.u32 $0xFFFF, v0  }
0x16e: {  	[tilespmem:$0xEE60] =	vst v0  }
0x16f: {  	v0 =	vld [tilespmem:s5+$0xCA70];
	_ =	sdelay $0x4  }
0x170: {  	v0 =	vand.u32 $0xFFFF, v0  }
0x171: {  	s21 =	simm.s32 $0x11580;
	s15 =	simm.s32 $0xEE00;
	[tilespmem:$0xEE70] =	vst v0  }
0x172: {  	[tilespmem:s21], [sflag:$0x2] =	stream.indirect.gather [hbm4b:s13+s19], $0x40, s15, s19, $0xb8;
	[tilespmem:$0x1FD80] =	vst v63  }
0x173: {  	_ =	swait.ge [sflag:s8], $0x2000  }
0x174: {  	[sflag:s8] =	ssyncset.done $0x0  }
0x175: {  	[sflag:s8] =	ssyncadd.s32 $0xFFFFE000  }
0x176: {  	v52 =	vld [tilespmem:s5+$0xC880];
	_ =	sdelay $0x4  }
0x177: {  	v0 =	vshrl.u32 v52, $0x10  }
0x178: {  	[tilespmem:$0xF480] =	vst v0  }
0x179: {  	v0 =	vld [tilespmem:s5+$0xC890];
	_ =	sdelay $0x4  }
0x17a: {  	v0 =	vshrl.u32 v0, $0x10  }
0x17b: {  	[tilespmem:$0xF490] =	vst v0  }
0x17c: {  	v0 =	vld [tilespmem:s5+$0xC8A0];
	_ =	sdelay $0x4  }
0x17d: {  	v0 =	vshrl.u32 v0, $0x10  }
0x17e: {  	[tilespmem:$0xF4A0] =	vst v0  }
0x17f: {  	v0 =	vld [tilespmem:s5+$0xC8B0];
	_ =	sdelay $0x4  }
0x180: {  	v0 =	vshrl.u32 v0, $0x10  }
0x181: {  	[tilespmem:$0xF4B0] =	vst v0  }
0x182: {  	v0 =	vld [tilespmem:s5+$0xC8C0];
	_ =	sdelay $0x4  }
0x183: {  	v0 =	vshrl.u32 v0, $0x10  }
0x184: {  	[tilespmem:$0xF4C0] =	vst v0  }
0x185: {  	v0 =	vld [tilespmem:s5+$0xC8D0];
	_ =	sdelay $0x4  }
0x186: {  	v0 =	vshrl.u32 v0, $0x10  }
0x187: {  	[tilespmem:$0xF4D0] =	vst v0  }
0x188: {  	v0 =	vld [tilespmem:s5+$0xC8E0];
	_ =	sdelay $0x4  }
0x189: {  	v0 =	vshrl.u32 v0, $0x10  }
0x18a: {  	[tilespmem:$0xF4E0] =	vst v0  }
0x18b: {  	v0 =	vld [tilespmem:s5+$0xC8F0];
	_ =	sdelay $0x4  }
0x18c: {  	v0 =	vshrl.u32 v0, $0x10  }
0x18d: {  	s22 =	simm.s32 $0xF480;
	s12 =	simm.s32 $0x1B580;
	[tilespmem:$0xF4F0] =	vst v0  }
0x18e: {  	[spmem:s2] =	stream.indirect.scatter.add.bf16 [tilespmem:s12], [sflag:$0xF], $0x40, s22, s19, $0xb8;
	[tilespmem:$0x1FD80] =	vst v63  }
0x18f: {  	_ = 	snop  }
0x190: {  	[spmem:s3] =	stream.indirect.scatter.add.f32 [tilespmem:s18], [sflag:$0xF], $0x10, s22, s19, $0xb8;
	[tilespmem:$0x1FD80] =	vst v63  }
0x191: {  	_ =	swait.ge [sflag:s9], $0x2000  }
0x192: {  	[sflag:s9] =	ssyncset.done $0x0  }
0x193: {  	[sflag:s9] =	ssyncadd.s32 $0xFFFFE000  }
0x194: {  	_ =	swait.ge [sflag:s9], $0x800  }
0x195: {  	[sflag:s9] =	ssyncset.done $0x0  }
0x196: {  	[sflag:s9] =	ssyncadd.s32 $0xFFFFF800  }
0x197: {  	v53 =	vld [tilespmem:s5+$0xCA80];
	_ =	sdelay $0x4  }
0x198: {  	v0 =	vand.u32 $0xFFFF, v53  }
0x199: {  	[tilespmem:$0xEE80] =	vst v0  }
0x19a: {  	v0 =	vld [tilespmem:s5+$0xCA90];
	_ =	sdelay $0x4  }
0x19b: {  	v0 =	vand.u32 $0xFFFF, v0  }
0x19c: {  	[tilespmem:$0xEE90] =	vst v0  }
0x19d: {  	v0 =	vld [tilespmem:s5+$0xCAA0];
	_ =	sdelay $0x4  }
0x19e: {  	v0 =	vand.u32 $0xFFFF, v0  }
0x19f: {  	[tilespmem:$0xEEA0] =	vst v0  }
0x1a0: {  	v0 =	vld [tilespmem:s5+$0xCAB0];
	_ =	sdelay $0x4  }
0x1a1: {  	v0 =	vand.u32 $0xFFFF, v0  }
0x1a2: {  	[tilespmem:$0xEEB0] =	vst v0  }
0x1a3: {  	v0 =	vld [tilespmem:s5+$0xCAC0];
	_ =	sdelay $0x4  }
0x1a4: {  	v0 =	vand.u32 $0xFFFF, v0  }
0x1a5: {  	[tilespmem:$0xEEC0] =	vst v0  }
0x1a6: {  	v0 =	vld [tilespmem:s5+$0xCAD0];
	_ =	sdelay $0x4  }
0x1a7: {  	v0 =	vand.u32 $0xFFFF, v0  }
0x1a8: {  	[tilespmem:$0xEED0] =	vst v0  }
0x1a9: {  	v0 =	vld [tilespmem:s5+$0xCAE0];
	_ =	sdelay $0x4  }
0x1aa: {  	v0 =	vand.u32 $0xFFFF, v0  }
0x1ab: {  	[tilespmem:$0xEEE0] =	vst v0  }
0x1ac: {  	v0 =	vld [tilespmem:s5+$0xCAF0];
	_ =	sdelay $0x4  }
0x1ad: {  	v0 =	vand.u32 $0xFFFF, v0  }
0x1ae: {  	s24 =	simm.s32 $0xEE80;
	s22 =	simm.s32 $0x13580;
	[tilespmem:$0xEEF0] =	vst v0  }
0x1af: {  	[tilespmem:s22], [sflag:$0x3] =	stream.indirect.gather [hbm4b:s13+s19], $0x40, s24, s19, $0xb8;
	[tilespmem:$0x1FD80] =	vst v63  }
0x1b0: {  	_ =	swait.ge [sflag:s31], $0x2000  }
0x1b1: {  	[sflag:s31] =	ssyncset.done $0x0  }
0x1b2: {  	[sflag:s31] =	ssyncadd.s32 $0xFFFFE000  }
0x1b3: {  	v54 =	vld [tilespmem:s5+$0xC900];
	_ =	sdelay $0x4  }
0x1b4: {  	v0 =	vshrl.u32 v54, $0x10  }
0x1b5: {  	[tilespmem:$0xF500] =	vst v0  }
0x1b6: {  	v0 =	vld [tilespmem:s5+$0xC910];
	_ =	sdelay $0x4  }
0x1b7: {  	v0 =	vshrl.u32 v0, $0x10  }
0x1b8: {  	[tilespmem:$0xF510] =	vst v0  }
0x1b9: {  	v0 =	vld [tilespmem:s5+$0xC920];
	_ =	sdelay $0x4  }
0x1ba: {  	v0 =	vshrl.u32 v0, $0x10  }
0x1bb: {  	[tilespmem:$0xF520] =	vst v0  }
0x1bc: {  	v0 =	vld [tilespmem:s5+$0xC930];
	_ =	sdelay $0x4  }
0x1bd: {  	v0 =	vshrl.u32 v0, $0x10  }
0x1be: {  	[tilespmem:$0xF530] =	vst v0  }
0x1bf: {  	v0 =	vld [tilespmem:s5+$0xC940];
	_ =	sdelay $0x4  }
0x1c0: {  	v0 =	vshrl.u32 v0, $0x10  }
0x1c1: {  	[tilespmem:$0xF540] =	vst v0  }
0x1c2: {  	v0 =	vld [tilespmem:s5+$0xC950];
	_ =	sdelay $0x4  }
0x1c3: {  	v0 =	vshrl.u32 v0, $0x10  }
0x1c4: {  	[tilespmem:$0xF550] =	vst v0  }
0x1c5: {  	v0 =	vld [tilespmem:s5+$0xC960];
	_ =	sdelay $0x4  }
0x1c6: {  	v0 =	vshrl.u32 v0, $0x10  }
0x1c7: {  	[tilespmem:$0xF560] =	vst v0  }
0x1c8: {  	v0 =	vld [tilespmem:s5+$0xC970];
	_ =	sdelay $0x4  }
0x1c9: {  	v0 =	vshrl.u32 v0, $0x10  }
0x1ca: {  	s15 =	simm.s32 $0x1D580;
	s24 =	simm.s32 $0xF500;
	[tilespmem:$0xF570] =	vst v0  }
0x1cb: {  	[spmem:s2] =	stream.indirect.scatter.add.bf16 [tilespmem:s15], [sflag:$0x10], $0x40, s24, s19, $0xb8;
	[tilespmem:$0x1FD80] =	vst v63  }
0x1cc: {  	_ = 	snop  }
0x1cd: {  	[spmem:s3] =	stream.indirect.scatter.add.f32 [tilespmem:s18], [sflag:$0x10], $0x10, s24, s19, $0xb8;
	[tilespmem:$0x1FD80] =	vst v63  }
0x1ce: {  	_ =	swait.ge [sflag:s23], $0x2000  }
0x1cf: {  	[sflag:s23] =	ssyncset.done $0x0  }
0x1d0: {  	[sflag:s23] =	ssyncadd.s32 $0xFFFFE000  }
0x1d1: {  	_ =	swait.ge [sflag:s23], $0x800  }
0x1d2: {  	[sflag:s23] =	ssyncset.done $0x0  }
0x1d3: {  	[sflag:s23] =	ssyncadd.s32 $0xFFFFF800  }
0x1d4: {  	v55 =	vld [tilespmem:s5+$0xCB00];
	_ =	sdelay $0x4  }
0x1d5: {  	v0 =	vand.u32 $0xFFFF, v55  }
0x1d6: {  	[tilespmem:$0xEF00] =	vst v0  }
0x1d7: {  	v0 =	vld [tilespmem:s5+$0xCB10];
	_ =	sdelay $0x4  }
0x1d8: {  	v0 =	vand.u32 $0xFFFF, v0  }
0x1d9: {  	[tilespmem:$0xEF10] =	vst v0  }
0x1da: {  	v0 =	vld [tilespmem:s5+$0xCB20];
	_ =	sdelay $0x4  }
0x1db: {  	v0 =	vand.u32 $0xFFFF, v0  }
0x1dc: {  	[tilespmem:$0xEF20] =	vst v0  }
0x1dd: {  	v0 =	vld [tilespmem:s5+$0xCB30];
	_ =	sdelay $0x4  }
0x1de: {  	v0 =	vand.u32 $0xFFFF, v0  }
0x1df: {  	[tilespmem:$0xEF30] =	vst v0  }
0x1e0: {  	v0 =	vld [tilespmem:s5+$0xCB40];
	_ =	sdelay $0x4  }
0x1e1: {  	v0 =	vand.u32 $0xFFFF, v0  }
0x1e2: {  	[tilespmem:$0xEF40] =	vst v0  }
0x1e3: {  	v0 =	vld [tilespmem:s5+$0xCB50];
	_ =	sdelay $0x4  }
0x1e4: {  	v0 =	vand.u32 $0xFFFF, v0  }
0x1e5: {  	[tilespmem:$0xEF50] =	vst v0  }
0x1e6: {  	v0 =	vld [tilespmem:s5+$0xCB60];
	_ =	sdelay $0x4  }
0x1e7: {  	v0 =	vand.u32 $0xFFFF, v0  }
0x1e8: {  	[tilespmem:$0xEF60] =	vst v0  }
0x1e9: {  	v0 =	vld [tilespmem:s5+$0xCB70];
	_ =	sdelay $0x4  }
0x1ea: {  	v0 =	vand.u32 $0xFFFF, v0  }
0x1eb: {  	s24 =	simm.s32 $0xEF00;
	[tilespmem:$0xEF70] =	vst v0  }
0x1ec: {  	[tilespmem:s29], [sflag:$0x4] =	stream.indirect.gather [hbm4b:s13+s19], $0x40, s24, s19, $0xb8;
	[tilespmem:$0x1FD80] =	vst v63  }
0x1ed: {  	_ =	swait.ge [sflag:s1], $0x2000  }
0x1ee: {  	[sflag:s1] =	ssyncset.done $0x0  }
0x1ef: {  	[sflag:s1] =	ssyncadd.s32 $0xFFFFE000  }
0x1f0: {  	v56 =	vld [tilespmem:s5+$0xC980];
	_ =	sdelay $0x4  }
0x1f1: {  	v0 =	vshrl.u32 v56, $0x10  }
0x1f2: {  	[tilespmem:$0xF180] =	vst v0  }
0x1f3: {  	v0 =	vld [tilespmem:s5+$0xC990];
	_ =	sdelay $0x4  }
0x1f4: {  	v0 =	vshrl.u32 v0, $0x10  }
0x1f5: {  	[tilespmem:$0xF190] =	vst v0  }
0x1f6: {  	v0 =	vld [tilespmem:s5+$0xC9A0];
	_ =	sdelay $0x4  }
0x1f7: {  	v0 =	vshrl.u32 v0, $0x10  }
0x1f8: {  	[tilespmem:$0xF1A0] =	vst v0  }
0x1f9: {  	v0 =	vld [tilespmem:s5+$0xC9B0];
	_ =	sdelay $0x4  }
0x1fa: {  	v0 =	vshrl.u32 v0, $0x10  }
0x1fb: {  	[tilespmem:$0xF1B0] =	vst v0  }
0x1fc: {  	v0 =	vld [tilespmem:s5+$0xC9C0];
	_ =	sdelay $0x4  }
0x1fd: {  	v0 =	vshrl.u32 v0, $0x10  }
0x1fe: {  	[tilespmem:$0xF1C0] =	vst v0  }
0x1ff: {  	v0 =	vld [tilespmem:s5+$0xC9D0];
	_ =	sdelay $0x4  }
0x200: {  	v0 =	vshrl.u32 v0, $0x10  }
0x201: {  	[tilespmem:$0xF1D0] =	vst v0  }
0x202: {  	v0 =	vld [tilespmem:s5+$0xC9E0];
	_ =	sdelay $0x4  }
0x203: {  	v0 =	vshrl.u32 v0, $0x10  }
0x204: {  	[tilespmem:$0xF1E0] =	vst v0  }
0x205: {  	v0 =	vld [tilespmem:s5+$0xC9F0];
	_ =	sdelay $0x4  }
0x206: {  	v0 =	vshrl.u32 v0, $0x10  }
0x207: {  	s24 =	simm.s32 $0xF180;
	[tilespmem:$0xF1F0] =	vst v0  }
0x208: {  	[spmem:s2] =	stream.indirect.scatter.add.bf16 [tilespmem:s16], [sflag:$0x9], $0x40, s24, s19, $0xb8;
	[tilespmem:$0x1FD80] =	vst v63  }
0x209: {  	_ = 	snop  }
0x20a: {  	[spmem:s3] =	stream.indirect.scatter.add.f32 [tilespmem:s18], [sflag:$0x9], $0x10, s24, s19, $0xb8;
	[tilespmem:$0x1FD80] =	vst v63  }
0x20b: {  	_ =	swait.ge [sflag:s25], $0x2000  }
0x20c: {  	[sflag:s25] =	ssyncset.done $0x0  }
0x20d: {  	[sflag:s25] =	ssyncadd.s32 $0xFFFFE000  }
0x20e: {  	_ =	swait.ge [sflag:s25], $0x800  }
0x20f: {  	[sflag:s25] =	ssyncset.done $0x0  }
0x210: {  	[sflag:s25] =	ssyncadd.s32 $0xFFFFF800  }
0x211: {  	v57 =	vld [tilespmem:s5+$0xCB80];
	_ =	sdelay $0x4  }
0x212: {  	v0 =	vand.u32 $0xFFFF, v57  }
0x213: {  	[tilespmem:$0xEF80] =	vst v0  }
0x214: {  	v0 =	vld [tilespmem:s5+$0xCB90];
	_ =	sdelay $0x4  }
0x215: {  	v0 =	vand.u32 $0xFFFF, v0  }
0x216: {  	[tilespmem:$0xEF90] =	vst v0  }
0x217: {  	v0 =	vld [tilespmem:s5+$0xCBA0];
	_ =	sdelay $0x4  }
0x218: {  	v0 =	vand.u32 $0xFFFF, v0  }
0x219: {  	[tilespmem:$0xEFA0] =	vst v0  }
0x21a: {  	v0 =	vld [tilespmem:s5+$0xCBB0];
	_ =	sdelay $0x4  }
0x21b: {  	v0 =	vand.u32 $0xFFFF, v0  }
0x21c: {  	[tilespmem:$0xEFB0] =	vst v0  }
0x21d: {  	v0 =	vld [tilespmem:s5+$0xCBC0];
	_ =	sdelay $0x4  }
0x21e: {  	v0 =	vand.u32 $0xFFFF, v0  }
0x21f: {  	[tilespmem:$0xEFC0] =	vst v0  }
0x220: {  	v0 =	vld [tilespmem:s5+$0xCBD0];
	_ =	sdelay $0x4  }
0x221: {  	v0 =	vand.u32 $0xFFFF, v0  }
0x222: {  	[tilespmem:$0xEFD0] =	vst v0  }
0x223: {  	v0 =	vld [tilespmem:s5+$0xCBE0];
	_ =	sdelay $0x4  }
0x224: {  	v0 =	vand.u32 $0xFFFF, v0  }
0x225: {  	[tilespmem:$0xEFE0] =	vst v0  }
0x226: {  	v0 =	vld [tilespmem:s5+$0xCBF0];
	_ =	sdelay $0x4  }
0x227: {  	v0 =	vand.u32 $0xFFFF, v0  }
0x228: {  	s16 =	simm.s32 $0xEF80;
	[tilespmem:$0xEFF0] =	vst v0  }
0x229: {  	[tilespmem:s4], [sflag:$0x5] =	stream.indirect.gather [hbm4b:s13+s19], $0x40, s16, s19, $0xb8;
	[tilespmem:$0x1FD80] =	vst v63  }
0x22a: {  	_ =	swait.ge [sflag:s6], $0x2000  }
0x22b: {  	[sflag:s6] =	ssyncset.done $0x0  }
0x22c: {  	[sflag:s6] =	ssyncadd.s32 $0xFFFFE000  }
0x22d: {  	v58 =	vld [tilespmem:s5+$0xCA00];
	_ =	sdelay $0x4  }
0x22e: {  	v0 =	vshrl.u32 v58, $0x10  }
0x22f: {  	[tilespmem:$0xF200] =	vst v0  }
0x230: {  	v0 =	vld [tilespmem:s5+$0xCA10];
	_ =	sdelay $0x4  }
0x231: {  	v0 =	vshrl.u32 v0, $0x10  }
0x232: {  	[tilespmem:$0xF210] =	vst v0  }
0x233: {  	v0 =	vld [tilespmem:s5+$0xCA20];
	_ =	sdelay $0x4  }
0x234: {  	v0 =	vshrl.u32 v0, $0x10  }
0x235: {  	[tilespmem:$0xF220] =	vst v0  }
0x236: {  	v0 =	vld [tilespmem:s5+$0xCA30];
	_ =	sdelay $0x4  }
0x237: {  	v0 =	vshrl.u32 v0, $0x10  }
0x238: {  	[tilespmem:$0xF230] =	vst v0  }
0x239: {  	v0 =	vld [tilespmem:s5+$0xCA40];
	_ =	sdelay $0x4  }
0x23a: {  	v0 =	vshrl.u32 v0, $0x10  }
0x23b: {  	[tilespmem:$0xF240] =	vst v0  }
0x23c: {  	v0 =	vld [tilespmem:s5+$0xCA50];
	_ =	sdelay $0x4  }
0x23d: {  	v0 =	vshrl.u32 v0, $0x10  }
0x23e: {  	[tilespmem:$0xF250] =	vst v0  }
0x23f: {  	v0 =	vld [tilespmem:s5+$0xCA60];
	_ =	sdelay $0x4  }
0x240: {  	v0 =	vshrl.u32 v0, $0x10  }
0x241: {  	[tilespmem:$0xF260] =	vst v0  }
0x242: {  	v0 =	vld [tilespmem:s5+$0xCA70];
	_ =	sdelay $0x4  }
0x243: {  	v0 =	vshrl.u32 v0, $0x10  }
0x244: {  	s4 =	simm.s32 $0xF200;
	[tilespmem:$0xF270] =	vst v0  }
0x245: {  	[spmem:s2] =	stream.indirect.scatter.add.bf16 [tilespmem:s21], [sflag:$0xA], $0x40, s4, s19, $0xb8;
	[tilespmem:$0x1FD80] =	vst v63  }
0x246: {  	_ = 	snop  }
0x247: {  	[spmem:s3] =	stream.indirect.scatter.add.f32 [tilespmem:s18], [sflag:$0xA], $0x10, s4, s19, $0xb8;
	[tilespmem:$0x1FD80] =	vst v63  }
0x248: {  	_ =	swait.ge [sflag:s28], $0x2000  }
0x249: {  	[sflag:s28] =	ssyncset.done $0x0  }
0x24a: {  	[sflag:s28] =	ssyncadd.s32 $0xFFFFE000  }
0x24b: {  	_ =	swait.ge [sflag:s28], $0x800  }
0x24c: {  	[sflag:s28] =	ssyncset.done $0x0  }
0x24d: {  	[sflag:s28] =	ssyncadd.s32 $0xFFFFF800  }
0x24e: {  	v59 =	vld [tilespmem:s5+$0xCC00];
	_ =	sdelay $0x4  }
0x24f: {  	v0 =	vand.u32 $0xFFFF, v59  }
0x250: {  	[tilespmem:$0xF000] =	vst v0  }
0x251: {  	v0 =	vld [tilespmem:s5+$0xCC10];
	_ =	sdelay $0x4  }
0x252: {  	v0 =	vand.u32 $0xFFFF, v0  }
0x253: {  	[tilespmem:$0xF010] =	vst v0  }
0x254: {  	v0 =	vld [tilespmem:s5+$0xCC20];
	_ =	sdelay $0x4  }
0x255: {  	v0 =	vand.u32 $0xFFFF, v0  }
0x256: {  	[tilespmem:$0xF020] =	vst v0  }
0x257: {  	v0 =	vld [tilespmem:s5+$0xCC30];
	_ =	sdelay $0x4  }
0x258: {  	v0 =	vand.u32 $0xFFFF, v0  }
0x259: {  	[tilespmem:$0xF030] =	vst v0  }
0x25a: {  	v0 =	vld [tilespmem:s5+$0xCC40];
	_ =	sdelay $0x4  }
0x25b: {  	v0 =	vand.u32 $0xFFFF, v0  }
0x25c: {  	[tilespmem:$0xF040] =	vst v0  }
0x25d: {  	v0 =	vld [tilespmem:s5+$0xCC50];
	_ =	sdelay $0x4  }
0x25e: {  	v0 =	vand.u32 $0xFFFF, v0  }
0x25f: {  	[tilespmem:$0xF050] =	vst v0  }
0x260: {  	v0 =	vld [tilespmem:s5+$0xCC60];
	_ =	sdelay $0x4  }
0x261: {  	v0 =	vand.u32 $0xFFFF, v0  }
0x262: {  	[tilespmem:$0xF060] =	vst v0  }
0x263: {  	v0 =	vld [tilespmem:s5+$0xCC70];
	_ =	sdelay $0x4  }
0x264: {  	v0 =	vand.u32 $0xFFFF, v0  }
0x265: {  	s16 =	simm.s32 $0xF000;
	[tilespmem:$0xF070] =	vst v0  }
0x266: {  	[tilespmem:s10], [sflag:$0x6] =	stream.indirect.gather [hbm4b:s13+s19], $0x40, s16, s19, $0xb8;
	[tilespmem:$0x1FD80] =	vst v63  }
0x267: {  	_ =	swait.ge [sflag:s11], $0x2000  }
0x268: {  	[sflag:s11] =	ssyncset.done $0x0  }
0x269: {  	[sflag:s11] =	ssyncadd.s32 $0xFFFFE000  }
0x26a: {  	v60 =	vld [tilespmem:s5+$0xCA80];
	_ =	sdelay $0x4  }
0x26b: {  	v0 =	vshrl.u32 v60, $0x10  }
0x26c: {  	[tilespmem:$0xF280] =	vst v0  }
0x26d: {  	v0 =	vld [tilespmem:s5+$0xCA90];
	_ =	sdelay $0x4  }
0x26e: {  	v0 =	vshrl.u32 v0, $0x10  }
0x26f: {  	[tilespmem:$0xF290] =	vst v0  }
0x270: {  	v0 =	vld [tilespmem:s5+$0xCAA0];
	_ =	sdelay $0x4  }
0x271: {  	v0 =	vshrl.u32 v0, $0x10  }
0x272: {  	[tilespmem:$0xF2A0] =	vst v0  }
0x273: {  	v0 =	vld [tilespmem:s5+$0xCAB0];
	_ =	sdelay $0x4  }
0x274: {  	v0 =	vshrl.u32 v0, $0x10  }
0x275: {  	[tilespmem:$0xF2B0] =	vst v0  }
0x276: {  	v0 =	vld [tilespmem:s5+$0xCAC0];
	_ =	sdelay $0x4  }
0x277: {  	v0 =	vshrl.u32 v0, $0x10  }
0x278: {  	[tilespmem:$0xF2C0] =	vst v0  }
0x279: {  	v0 =	vld [tilespmem:s5+$0xCAD0];
	_ =	sdelay $0x4  }
0x27a: {  	v0 =	vshrl.u32 v0, $0x10  }
0x27b: {  	[tilespmem:$0xF2D0] =	vst v0  }
0x27c: {  	v0 =	vld [tilespmem:s5+$0xCAE0];
	_ =	sdelay $0x4  }
0x27d: {  	v0 =	vshrl.u32 v0, $0x10  }
0x27e: {  	[tilespmem:$0xF2E0] =	vst v0  }
0x27f: {  	v0 =	vld [tilespmem:s5+$0xCAF0];
	_ =	sdelay $0x4  }
0x280: {  	v0 =	vshrl.u32 v0, $0x10  }
0x281: {  	s16 =	simm.s32 $0xF280;
	[tilespmem:$0xF2F0] =	vst v0  }
0x282: {  	[spmem:s2] =	stream.indirect.scatter.add.bf16 [tilespmem:s22], [sflag:$0xB], $0x40, s16, s19, $0xb8;
	[tilespmem:$0x1FD80] =	vst v63  }
0x283: {  	_ = 	snop  }
0x284: {  	[spmem:s3] =	stream.indirect.scatter.add.f32 [tilespmem:s18], [sflag:$0xB], $0x10, s16, s19, $0xb8;
	[tilespmem:$0x1FD80] =	vst v63  }
0x285: {  	_ =	swait.ge [sflag:s30], $0x2000  }
0x286: {  	[sflag:s30] =	ssyncset.done $0x0  }
0x287: {  	[sflag:s30] =	ssyncadd.s32 $0xFFFFE000  }
0x288: {  	_ =	swait.ge [sflag:s30], $0x800  }
0x289: {  	[sflag:s30] =	ssyncset.done $0x0  }
0x28a: {  	[sflag:s30] =	ssyncadd.s32 $0xFFFFF800  }
0x28b: {  	v61 =	vld [tilespmem:s5+$0xCC80];
	_ =	sdelay $0x4  }
0x28c: {  	v0 =	vand.u32 $0xFFFF, v61  }
0x28d: {  	[tilespmem:$0xF080] =	vst v0  }
0x28e: {  	v0 =	vld [tilespmem:s5+$0xCC90];
	_ =	sdelay $0x4  }
0x28f: {  	v0 =	vand.u32 $0xFFFF, v0  }
0x290: {  	[tilespmem:$0xF090] =	vst v0  }
0x291: {  	v0 =	vld [tilespmem:s5+$0xCCA0];
	_ =	sdelay $0x4  }
0x292: {  	v0 =	vand.u32 $0xFFFF, v0  }
0x293: {  	[tilespmem:$0xF0A0] =	vst v0  }
0x294: {  	v0 =	vld [tilespmem:s5+$0xCCB0];
	_ =	sdelay $0x4  }
0x295: {  	v0 =	vand.u32 $0xFFFF, v0  }
0x296: {  	[tilespmem:$0xF0B0] =	vst v0  }
0x297: {  	v0 =	vld [tilespmem:s5+$0xCCC0];
	_ =	sdelay $0x4  }
0x298: {  	v0 =	vand.u32 $0xFFFF, v0  }
0x299: {  	[tilespmem:$0xF0C0] =	vst v0  }
0x29a: {  	v0 =	vld [tilespmem:s5+$0xCCD0];
	_ =	sdelay $0x4  }
0x29b: {  	v0 =	vand.u32 $0xFFFF, v0  }
0x29c: {  	[tilespmem:$0xF0D0] =	vst v0  }
0x29d: {  	v0 =	vld [tilespmem:s5+$0xCCE0];
	_ =	sdelay $0x4  }
0x29e: {  	v0 =	vand.u32 $0xFFFF, v0  }
0x29f: {  	[tilespmem:$0xF0E0] =	vst v0  }
0x2a0: {  	v0 =	vld [tilespmem:s5+$0xCCF0];
	_ =	sdelay $0x4  }
0x2a1: {  	v0 =	vand.u32 $0xFFFF, v0  }
0x2a2: {  	s22 =	simm.s32 $0xF080;
	[tilespmem:$0xF0F0] =	vst v0  }
0x2a3: {  	[tilespmem:s12], [sflag:$0x7] =	stream.indirect.gather [hbm4b:s13+s19], $0x40, s22, s19, $0xb8;
	[tilespmem:$0x1FD80] =	vst v63  }
0x2a4: {  	_ =	swait.ge [sflag:s7], $0x2000  }
0x2a5: {  	[sflag:s7] =	ssyncset.done $0x0  }
0x2a6: {  	[sflag:s7] =	ssyncadd.s32 $0xFFFFE000  }
0x2a7: {  	v62 =	vld [tilespmem:s5+$0xCB00];
	_ =	sdelay $0x4  }
0x2a8: {  	v0 =	vshrl.u32 v62, $0x10  }
0x2a9: {  	[tilespmem:$0xF300] =	vst v0  }
0x2aa: {  	v0 =	vld [tilespmem:s5+$0xCB10];
	_ =	sdelay $0x4  }
0x2ab: {  	v0 =	vshrl.u32 v0, $0x10  }
0x2ac: {  	[tilespmem:$0xF310] =	vst v0  }
0x2ad: {  	v0 =	vld [tilespmem:s5+$0xCB20];
	_ =	sdelay $0x4  }
0x2ae: {  	v0 =	vshrl.u32 v0, $0x10  }
0x2af: {  	[tilespmem:$0xF320] =	vst v0  }
0x2b0: {  	v0 =	vld [tilespmem:s5+$0xCB30];
	_ =	sdelay $0x4  }
0x2b1: {  	v0 =	vshrl.u32 v0, $0x10  }
0x2b2: {  	[tilespmem:$0xF330] =	vst v0  }
0x2b3: {  	v0 =	vld [tilespmem:s5+$0xCB40];
	_ =	sdelay $0x4  }
0x2b4: {  	v0 =	vshrl.u32 v0, $0x10  }
0x2b5: {  	[tilespmem:$0xF340] =	vst v0  }
0x2b6: {  	v0 =	vld [tilespmem:s5+$0xCB50];
	_ =	sdelay $0x4  }
0x2b7: {  	v0 =	vshrl.u32 v0, $0x10  }
0x2b8: {  	[tilespmem:$0xF350] =	vst v0  }
0x2b9: {  	v0 =	vld [tilespmem:s5+$0xCB60];
	_ =	sdelay $0x4  }
0x2ba: {  	v0 =	vshrl.u32 v0, $0x10  }
0x2bb: {  	[tilespmem:$0xF360] =	vst v0  }
0x2bc: {  	v0 =	vld [tilespmem:s5+$0xCB70];
	_ =	sdelay $0x4  }
0x2bd: {  	v0 =	vshrl.u32 v0, $0x10  }
0x2be: {  	s22 =	simm.s32 $0xF300;
	[tilespmem:$0xF370] =	vst v0  }
0x2bf: {  	[spmem:s2] =	stream.indirect.scatter.add.bf16 [tilespmem:s29], [sflag:$0xC], $0x40, s22, s19, $0xb8;
	[tilespmem:$0x1FD80] =	vst v63  }
0x2c0: {  	_ = 	snop  }
0x2c1: {  	[spmem:s3] =	stream.indirect.scatter.add.f32 [tilespmem:s18], [sflag:$0xC], $0x10, s22, s19, $0xb8;
	[tilespmem:$0x1FD80] =	vst v63  }
0x2c2: {  	_ =	swait.ge [sflag:s0], $0x2000  }
0x2c3: {  	[sflag:s0] =	ssyncset.done $0x0  }
0x2c4: {  	[sflag:s0] =	ssyncadd.s32 $0xFFFFE000  }
0x2c5: {  	_ =	swait.ge [sflag:s0], $0x800  }
0x2c6: {  	[sflag:s0] =	ssyncset.done $0x0  }
0x2c7: {  	[sflag:s0] =	ssyncadd.s32 $0xFFFFF800  }
0x2c8: {  	v63 =	vld [tilespmem:s5+$0xCD00];
	_ =	sdelay $0x4  }
0x2c9: {  	v0 =	vand.u32 $0xFFFF, v63  }
0x2ca: {  	[tilespmem:$0xF100] =	vst v0  }
0x2cb: {  	v0 =	vld [tilespmem:s5+$0xCD10];
	_ =	sdelay $0x4  }
0x2cc: {  	v0 =	vand.u32 $0xFFFF, v0  }
0x2cd: {  	[tilespmem:$0xF110] =	vst v0  }
0x2ce: {  	v0 =	vld [tilespmem:s5+$0xCD20];
	_ =	sdelay $0x4  }
0x2cf: {  	v0 =	vand.u32 $0xFFFF, v0  }
0x2d0: {  	[tilespmem:$0xF120] =	vst v0  }
0x2d1: {  	v0 =	vld [tilespmem:s5+$0xCD30];
	_ =	sdelay $0x4  }
0x2d2: {  	v0 =	vand.u32 $0xFFFF, v0  }
0x2d3: {  	[tilespmem:$0xF130] =	vst v0  }
0x2d4: {  	v0 =	vld [tilespmem:s5+$0xCD40];
	_ =	sdelay $0x4  }
0x2d5: {  	v0 =	vand.u32 $0xFFFF, v0  }
0x2d6: {  	[tilespmem:$0xF140] =	vst v0  }
0x2d7: {  	v0 =	vld [tilespmem:s5+$0xCD50];
	_ =	sdelay $0x4  }
0x2d8: {  	v0 =	vand.u32 $0xFFFF, v0  }
0x2d9: {  	[tilespmem:$0xF150] =	vst v0  }
0x2da: {  	v0 =	vld [tilespmem:s5+$0xCD60];
	_ =	sdelay $0x4  }
0x2db: {  	v0 =	vand.u32 $0xFFFF, v0  }
0x2dc: {  	[tilespmem:$0xF160] =	vst v0  }
0x2dd: {  	v0 =	vld [tilespmem:s5+$0xCD70];
	_ =	sdelay $0x2  }
0x2de: {  	p0 =	sne.s32 s17, $0x8000  }
.Ltmp0:
0x2df: {  	_ = 	snop;
	(pc) =	sbr.rel @p0 .LBB2_2-.Ltmp0, $4  }
0x2e0: {  	s17 =	sadd.s32 $0x1000, s17;
	v0 =	vand.u32 $0xFFFF, v0  }
0x2e1: {  	s24 =	simm.s32 $0x17580;
	s21 =	simm.s32 $0x19580;
	s12 =	simm.s32 $0xF100;
	[tilespmem:$0xF170] =	vst v0  }
0x2e2: {  	[tilespmem:s15], [sflag:$0x8] =	stream.indirect.gather [hbm4b:s13+s19], $0x40, s12, s19, $0xb8;
	[tilespmem:$0x1FD80] =	vst v63  }
0x2e3: {  	s16 =	simm.s32 $0x1B580;
	s22 =	simm.s32 $0x1D580;
	s15 =	simm.s32 $0x5  }
0x2e4: {  	_ =	swait.ge [sflag:s15], $0x2000  }
0x2e5: {  	[sflag:s15] =	ssyncset.done $0x0  }
0x2e6: {  	[sflag:s15] =	ssyncadd.s32 $0xFFFFE000  }
0x2e7: {  	v0 =	vld [tilespmem:$0xEB80]  }
0x2e8: {  	v1 =	vld [tilespmem:$0xEB90]  }
0x2e9: {  	v2 =	vld [tilespmem:$0xEBA0]  }
0x2ea: {  	v3 =	vld [tilespmem:$0xEBB0]  }
0x2eb: {  	v4 =	vld [tilespmem:$0xEBC0]  }
0x2ec: {  	v5 =	vld [tilespmem:$0xEBD0];
	v0 =	vshrl.u32 v0, $0x10  }
0x2ed: {  	v11 =	vld [tilespmem:$0xEBE0];
	v10 =	vshrl.u32 v1, $0x10;
	[tilespmem:$0xF380] =	vst v0  }
0x2ee: {  	v13 =	vld [tilespmem:$0xEBF0];
	v12 =	vshrl.u32 v2, $0x10;
	[tilespmem:$0xF390] =	vst v10  }
0x2ef: {  	v14 =	vshrl.u32 v3, $0x10;
	[tilespmem:$0xF3A0] =	vst v12  }
0x2f0: {  	v15 =	vshrl.u32 v4, $0x10;
	[tilespmem:$0xF3B0] =	vst v14  }
0x2f1: {  	v16 =	vshrl.u32 v5, $0x10;
	[tilespmem:$0xF3C0] =	vst v15  }
0x2f2: {  	v17 =	vshrl.u32 v11, $0x10;
	[tilespmem:$0xF3D0] =	vst v16  }
0x2f3: {  	v18 =	vshrl.u32 v13, $0x10;
	[tilespmem:$0xF3E0] =	vst v17  }
0x2f4: {  	s1 =	simm.s32 $0xF380;
	[tilespmem:$0xF3F0] =	vst v18  }
0x2f5: {  	[spmem:s2] =	stream.indirect.scatter.add.bf16 [tilespmem:s24], [sflag:$0xD], $0x40, s1, s19, $0xb8;
	[tilespmem:$0x1FD80] =	vst v63  }
0x2f6: {  	_ = 	snop  }
0x2f7: {  	[spmem:s3] =	stream.indirect.scatter.add.f32 [tilespmem:s18], [sflag:$0xD], $0x10, s1, s19, $0xb8;
	[tilespmem:$0x1FD80] =	vst v63  }
0x2f8: {  	_ =	swait.ge [sflag:s14], $0x2000  }
0x2f9: {  	[sflag:s14] =	ssyncset.done $0x0  }
0x2fa: {  	[sflag:s14] =	ssyncadd.s32 $0xFFFFE000  }
0x2fb: {  	v19 =	vld [tilespmem:$0xEC00]  }
0x2fc: {  	v20 =	vld [tilespmem:$0xEC10]  }
0x2fd: {  	v21 =	vld [tilespmem:$0xEC20]  }
0x2fe: {  	v22 =	vld [tilespmem:$0xEC30]  }
0x2ff: {  	v23 =	vld [tilespmem:$0xEC40]  }
0x300: {  	v24 =	vld [tilespmem:$0xEC50];
	v0 =	vshrl.u32 v19, $0x10  }
0x301: {  	v26 =	vld [tilespmem:$0xEC60];
	v25 =	vshrl.u32 v20, $0x10;
	[tilespmem:$0xF400] =	vst v0  }
0x302: {  	v28 =	vld [tilespmem:$0xEC70];
	v27 =	vshrl.u32 v21, $0x10;
	[tilespmem:$0xF410] =	vst v25  }
0x303: {  	v29 =	vshrl.u32 v22, $0x10;
	[tilespmem:$0xF420] =	vst v27  }
0x304: {  	v30 =	vshrl.u32 v23, $0x10;
	[tilespmem:$0xF430] =	vst v29  }
0x305: {  	v31 =	vshrl.u32 v24, $0x10;
	[tilespmem:$0xF440] =	vst v30  }
0x306: {  	v32 =	vshrl.u32 v26, $0x10;
	[tilespmem:$0xF450] =	vst v31  }
0x307: {  	v33 =	vshrl.u32 v28, $0x10;
	[tilespmem:$0xF460] =	vst v32  }
0x308: {  	s14 =	simm.s32 $0xF400;
	[tilespmem:$0xF470] =	vst v33  }
0x309: {  	[spmem:s2] =	stream.indirect.scatter.add.bf16 [tilespmem:s21], [sflag:$0xE], $0x40, s14, s19, $0xb8;
	[tilespmem:$0x1FD80] =	vst v63  }
0x30a: {  	_ = 	snop  }
0x30b: {  	[spmem:s3] =	stream.indirect.scatter.add.f32 [tilespmem:s18], [sflag:$0xE], $0x10, s14, s19, $0xb8;
	[tilespmem:$0x1FD80] =	vst v63  }
0x30c: {  	_ =	swait.ge [sflag:s8], $0x2000  }
0x30d: {  	[sflag:s8] =	ssyncset.done $0x0  }
0x30e: {  	[sflag:s8] =	ssyncadd.s32 $0xFFFFE000  }
0x30f: {  	v34 =	vld [tilespmem:$0xEC80]  }
0x310: {  	v35 =	vld [tilespmem:$0xEC90]  }
0x311: {  	v36 =	vld [tilespmem:$0xECA0]  }
0x312: {  	v37 =	vld [tilespmem:$0xECB0]  }
0x313: {  	v38 =	vld [tilespmem:$0xECC0]  }
0x314: {  	v39 =	vld [tilespmem:$0xECD0];
	v0 =	vshrl.u32 v34, $0x10  }
0x315: {  	v41 =	vld [tilespmem:$0xECE0];
	v40 =	vshrl.u32 v35, $0x10;
	[tilespmem:$0xF480] =	vst v0  }
0x316: {  	v43 =	vld [tilespmem:$0xECF0];
	v42 =	vshrl.u32 v36, $0x10;
	[tilespmem:$0xF490] =	vst v40  }
0x317: {  	v44 =	vshrl.u32 v37, $0x10;
	[tilespmem:$0xF4A0] =	vst v42  }
0x318: {  	v45 =	vshrl.u32 v38, $0x10;
	[tilespmem:$0xF4B0] =	vst v44  }
0x319: {  	v46 =	vshrl.u32 v39, $0x10;
	[tilespmem:$0xF4C0] =	vst v45  }
0x31a: {  	v47 =	vshrl.u32 v41, $0x10;
	[tilespmem:$0xF4D0] =	vst v46  }
0x31b: {  	v48 =	vshrl.u32 v43, $0x10;
	[tilespmem:$0xF4E0] =	vst v47  }
0x31c: {  	s17 =	simm.s32 $0xF480;
	[tilespmem:$0xF4F0] =	vst v48  }
0x31d: {  	[spmem:s2] =	stream.indirect.scatter.add.bf16 [tilespmem:s16], [sflag:$0xF], $0x40, s17, s19, $0xb8;
	[tilespmem:$0x1FD80] =	vst v63  }
0x31e: {  	_ = 	snop  }
0x31f: {  	[spmem:s3] =	stream.indirect.scatter.add.f32 [tilespmem:s18], [sflag:$0xF], $0x10, s17, s19, $0xb8;
	[tilespmem:$0x1FD80] =	vst v63  }
0x320: {  	_ =	swait.ge [sflag:s31], $0x2000  }
0x321: {  	[sflag:s31] =	ssyncset.done $0x0  }
0x322: {  	[sflag:s31] =	ssyncadd.s32 $0xFFFFE000  }
0x323: {  	v49 =	vld [tilespmem:$0xED00]  }
0x324: {  	v50 =	vld [tilespmem:$0xED10]  }
0x325: {  	v51 =	vld [tilespmem:$0xED20]  }
0x326: {  	v52 =	vld [tilespmem:$0xED30]  }
0x327: {  	v53 =	vld [tilespmem:$0xED40]  }
0x328: {  	v54 =	vld [tilespmem:$0xED50];
	v0 =	vshrl.u32 v49, $0x10  }
0x329: {  	v56 =	vld [tilespmem:$0xED60];
	v55 =	vshrl.u32 v50, $0x10;
	[tilespmem:$0xF500] =	vst v0  }
0x32a: {  	v58 =	vld [tilespmem:$0xED70];
	v57 =	vshrl.u32 v51, $0x10;
	[tilespmem:$0xF510] =	vst v55  }
0x32b: {  	v59 =	vshrl.u32 v52, $0x10;
	[tilespmem:$0xF520] =	vst v57  }
0x32c: {  	v60 =	vshrl.u32 v53, $0x10;
	[tilespmem:$0xF530] =	vst v59  }
0x32d: {  	v61 =	vshrl.u32 v54, $0x10;
	[tilespmem:$0xF540] =	vst v60  }
0x32e: {  	v62 =	vshrl.u32 v56, $0x10;
	[tilespmem:$0xF550] =	vst v61  }
0x32f: {  	v63 =	vshrl.u32 v58, $0x10;
	[tilespmem:$0xF560] =	vst v62  }
0x330: {  	s5 =	simm.s32 $0xF500;
	[tilespmem:$0xF570] =	vst v63  }
0x331: {  	[spmem:s2] =	stream.indirect.scatter.add.bf16 [tilespmem:s22], [sflag:$0x10], $0x40, s5, s19, $0xb8;
	[tilespmem:$0x1FD80] =	vst v63  }
0x332: {  	_ = 	snop  }
0x333: {  	[spmem:s3] =	stream.indirect.scatter.add.f32 [tilespmem:s18], [sflag:$0x10], $0x10, s5, s19, $0xb8;
	[tilespmem:$0x1FD80] =	vst v63  }
0x334: {  	_ =	swait.ge [sflag:s20], $0x2000  }
0x335: {  	[sflag:s20] =	ssyncset.done $0x0  }
0x336: {  	[sflag:s20] =	ssyncadd.s32 $0xFFFFE000  }
0x337: {  	_ =	swait.ge [sflag:s20], $0x800  }
0x338: {  	[sflag:s20] =	ssyncset.done $0x0  }
0x339: {  	[sflag:s20] =	ssyncadd.s32 $0xFFFFF800  }
0x33a: {  	_ =	swait.ge [sflag:s26], $0x2000  }
0x33b: {  	[sflag:s26] =	ssyncset.done $0x0  }
0x33c: {  	[sflag:s26] =	ssyncadd.s32 $0xFFFFE000  }
0x33d: {  	_ =	swait.ge [sflag:s26], $0x800  }
0x33e: {  	[sflag:s26] =	ssyncset.done $0x0  }
0x33f: {  	[sflag:s26] =	ssyncadd.s32 $0xFFFFF800  }
0x340: {  	_ =	swait.ge [sflag:s9], $0x2000  }
0x341: {  	[sflag:s9] =	ssyncset.done $0x0  }
0x342: {  	[sflag:s9] =	ssyncadd.s32 $0xFFFFE000  }
0x343: {  	_ =	swait.ge [sflag:s9], $0x800  }
0x344: {  	[sflag:s9] =	ssyncset.done $0x0  }
0x345: {  	[sflag:s9] =	ssyncadd.s32 $0xFFFFF800  }
0x346: {  	_ =	swait.ge [sflag:s23], $0x2000  }
0x347: {  	[sflag:s23] =	ssyncset.done $0x0  }
0x348: {  	[sflag:s23] =	ssyncadd.s32 $0xFFFFE000  }
0x349: {  	_ =	swait.ge [sflag:s23], $0x800  }
0x34a: {  	[sflag:s23] =	ssyncset.done $0x0  }
0x34b: {  	[sflag:s23] =	ssyncadd.s32 $0xFFFFF800  }
0x34c: {  	_ =	swait.ge [sflag:s25], $0x2000  }
0x34d: {  	[sflag:s25] =	ssyncset.done $0x0  }
0x34e: {  	[sflag:s25] =	ssyncadd.s32 $0xFFFFE000  }
0x34f: {  	_ =	swait.ge [sflag:s25], $0x800  }
0x350: {  	[sflag:s25] =	ssyncset.done $0x0  }
0x351: {  	[sflag:s25] =	ssyncadd.s32 $0xFFFFF800  }
0x352: {  	_ =	swait.ge [sflag:s28], $0x2000  }
0x353: {  	[sflag:s28] =	ssyncset.done $0x0  }
0x354: {  	[sflag:s28] =	ssyncadd.s32 $0xFFFFE000  }
0x355: {  	_ =	swait.ge [sflag:s28], $0x800  }
0x356: {  	[sflag:s28] =	ssyncset.done $0x0  }
0x357: {  	[sflag:s28] =	ssyncadd.s32 $0xFFFFF800  }
0x358: {  	_ =	swait.ge [sflag:s30], $0x2000  }
0x359: {  	[sflag:s30] =	ssyncset.done $0x0  }
0x35a: {  	[sflag:s30] =	ssyncadd.s32 $0xFFFFE000  }
0x35b: {  	_ =	swait.ge [sflag:s30], $0x800  }
0x35c: {  	[sflag:s30] =	ssyncset.done $0x0  }
0x35d: {  	[sflag:s30] =	ssyncadd.s32 $0xFFFFF800  }
0x35e: {  	_ =	swait.ge [sflag:s0], $0x2000  }
0x35f: {  	[sflag:s0] =	ssyncset.done $0x0  }
0x360: {  	[sflag:s0] =	ssyncadd.s32 $0xFFFFE000  }
0x361: {  	_ =	swait.ge [sflag:s0], $0x800  }
0x362: {  	[sflag:s0] =	ssyncset.done $0x0  }
0x363: {  	[sflag:s0] =	ssyncadd.s32 $0xFFFFF800  }
0x364: {  	[bflag:$0x0] =	sbarrier.arrive $0xFFFF  }
0x365: {  	s17 =	rddreg [dreg:$0x7]  }
0x366: {  	s5 =	rddreg [dreg:$0xa]  }
0x367: {  	s10 =	simm.s32 $0x11;
	s8 =	rddreg [dreg:$0xd]  }
0x368: {  	[hbm:s5], [sflag:s17] =	dma.local [spmem:s8], $0x13C0  }
0x369: {  	_ =	swait.ge [sflag:s10], $0x13C0  }
0x36a: {  	[sflag:s10] =	ssyncset.done $0x0;
	s6 =	rddreg [dreg:$0xb]  }
0x36b: {  	s12 =	rddreg [dreg:$0xe];
	[sflag:s10] =	ssyncadd.s32 $0xFFFFEC40  }
0x36c: {  	[hbm:s6], [sflag:s17] =	dma.local [spmem:s12], $0x4F0  }
0x36d: {  	_ =	swait.ge [sflag:s10], $0x4F0  }
0x36e: {  	s7 =	rddreg [dreg:$0xf]  }
0x36f: {  	[sflag:s10] =	ssyncset.done $0x0;
	s10 =	rddreg [dreg:$0xc];
	s14 =	sadd.s32 $0x1, s7  }
0x370: {  	p0 =	sne.s32 s14, s10  }
.Ltmp1:
0x371: {  	_ = 	snop;
	(pc) =	sbr.rel @p0 .LBB2_1-.Ltmp1, $3  }
0x372: {  	_ =	sdelay $0x1  }
0x373: {  	s11 =	simm.s32 $0x11;
	s1 =	simm.s32 $0x1;
	s6 =	simm.s32 $0x2  }
0x374: {  	[sflag:s11] =	ssyncadd.s32 $0xFFFFFB10;
	s11 =	simm.s32 $0x3;
	s7 =	simm.s32 $0x4  }
0x375: {  	_ =	sfence.sel $0x180000  }
0x376: {  	[bflag:$0x0] =	sbarrier.arrive $0xFFFF  }
0x377: {  	_ =	strace $0x90000047  }
0x378: {  	s0 =	stileid.u32;
	[bflag:$0x2] =	sbarrier.arrive $0xFFFF  }
0x379: {  	p0 =	sne.s32 s0, $0x0;
	s0 =	rddreg [dreg:$0x4]  }
0x37a: {  	s0 =	sadd.s32 @!p0 $0x100000, s0  }
0x37b: {  	[sflag:s0] =	ssyncadd.tile.s32 @!p0 $0x1;
	_ =	shalt  }
.Lfunc_end2:
_tile_overlayer_lowered:
.L_overlay_start_2:
0x37c: {  	(tag) =	ssettag $0x2  }
0x37d: {  	s0 =	rddreg [dreg:$0x0];
	s2 =	stileid.u32  }
0x37e: {  	s1 =	rddreg [dreg:$0x1];
	p0 =	sne.s32 s2, $0x0  }
0x37f: {  	s3 =	rddreg [dreg:$0x2];
	[bflag:$0x3] =	sbarrier.arrive $0xFFFF;
	s2 =	simm.s32 @!p0 $0x1C11  }
0x380: {  	[timem:s3], [sflag:s2] =	dma.local @!p0 [hbm:s0], s1  }
0x381: {  	s0 =	simm.s32 @!p0 $0x11  }
0x382: {  	_ =	swait.ge @!p0 [sflag:s0], s1  }
0x383: {  	s1 =	ssub.s32 @!p0 $0x0, s1;
	[sflag:s0] =	ssyncset.done @!p0 $0x0  }
0x384: {  	[sflag:s0] =	ssyncadd.s32 @!p0 s1  }
0x385: {  	[bflag:$0x3] =	sbarrier.arrive $0xFFFF  }
0x386: {  	_ =	shalt  }

</sc_bundles>
